<compile_context>
chip_gen: v7x
topology: tpu7x:2x2x1
jax: 0.10.2.dev20260603
libtpu: 0.0.44.dev20260713+nightly
codegen_flags: <defaults>
</compile_context>

<pallas_src>
import jax
import jax.numpy as jnp
from jax import lax
from jax.experimental import pallas as pl
from jax.experimental.pallas import tpu as pltpu
from jax.experimental.pallas import tpu_sc as plsc

_MAX_REL = 128
_EMB = 64
_LEN = 2048
_TAB = 2 * _MAX_REL + 1
_EXT_PAD = 2 * _LEN + 8
_FLAT = _EXT_PAD * _EMB
_W2 = 2 * _EMB
_ROW2D = _LEN * _EMB // _W2
_NC = 2
_NS = 16
_ROWS_PER_WORKER = _LEN // (_NC * _NS)


def _build_frev_kernel(w_ref, frev_ref):
    top = _LEN - _MAX_REL - 1
    frev_ref[0:top, :] = jnp.broadcast_to(
        w_ref[_TAB - 1:_TAB, :], (top, _EMB))
    frev_ref[top + _TAB:_EXT_PAD, :] = jnp.broadcast_to(
        w_ref[0:1, :], (_EXT_PAD - top - _TAB, _EMB))
    for j in range(_TAB):
        frev_ref[top + j:top + j + 1, :] = w_ref[_TAB - 1 - j:_TAB - j, :]


def _sc_stream_body(a_hbm, b_hbm, out_hbm, a_sh, b_sh, sem):
    c = lax.axis_index("c")
    s = lax.axis_index("s")

    @pl.when(s == 0)
    def _stage():
        pltpu.sync_copy(a_hbm, a_sh)
        pltpu.sync_copy(b_hbm, b_sh)

    plsc.subcore_barrier()

    wid = s * _NC + c
    base_row = wid * _ROWS_PER_WORKER
    descs = []
    for t in range(_ROWS_PER_WORKER):
        row = base_row + t
        q = (_LEN - 1 - row) // 2
        src = b_sh if t % 2 == 0 else a_sh
        descs.append(pltpu.async_copy(
            src.at[pl.ds(q, _ROW2D), :],
            out_hbm.at[row],
            sem,
        ))
    for d in descs:
        d.wait()


@jax.jit
def _run(W):
    frev = pl.pallas_call(
        _build_frev_kernel,
        in_specs=[pl.BlockSpec((_TAB, _EMB), lambda: (0, 0))],
        out_specs=pl.BlockSpec((_EXT_PAD, _EMB), lambda: (0, 0)),
        out_shape=jax.ShapeDtypeStruct((_EXT_PAD, _EMB), jnp.float32),
    )(W)
    flat = frev.reshape(_FLAT)
    a2d = flat[:_LEN * _W2].reshape(_LEN, _W2)
    b2d = flat[_EMB:_EMB + _LEN * _W2].reshape(_LEN, _W2)

    sc_call = pl.kernel(
        _sc_stream_body,
        out_type=jax.ShapeDtypeStruct((_LEN, _ROW2D, _W2), jnp.float32),
        mesh=plsc.VectorSubcoreMesh(
            core_axis_name="c", subcore_axis_name="s"),
        scratch_types=[
            pltpu.MemorySpace.VMEM_SHARED((_LEN, _W2), jnp.float32),
            pltpu.MemorySpace.VMEM_SHARED((_LEN, _W2), jnp.float32),
            pltpu.SemaphoreType.DMA,
        ],
    )
    out = sc_call(a2d, b2d)
    return out.reshape(_LEN, _LEN, _EMB)


def kernel(W, length):
    return _run(W)

# --- scband reference (transcript-rebuilt; emitter-appended) ---
"""Pipeline reference for scband-relative-position-embeddings-72232759984274 (READ-ONLY COPY).

The authoritative reference and input builder live on the scoring server;
editing this copy changes nothing except your own understanding.
"""

import jax, jax.numpy as jnp
import numpy as np

MAX_REL = 128
EMB_DIM = 64
LENGTH = 2048


def setup_inputs(seed: int = 0) -> dict:
    key = jax.random.key(seed)
    W = jax.random.normal(key, (2 * MAX_REL + 1, EMB_DIM), dtype=jnp.float32) * 0.02
    return {"W": W, "length": 2048}


def reference(W, length):
    # get_relative_position_matrix(length, MAX_REL, direction=True, offset=True)
    length_zero = (jnp.asarray(length) - LENGTH).astype(jnp.int32)
    range_vec = jnp.arange(LENGTH, dtype=jnp.int32) + length_zero
    # range_mat[i, j] = i ; distance = range_mat - range_mat.T -> i - j
    distance_mat = range_vec[:, None] - range_vec[None, :]
    distance_mat_clipped = jnp.clip(distance_mat, -MAX_REL, MAX_REL)
    final_mat = distance_mat_clipped + MAX_REL  # values in [0, 2*MAX_REL]
    # embedding lookup -> [length, length, EMB_DIM]; dropout p=0.0 is identity
    embeddings = jnp.take(W, final_mat, axis=0)
    return embeddings

if __name__ == "__main__":
    import jax
    _d = setup_inputs()
    print(jax.jit(kernel)(*tuple(_d.values())))

</pallas_src>

<mosaic_0001>
#map = affine_map<(d0, d1) -> (0, 0)>
#map1 = affine_map<(d0, d1) -> (0, 0, 0)>
module attributes {stable_mosaic.version = 14 : i64} {
  func.func @_sc_stream_body(%arg0: i32, %arg1: i32, %arg2: memref<2048x128xf32, #tpu.memory_space<hbm>>, %arg3: memref<2048x128xf32, #tpu.memory_space<hbm>>, %arg4: memref<2048x1024x128xf32, #tpu.memory_space<hbm>>, %arg5: memref<2048x128xf32, #tpu.memory_space<vmem_shared>>, %arg6: memref<2048x128xf32, #tpu.memory_space<vmem_shared>>, %arg7: memref<!tpu.dma_semaphore, #tpu.memory_space<semaphore_mem>>) attributes {dimension_semantics = [#tpu.dimension_semantics<core_parallel>, #tpu.dimension_semantics<subcore_parallel>], iteration_bounds = array<i64: 2, 16>, scalar_prefetch = 0 : i64, scratch_operands = 3 : i64, tpu.core_type = #tpu.core_type<sc_vector_subcore>, window_params = [{transform_indices = #map}, {transform_indices = #map}, {transform_indices = #map1}]} {
    %eq3A = arith.constant 0 : i32
    %eq3A_0 = arith.cmpi eq, %arg1, %eq3A : i32
    %convert_element_type3A = arith.extui %eq3A_0 : i1 to i32
    %cond3A = arith.constant 0 : i32
    %cond3A_1 = arith.cmpi ne, %convert_element_type3A, %cond3A : i32
    scf.if %cond3A_1 {
      "tpu.region"() ({
        %run_scoped3A = tpu.sem_alloc : memref<!tpu.dma_semaphore, #tpu.memory_space<semaphore_mem>>
        tpu.enqueue_dma source(%arg2 : memref<2048x128xf32, #tpu.memory_space<hbm>>) target(%arg5 : memref<2048x128xf32, #tpu.memory_space<vmem_shared>>) target_semaphore(%run_scoped3A : memref<!tpu.dma_semaphore, #tpu.memory_space<semaphore_mem>>)
        tpu.wait_dma2 semaphore(%run_scoped3A : memref<!tpu.dma_semaphore, #tpu.memory_space<semaphore_mem>>) src(%arg2 : memref<2048x128xf32, #tpu.memory_space<hbm>>) dst(%arg5 : memref<2048x128xf32, #tpu.memory_space<vmem_shared>>)
        tpu.yield
      }) : () -> ()
      "tpu.region"() ({
        %run_scoped3A = tpu.sem_alloc : memref<!tpu.dma_semaphore, #tpu.memory_space<semaphore_mem>>
        tpu.enqueue_dma source(%arg3 : memref<2048x128xf32, #tpu.memory_space<hbm>>) target(%arg6 : memref<2048x128xf32, #tpu.memory_space<vmem_shared>>) target_semaphore(%run_scoped3A : memref<!tpu.dma_semaphore, #tpu.memory_space<semaphore_mem>>)
        tpu.wait_dma2 semaphore(%run_scoped3A : memref<!tpu.dma_semaphore, #tpu.memory_space<semaphore_mem>>) src(%arg3 : memref<2048x128xf32, #tpu.memory_space<hbm>>) dst(%arg6 : memref<2048x128xf32, #tpu.memory_space<vmem_shared>>)
        tpu.yield
      }) : () -> ()
    } else {
    }
    %barrier3A = arith.constant 0 : index
    tpu.barrier barrier_id(%barrier3A)
    %mul3A = arith.constant 2 : i32
    %mul3A_2 = arith.muli %arg1, %mul3A : i32
    %add3A = arith.addi %mul3A_2, %arg0 : i32
    %mul3A_3 = arith.constant 64 : i32
    %mul3A_4 = arith.muli %add3A, %mul3A_3 : i32
    %add3A_5 = arith.constant 0 : i32
    %add3A_6 = arith.addi %mul3A_4, %add3A_5 : i32
    %sub3A = arith.constant 2047 : i32
    %sub3A_7 = arith.subi %sub3A, %add3A_6 : i32
    %jit3A = arith.constant 2 : i32
    %div3A = arith.divsi %sub3A_7, %jit3A : i32
    %sign3A = arith.constant 0 : i32
    %sign3A_8 = arith.cmpi sgt, %sub3A_7, %sign3A : i32
    %sign3A_9 = arith.extui %sign3A_8 : i1 to i32
    %sign3A_10 = arith.constant 0 : i32
    %sign3A_11 = arith.cmpi slt, %sub3A_7, %sign3A_10 : i32
    %sign3A_12 = arith.extui %sign3A_11 : i1 to i32
    %sign3A_13 = arith.subi %sign3A_9, %sign3A_12 : i32
    %sign3A_14 = arith.constant 0 : i32
    %sign3A_15 = arith.cmpi sgt, %jit3A, %sign3A_14 : i32
    %sign3A_16 = arith.extui %sign3A_15 : i1 to i32
    %sign3A_17 = arith.constant 0 : i32
    %sign3A_18 = arith.cmpi slt, %jit3A, %sign3A_17 : i32
    %sign3A_19 = arith.extui %sign3A_18 : i1 to i32
    %sign3A_20 = arith.subi %sign3A_16, %sign3A_19 : i32
    %ne3A = arith.cmpi ne, %sign3A_13, %sign3A_20 : i32
    %rem3A = arith.remsi %sub3A_7, %jit3A : i32
    %ne3A_21 = arith.constant 0 : i32
    %ne3A_22 = arith.cmpi ne, %rem3A, %ne3A_21 : i32
    %and3A = arith.andi %ne3A, %ne3A_22 : i1
    %sub3A_23 = arith.constant 1 : i32
    %sub3A_24 = arith.subi %div3A, %sub3A_23 : i32
    %select_n3A = arith.select %and3A, %sub3A_24, %div3A : i32
    %dma_start3A = arith.constant 0 : i32
    %dma_start3A_25 = arith.constant 0 : i32
    %dma_start3A_26 = tpu.memref_slice %arg4[%add3A_6, %dma_start3A, %dma_start3A_25] : memref<2048x1024x128xf32, #tpu.memory_space<hbm>> -> memref<1x1024x128xf32, #tpu.memory_space<hbm>>
    %dma_start3A_27 = tpu.memref_squeeze %dma_start3A_26 : memref<1x1024x128xf32, #tpu.memory_space<hbm>> -> memref<1024x128xf32, #tpu.memory_space<hbm>>
    %dma_start3A_28 = arith.constant 0 : i32
    %dma_start3A_29 = tpu.memref_slice %arg6[%select_n3A, %dma_start3A_28] : memref<2048x128xf32, #tpu.memory_space<vmem_shared>> -> memref<1024x128xf32, #tpu.memory_space<vmem_shared>>
    tpu.enqueue_dma source(%dma_start3A_29 : memref<1024x128xf32, #tpu.memory_space<vmem_shared>>) target(%dma_start3A_27 : memref<1024x128xf32, #tpu.memory_space<hbm>>) target_semaphore(%arg7 : memref<!tpu.dma_semaphore, #tpu.memory_space<semaphore_mem>>)
    %add3A_30 = arith.constant 1 : i32
    %add3A_31 = arith.addi %mul3A_4, %add3A_30 : i32
    %sub3A_32 = arith.constant 2047 : i32
    %sub3A_33 = arith.subi %sub3A_32, %add3A_31 : i32
    %jit3A_34 = arith.constant 2 : i32
    %div3A_35 = arith.divsi %sub3A_33, %jit3A_34 : i32
    %sign3A_36 = arith.constant 0 : i32
    %sign3A_37 = arith.cmpi sgt, %sub3A_33, %sign3A_36 : i32
    %sign3A_38 = arith.extui %sign3A_37 : i1 to i32
    %sign3A_39 = arith.constant 0 : i32
    %sign3A_40 = arith.cmpi slt, %sub3A_33, %sign3A_39 : i32
    %sign3A_41 = arith.extui %sign3A_40 : i1 to i32
    %sign3A_42 = arith.subi %sign3A_38, %sign3A_41 : i32
    %sign3A_43 = arith.constant 0 : i32
    %sign3A_44 = arith.cmpi sgt, %jit3A_34, %sign3A_43 : i32
    %sign3A_45 = arith.extui %sign3A_44 : i1 to i32
    %sign3A_46 = arith.constant 0 : i32
    %sign3A_47 = arith.cmpi slt, %jit3A_34, %sign3A_46 : i32
    %sign3A_48 = arith.extui %sign3A_47 : i1 to i32
    %sign3A_49 = arith.subi %sign3A_45, %sign3A_48 : i32
    %ne3A_50 = arith.cmpi ne, %sign3A_42, %sign3A_49 : i32
    %rem3A_51 = arith.remsi %sub3A_33, %jit3A_34 : i32
    %ne3A_52 = arith.constant 0 : i32
    %ne3A_53 = arith.cmpi ne, %rem3A_51, %ne3A_52 : i32
    %and3A_54 = arith.andi %ne3A_50, %ne3A_53 : i1
    %sub3A_55 = arith.constant 1 : i32
    %sub3A_56 = arith.subi %div3A_35, %sub3A_55 : i32
    %select_n3A_57 = arith.select %and3A_54, %sub3A_56, %div3A_35 : i32
    %dma_start3A_58 = arith.constant 0 : i32
    %dma_start3A_59 = arith.constant 0 : i32
    %dma_start3A_60 = tpu.memref_slice %arg4[%add3A_31, %dma_start3A_58, %dma_start3A_59] : memref<2048x1024x128xf32, #tpu.memory_space<hbm>> -> memref<1x1024x128xf32, #tpu.memory_space<hbm>>
    %dma_start3A_61 = tpu.memref_squeeze %dma_start3A_60 : memref<1x1024x128xf32, #tpu.memory_space<hbm>> -> memref<1024x128xf32, #tpu.memory_space<hbm>>
    %dma_start3A_62 = arith.constant 0 : i32
    %dma_start3A_63 = tpu.memref_slice %arg5[%select_n3A_57, %dma_start3A_62] : memref<2048x128xf32, #tpu.memory_space<vmem_shared>> -> memref<1024x128xf32, #tpu.memory_space<vmem_shared>>
    tpu.enqueue_dma source(%dma_start3A_63 : memref<1024x128xf32, #tpu.memory_space<vmem_shared>>) target(%dma_start3A_61 : memref<1024x128xf32, #tpu.memory_space<hbm>>) target_semaphore(%arg7 : memref<!tpu.dma_semaphore, #tpu.memory_space<semaphore_mem>>)
    %add3A_64 = arith.constant 2 : i32
    %add3A_65 = arith.addi %mul3A_4, %add3A_64 : i32
    %sub3A_66 = arith.constant 2047 : i32
    %sub3A_67 = arith.subi %sub3A_66, %add3A_65 : i32
    %jit3A_68 = arith.constant 2 : i32
    %div3A_69 = arith.divsi %sub3A_67, %jit3A_68 : i32
    %sign3A_70 = arith.constant 0 : i32
    %sign3A_71 = arith.cmpi sgt, %sub3A_67, %sign3A_70 : i32
    %sign3A_72 = arith.extui %sign3A_71 : i1 to i32
    %sign3A_73 = arith.constant 0 : i32
    %sign3A_74 = arith.cmpi slt, %sub3A_67, %sign3A_73 : i32
    %sign3A_75 = arith.extui %sign3A_74 : i1 to i32
    %sign3A_76 = arith.subi %sign3A_72, %sign3A_75 : i32
    %sign3A_77 = arith.constant 0 : i32
    %sign3A_78 = arith.cmpi sgt, %jit3A_68, %sign3A_77 : i32
    %sign3A_79 = arith.extui %sign3A_78 : i1 to i32
    %sign3A_80 = arith.constant 0 : i32
    %sign3A_81 = arith.cmpi slt, %jit3A_68, %sign3A_80 : i32
    %sign3A_82 = arith.extui %sign3A_81 : i1 to i32
    %sign3A_83 = arith.subi %sign3A_79, %sign3A_82 : i32
    %ne3A_84 = arith.cmpi ne, %sign3A_76, %sign3A_83 : i32
    %rem3A_85 = arith.remsi %sub3A_67, %jit3A_68 : i32
    %ne3A_86 = arith.constant 0 : i32
    %ne3A_87 = arith.cmpi ne, %rem3A_85, %ne3A_86 : i32
    %and3A_88 = arith.andi %ne3A_84, %ne3A_87 : i1
    %sub3A_89 = arith.constant 1 : i32
    %sub3A_90 = arith.subi %div3A_69, %sub3A_89 : i32
    %select_n3A_91 = arith.select %and3A_88, %sub3A_90, %div3A_69 : i32
    %dma_start3A_92 = arith.constant 0 : i32
    %dma_start3A_93 = arith.constant 0 : i32
    %dma_start3A_94 = tpu.memref_slice %arg4[%add3A_65, %dma_start3A_92, %dma_start3A_93] : memref<2048x1024x128xf32, #tpu.memory_space<hbm>> -> memref<1x1024x128xf32, #tpu.memory_space<hbm>>
    %dma_start3A_95 = tpu.memref_squeeze %dma_start3A_94 : memref<1x1024x128xf32, #tpu.memory_space<hbm>> -> memref<1024x128xf32, #tpu.memory_space<hbm>>
    %dma_start3A_96 = arith.constant 0 : i32
    %dma_start3A_97 = tpu.memref_slice %arg6[%select_n3A_91, %dma_start3A_96] : memref<2048x128xf32, #tpu.memory_space<vmem_shared>> -> memref<1024x128xf32, #tpu.memory_space<vmem_shared>>
    tpu.enqueue_dma source(%dma_start3A_97 : memref<1024x128xf32, #tpu.memory_space<vmem_shared>>) target(%dma_start3A_95 : memref<1024x128xf32, #tpu.memory_space<hbm>>) target_semaphore(%arg7 : memref<!tpu.dma_semaphore, #tpu.memory_space<semaphore_mem>>)
    %add3A_98 = arith.constant 3 : i32
    %add3A_99 = arith.addi %mul3A_4, %add3A_98 : i32
    %sub3A_100 = arith.constant 2047 : i32
    %sub3A_101 = arith.subi %sub3A_100, %add3A_99 : i32
    %jit3A_102 = arith.constant 2 : i32
    %div3A_103 = arith.divsi %sub3A_101, %jit3A_102 : i32
    %sign3A_104 = arith.constant 0 : i32
    %sign3A_105 = arith.cmpi sgt, %sub3A_101, %sign3A_104 : i32
    %sign3A_106 = arith.extui %sign3A_105 : i1 to i32
    %sign3A_107 = arith.constant 0 : i32
    %sign3A_108 = arith.cmpi slt, %sub3A_101, %sign3A_107 : i32
    %sign3A_109 = arith.extui %sign3A_108 : i1 to i32
    %sign3A_110 = arith.subi %sign3A_106, %sign3A_109 : i32
    %sign3A_111 = arith.constant 0 : i32
    %sign3A_112 = arith.cmpi sgt, %jit3A_102, %sign3A_111 : i32
    %sign3A_113 = arith.extui %sign3A_112 : i1 to i32
    %sign3A_114 = arith.constant 0 : i32
    %sign3A_115 = arith.cmpi slt, %jit3A_102, %sign3A_114 : i32
    %sign3A_116 = arith.extui %sign3A_115 : i1 to i32
    %sign3A_117 = arith.subi %sign3A_113, %sign3A_116 : i32
    %ne3A_118 = arith.cmpi ne, %sign3A_110, %sign3A_117 : i32
    %rem3A_119 = arith.remsi %sub3A_101, %jit3A_102 : i32
    %ne3A_120 = arith.constant 0 : i32
    %ne3A_121 = arith.cmpi ne, %rem3A_119, %ne3A_120 : i32
    %and3A_122 = arith.andi %ne3A_118, %ne3A_121 : i1
    %sub3A_123 = arith.constant 1 : i32
    %sub3A_124 = arith.subi %div3A_103, %sub3A_123 : i32
    %select_n3A_125 = arith.select %and3A_122, %sub3A_124, %div3A_103 : i32
    %dma_start3A_126 = arith.constant 0 : i32
    %dma_start3A_127 = arith.constant 0 : i32
    %dma_start3A_128 = tpu.memref_slice %arg4[%add3A_99, %dma_start3A_126, %dma_start3A_127] : memref<2048x1024x128xf32, #tpu.memory_space<hbm>> -> memref<1x1024x128xf32, #tpu.memory_space<hbm>>
    %dma_start3A_129 = tpu.memref_squeeze %dma_start3A_128 : memref<1x1024x128xf32, #tpu.memory_space<hbm>> -> memref<1024x128xf32, #tpu.memory_space<hbm>>
    %dma_start3A_130 = arith.constant 0 : i32
    %dma_start3A_131 = tpu.memref_slice %arg5[%select_n3A_125, %dma_start3A_130] : memref<2048x128xf32, #tpu.memory_space<vmem_shared>> -> memref<1024x128xf32, #tpu.memory_space<vmem_shared>>
    tpu.enqueue_dma source(%dma_start3A_131 : memref<1024x128xf32, #tpu.memory_space<vmem_shared>>) target(%dma_start3A_129 : memref<1024x128xf32, #tpu.memory_space<hbm>>) target_semaphore(%arg7 : memref<!tpu.dma_semaphore, #tpu.memory_space<semaphore_mem>>)
    %add3A_132 = arith.constant 4 : i32
    %add3A_133 = arith.addi %mul3A_4, %add3A_132 : i32
    %sub3A_134 = arith.constant 2047 : i32
    %sub3A_135 = arith.subi %sub3A_134, %add3A_133 : i32
    %jit3A_136 = arith.constant 2 : i32
    %div3A_137 = arith.divsi %sub3A_135, %jit3A_136 : i32
    %sign3A_138 = arith.constant 0 : i32
    %sign3A_139 = arith.cmpi sgt, %sub3A_135, %sign3A_138 : i32
    %sign3A_140 = arith.extui %sign3A_139 : i1 to i32
    %sign3A_141 = arith.constant 0 : i32
    %sign3A_142 = arith.cmpi slt, %sub3A_135, %sign3A_141 : i32
    %sign3A_143 = arith.extui %sign3A_142 : i1 to i32
    %sign3A_144 = arith.subi %sign3A_140, %sign3A_143 : i32
    %sign3A_145 = arith.constant 0 : i32
    %sign3A_146 = arith.cmpi sgt, %jit3A_136, %sign3A_145 : i32
    %sign3A_147 = arith.extui %sign3A_146 : i1 to i32
    %sign3A_148 = arith.constant 0 : i32
    %sign3A_149 = arith.cmpi slt, %jit3A_136, %sign3A_148 : i32
    %sign3A_150 = arith.extui %sign3A_149 : i1 to i32
    %sign3A_151 = arith.subi %sign3A_147, %sign3A_150 : i32
    %ne3A_152 = arith.cmpi ne, %sign3A_144, %sign3A_151 : i32
    %rem3A_153 = arith.remsi %sub3A_135, %jit3A_136 : i32
    %ne3A_154 = arith.constant 0 : i32
    %ne3A_155 = arith.cmpi ne, %rem3A_153, %ne3A_154 : i32
    %and3A_156 = arith.andi %ne3A_152, %ne3A_155 : i1
    %sub3A_157 = arith.constant 1 : i32
    %sub3A_158 = arith.subi %div3A_137, %sub3A_157 : i32
    %select_n3A_159 = arith.select %and3A_156, %sub3A_158, %div3A_137 : i32
    %dma_start3A_160 = arith.constant 0 : i32
    %dma_start3A_161 = arith.constant 0 : i32
    %dma_start3A_162 = tpu.memref_slice %arg4[%add3A_133, %dma_start3A_160, %dma_start3A_161] : memref<2048x1024x128xf32, #tpu.memory_space<hbm>> -> memref<1x1024x128xf32, #tpu.memory_space<hbm>>
    %dma_start3A_163 = tpu.memref_squeeze %dma_start3A_162 : memref<1x1024x128xf32, #tpu.memory_space<hbm>> -> memref<1024x128xf32, #tpu.memory_space<hbm>>
    %dma_start3A_164 = arith.constant 0 : i32
    %dma_start3A_165 = tpu.memref_slice %arg6[%select_n3A_159, %dma_start3A_164] : memref<2048x128xf32, #tpu.memory_space<vmem_shared>> -> memref<1024x128xf32, #tpu.memory_space<vmem_shared>>
    tpu.enqueue_dma source(%dma_start3A_165 : memref<1024x128xf32, #tpu.memory_space<vmem_shared>>) target(%dma_start3A_163 : memref<1024x128xf32, #tpu.memory_space<hbm>>) target_semaphore(%arg7 : memref<!tpu.dma_semaphore, #tpu.memory_space<semaphore_mem>>)
    %add3A_166 = arith.constant 5 : i32
    %add3A_167 = arith.addi %mul3A_4, %add3A_166 : i32
    %sub3A_168 = arith.constant 2047 : i32
    %sub3A_169 = arith.subi %sub3A_168, %add3A_167 : i32
    %jit3A_170 = arith.constant 2 : i32
    %div3A_171 = arith.divsi %sub3A_169, %jit3A_170 : i32
    %sign3A_172 = arith.constant 0 : i32
    %sign3A_173 = arith.cmpi sgt, %sub3A_169, %sign3A_172 : i32
    %sign3A_174 = arith.extui %sign3A_173 : i1 to i32
    %sign3A_175 = arith.constant 0 : i32
    %sign3A_176 = arith.cmpi slt, %sub3A_169, %sign3A_175 : i32
    %sign3A_177 = arith.extui %sign3A_176 : i1 to i32
    %sign3A_178 = arith.subi %sign3A_174, %sign3A_177 : i32
    %sign3A_179 = arith.constant 0 : i32
    %sign3A_180 = arith.cmpi sgt, %jit3A_170, %sign3A_179 : i32
    %sign3A_181 = arith.extui %sign3A_180 : i1 to i32
    %sign3A_182 = arith.constant 0 : i32
    %sign3A_183 = arith.cmpi slt, %jit3A_170, %sign3A_182 : i32
    %sign3A_184 = arith.extui %sign3A_183 : i1 to i32
    %sign3A_185 = arith.subi %sign3A_181, %sign3A_184 : i32
    %ne3A_186 = arith.cmpi ne, %sign3A_178, %sign3A_185 : i32
    %rem3A_187 = arith.remsi %sub3A_169, %jit3A_170 : i32
    %ne3A_188 = arith.constant 0 : i32
    %ne3A_189 = arith.cmpi ne, %rem3A_187, %ne3A_188 : i32
    %and3A_190 = arith.andi %ne3A_186, %ne3A_189 : i1
    %sub3A_191 = arith.constant 1 : i32
    %sub3A_192 = arith.subi %div3A_171, %sub3A_191 : i32
    %select_n3A_193 = arith.select %and3A_190, %sub3A_192, %div3A_171 : i32
    %dma_start3A_194 = arith.constant 0 : i32
    %dma_start3A_195 = arith.constant 0 : i32
    %dma_start3A_196 = tpu.memref_slice %arg4[%add3A_167, %dma_start3A_194, %dma_start3A_195] : memref<2048x1024x128xf32, #tpu.memory_space<hbm>> -> memref<1x1024x128xf32, #tpu.memory_space<hbm>>
    %dma_start3A_197 = tpu.memref_squeeze %dma_start3A_196 : memref<1x1024x128xf32, #tpu.memory_space<hbm>> -> memref<1024x128xf32, #tpu.memory_space<hbm>>
    %dma_start3A_198 = arith.constant 0 : i32
    %dma_start3A_199 = tpu.memref_slice %arg5[%select_n3A_193, %dma_start3A_198] : memref<2048x128xf32, #tpu.memory_space<vmem_shared>> -> memref<1024x128xf32, #tpu.memory_space<vmem_shared>>
    tpu.enqueue_dma source(%dma_start3A_199 : memref<1024x128xf32, #tpu.memory_space<vmem_shared>>) target(%dma_start3A_197 : memref<1024x128xf32, #tpu.memory_space<hbm>>) target_semaphore(%arg7 : memref<!tpu.dma_semaphore, #tpu.memory_space<semaphore_mem>>)
    %add3A_200 = arith.constant 6 : i32
    %add3A_201 = arith.addi %mul3A_4, %add3A_200 : i32
    %sub3A_202 = arith.constant 2047 : i32
    %sub3A_203 = arith.subi %sub3A_202, %add3A_201 : i32
    %jit3A_204 = arith.constant 2 : i32
    %div3A_205 = arith.divsi %sub3A_203, %jit3A_204 : i32
    %sign3A_206 = arith.constant 0 : i32
    %sign3A_207 = arith.cmpi sgt, %sub3A_203, %sign3A_206 : i32
    %sign3A_208 = arith.extui %sign3A_207 : i1 to i32
    %sign3A_209 = arith.constant 0 : i32
    %sign3A_210 = arith.cmpi slt, %sub3A_203, %sign3A_209 : i32
    %sign3A_211 = arith.extui %sign3A_210 : i1 to i32
    %sign3A_212 = arith.subi %sign3A_208, %sign3A_211 : i32
    %sign3A_213 = arith.constant 0 : i32
    %sign3A_214 = arith.cmpi sgt, %jit3A_204, %sign3A_213 : i32
    %sign3A_215 = arith.extui %sign3A_214 : i1 to i32
    %sign3A_216 = arith.constant 0 : i32
    %sign3A_217 = arith.cmpi slt, %jit3A_204, %sign3A_216 : i32
    %sign3A_218 = arith.extui %sign3A_217 : i1 to i32
    %sign3A_219 = arith.subi %sign3A_215, %sign3A_218 : i32
    %ne3A_220 = arith.cmpi ne, %sign3A_212, %sign3A_219 : i32
    %rem3A_221 = arith.remsi %sub3A_203, %jit3A_204 : i32
    %ne3A_222 = arith.constant 0 : i32
    %ne3A_223 = arith.cmpi ne, %rem3A_221, %ne3A_222 : i32
    %and3A_224 = arith.andi %ne3A_220, %ne3A_223 : i1
    %sub3A_225 = arith.constant 1 : i32
    %sub3A_226 = arith.subi %div3A_205, %sub3A_225 : i32
    %select_n3A_227 = arith.select %and3A_224, %sub3A_226, %div3A_205 : i32
    %dma_start3A_228 = arith.constant 0 : i32
    %dma_start3A_229 = arith.constant 0 : i32
    %dma_start3A_230 = tpu.memref_slice %arg4[%add3A_201, %dma_start3A_228, %dma_start3A_229] : memref<2048x1024x128xf32, #tpu.memory_space<hbm>> -> memref<1x1024x128xf32, #tpu.memory_space<hbm>>
    %dma_start3A_231 = tpu.memref_squeeze %dma_start3A_230 : memref<1x1024x128xf32, #tpu.memory_space<hbm>> -> memref<1024x128xf32, #tpu.memory_space<hbm>>
    %dma_start3A_232 = arith.constant 0 : i32
    %dma_start3A_233 = tpu.memref_slice %arg6[%select_n3A_227, %dma_start3A_232] : memref<2048x128xf32, #tpu.memory_space<vmem_shared>> -> memref<1024x128xf32, #tpu.memory_space<vmem_shared>>
    tpu.enqueue_dma source(%dma_start3A_233 : memref<1024x128xf32, #tpu.memory_space<vmem_shared>>) target(%dma_start3A_231 : memref<1024x128xf32, #tpu.memory_space<hbm>>) target_semaphore(%arg7 : memref<!tpu.dma_semaphore, #tpu.memory_space<semaphore_mem>>)
    %add3A_234 = arith.constant 7 : i32
    %add3A_235 = arith.addi %mul3A_4, %add3A_234 : i32
    %sub3A_236 = arith.constant 2047 : i32
    %sub3A_237 = arith.subi %sub3A_236, %add3A_235 : i32
    %jit3A_238 = arith.constant 2 : i32
    %div3A_239 = arith.divsi %sub3A_237, %jit3A_238 : i32
    %sign3A_240 = arith.constant 0 : i32
    %sign3A_241 = arith.cmpi sgt, %sub3A_237, %sign3A_240 : i32
    %sign3A_242 = arith.extui %sign3A_241 : i1 to i32
    %sign3A_243 = arith.constant 0 : i32
    %sign3A_244 = arith.cmpi slt, %sub3A_237, %sign3A_243 : i32
    %sign3A_245 = arith.extui %sign3A_244 : i1 to i32
    %sign3A_246 = arith.subi %sign3A_242, %sign3A_245 : i32
    %sign3A_247 = arith.constant 0 : i32
    %sign3A_248 = arith.cmpi sgt, %jit3A_238, %sign3A_247 : i32
    %sign3A_249 = arith.extui %sign3A_248 : i1 to i32
    %sign3A_250 = arith.constant 0 : i32
    %sign3A_251 = arith.cmpi slt, %jit3A_238, %sign3A_250 : i32
    %sign3A_252 = arith.extui %sign3A_251 : i1 to i32
    %sign3A_253 = arith.subi %sign3A_249, %sign3A_252 : i32
    %ne3A_254 = arith.cmpi ne, %sign3A_246, %sign3A_253 : i32
    %rem3A_255 = arith.remsi %sub3A_237, %jit3A_238 : i32
    %ne3A_256 = arith.constant 0 : i32
    %ne3A_257 = arith.cmpi ne, %rem3A_255, %ne3A_256 : i32
    %and3A_258 = arith.andi %ne3A_254, %ne3A_257 : i1
    %sub3A_259 = arith.constant 1 : i32
    %sub3A_260 = arith.subi %div3A_239, %sub3A_259 : i32
    %select_n3A_261 = arith.select %and3A_258, %sub3A_260, %div3A_239 : i32
    %dma_start3A_262 = arith.constant 0 : i32
    %dma_start3A_263 = arith.constant 0 : i32
    %dma_start3A_264 = tpu.memref_slice %arg4[%add3A_235, %dma_start3A_262, %dma_start3A_263] : memref<2048x1024x128xf32, #tpu.memory_space<hbm>> -> memref<1x1024x128xf32, #tpu.memory_space<hbm>>
    %dma_start3A_265 = tpu.memref_squeeze %dma_start3A_264 : memref<1x1024x128xf32, #tpu.memory_space<hbm>> -> memref<1024x128xf32, #tpu.memory_space<hbm>>
    %dma_start3A_266 = arith.constant 0 : i32
    %dma_start3A_267 = tpu.memref_slice %arg5[%select_n3A_261, %dma_start3A_266] : memref<2048x128xf32, #tpu.memory_space<vmem_shared>> -> memref<1024x128xf32, #tpu.memory_space<vmem_shared>>
    tpu.enqueue_dma source(%dma_start3A_267 : memref<1024x128xf32, #tpu.memory_space<vmem_shared>>) target(%dma_start3A_265 : memref<1024x128xf32, #tpu.memory_space<hbm>>) target_semaphore(%arg7 : memref<!tpu.dma_semaphore, #tpu.memory_space<semaphore_mem>>)
    %add3A_268 = arith.constant 8 : i32
    %add3A_269 = arith.addi %mul3A_4, %add3A_268 : i32
    %sub3A_270 = arith.constant 2047 : i32
    %sub3A_271 = arith.subi %sub3A_270, %add3A_269 : i32
    %jit3A_272 = arith.constant 2 : i32
    %div3A_273 = arith.divsi %sub3A_271, %jit3A_272 : i32
    %sign3A_274 = arith.constant 0 : i32
    %sign3A_275 = arith.cmpi sgt, %sub3A_271, %sign3A_274 : i32
    %sign3A_276 = arith.extui %sign3A_275 : i1 to i32
    %sign3A_277 = arith.constant 0 : i32
    %sign3A_278 = arith.cmpi slt, %sub3A_271, %sign3A_277 : i32
    %sign3A_279 = arith.extui %sign3A_278 : i1 to i32
    %sign3A_280 = arith.subi %sign3A_276, %sign3A_279 : i32
    %sign3A_281 = arith.constant 0 : i32
    %sign3A_282 = arith.cmpi sgt, %jit3A_272, %sign3A_281 : i32
    %sign3A_283 = arith.extui %sign3A_282 : i1 to i32
    %sign3A_284 = arith.constant 0 : i32
    %sign3A_285 = arith.cmpi slt, %jit3A_272, %sign3A_284 : i32
    %sign3A_286 = arith.extui %sign3A_285 : i1 to i32
    %sign3A_287 = arith.subi %sign3A_283, %sign3A_286 : i32
    %ne3A_288 = arith.cmpi ne, %sign3A_280, %sign3A_287 : i32
    %rem3A_289 = arith.remsi %sub3A_271, %jit3A_272 : i32
    %ne3A_290 = arith.constant 0 : i32
    %ne3A_291 = arith.cmpi ne, %rem3A_289, %ne3A_290 : i32
    %and3A_292 = arith.andi %ne3A_288, %ne3A_291 : i1
    %sub3A_293 = arith.constant 1 : i32
    %sub3A_294 = arith.subi %div3A_273, %sub3A_293 : i32
    %select_n3A_295 = arith.select %and3A_292, %sub3A_294, %div3A_273 : i32
    %dma_start3A_296 = arith.constant 0 : i32
    %dma_start3A_297 = arith.constant 0 : i32
    %dma_start3A_298 = tpu.memref_slice %arg4[%add3A_269, %dma_start3A_296, %dma_start3A_297] : memref<2048x1024x128xf32, #tpu.memory_space<hbm>> -> memref<1x1024x128xf32, #tpu.memory_space<hbm>>
    %dma_start3A_299 = tpu.memref_squeeze %dma_start3A_298 : memref<1x1024x128xf32, #tpu.memory_space<hbm>> -> memref<1024x128xf32, #tpu.memory_space<hbm>>
    %dma_start3A_300 = arith.constant 0 : i32
    %dma_start3A_301 = tpu.memref_slice %arg6[%select_n3A_295, %dma_start3A_300] : memref<2048x128xf32, #tpu.memory_space<vmem_shared>> -> memref<1024x128xf32, #tpu.memory_space<vmem_shared>>
    tpu.enqueue_dma source(%dma_start3A_301 : memref<1024x128xf32, #tpu.memory_space<vmem_shared>>) target(%dma_start3A_299 : memref<1024x128xf32, #tpu.memory_space<hbm>>) target_semaphore(%arg7 : memref<!tpu.dma_semaphore, #tpu.memory_space<semaphore_mem>>)
    %add3A_302 = arith.constant 9 : i32
    %add3A_303 = arith.addi %mul3A_4, %add3A_302 : i32
    %sub3A_304 = arith.constant 2047 : i32
    %sub3A_305 = arith.subi %sub3A_304, %add3A_303 : i32
    %jit3A_306 = arith.constant 2 : i32
    %div3A_307 = arith.divsi %sub3A_305, %jit3A_306 : i32
    %sign3A_308 = arith.constant 0 : i32
    %sign3A_309 = arith.cmpi sgt, %sub3A_305, %sign3A_308 : i32
    %sign3A_310 = arith.extui %sign3A_309 : i1 to i32
    %sign3A_311 = arith.constant 0 : i32
    %sign3A_312 = arith.cmpi slt, %sub3A_305, %sign3A_311 : i32
    %sign3A_313 = arith.extui %sign3A_312 : i1 to i32
    %sign3A_314 = arith.subi %sign3A_310, %sign3A_313 : i32
    %sign3A_315 = arith.constant 0 : i32
    %sign3A_316 = arith.cmpi sgt, %jit3A_306, %sign3A_315 : i32
    %sign3A_317 = arith.extui %sign3A_316 : i1 to i32
    %sign3A_318 = arith.constant 0 : i32
    %sign3A_319 = arith.cmpi slt, %jit3A_306, %sign3A_318 : i32
    %sign3A_320 = arith.extui %sign3A_319 : i1 to i32
    %sign3A_321 = arith.subi %sign3A_317, %sign3A_320 : i32
    %ne3A_322 = arith.cmpi ne, %sign3A_314, %sign3A_321 : i32
    %rem3A_323 = arith.remsi %sub3A_305, %jit3A_306 : i32
    %ne3A_324 = arith.constant 0 : i32
    %ne3A_325 = arith.cmpi ne, %rem3A_323, %ne3A_324 : i32
    %and3A_326 = arith.andi %ne3A_322, %ne3A_325 : i1
    %sub3A_327 = arith.constant 1 : i32
    %sub3A_328 = arith.subi %div3A_307, %sub3A_327 : i32
    %select_n3A_329 = arith.select %and3A_326, %sub3A_328, %div3A_307 : i32
    %dma_start3A_330 = arith.constant 0 : i32
    %dma_start3A_331 = arith.constant 0 : i32
    %dma_start3A_332 = tpu.memref_slice %arg4[%add3A_303, %dma_start3A_330, %dma_start3A_331] : memref<2048x1024x128xf32, #tpu.memory_space<hbm>> -> memref<1x1024x128xf32, #tpu.memory_space<hbm>>
    %dma_start3A_333 = tpu.memref_squeeze %dma_start3A_332 : memref<1x1024x128xf32, #tpu.memory_space<hbm>> -> memref<1024x128xf32, #tpu.memory_space<hbm>>
    %dma_start3A_334 = arith.constant 0 : i32
    %dma_start3A_335 = tpu.memref_slice %arg5[%select_n3A_329, %dma_start3A_334] : memref<2048x128xf32, #tpu.memory_space<vmem_shared>> -> memref<1024x128xf32, #tpu.memory_space<vmem_shared>>
    tpu.enqueue_dma source(%dma_start3A_335 : memref<1024x128xf32, #tpu.memory_space<vmem_shared>>) target(%dma_start3A_333 : memref<1024x128xf32, #tpu.memory_space<hbm>>) target_semaphore(%arg7 : memref<!tpu.dma_semaphore, #tpu.memory_space<semaphore_mem>>)
    %add3A_336 = arith.constant 10 : i32
    %add3A_337 = arith.addi %mul3A_4, %add3A_336 : i32
    %sub3A_338 = arith.constant 2047 : i32
    %sub3A_339 = arith.subi %sub3A_338, %add3A_337 : i32
    %jit3A_340 = arith.constant 2 : i32
    %div3A_341 = arith.divsi %sub3A_339, %jit3A_340 : i32
    %sign3A_342 = arith.constant 0 : i32
    %sign3A_343 = arith.cmpi sgt, %sub3A_339, %sign3A_342 : i32
    %sign3A_344 = arith.extui %sign3A_343 : i1 to i32
    %sign3A_345 = arith.constant 0 : i32
    %sign3A_346 = arith.cmpi slt, %sub3A_339, %sign3A_345 : i32
    %sign3A_347 = arith.extui %sign3A_346 : i1 to i32
    %sign3A_348 = arith.subi %sign3A_344, %sign3A_347 : i32
    %sign3A_349 = arith.constant 0 : i32
    %sign3A_350 = arith.cmpi sgt, %jit3A_340, %sign3A_349 : i32
    %sign3A_351 = arith.extui %sign3A_350 : i1 to i32
    %sign3A_352 = arith.constant 0 : i32
    %sign3A_353 = arith.cmpi slt, %jit3A_340, %sign3A_352 : i32
    %sign3A_354 = arith.extui %sign3A_353 : i1 to i32
    %sign3A_355 = arith.subi %sign3A_351, %sign3A_354 : i32
    %ne3A_356 = arith.cmpi ne, %sign3A_348, %sign3A_355 : i32
    %rem3A_357 = arith.remsi %sub3A_339, %jit3A_340 : i32
    %ne3A_358 = arith.constant 0 : i32
    %ne3A_359 = arith.cmpi ne, %rem3A_357, %ne3A_358 : i32
    %and3A_360 = arith.andi %ne3A_356, %ne3A_359 : i1
    %sub3A_361 = arith.constant 1 : i32
    %sub3A_362 = arith.subi %div3A_341, %sub3A_361 : i32
    %select_n3A_363 = arith.select %and3A_360, %sub3A_362, %div3A_341 : i32
    %dma_start3A_364 = arith.constant 0 : i32
    %dma_start3A_365 = arith.constant 0 : i32
    %dma_start3A_366 = tpu.memref_slice %arg4[%add3A_337, %dma_start3A_364, %dma_start3A_365] : memref<2048x1024x128xf32, #tpu.memory_space<hbm>> -> memref<1x1024x128xf32, #tpu.memory_space<hbm>>
    %dma_start3A_367 = tpu.memref_squeeze %dma_start3A_366 : memref<1x1024x128xf32, #tpu.memory_space<hbm>> -> memref<1024x128xf32, #tpu.memory_space<hbm>>
    %dma_start3A_368 = arith.constant 0 : i32
    %dma_start3A_369 = tpu.memref_slice %arg6[%select_n3A_363, %dma_start3A_368] : memref<2048x128xf32, #tpu.memory_space<vmem_shared>> -> memref<1024x128xf32, #tpu.memory_space<vmem_shared>>
    tpu.enqueue_dma source(%dma_start3A_369 : memref<1024x128xf32, #tpu.memory_space<vmem_shared>>) target(%dma_start3A_367 : memref<1024x128xf32, #tpu.memory_space<hbm>>) target_semaphore(%arg7 : memref<!tpu.dma_semaphore, #tpu.memory_space<semaphore_mem>>)
    %add3A_370 = arith.constant 11 : i32
    %add3A_371 = arith.addi %mul3A_4, %add3A_370 : i32
    %sub3A_372 = arith.constant 2047 : i32
    %sub3A_373 = arith.subi %sub3A_372, %add3A_371 : i32
    %jit3A_374 = arith.constant 2 : i32
    %div3A_375 = arith.divsi %sub3A_373, %jit3A_374 : i32
    %sign3A_376 = arith.constant 0 : i32
    %sign3A_377 = arith.cmpi sgt, %sub3A_373, %sign3A_376 : i32
    %sign3A_378 = arith.extui %sign3A_377 : i1 to i32
    %sign3A_379 = arith.constant 0 : i32
    %sign3A_380 = arith.cmpi slt, %sub3A_373, %sign3A_379 : i32
    %sign3A_381 = arith.extui %sign3A_380 : i1 to i32
    %sign3A_382 = arith.subi %sign3A_378, %sign3A_381 : i32
    %sign3A_383 = arith.constant 0 : i32
    %sign3A_384 = arith.cmpi sgt, %jit3A_374, %sign3A_383 : i32
    %sign3A_385 = arith.extui %sign3A_384 : i1 to i32
    %sign3A_386 = arith.constant 0 : i32
    %sign3A_387 = arith.cmpi slt, %jit3A_374, %sign3A_386 : i32
    %sign3A_388 = arith.extui %sign3A_387 : i1 to i32
    %sign3A_389 = arith.subi %sign3A_385, %sign3A_388 : i32
    %ne3A_390 = arith.cmpi ne, %sign3A_382, %sign3A_389 : i32
    %rem3A_391 = arith.remsi %sub3A_373, %jit3A_374 : i32
    %ne3A_392 = arith.constant 0 : i32
    %ne3A_393 = arith.cmpi ne, %rem3A_391, %ne3A_392 : i32
    %and3A_394 = arith.andi %ne3A_390, %ne3A_393 : i1
    %sub3A_395 = arith.constant 1 : i32
    %sub3A_396 = arith.subi %div3A_375, %sub3A_395 : i32
    %select_n3A_397 = arith.select %and3A_394, %sub3A_396, %div3A_375 : i32
    %dma_start3A_398 = arith.constant 0 : i32
    %dma_start3A_399 = arith.constant 0 : i32
    %dma_start3A_400 = tpu.memref_slice %arg4[%add3A_371, %dma_start3A_398, %dma_start3A_399] : memref<2048x1024x128xf32, #tpu.memory_space<hbm>> -> memref<1x1024x128xf32, #tpu.memory_space<hbm>>
    %dma_start3A_401 = tpu.memref_squeeze %dma_start3A_400 : memref<1x1024x128xf32, #tpu.memory_space<hbm>> -> memref<1024x128xf32, #tpu.memory_space<hbm>>
    %dma_start3A_402 = arith.constant 0 : i32
    %dma_start3A_403 = tpu.memref_slice %arg5[%select_n3A_397, %dma_start3A_402] : memref<2048x128xf32, #tpu.memory_space<vmem_shared>> -> memref<1024x128xf32, #tpu.memory_space<vmem_shared>>
    tpu.enqueue_dma source(%dma_start3A_403 : memref<1024x128xf32, #tpu.memory_space<vmem_shared>>) target(%dma_start3A_401 : memref<1024x128xf32, #tpu.memory_space<hbm>>) target_semaphore(%arg7 : memref<!tpu.dma_semaphore, #tpu.memory_space<semaphore_mem>>)
    %add3A_404 = arith.constant 12 : i32
    %add3A_405 = arith.addi %mul3A_4, %add3A_404 : i32
    %sub3A_406 = arith.constant 2047 : i32
    %sub3A_407 = arith.subi %sub3A_406, %add3A_405 : i32
    %jit3A_408 = arith.constant 2 : i32
    %div3A_409 = arith.divsi %sub3A_407, %jit3A_408 : i32
    %sign3A_410 = arith.constant 0 : i32
    %sign3A_411 = arith.cmpi sgt, %sub3A_407, %sign3A_410 : i32
    %sign3A_412 = arith.extui %sign3A_411 : i1 to i32
    %sign3A_413 = arith.constant 0 : i32
    %sign3A_414 = arith.cmpi slt, %sub3A_407, %sign3A_413 : i32
    %sign3A_415 = arith.extui %sign3A_414 : i1 to i32
    %sign3A_416 = arith.subi %sign3A_412, %sign3A_415 : i32
    %sign3A_417 = arith.constant 0 : i32
    %sign3A_418 = arith.cmpi sgt, %jit3A_408, %sign3A_417 : i32
    %sign3A_419 = arith.extui %sign3A_418 : i1 to i32
    %sign3A_420 = arith.constant 0 : i32
    %sign3A_421 = arith.cmpi slt, %jit3A_408, %sign3A_420 : i32
    %sign3A_422 = arith.extui %sign3A_421 : i1 to i32
    %sign3A_423 = arith.subi %sign3A_419, %sign3A_422 : i32
    %ne3A_424 = arith.cmpi ne, %sign3A_416, %sign3A_423 : i32
    %rem3A_425 = arith.remsi %sub3A_407, %jit3A_408 : i32
    %ne3A_426 = arith.constant 0 : i32
    %ne3A_427 = arith.cmpi ne, %rem3A_425, %ne3A_426 : i32
    %and3A_428 = arith.andi %ne3A_424, %ne3A_427 : i1
    %sub3A_429 = arith.constant 1 : i32
    %sub3A_430 = arith.subi %div3A_409, %sub3A_429 : i32
    %select_n3A_431 = arith.select %and3A_428, %sub3A_430, %div3A_409 : i32
    %dma_start3A_432 = arith.constant 0 : i32
    %dma_start3A_433 = arith.constant 0 : i32
    %dma_start3A_434 = tpu.memref_slice %arg4[%add3A_405, %dma_start3A_432, %dma_start3A_433] : memref<2048x1024x128xf32, #tpu.memory_space<hbm>> -> memref<1x1024x128xf32, #tpu.memory_space<hbm>>
    %dma_start3A_435 = tpu.memref_squeeze %dma_start3A_434 : memref<1x1024x128xf32, #tpu.memory_space<hbm>> -> memref<1024x128xf32, #tpu.memory_space<hbm>>
    %dma_start3A_436 = arith.constant 0 : i32
    %dma_start3A_437 = tpu.memref_slice %arg6[%select_n3A_431, %dma_start3A_436] : memref<2048x128xf32, #tpu.memory_space<vmem_shared>> -> memref<1024x128xf32, #tpu.memory_space<vmem_shared>>
    tpu.enqueue_dma source(%dma_start3A_437 : memref<1024x128xf32, #tpu.memory_space<vmem_shared>>) target(%dma_start3A_435 : memref<1024x128xf32, #tpu.memory_space<hbm>>) target_semaphore(%arg7 : memref<!tpu.dma_semaphore, #tpu.memory_space<semaphore_mem>>)
    %add3A_438 = arith.constant 13 : i32
    %add3A_439 = arith.addi %mul3A_4, %add3A_438 : i32
    %sub3A_440 = arith.constant 2047 : i32
    %sub3A_441 = arith.subi %sub3A_440, %add3A_439 : i32
    %jit3A_442 = arith.constant 2 : i32
    %div3A_443 = arith.divsi %sub3A_441, %jit3A_442 : i32
    %sign3A_444 = arith.constant 0 : i32
    %sign3A_445 = arith.cmpi sgt, %sub3A_441, %sign3A_444 : i32
    %sign3A_446 = arith.extui %sign3A_445 : i1 to i32
    %sign3A_447 = arith.constant 0 : i32
    %sign3A_448 = arith.cmpi slt, %sub3A_441, %sign3A_447 : i32
    %sign3A_449 = arith.extui %sign3A_448 : i1 to i32
    %sign3A_450 = arith.subi %sign3A_446, %sign3A_449 : i32
    %sign3A_451 = arith.constant 0 : i32
    %sign3A_452 = arith.cmpi sgt, %jit3A_442, %sign3A_451 : i32
    %sign3A_453 = arith.extui %sign3A_452 : i1 to i32
    %sign3A_454 = arith.constant 0 : i32
    %sign3A_455 = arith.cmpi slt, %jit3A_442, %sign3A_454 : i32
    %sign3A_456 = arith.extui %sign3A_455 : i1 to i32
    %sign3A_457 = arith.subi %sign3A_453, %sign3A_456 : i32
    %ne3A_458 = arith.cmpi ne, %sign3A_450, %sign3A_457 : i32
    %rem3A_459 = arith.remsi %sub3A_441, %jit3A_442 : i32
    %ne3A_460 = arith.constant 0 : i32
    %ne3A_461 = arith.cmpi ne, %rem3A_459, %ne3A_460 : i32
    %and3A_462 = arith.andi %ne3A_458, %ne3A_461 : i1
    %sub3A_463 = arith.constant 1 : i32
    %sub3A_464 = arith.subi %div3A_443, %sub3A_463 : i32
    %select_n3A_465 = arith.select %and3A_462, %sub3A_464, %div3A_443 : i32
    %dma_start3A_466 = arith.constant 0 : i32
    %dma_start3A_467 = arith.constant 0 : i32
    %dma_start3A_468 = tpu.memref_slice %arg4[%add3A_439, %dma_start3A_466, %dma_start3A_467] : memref<2048x1024x128xf32, #tpu.memory_space<hbm>> -> memref<1x1024x128xf32, #tpu.memory_space<hbm>>
    %dma_start3A_469 = tpu.memref_squeeze %dma_start3A_468 : memref<1x1024x128xf32, #tpu.memory_space<hbm>> -> memref<1024x128xf32, #tpu.memory_space<hbm>>
    %dma_start3A_470 = arith.constant 0 : i32
    %dma_start3A_471 = tpu.memref_slice %arg5[%select_n3A_465, %dma_start3A_470] : memref<2048x128xf32, #tpu.memory_space<vmem_shared>> -> memref<1024x128xf32, #tpu.memory_space<vmem_shared>>
    tpu.enqueue_dma source(%dma_start3A_471 : memref<1024x128xf32, #tpu.memory_space<vmem_shared>>) target(%dma_start3A_469 : memref<1024x128xf32, #tpu.memory_space<hbm>>) target_semaphore(%arg7 : memref<!tpu.dma_semaphore, #tpu.memory_space<semaphore_mem>>)
    %add3A_472 = arith.constant 14 : i32
    %add3A_473 = arith.addi %mul3A_4, %add3A_472 : i32
    %sub3A_474 = arith.constant 2047 : i32
    %sub3A_475 = arith.subi %sub3A_474, %add3A_473 : i32
    %jit3A_476 = arith.constant 2 : i32
    %div3A_477 = arith.divsi %sub3A_475, %jit3A_476 : i32
    %sign3A_478 = arith.constant 0 : i32
    %sign3A_479 = arith.cmpi sgt, %sub3A_475, %sign3A_478 : i32
    %sign3A_480 = arith.extui %sign3A_479 : i1 to i32
    %sign3A_481 = arith.constant 0 : i32
    %sign3A_482 = arith.cmpi slt, %sub3A_475, %sign3A_481 : i32
    %sign3A_483 = arith.extui %sign3A_482 : i1 to i32
    %sign3A_484 = arith.subi %sign3A_480, %sign3A_483 : i32
    %sign3A_485 = arith.constant 0 : i32
    %sign3A_486 = arith.cmpi sgt, %jit3A_476, %sign3A_485 : i32
    %sign3A_487 = arith.extui %sign3A_486 : i1 to i32
    %sign3A_488 = arith.constant 0 : i32
    %sign3A_489 = arith.cmpi slt, %jit3A_476, %sign3A_488 : i32
    %sign3A_490 = arith.extui %sign3A_489 : i1 to i32
    %sign3A_491 = arith.subi %sign3A_487, %sign3A_490 : i32
    %ne3A_492 = arith.cmpi ne, %sign3A_484, %sign3A_491 : i32
    %rem3A_493 = arith.remsi %sub3A_475, %jit3A_476 : i32
    %ne3A_494 = arith.constant 0 : i32
    %ne3A_495 = arith.cmpi ne, %rem3A_493, %ne3A_494 : i32
    %and3A_496 = arith.andi %ne3A_492, %ne3A_495 : i1
    %sub3A_497 = arith.constant 1 : i32
    %sub3A_498 = arith.subi %div3A_477, %sub3A_497 : i32
    %select_n3A_499 = arith.select %and3A_496, %sub3A_498, %div3A_477 : i32
    %dma_start3A_500 = arith.constant 0 : i32
    %dma_start3A_501 = arith.constant 0 : i32
    %dma_start3A_502 = tpu.memref_slice %arg4[%add3A_473, %dma_start3A_500, %dma_start3A_501] : memref<2048x1024x128xf32, #tpu.memory_space<hbm>> -> memref<1x1024x128xf32, #tpu.memory_space<hbm>>
    %dma_start3A_503 = tpu.memref_squeeze %dma_start3A_502 : memref<1x1024x128xf32, #tpu.memory_space<hbm>> -> memref<1024x128xf32, #tpu.memory_space<hbm>>
    %dma_start3A_504 = arith.constant 0 : i32
    %dma_start3A_505 = tpu.memref_slice %arg6[%select_n3A_499, %dma_start3A_504] : memref<2048x128xf32, #tpu.memory_space<vmem_shared>> -> memref<1024x128xf32, #tpu.memory_space<vmem_shared>>
    tpu.enqueue_dma source(%dma_start3A_505 : memref<1024x128xf32, #tpu.memory_space<vmem_shared>>) target(%dma_start3A_503 : memref<1024x128xf32, #tpu.memory_space<hbm>>) target_semaphore(%arg7 : memref<!tpu.dma_semaphore, #tpu.memory_space<semaphore_mem>>)
    %add3A_506 = arith.constant 15 : i32
    %add3A_507 = arith.addi %mul3A_4, %add3A_506 : i32
    %sub3A_508 = arith.constant 2047 : i32
    %sub3A_509 = arith.subi %sub3A_508, %add3A_507 : i32
    %jit3A_510 = arith.constant 2 : i32
    %div3A_511 = arith.divsi %sub3A_509, %jit3A_510 : i32
    %sign3A_512 = arith.constant 0 : i32
    %sign3A_513 = arith.cmpi sgt, %sub3A_509, %sign3A_512 : i32
    %sign3A_514 = arith.extui %sign3A_513 : i1 to i32
    %sign3A_515 = arith.constant 0 : i32
    %sign3A_516 = arith.cmpi slt, %sub3A_509, %sign3A_515 : i32
    %sign3A_517 = arith.extui %sign3A_516 : i1 to i32
    %sign3A_518 = arith.subi %sign3A_514, %sign3A_517 : i32
    %sign3A_519 = arith.constant 0 : i32
    %sign3A_520 = arith.cmpi sgt, %jit3A_510, %sign3A_519 : i32
    %sign3A_521 = arith.extui %sign3A_520 : i1 to i32
    %sign3A_522 = arith.constant 0 : i32
    %sign3A_523 = arith.cmpi slt, %jit3A_510, %sign3A_522 : i32
    %sign3A_524 = arith.extui %sign3A_523 : i1 to i32
    %sign3A_525 = arith.subi %sign3A_521, %sign3A_524 : i32
    %ne3A_526 = arith.cmpi ne, %sign3A_518, %sign3A_525 : i32
    %rem3A_527 = arith.remsi %sub3A_509, %jit3A_510 : i32
    %ne3A_528 = arith.constant 0 : i32
    %ne3A_529 = arith.cmpi ne, %rem3A_527, %ne3A_528 : i32
    %and3A_530 = arith.andi %ne3A_526, %ne3A_529 : i1
    %sub3A_531 = arith.constant 1 : i32
    %sub3A_532 = arith.subi %div3A_511, %sub3A_531 : i32
    %select_n3A_533 = arith.select %and3A_530, %sub3A_532, %div3A_511 : i32
    %dma_start3A_534 = arith.constant 0 : i32
    %dma_start3A_535 = arith.constant 0 : i32
    %dma_start3A_536 = tpu.memref_slice %arg4[%add3A_507, %dma_start3A_534, %dma_start3A_535] : memref<2048x1024x128xf32, #tpu.memory_space<hbm>> -> memref<1x1024x128xf32, #tpu.memory_space<hbm>>
    %dma_start3A_537 = tpu.memref_squeeze %dma_start3A_536 : memref<1x1024x128xf32, #tpu.memory_space<hbm>> -> memref<1024x128xf32, #tpu.memory_space<hbm>>
    %dma_start3A_538 = arith.constant 0 : i32
    %dma_start3A_539 = tpu.memref_slice %arg5[%select_n3A_533, %dma_start3A_538] : memref<2048x128xf32, #tpu.memory_space<vmem_shared>> -> memref<1024x128xf32, #tpu.memory_space<vmem_shared>>
    tpu.enqueue_dma source(%dma_start3A_539 : memref<1024x128xf32, #tpu.memory_space<vmem_shared>>) target(%dma_start3A_537 : memref<1024x128xf32, #tpu.memory_space<hbm>>) target_semaphore(%arg7 : memref<!tpu.dma_semaphore, #tpu.memory_space<semaphore_mem>>)
    %add3A_540 = arith.constant 16 : i32
    %add3A_541 = arith.addi %mul3A_4, %add3A_540 : i32
    %sub3A_542 = arith.constant 2047 : i32
    %sub3A_543 = arith.subi %sub3A_542, %add3A_541 : i32
    %jit3A_544 = arith.constant 2 : i32
    %div3A_545 = arith.divsi %sub3A_543, %jit3A_544 : i32
    %sign3A_546 = arith.constant 0 : i32
    %sign3A_547 = arith.cmpi sgt, %sub3A_543, %sign3A_546 : i32
    %sign3A_548 = arith.extui %sign3A_547 : i1 to i32
    %sign3A_549 = arith.constant 0 : i32
    %sign3A_550 = arith.cmpi slt, %sub3A_543, %sign3A_549 : i32
    %sign3A_551 = arith.extui %sign3A_550 : i1 to i32
    %sign3A_552 = arith.subi %sign3A_548, %sign3A_551 : i32
    %sign3A_553 = arith.constant 0 : i32
    %sign3A_554 = arith.cmpi sgt, %jit3A_544, %sign3A_553 : i32
    %sign3A_555 = arith.extui %sign3A_554 : i1 to i32
    %sign3A_556 = arith.constant 0 : i32
    %sign3A_557 = arith.cmpi slt, %jit3A_544, %sign3A_556 : i32
    %sign3A_558 = arith.extui %sign3A_557 : i1 to i32
    %sign3A_559 = arith.subi %sign3A_555, %sign3A_558 : i32
    %ne3A_560 = arith.cmpi ne, %sign3A_552, %sign3A_559 : i32
    %rem3A_561 = arith.remsi %sub3A_543, %jit3A_544 : i32
    %ne3A_562 = arith.constant 0 : i32
    %ne3A_563 = arith.cmpi ne, %rem3A_561, %ne3A_562 : i32
    %and3A_564 = arith.andi %ne3A_560, %ne3A_563 : i1
    %sub3A_565 = arith.constant 1 : i32
    %sub3A_566 = arith.subi %div3A_545, %sub3A_565 : i32
    %select_n3A_567 = arith.select %and3A_564, %sub3A_566, %div3A_545 : i32
    %dma_start3A_568 = arith.constant 0 : i32
    %dma_start3A_569 = arith.constant 0 : i32
    %dma_start3A_570 = tpu.memref_slice %arg4[%add3A_541, %dma_start3A_568, %dma_start3A_569] : memref<2048x1024x128xf32, #tpu.memory_space<hbm>> -> memref<1x1024x128xf32, #tpu.memory_space<hbm>>
    %dma_start3A_571 = tpu.memref_squeeze %dma_start3A_570 : memref<1x1024x128xf32, #tpu.memory_space<hbm>> -> memref<1024x128xf32, #tpu.memory_space<hbm>>
    %dma_start3A_572 = arith.constant 0 : i32
    %dma_start3A_573 = tpu.memref_slice %arg6[%select_n3A_567, %dma_start3A_572] : memref<2048x128xf32, #tpu.memory_space<vmem_shared>> -> memref<1024x128xf32, #tpu.memory_space<vmem_shared>>
    tpu.enqueue_dma source(%dma_start3A_573 : memref<1024x128xf32, #tpu.memory_space<vmem_shared>>) target(%dma_start3A_571 : memref<1024x128xf32, #tpu.memory_space<hbm>>) target_semaphore(%arg7 : memref<!tpu.dma_semaphore, #tpu.memory_space<semaphore_mem>>)
    %add3A_574 = arith.constant 17 : i32
    %add3A_575 = arith.addi %mul3A_4, %add3A_574 : i32
    %sub3A_576 = arith.constant 2047 : i32
    %sub3A_577 = arith.subi %sub3A_576, %add3A_575 : i32
    %jit3A_578 = arith.constant 2 : i32
    %div3A_579 = arith.divsi %sub3A_577, %jit3A_578 : i32
    %sign3A_580 = arith.constant 0 : i32
    %sign3A_581 = arith.cmpi sgt, %sub3A_577, %sign3A_580 : i32
    %sign3A_582 = arith.extui %sign3A_581 : i1 to i32
    %sign3A_583 = arith.constant 0 : i32
    %sign3A_584 = arith.cmpi slt, %sub3A_577, %sign3A_583 : i32
    %sign3A_585 = arith.extui %sign3A_584 : i1 to i32
    %sign3A_586 = arith.subi %sign3A_582, %sign3A_585 : i32
    %sign3A_587 = arith.constant 0 : i32
    %sign3A_588 = arith.cmpi sgt, %jit3A_578, %sign3A_587 : i32
    %sign3A_589 = arith.extui %sign3A_588 : i1 to i32
    %sign3A_590 = arith.constant 0 : i32
    %sign3A_591 = arith.cmpi slt, %jit3A_578, %sign3A_590 : i32
    %sign3A_592 = arith.extui %sign3A_591 : i1 to i32
    %sign3A_593 = arith.subi %sign3A_589, %sign3A_592 : i32
    %ne3A_594 = arith.cmpi ne, %sign3A_586, %sign3A_593 : i32
    %rem3A_595 = arith.remsi %sub3A_577, %jit3A_578 : i32
    %ne3A_596 = arith.constant 0 : i32
    %ne3A_597 = arith.cmpi ne, %rem3A_595, %ne3A_596 : i32
    %and3A_598 = arith.andi %ne3A_594, %ne3A_597 : i1
    %sub3A_599 = arith.constant 1 : i32
    %sub3A_600 = arith.subi %div3A_579, %sub3A_599 : i32
    %select_n3A_601 = arith.select %and3A_598, %sub3A_600, %div3A_579 : i32
    %dma_start3A_602 = arith.constant 0 : i32
    %dma_start3A_603 = arith.constant 0 : i32
    %dma_start3A_604 = tpu.memref_slice %arg4[%add3A_575, %dma_start3A_602, %dma_start3A_603] : memref<2048x1024x128xf32, #tpu.memory_space<hbm>> -> memref<1x1024x128xf32, #tpu.memory_space<hbm>>
    %dma_start3A_605 = tpu.memref_squeeze %dma_start3A_604 : memref<1x1024x128xf32, #tpu.memory_space<hbm>> -> memref<1024x128xf32, #tpu.memory_space<hbm>>
    %dma_start3A_606 = arith.constant 0 : i32
    %dma_start3A_607 = tpu.memref_slice %arg5[%select_n3A_601, %dma_start3A_606] : memref<2048x128xf32, #tpu.memory_space<vmem_shared>> -> memref<1024x128xf32, #tpu.memory_space<vmem_shared>>
    tpu.enqueue_dma source(%dma_start3A_607 : memref<1024x128xf32, #tpu.memory_space<vmem_shared>>) target(%dma_start3A_605 : memref<1024x128xf32, #tpu.memory_space<hbm>>) target_semaphore(%arg7 : memref<!tpu.dma_semaphore, #tpu.memory_space<semaphore_mem>>)
    %add3A_608 = arith.constant 18 : i32
    %add3A_609 = arith.addi %mul3A_4, %add3A_608 : i32
    %sub3A_610 = arith.constant 2047 : i32
    %sub3A_611 = arith.subi %sub3A_610, %add3A_609 : i32
    %jit3A_612 = arith.constant 2 : i32
    %div3A_613 = arith.divsi %sub3A_611, %jit3A_612 : i32
    %sign3A_614 = arith.constant 0 : i32
    %sign3A_615 = arith.cmpi sgt, %sub3A_611, %sign3A_614 : i32
    %sign3A_616 = arith.extui %sign3A_615 : i1 to i32
    %sign3A_617 = arith.constant 0 : i32
    %sign3A_618 = arith.cmpi slt, %sub3A_611, %sign3A_617 : i32
    %sign3A_619 = arith.extui %sign3A_618 : i1 to i32
    %sign3A_620 = arith.subi %sign3A_616, %sign3A_619 : i32
    %sign3A_621 = arith.constant 0 : i32
    %sign3A_622 = arith.cmpi sgt, %jit3A_612, %sign3A_621 : i32
    %sign3A_623 = arith.extui %sign3A_622 : i1 to i32
    %sign3A_624 = arith.constant 0 : i32
    %sign3A_625 = arith.cmpi slt, %jit3A_612, %sign3A_624 : i32
    %sign3A_626 = arith.extui %sign3A_625 : i1 to i32
    %sign3A_627 = arith.subi %sign3A_623, %sign3A_626 : i32
    %ne3A_628 = arith.cmpi ne, %sign3A_620, %sign3A_627 : i32
    %rem3A_629 = arith.remsi %sub3A_611, %jit3A_612 : i32
    %ne3A_630 = arith.constant 0 : i32
    %ne3A_631 = arith.cmpi ne, %rem3A_629, %ne3A_630 : i32
    %and3A_632 = arith.andi %ne3A_628, %ne3A_631 : i1
    %sub3A_633 = arith.constant 1 : i32
    %sub3A_634 = arith.subi %div3A_613, %sub3A_633 : i32
    %select_n3A_635 = arith.select %and3A_632, %sub3A_634, %div3A_613 : i32
    %dma_start3A_636 = arith.constant 0 : i32
    %dma_start3A_637 = arith.constant 0 : i32
    %dma_start3A_638 = tpu.memref_slice %arg4[%add3A_609, %dma_start3A_636, %dma_start3A_637] : memref<2048x1024x128xf32, #tpu.memory_space<hbm>> -> memref<1x1024x128xf32, #tpu.memory_space<hbm>>
    %dma_start3A_639 = tpu.memref_squeeze %dma_start3A_638 : memref<1x1024x128xf32, #tpu.memory_space<hbm>> -> memref<1024x128xf32, #tpu.memory_space<hbm>>
    %dma_start3A_640 = arith.constant 0 : i32
    %dma_start3A_641 = tpu.memref_slice %arg6[%select_n3A_635, %dma_start3A_640] : memref<2048x128xf32, #tpu.memory_space<vmem_shared>> -> memref<1024x128xf32, #tpu.memory_space<vmem_shared>>
    tpu.enqueue_dma source(%dma_start3A_641 : memref<1024x128xf32, #tpu.memory_space<vmem_shared>>) target(%dma_start3A_639 : memref<1024x128xf32, #tpu.memory_space<hbm>>) target_semaphore(%arg7 : memref<!tpu.dma_semaphore, #tpu.memory_space<semaphore_mem>>)
    %add3A_642 = arith.constant 19 : i32
    %add3A_643 = arith.addi %mul3A_4, %add3A_642 : i32
    %sub3A_644 = arith.constant 2047 : i32
    %sub3A_645 = arith.subi %sub3A_644, %add3A_643 : i32
    %jit3A_646 = arith.constant 2 : i32
    %div3A_647 = arith.divsi %sub3A_645, %jit3A_646 : i32
    %sign3A_648 = arith.constant 0 : i32
    %sign3A_649 = arith.cmpi sgt, %sub3A_645, %sign3A_648 : i32
    %sign3A_650 = arith.extui %sign3A_649 : i1 to i32
    %sign3A_651 = arith.constant 0 : i32
    %sign3A_652 = arith.cmpi slt, %sub3A_645, %sign3A_651 : i32
    %sign3A_653 = arith.extui %sign3A_652 : i1 to i32
    %sign3A_654 = arith.subi %sign3A_650, %sign3A_653 : i32
    %sign3A_655 = arith.constant 0 : i32
    %sign3A_656 = arith.cmpi sgt, %jit3A_646, %sign3A_655 : i32
    %sign3A_657 = arith.extui %sign3A_656 : i1 to i32
    %sign3A_658 = arith.constant 0 : i32
    %sign3A_659 = arith.cmpi slt, %jit3A_646, %sign3A_658 : i32
    %sign3A_660 = arith.extui %sign3A_659 : i1 to i32
    %sign3A_661 = arith.subi %sign3A_657, %sign3A_660 : i32
    %ne3A_662 = arith.cmpi ne, %sign3A_654, %sign3A_661 : i32
    %rem3A_663 = arith.remsi %sub3A_645, %jit3A_646 : i32
    %ne3A_664 = arith.constant 0 : i32
    %ne3A_665 = arith.cmpi ne, %rem3A_663, %ne3A_664 : i32
    %and3A_666 = arith.andi %ne3A_662, %ne3A_665 : i1
    %sub3A_667 = arith.constant 1 : i32
    %sub3A_668 = arith.subi %div3A_647, %sub3A_667 : i32
    %select_n3A_669 = arith.select %and3A_666, %sub3A_668, %div3A_647 : i32
    %dma_start3A_670 = arith.constant 0 : i32
    %dma_start3A_671 = arith.constant 0 : i32
    %dma_start3A_672 = tpu.memref_slice %arg4[%add3A_643, %dma_start3A_670, %dma_start3A_671] : memref<2048x1024x128xf32, #tpu.memory_space<hbm>> -> memref<1x1024x128xf32, #tpu.memory_space<hbm>>
    %dma_start3A_673 = tpu.memref_squeeze %dma_start3A_672 : memref<1x1024x128xf32, #tpu.memory_space<hbm>> -> memref<1024x128xf32, #tpu.memory_space<hbm>>
    %dma_start3A_674 = arith.constant 0 : i32
    %dma_start3A_675 = tpu.memref_slice %arg5[%select_n3A_669, %dma_start3A_674] : memref<2048x128xf32, #tpu.memory_space<vmem_shared>> -> memref<1024x128xf32, #tpu.memory_space<vmem_shared>>
    tpu.enqueue_dma source(%dma_start3A_675 : memref<1024x128xf32, #tpu.memory_space<vmem_shared>>) target(%dma_start3A_673 : memref<1024x128xf32, #tpu.memory_space<hbm>>) target_semaphore(%arg7 : memref<!tpu.dma_semaphore, #tpu.memory_space<semaphore_mem>>)
    %add3A_676 = arith.constant 20 : i32
    %add3A_677 = arith.addi %mul3A_4, %add3A_676 : i32
    %sub3A_678 = arith.constant 2047 : i32
    %sub3A_679 = arith.subi %sub3A_678, %add3A_677 : i32
    %jit3A_680 = arith.constant 2 : i32
    %div3A_681 = arith.divsi %sub3A_679, %jit3A_680 : i32
    %sign3A_682 = arith.constant 0 : i32
    %sign3A_683 = arith.cmpi sgt, %sub3A_679, %sign3A_682 : i32
    %sign3A_684 = arith.extui %sign3A_683 : i1 to i32
    %sign3A_685 = arith.constant 0 : i32
    %sign3A_686 = arith.cmpi slt, %sub3A_679, %sign3A_685 : i32
    %sign3A_687 = arith.extui %sign3A_686 : i1 to i32
    %sign3A_688 = arith.subi %sign3A_684, %sign3A_687 : i32
    %sign3A_689 = arith.constant 0 : i32
    %sign3A_690 = arith.cmpi sgt, %jit3A_680, %sign3A_689 : i32
    %sign3A_691 = arith.extui %sign3A_690 : i1 to i32
    %sign3A_692 = arith.constant 0 : i32
    %sign3A_693 = arith.cmpi slt, %jit3A_680, %sign3A_692 : i32
    %sign3A_694 = arith.extui %sign3A_693 : i1 to i32
    %sign3A_695 = arith.subi %sign3A_691, %sign3A_694 : i32
    %ne3A_696 = arith.cmpi ne, %sign3A_688, %sign3A_695 : i32
    %rem3A_697 = arith.remsi %sub3A_679, %jit3A_680 : i32
    %ne3A_698 = arith.constant 0 : i32
    %ne3A_699 = arith.cmpi ne, %rem3A_697, %ne3A_698 : i32
    %and3A_700 = arith.andi %ne3A_696, %ne3A_699 : i1
    %sub3A_701 = arith.constant 1 : i32
    %sub3A_702 = arith.subi %div3A_681, %sub3A_701 : i32
    %select_n3A_703 = arith.select %and3A_700, %sub3A_702, %div3A_681 : i32
    %dma_start3A_704 = arith.constant 0 : i32
    %dma_start3A_705 = arith.constant 0 : i32
    %dma_start3A_706 = tpu.memref_slice %arg4[%add3A_677, %dma_start3A_704, %dma_start3A_705] : memref<2048x1024x128xf32, #tpu.memory_space<hbm>> -> memref<1x1024x128xf32, #tpu.memory_space<hbm>>
    %dma_start3A_707 = tpu.memref_squeeze %dma_start3A_706 : memref<1x1024x128xf32, #tpu.memory_space<hbm>> -> memref<1024x128xf32, #tpu.memory_space<hbm>>
    %dma_start3A_708 = arith.constant 0 : i32
    %dma_start3A_709 = tpu.memref_slice %arg6[%select_n3A_703, %dma_start3A_708] : memref<2048x128xf32, #tpu.memory_space<vmem_shared>> -> memref<1024x128xf32, #tpu.memory_space<vmem_shared>>
    tpu.enqueue_dma source(%dma_start3A_709 : memref<1024x128xf32, #tpu.memory_space<vmem_shared>>) target(%dma_start3A_707 : memref<1024x128xf32, #tpu.memory_space<hbm>>) target_semaphore(%arg7 : memref<!tpu.dma_semaphore, #tpu.memory_space<semaphore_mem>>)
    %add3A_710 = arith.constant 21 : i32
    %add3A_711 = arith.addi %mul3A_4, %add3A_710 : i32
    %sub3A_712 = arith.constant 2047 : i32
    %sub3A_713 = arith.subi %sub3A_712, %add3A_711 : i32
    %jit3A_714 = arith.constant 2 : i32
    %div3A_715 = arith.divsi %sub3A_713, %jit3A_714 : i32
    %sign3A_716 = arith.constant 0 : i32
    %sign3A_717 = arith.cmpi sgt, %sub3A_713, %sign3A_716 : i32
    %sign3A_718 = arith.extui %sign3A_717 : i1 to i32
    %sign3A_719 = arith.constant 0 : i32
    %sign3A_720 = arith.cmpi slt, %sub3A_713, %sign3A_719 : i32
    %sign3A_721 = arith.extui %sign3A_720 : i1 to i32
    %sign3A_722 = arith.subi %sign3A_718, %sign3A_721 : i32
    %sign3A_723 = arith.constant 0 : i32
    %sign3A_724 = arith.cmpi sgt, %jit3A_714, %sign3A_723 : i32
    %sign3A_725 = arith.extui %sign3A_724 : i1 to i32
    %sign3A_726 = arith.constant 0 : i32
    %sign3A_727 = arith.cmpi slt, %jit3A_714, %sign3A_726 : i32
    %sign3A_728 = arith.extui %sign3A_727 : i1 to i32
    %sign3A_729 = arith.subi %sign3A_725, %sign3A_728 : i32
    %ne3A_730 = arith.cmpi ne, %sign3A_722, %sign3A_729 : i32
    %rem3A_731 = arith.remsi %sub3A_713, %jit3A_714 : i32
    %ne3A_732 = arith.constant 0 : i32
    %ne3A_733 = arith.cmpi ne, %rem3A_731, %ne3A_732 : i32
    %and3A_734 = arith.andi %ne3A_730, %ne3A_733 : i1
    %sub3A_735 = arith.constant 1 : i32
    %sub3A_736 = arith.subi %div3A_715, %sub3A_735 : i32
    %select_n3A_737 = arith.select %and3A_734, %sub3A_736, %div3A_715 : i32
    %dma_start3A_738 = arith.constant 0 : i32
    %dma_start3A_739 = arith.constant 0 : i32
    %dma_start3A_740 = tpu.memref_slice %arg4[%add3A_711, %dma_start3A_738, %dma_start3A_739] : memref<2048x1024x128xf32, #tpu.memory_space<hbm>> -> memref<1x1024x128xf32, #tpu.memory_space<hbm>>
    %dma_start3A_741 = tpu.memref_squeeze %dma_start3A_740 : memref<1x1024x128xf32, #tpu.memory_space<hbm>> -> memref<1024x128xf32, #tpu.memory_space<hbm>>
    %dma_start3A_742 = arith.constant 0 : i32
    %dma_start3A_743 = tpu.memref_slice %arg5[%select_n3A_737, %dma_start3A_742] : memref<2048x128xf32, #tpu.memory_space<vmem_shared>> -> memref<1024x128xf32, #tpu.memory_space<vmem_shared>>
    tpu.enqueue_dma source(%dma_start3A_743 : memref<1024x128xf32, #tpu.memory_space<vmem_shared>>) target(%dma_start3A_741 : memref<1024x128xf32, #tpu.memory_space<hbm>>) target_semaphore(%arg7 : memref<!tpu.dma_semaphore, #tpu.memory_space<semaphore_mem>>)
    %add3A_744 = arith.constant 22 : i32
    %add3A_745 = arith.addi %mul3A_4, %add3A_744 : i32
    %sub3A_746 = arith.constant 2047 : i32
    %sub3A_747 = arith.subi %sub3A_746, %add3A_745 : i32
    %jit3A_748 = arith.constant 2 : i32
    %div3A_749 = arith.divsi %sub3A_747, %jit3A_748 : i32
    %sign3A_750 = arith.constant 0 : i32
    %sign3A_751 = arith.cmpi sgt, %sub3A_747, %sign3A_750 : i32
    %sign3A_752 = arith.extui %sign3A_751 : i1 to i32
    %sign3A_753 = arith.constant 0 : i32
    %sign3A_754 = arith.cmpi slt, %sub3A_747, %sign3A_753 : i32
    %sign3A_755 = arith.extui %sign3A_754 : i1 to i32
    %sign3A_756 = arith.subi %sign3A_752, %sign3A_755 : i32
    %sign3A_757 = arith.constant 0 : i32
    %sign3A_758 = arith.cmpi sgt, %jit3A_748, %sign3A_757 : i32
    %sign3A_759 = arith.extui %sign3A_758 : i1 to i32
    %sign3A_760 = arith.constant 0 : i32
    %sign3A_761 = arith.cmpi slt, %jit3A_748, %sign3A_760 : i32
    %sign3A_762 = arith.extui %sign3A_761 : i1 to i32
    %sign3A_763 = arith.subi %sign3A_759, %sign3A_762 : i32
    %ne3A_764 = arith.cmpi ne, %sign3A_756, %sign3A_763 : i32
    %rem3A_765 = arith.remsi %sub3A_747, %jit3A_748 : i32
    %ne3A_766 = arith.constant 0 : i32
    %ne3A_767 = arith.cmpi ne, %rem3A_765, %ne3A_766 : i32
    %and3A_768 = arith.andi %ne3A_764, %ne3A_767 : i1
    %sub3A_769 = arith.constant 1 : i32
    %sub3A_770 = arith.subi %div3A_749, %sub3A_769 : i32
    %select_n3A_771 = arith.select %and3A_768, %sub3A_770, %div3A_749 : i32
    %dma_start3A_772 = arith.constant 0 : i32
    %dma_start3A_773 = arith.constant 0 : i32
    %dma_start3A_774 = tpu.memref_slice %arg4[%add3A_745, %dma_start3A_772, %dma_start3A_773] : memref<2048x1024x128xf32, #tpu.memory_space<hbm>> -> memref<1x1024x128xf32, #tpu.memory_space<hbm>>
    %dma_start3A_775 = tpu.memref_squeeze %dma_start3A_774 : memref<1x1024x128xf32, #tpu.memory_space<hbm>> -> memref<1024x128xf32, #tpu.memory_space<hbm>>
    %dma_start3A_776 = arith.constant 0 : i32
    %dma_start3A_777 = tpu.memref_slice %arg6[%select_n3A_771, %dma_start3A_776] : memref<2048x128xf32, #tpu.memory_space<vmem_shared>> -> memref<1024x128xf32, #tpu.memory_space<vmem_shared>>
    tpu.enqueue_dma source(%dma_start3A_777 : memref<1024x128xf32, #tpu.memory_space<vmem_shared>>) target(%dma_start3A_775 : memref<1024x128xf32, #tpu.memory_space<hbm>>) target_semaphore(%arg7 : memref<!tpu.dma_semaphore, #tpu.memory_space<semaphore_mem>>)
    %add3A_778 = arith.constant 23 : i32
    %add3A_779 = arith.addi %mul3A_4, %add3A_778 : i32
    %sub3A_780 = arith.constant 2047 : i32
    %sub3A_781 = arith.subi %sub3A_780, %add3A_779 : i32
    %jit3A_782 = arith.constant 2 : i32
    %div3A_783 = arith.divsi %sub3A_781, %jit3A_782 : i32
    %sign3A_784 = arith.constant 0 : i32
    %sign3A_785 = arith.cmpi sgt, %sub3A_781, %sign3A_784 : i32
    %sign3A_786 = arith.extui %sign3A_785 : i1 to i32
    %sign3A_787 = arith.constant 0 : i32
    %sign3A_788 = arith.cmpi slt, %sub3A_781, %sign3A_787 : i32
    %sign3A_789 = arith.extui %sign3A_788 : i1 to i32
    %sign3A_790 = arith.subi %sign3A_786, %sign3A_789 : i32
    %sign3A_791 = arith.constant 0 : i32
    %sign3A_792 = arith.cmpi sgt, %jit3A_782, %sign3A_791 : i32
    %sign3A_793 = arith.extui %sign3A_792 : i1 to i32
    %sign3A_794 = arith.constant 0 : i32
    %sign3A_795 = arith.cmpi slt, %jit3A_782, %sign3A_794 : i32
    %sign3A_796 = arith.extui %sign3A_795 : i1 to i32
    %sign3A_797 = arith.subi %sign3A_793, %sign3A_796 : i32
    %ne3A_798 = arith.cmpi ne, %sign3A_790, %sign3A_797 : i32
    %rem3A_799 = arith.remsi %sub3A_781, %jit3A_782 : i32
    %ne3A_800 = arith.constant 0 : i32
    %ne3A_801 = arith.cmpi ne, %rem3A_799, %ne3A_800 : i32
    %and3A_802 = arith.andi %ne3A_798, %ne3A_801 : i1
    %sub3A_803 = arith.constant 1 : i32
    %sub3A_804 = arith.subi %div3A_783, %sub3A_803 : i32
    %select_n3A_805 = arith.select %and3A_802, %sub3A_804, %div3A_783 : i32
    %dma_start3A_806 = arith.constant 0 : i32
    %dma_start3A_807 = arith.constant 0 : i32
    %dma_start3A_808 = tpu.memref_slice %arg4[%add3A_779, %dma_start3A_806, %dma_start3A_807] : memref<2048x1024x128xf32, #tpu.memory_space<hbm>> -> memref<1x1024x128xf32, #tpu.memory_space<hbm>>
    %dma_start3A_809 = tpu.memref_squeeze %dma_start3A_808 : memref<1x1024x128xf32, #tpu.memory_space<hbm>> -> memref<1024x128xf32, #tpu.memory_space<hbm>>
    %dma_start3A_810 = arith.constant 0 : i32
    %dma_start3A_811 = tpu.memref_slice %arg5[%select_n3A_805, %dma_start3A_810] : memref<2048x128xf32, #tpu.memory_space<vmem_shared>> -> memref<1024x128xf32, #tpu.memory_space<vmem_shared>>
    tpu.enqueue_dma source(%dma_start3A_811 : memref<1024x128xf32, #tpu.memory_space<vmem_shared>>) target(%dma_start3A_809 : memref<1024x128xf32, #tpu.memory_space<hbm>>) target_semaphore(%arg7 : memref<!tpu.dma_semaphore, #tpu.memory_space<semaphore_mem>>)
    %add3A_812 = arith.constant 24 : i32
    %add3A_813 = arith.addi %mul3A_4, %add3A_812 : i32
    %sub3A_814 = arith.constant 2047 : i32
    %sub3A_815 = arith.subi %sub3A_814, %add3A_813 : i32
    %jit3A_816 = arith.constant 2 : i32
    %div3A_817 = arith.divsi %sub3A_815, %jit3A_816 : i32
    %sign3A_818 = arith.constant 0 : i32
    %sign3A_819 = arith.cmpi sgt, %sub3A_815, %sign3A_818 : i32
    %sign3A_820 = arith.extui %sign3A_819 : i1 to i32
    %sign3A_821 = arith.constant 0 : i32
    %sign3A_822 = arith.cmpi slt, %sub3A_815, %sign3A_821 : i32
    %sign3A_823 = arith.extui %sign3A_822 : i1 to i32
    %sign3A_824 = arith.subi %sign3A_820, %sign3A_823 : i32
    %sign3A_825 = arith.constant 0 : i32
    %sign3A_826 = arith.cmpi sgt, %jit3A_816, %sign3A_825 : i32
    %sign3A_827 = arith.extui %sign3A_826 : i1 to i32
    %sign3A_828 = arith.constant 0 : i32
    %sign3A_829 = arith.cmpi slt, %jit3A_816, %sign3A_828 : i32
    %sign3A_830 = arith.extui %sign3A_829 : i1 to i32
    %sign3A_831 = arith.subi %sign3A_827, %sign3A_830 : i32
    %ne3A_832 = arith.cmpi ne, %sign3A_824, %sign3A_831 : i32
    %rem3A_833 = arith.remsi %sub3A_815, %jit3A_816 : i32
    %ne3A_834 = arith.constant 0 : i32
    %ne3A_835 = arith.cmpi ne, %rem3A_833, %ne3A_834 : i32
    %and3A_836 = arith.andi %ne3A_832, %ne3A_835 : i1
    %sub3A_837 = arith.constant 1 : i32
    %sub3A_838 = arith.subi %div3A_817, %sub3A_837 : i32
    %select_n3A_839 = arith.select %and3A_836, %sub3A_838, %div3A_817 : i32
    %dma_start3A_840 = arith.constant 0 : i32
    %dma_start3A_841 = arith.constant 0 : i32
    %dma_start3A_842 = tpu.memref_slice %arg4[%add3A_813, %dma_start3A_840, %dma_start3A_841] : memref<2048x1024x128xf32, #tpu.memory_space<hbm>> -> memref<1x1024x128xf32, #tpu.memory_space<hbm>>
    %dma_start3A_843 = tpu.memref_squeeze %dma_start3A_842 : memref<1x1024x128xf32, #tpu.memory_space<hbm>> -> memref<1024x128xf32, #tpu.memory_space<hbm>>
    %dma_start3A_844 = arith.constant 0 : i32
    %dma_start3A_845 = tpu.memref_slice %arg6[%select_n3A_839, %dma_start3A_844] : memref<2048x128xf32, #tpu.memory_space<vmem_shared>> -> memref<1024x128xf32, #tpu.memory_space<vmem_shared>>
    tpu.enqueue_dma source(%dma_start3A_845 : memref<1024x128xf32, #tpu.memory_space<vmem_shared>>) target(%dma_start3A_843 : memref<1024x128xf32, #tpu.memory_space<hbm>>) target_semaphore(%arg7 : memref<!tpu.dma_semaphore, #tpu.memory_space<semaphore_mem>>)
    %add3A_846 = arith.constant 25 : i32
    %add3A_847 = arith.addi %mul3A_4, %add3A_846 : i32
    %sub3A_848 = arith.constant 2047 : i32
    %sub3A_849 = arith.subi %sub3A_848, %add3A_847 : i32
    %jit3A_850 = arith.constant 2 : i32
    %div3A_851 = arith.divsi %sub3A_849, %jit3A_850 : i32
    %sign3A_852 = arith.constant 0 : i32
    %sign3A_853 = arith.cmpi sgt, %sub3A_849, %sign3A_852 : i32
    %sign3A_854 = arith.extui %sign3A_853 : i1 to i32
    %sign3A_855 = arith.constant 0 : i32
    %sign3A_856 = arith.cmpi slt, %sub3A_849, %sign3A_855 : i32
    %sign3A_857 = arith.extui %sign3A_856 : i1 to i32
    %sign3A_858 = arith.subi %sign3A_854, %sign3A_857 : i32
    %sign3A_859 = arith.constant 0 : i32
    %sign3A_860 = arith.cmpi sgt, %jit3A_850, %sign3A_859 : i32
    %sign3A_861 = arith.extui %sign3A_860 : i1 to i32
    %sign3A_862 = arith.constant 0 : i32
    %sign3A_863 = arith.cmpi slt, %jit3A_850, %sign3A_862 : i32
    %sign3A_864 = arith.extui %sign3A_863 : i1 to i32
    %sign3A_865 = arith.subi %sign3A_861, %sign3A_864 : i32
    %ne3A_866 = arith.cmpi ne, %sign3A_858, %sign3A_865 : i32
    %rem3A_867 = arith.remsi %sub3A_849, %jit3A_850 : i32
    %ne3A_868 = arith.constant 0 : i32
    %ne3A_869 = arith.cmpi ne, %rem3A_867, %ne3A_868 : i32
    %and3A_870 = arith.andi %ne3A_866, %ne3A_869 : i1
    %sub3A_871 = arith.constant 1 : i32
    %sub3A_872 = arith.subi %div3A_851, %sub3A_871 : i32
    %select_n3A_873 = arith.select %and3A_870, %sub3A_872, %div3A_851 : i32
    %dma_start3A_874 = arith.constant 0 : i32
    %dma_start3A_875 = arith.constant 0 : i32
    %dma_start3A_876 = tpu.memref_slice %arg4[%add3A_847, %dma_start3A_874, %dma_start3A_875] : memref<2048x1024x128xf32, #tpu.memory_space<hbm>> -> memref<1x1024x128xf32, #tpu.memory_space<hbm>>
    %dma_start3A_877 = tpu.memref_squeeze %dma_start3A_876 : memref<1x1024x128xf32, #tpu.memory_space<hbm>> -> memref<1024x128xf32, #tpu.memory_space<hbm>>
    %dma_start3A_878 = arith.constant 0 : i32
    %dma_start3A_879 = tpu.memref_slice %arg5[%select_n3A_873, %dma_start3A_878] : memref<2048x128xf32, #tpu.memory_space<vmem_shared>> -> memref<1024x128xf32, #tpu.memory_space<vmem_shared>>
    tpu.enqueue_dma source(%dma_start3A_879 : memref<1024x128xf32, #tpu.memory_space<vmem_shared>>) target(%dma_start3A_877 : memref<1024x128xf32, #tpu.memory_space<hbm>>) target_semaphore(%arg7 : memref<!tpu.dma_semaphore, #tpu.memory_space<semaphore_mem>>)
    %add3A_880 = arith.constant 26 : i32
    %add3A_881 = arith.addi %mul3A_4, %add3A_880 : i32
    %sub3A_882 = arith.constant 2047 : i32
    %sub3A_883 = arith.subi %sub3A_882, %add3A_881 : i32
    %jit3A_884 = arith.constant 2 : i32
    %div3A_885 = arith.divsi %sub3A_883, %jit3A_884 : i32
    %sign3A_886 = arith.constant 0 : i32
    %sign3A_887 = arith.cmpi sgt, %sub3A_883, %sign3A_886 : i32
    %sign3A_888 = arith.extui %sign3A_887 : i1 to i32
    %sign3A_889 = arith.constant 0 : i32
    %sign3A_890 = arith.cmpi slt, %sub3A_883, %sign3A_889 : i32
    %sign3A_891 = arith.extui %sign3A_890 : i1 to i32
    %sign3A_892 = arith.subi %sign3A_888, %sign3A_891 : i32
    %sign3A_893 = arith.constant 0 : i32
    %sign3A_894 = arith.cmpi sgt, %jit3A_884, %sign3A_893 : i32
    %sign3A_895 = arith.extui %sign3A_894 : i1 to i32
    %sign3A_896 = arith.constant 0 : i32
    %sign3A_897 = arith.cmpi slt, %jit3A_884, %sign3A_896 : i32
    %sign3A_898 = arith.extui %sign3A_897 : i1 to i32
    %sign3A_899 = arith.subi %sign3A_895, %sign3A_898 : i32
    %ne3A_900 = arith.cmpi ne, %sign3A_892, %sign3A_899 : i32
    %rem3A_901 = arith.remsi %sub3A_883, %jit3A_884 : i32
    %ne3A_902 = arith.constant 0 : i32
    %ne3A_903 = arith.cmpi ne, %rem3A_901, %ne3A_902 : i32
    %and3A_904 = arith.andi %ne3A_900, %ne3A_903 : i1
    %sub3A_905 = arith.constant 1 : i32
    %sub3A_906 = arith.subi %div3A_885, %sub3A_905 : i32
    %select_n3A_907 = arith.select %and3A_904, %sub3A_906, %div3A_885 : i32
    %dma_start3A_908 = arith.constant 0 : i32
    %dma_start3A_909 = arith.constant 0 : i32
    %dma_start3A_910 = tpu.memref_slice %arg4[%add3A_881, %dma_start3A_908, %dma_start3A_909] : memref<2048x1024x128xf32, #tpu.memory_space<hbm>> -> memref<1x1024x128xf32, #tpu.memory_space<hbm>>
    %dma_start3A_911 = tpu.memref_squeeze %dma_start3A_910 : memref<1x1024x128xf32, #tpu.memory_space<hbm>> -> memref<1024x128xf32, #tpu.memory_space<hbm>>
    %dma_start3A_912 = arith.constant 0 : i32
    %dma_start3A_913 = tpu.memref_slice %arg6[%select_n3A_907, %dma_start3A_912] : memref<2048x128xf32, #tpu.memory_space<vmem_shared>> -> memref<1024x128xf32, #tpu.memory_space<vmem_shared>>
    tpu.enqueue_dma source(%dma_start3A_913 : memref<1024x128xf32, #tpu.memory_space<vmem_shared>>) target(%dma_start3A_911 : memref<1024x128xf32, #tpu.memory_space<hbm>>) target_semaphore(%arg7 : memref<!tpu.dma_semaphore, #tpu.memory_space<semaphore_mem>>)
    %add3A_914 = arith.constant 27 : i32
    %add3A_915 = arith.addi %mul3A_4, %add3A_914 : i32
    %sub3A_916 = arith.constant 2047 : i32
    %sub3A_917 = arith.subi %sub3A_916, %add3A_915 : i32
    %jit3A_918 = arith.constant 2 : i32
    %div3A_919 = arith.divsi %sub3A_917, %jit3A_918 : i32
    %sign3A_920 = arith.constant 0 : i32
    %sign3A_921 = arith.cmpi sgt, %sub3A_917, %sign3A_920 : i32
    %sign3A_922 = arith.extui %sign3A_921 : i1 to i32
    %sign3A_923 = arith.constant 0 : i32
    %sign3A_924 = arith.cmpi slt, %sub3A_917, %sign3A_923 : i32
    %sign3A_925 = arith.extui %sign3A_924 : i1 to i32
    %sign3A_926 = arith.subi %sign3A_922, %sign3A_925 : i32
    %sign3A_927 = arith.constant 0 : i32
    %sign3A_928 = arith.cmpi sgt, %jit3A_918, %sign3A_927 : i32
    %sign3A_929 = arith.extui %sign3A_928 : i1 to i32
    %sign3A_930 = arith.constant 0 : i32
    %sign3A_931 = arith.cmpi slt, %jit3A_918, %sign3A_930 : i32
    %sign3A_932 = arith.extui %sign3A_931 : i1 to i32
    %sign3A_933 = arith.subi %sign3A_929, %sign3A_932 : i32
    %ne3A_934 = arith.cmpi ne, %sign3A_926, %sign3A_933 : i32
    %rem3A_935 = arith.remsi %sub3A_917, %jit3A_918 : i32
    %ne3A_936 = arith.constant 0 : i32
    %ne3A_937 = arith.cmpi ne, %rem3A_935, %ne3A_936 : i32
    %and3A_938 = arith.andi %ne3A_934, %ne3A_937 : i1
    %sub3A_939 = arith.constant 1 : i32
    %sub3A_940 = arith.subi %div3A_919, %sub3A_939 : i32
    %select_n3A_941 = arith.select %and3A_938, %sub3A_940, %div3A_919 : i32
    %dma_start3A_942 = arith.constant 0 : i32
    %dma_start3A_943 = arith.constant 0 : i32
    %dma_start3A_944 = tpu.memref_slice %arg4[%add3A_915, %dma_start3A_942, %dma_start3A_943] : memref<2048x1024x128xf32, #tpu.memory_space<hbm>> -> memref<1x1024x128xf32, #tpu.memory_space<hbm>>
    %dma_start3A_945 = tpu.memref_squeeze %dma_start3A_944 : memref<1x1024x128xf32, #tpu.memory_space<hbm>> -> memref<1024x128xf32, #tpu.memory_space<hbm>>
    %dma_start3A_946 = arith.constant 0 : i32
    %dma_start3A_947 = tpu.memref_slice %arg5[%select_n3A_941, %dma_start3A_946] : memref<2048x128xf32, #tpu.memory_space<vmem_shared>> -> memref<1024x128xf32, #tpu.memory_space<vmem_shared>>
    tpu.enqueue_dma source(%dma_start3A_947 : memref<1024x128xf32, #tpu.memory_space<vmem_shared>>) target(%dma_start3A_945 : memref<1024x128xf32, #tpu.memory_space<hbm>>) target_semaphore(%arg7 : memref<!tpu.dma_semaphore, #tpu.memory_space<semaphore_mem>>)
    %add3A_948 = arith.constant 28 : i32
    %add3A_949 = arith.addi %mul3A_4, %add3A_948 : i32
    %sub3A_950 = arith.constant 2047 : i32
    %sub3A_951 = arith.subi %sub3A_950, %add3A_949 : i32
    %jit3A_952 = arith.constant 2 : i32
    %div3A_953 = arith.divsi %sub3A_951, %jit3A_952 : i32
    %sign3A_954 = arith.constant 0 : i32
    %sign3A_955 = arith.cmpi sgt, %sub3A_951, %sign3A_954 : i32
    %sign3A_956 = arith.extui %sign3A_955 : i1 to i32
    %sign3A_957 = arith.constant 0 : i32
    %sign3A_958 = arith.cmpi slt, %sub3A_951, %sign3A_957 : i32
    %sign3A_959 = arith.extui %sign3A_958 : i1 to i32
    %sign3A_960 = arith.subi %sign3A_956, %sign3A_959 : i32
    %sign3A_961 = arith.constant 0 : i32
    %sign3A_962 = arith.cmpi sgt, %jit3A_952, %sign3A_961 : i32
    %sign3A_963 = arith.extui %sign3A_962 : i1 to i32
    %sign3A_964 = arith.constant 0 : i32
    %sign3A_965 = arith.cmpi slt, %jit3A_952, %sign3A_964 : i32
    %sign3A_966 = arith.extui %sign3A_965 : i1 to i32
    %sign3A_967 = arith.subi %sign3A_963, %sign3A_966 : i32
    %ne3A_968 = arith.cmpi ne, %sign3A_960, %sign3A_967 : i32
    %rem3A_969 = arith.remsi %sub3A_951, %jit3A_952 : i32
    %ne3A_970 = arith.constant 0 : i32
    %ne3A_971 = arith.cmpi ne, %rem3A_969, %ne3A_970 : i32
    %and3A_972 = arith.andi %ne3A_968, %ne3A_971 : i1
    %sub3A_973 = arith.constant 1 : i32
    %sub3A_974 = arith.subi %div3A_953, %sub3A_973 : i32
    %select_n3A_975 = arith.select %and3A_972, %sub3A_974, %div3A_953 : i32
    %dma_start3A_976 = arith.constant 0 : i32
    %dma_start3A_977 = arith.constant 0 : i32
    %dma_start3A_978 = tpu.memref_slice %arg4[%add3A_949, %dma_start3A_976, %dma_start3A_977] : memref<2048x1024x128xf32, #tpu.memory_space<hbm>> -> memref<1x1024x128xf32, #tpu.memory_space<hbm>>
    %dma_start3A_979 = tpu.memref_squeeze %dma_start3A_978 : memref<1x1024x128xf32, #tpu.memory_space<hbm>> -> memref<1024x128xf32, #tpu.memory_space<hbm>>
    %dma_start3A_980 = arith.constant 0 : i32
    %dma_start3A_981 = tpu.memref_slice %arg6[%select_n3A_975, %dma_start3A_980] : memref<2048x128xf32, #tpu.memory_space<vmem_shared>> -> memref<1024x128xf32, #tpu.memory_space<vmem_shared>>
    tpu.enqueue_dma source(%dma_start3A_981 : memref<1024x128xf32, #tpu.memory_space<vmem_shared>>) target(%dma_start3A_979 : memref<1024x128xf32, #tpu.memory_space<hbm>>) target_semaphore(%arg7 : memref<!tpu.dma_semaphore, #tpu.memory_space<semaphore_mem>>)
    %add3A_982 = arith.constant 29 : i32
    %add3A_983 = arith.addi %mul3A_4, %add3A_982 : i32
    %sub3A_984 = arith.constant 2047 : i32
    %sub3A_985 = arith.subi %sub3A_984, %add3A_983 : i32
    %jit3A_986 = arith.constant 2 : i32
    %div3A_987 = arith.divsi %sub3A_985, %jit3A_986 : i32
    %sign3A_988 = arith.constant 0 : i32
    %sign3A_989 = arith.cmpi sgt, %sub3A_985, %sign3A_988 : i32
    %sign3A_990 = arith.extui %sign3A_989 : i1 to i32
    %sign3A_991 = arith.constant 0 : i32
    %sign3A_992 = arith.cmpi slt, %sub3A_985, %sign3A_991 : i32
    %sign3A_993 = arith.extui %sign3A_992 : i1 to i32
    %sign3A_994 = arith.subi %sign3A_990, %sign3A_993 : i32
    %sign3A_995 = arith.constant 0 : i32
    %sign3A_996 = arith.cmpi sgt, %jit3A_986, %sign3A_995 : i32
    %sign3A_997 = arith.extui %sign3A_996 : i1 to i32
    %sign3A_998 = arith.constant 0 : i32
    %sign3A_999 = arith.cmpi slt, %jit3A_986, %sign3A_998 : i32
    %sign3A_1000 = arith.extui %sign3A_999 : i1 to i32
    %sign3A_1001 = arith.subi %sign3A_997, %sign3A_1000 : i32
    %ne3A_1002 = arith.cmpi ne, %sign3A_994, %sign3A_1001 : i32
    %rem3A_1003 = arith.remsi %sub3A_985, %jit3A_986 : i32
    %ne3A_1004 = arith.constant 0 : i32
    %ne3A_1005 = arith.cmpi ne, %rem3A_1003, %ne3A_1004 : i32
    %and3A_1006 = arith.andi %ne3A_1002, %ne3A_1005 : i1
    %sub3A_1007 = arith.constant 1 : i32
    %sub3A_1008 = arith.subi %div3A_987, %sub3A_1007 : i32
    %select_n3A_1009 = arith.select %and3A_1006, %sub3A_1008, %div3A_987 : i32
    %dma_start3A_1010 = arith.constant 0 : i32
    %dma_start3A_1011 = arith.constant 0 : i32
    %dma_start3A_1012 = tpu.memref_slice %arg4[%add3A_983, %dma_start3A_1010, %dma_start3A_1011] : memref<2048x1024x128xf32, #tpu.memory_space<hbm>> -> memref<1x1024x128xf32, #tpu.memory_space<hbm>>
    %dma_start3A_1013 = tpu.memref_squeeze %dma_start3A_1012 : memref<1x1024x128xf32, #tpu.memory_space<hbm>> -> memref<1024x128xf32, #tpu.memory_space<hbm>>
    %dma_start3A_1014 = arith.constant 0 : i32
    %dma_start3A_1015 = tpu.memref_slice %arg5[%select_n3A_1009, %dma_start3A_1014] : memref<2048x128xf32, #tpu.memory_space<vmem_shared>> -> memref<1024x128xf32, #tpu.memory_space<vmem_shared>>
    tpu.enqueue_dma source(%dma_start3A_1015 : memref<1024x128xf32, #tpu.memory_space<vmem_shared>>) target(%dma_start3A_1013 : memref<1024x128xf32, #tpu.memory_space<hbm>>) target_semaphore(%arg7 : memref<!tpu.dma_semaphore, #tpu.memory_space<semaphore_mem>>)
    %add3A_1016 = arith.constant 30 : i32
    %add3A_1017 = arith.addi %mul3A_4, %add3A_1016 : i32
    %sub3A_1018 = arith.constant 2047 : i32
    %sub3A_1019 = arith.subi %sub3A_1018, %add3A_1017 : i32
    %jit3A_1020 = arith.constant 2 : i32
    %div3A_1021 = arith.divsi %sub3A_1019, %jit3A_1020 : i32
    %sign3A_1022 = arith.constant 0 : i32
    %sign3A_1023 = arith.cmpi sgt, %sub3A_1019, %sign3A_1022 : i32
    %sign3A_1024 = arith.extui %sign3A_1023 : i1 to i32
    %sign3A_1025 = arith.constant 0 : i32
    %sign3A_1026 = arith.cmpi slt, %sub3A_1019, %sign3A_1025 : i32
    %sign3A_1027 = arith.extui %sign3A_1026 : i1 to i32
    %sign3A_1028 = arith.subi %sign3A_1024, %sign3A_1027 : i32
    %sign3A_1029 = arith.constant 0 : i32
    %sign3A_1030 = arith.cmpi sgt, %jit3A_1020, %sign3A_1029 : i32
    %sign3A_1031 = arith.extui %sign3A_1030 : i1 to i32
    %sign3A_1032 = arith.constant 0 : i32
    %sign3A_1033 = arith.cmpi slt, %jit3A_1020, %sign3A_1032 : i32
    %sign3A_1034 = arith.extui %sign3A_1033 : i1 to i32
    %sign3A_1035 = arith.subi %sign3A_1031, %sign3A_1034 : i32
    %ne3A_1036 = arith.cmpi ne, %sign3A_1028, %sign3A_1035 : i32
    %rem3A_1037 = arith.remsi %sub3A_1019, %jit3A_1020 : i32
    %ne3A_1038 = arith.constant 0 : i32
    %ne3A_1039 = arith.cmpi ne, %rem3A_1037, %ne3A_1038 : i32
    %and3A_1040 = arith.andi %ne3A_1036, %ne3A_1039 : i1
    %sub3A_1041 = arith.constant 1 : i32
    %sub3A_1042 = arith.subi %div3A_1021, %sub3A_1041 : i32
    %select_n3A_1043 = arith.select %and3A_1040, %sub3A_1042, %div3A_1021 : i32
    %dma_start3A_1044 = arith.constant 0 : i32
    %dma_start3A_1045 = arith.constant 0 : i32
    %dma_start3A_1046 = tpu.memref_slice %arg4[%add3A_1017, %dma_start3A_1044, %dma_start3A_1045] : memref<2048x1024x128xf32, #tpu.memory_space<hbm>> -> memref<1x1024x128xf32, #tpu.memory_space<hbm>>
    %dma_start3A_1047 = tpu.memref_squeeze %dma_start3A_1046 : memref<1x1024x128xf32, #tpu.memory_space<hbm>> -> memref<1024x128xf32, #tpu.memory_space<hbm>>
    %dma_start3A_1048 = arith.constant 0 : i32
    %dma_start3A_1049 = tpu.memref_slice %arg6[%select_n3A_1043, %dma_start3A_1048] : memref<2048x128xf32, #tpu.memory_space<vmem_shared>> -> memref<1024x128xf32, #tpu.memory_space<vmem_shared>>
    tpu.enqueue_dma source(%dma_start3A_1049 : memref<1024x128xf32, #tpu.memory_space<vmem_shared>>) target(%dma_start3A_1047 : memref<1024x128xf32, #tpu.memory_space<hbm>>) target_semaphore(%arg7 : memref<!tpu.dma_semaphore, #tpu.memory_space<semaphore_mem>>)
    %add3A_1050 = arith.constant 31 : i32
    %add3A_1051 = arith.addi %mul3A_4, %add3A_1050 : i32
    %sub3A_1052 = arith.constant 2047 : i32
    %sub3A_1053 = arith.subi %sub3A_1052, %add3A_1051 : i32
    %jit3A_1054 = arith.constant 2 : i32
    %div3A_1055 = arith.divsi %sub3A_1053, %jit3A_1054 : i32
    %sign3A_1056 = arith.constant 0 : i32
    %sign3A_1057 = arith.cmpi sgt, %sub3A_1053, %sign3A_1056 : i32
    %sign3A_1058 = arith.extui %sign3A_1057 : i1 to i32
    %sign3A_1059 = arith.constant 0 : i32
    %sign3A_1060 = arith.cmpi slt, %sub3A_1053, %sign3A_1059 : i32
    %sign3A_1061 = arith.extui %sign3A_1060 : i1 to i32
    %sign3A_1062 = arith.subi %sign3A_1058, %sign3A_1061 : i32
    %sign3A_1063 = arith.constant 0 : i32
    %sign3A_1064 = arith.cmpi sgt, %jit3A_1054, %sign3A_1063 : i32
    %sign3A_1065 = arith.extui %sign3A_1064 : i1 to i32
    %sign3A_1066 = arith.constant 0 : i32
    %sign3A_1067 = arith.cmpi slt, %jit3A_1054, %sign3A_1066 : i32
    %sign3A_1068 = arith.extui %sign3A_1067 : i1 to i32
    %sign3A_1069 = arith.subi %sign3A_1065, %sign3A_1068 : i32
    %ne3A_1070 = arith.cmpi ne, %sign3A_1062, %sign3A_1069 : i32
    %rem3A_1071 = arith.remsi %sub3A_1053, %jit3A_1054 : i32
    %ne3A_1072 = arith.constant 0 : i32
    %ne3A_1073 = arith.cmpi ne, %rem3A_1071, %ne3A_1072 : i32
    %and3A_1074 = arith.andi %ne3A_1070, %ne3A_1073 : i1
    %sub3A_1075 = arith.constant 1 : i32
    %sub3A_1076 = arith.subi %div3A_1055, %sub3A_1075 : i32
    %select_n3A_1077 = arith.select %and3A_1074, %sub3A_1076, %div3A_1055 : i32
    %dma_start3A_1078 = arith.constant 0 : i32
    %dma_start3A_1079 = arith.constant 0 : i32
    %dma_start3A_1080 = tpu.memref_slice %arg4[%add3A_1051, %dma_start3A_1078, %dma_start3A_1079] : memref<2048x1024x128xf32, #tpu.memory_space<hbm>> -> memref<1x1024x128xf32, #tpu.memory_space<hbm>>
    %dma_start3A_1081 = tpu.memref_squeeze %dma_start3A_1080 : memref<1x1024x128xf32, #tpu.memory_space<hbm>> -> memref<1024x128xf32, #tpu.memory_space<hbm>>
    %dma_start3A_1082 = arith.constant 0 : i32
    %dma_start3A_1083 = tpu.memref_slice %arg5[%select_n3A_1077, %dma_start3A_1082] : memref<2048x128xf32, #tpu.memory_space<vmem_shared>> -> memref<1024x128xf32, #tpu.memory_space<vmem_shared>>
    tpu.enqueue_dma source(%dma_start3A_1083 : memref<1024x128xf32, #tpu.memory_space<vmem_shared>>) target(%dma_start3A_1081 : memref<1024x128xf32, #tpu.memory_space<hbm>>) target_semaphore(%arg7 : memref<!tpu.dma_semaphore, #tpu.memory_space<semaphore_mem>>)
    %add3A_1084 = arith.constant 32 : i32
    %add3A_1085 = arith.addi %mul3A_4, %add3A_1084 : i32
    %sub3A_1086 = arith.constant 2047 : i32
    %sub3A_1087 = arith.subi %sub3A_1086, %add3A_1085 : i32
    %jit3A_1088 = arith.constant 2 : i32
    %div3A_1089 = arith.divsi %sub3A_1087, %jit3A_1088 : i32
    %sign3A_1090 = arith.constant 0 : i32
    %sign3A_1091 = arith.cmpi sgt, %sub3A_1087, %sign3A_1090 : i32
    %sign3A_1092 = arith.extui %sign3A_1091 : i1 to i32
    %sign3A_1093 = arith.constant 0 : i32
    %sign3A_1094 = arith.cmpi slt, %sub3A_1087, %sign3A_1093 : i32
    %sign3A_1095 = arith.extui %sign3A_1094 : i1 to i32
    %sign3A_1096 = arith.subi %sign3A_1092, %sign3A_1095 : i32
    %sign3A_1097 = arith.constant 0 : i32
    %sign3A_1098 = arith.cmpi sgt, %jit3A_1088, %sign3A_1097 : i32
    %sign3A_1099 = arith.extui %sign3A_1098 : i1 to i32
    %sign3A_1100 = arith.constant 0 : i32
    %sign3A_1101 = arith.cmpi slt, %jit3A_1088, %sign3A_1100 : i32
    %sign3A_1102 = arith.extui %sign3A_1101 : i1 to i32
    %sign3A_1103 = arith.subi %sign3A_1099, %sign3A_1102 : i32
    %ne3A_1104 = arith.cmpi ne, %sign3A_1096, %sign3A_1103 : i32
    %rem3A_1105 = arith.remsi %sub3A_1087, %jit3A_1088 : i32
    %ne3A_1106 = arith.constant 0 : i32
    %ne3A_1107 = arith.cmpi ne, %rem3A_1105, %ne3A_1106 : i32
    %and3A_1108 = arith.andi %ne3A_1104, %ne3A_1107 : i1
    %sub3A_1109 = arith.constant 1 : i32
    %sub3A_1110 = arith.subi %div3A_1089, %sub3A_1109 : i32
    %select_n3A_1111 = arith.select %and3A_1108, %sub3A_1110, %div3A_1089 : i32
    %dma_start3A_1112 = arith.constant 0 : i32
    %dma_start3A_1113 = arith.constant 0 : i32
    %dma_start3A_1114 = tpu.memref_slice %arg4[%add3A_1085, %dma_start3A_1112, %dma_start3A_1113] : memref<2048x1024x128xf32, #tpu.memory_space<hbm>> -> memref<1x1024x128xf32, #tpu.memory_space<hbm>>
    %dma_start3A_1115 = tpu.memref_squeeze %dma_start3A_1114 : memref<1x1024x128xf32, #tpu.memory_space<hbm>> -> memref<1024x128xf32, #tpu.memory_space<hbm>>
    %dma_start3A_1116 = arith.constant 0 : i32
    %dma_start3A_1117 = tpu.memref_slice %arg6[%select_n3A_1111, %dma_start3A_1116] : memref<2048x128xf32, #tpu.memory_space<vmem_shared>> -> memref<1024x128xf32, #tpu.memory_space<vmem_shared>>
    tpu.enqueue_dma source(%dma_start3A_1117 : memref<1024x128xf32, #tpu.memory_space<vmem_shared>>) target(%dma_start3A_1115 : memref<1024x128xf32, #tpu.memory_space<hbm>>) target_semaphore(%arg7 : memref<!tpu.dma_semaphore, #tpu.memory_space<semaphore_mem>>)
    %add3A_1118 = arith.constant 33 : i32
    %add3A_1119 = arith.addi %mul3A_4, %add3A_1118 : i32
    %sub3A_1120 = arith.constant 2047 : i32
    %sub3A_1121 = arith.subi %sub3A_1120, %add3A_1119 : i32
    %jit3A_1122 = arith.constant 2 : i32
    %div3A_1123 = arith.divsi %sub3A_1121, %jit3A_1122 : i32
    %sign3A_1124 = arith.constant 0 : i32
    %sign3A_1125 = arith.cmpi sgt, %sub3A_1121, %sign3A_1124 : i32
    %sign3A_1126 = arith.extui %sign3A_1125 : i1 to i32
    %sign3A_1127 = arith.constant 0 : i32
    %sign3A_1128 = arith.cmpi slt, %sub3A_1121, %sign3A_1127 : i32
    %sign3A_1129 = arith.extui %sign3A_1128 : i1 to i32
    %sign3A_1130 = arith.subi %sign3A_1126, %sign3A_1129 : i32
    %sign3A_1131 = arith.constant 0 : i32
    %sign3A_1132 = arith.cmpi sgt, %jit3A_1122, %sign3A_1131 : i32
    %sign3A_1133 = arith.extui %sign3A_1132 : i1 to i32
    %sign3A_1134 = arith.constant 0 : i32
    %sign3A_1135 = arith.cmpi slt, %jit3A_1122, %sign3A_1134 : i32
    %sign3A_1136 = arith.extui %sign3A_1135 : i1 to i32
    %sign3A_1137 = arith.subi %sign3A_1133, %sign3A_1136 : i32
    %ne3A_1138 = arith.cmpi ne, %sign3A_1130, %sign3A_1137 : i32
    %rem3A_1139 = arith.remsi %sub3A_1121, %jit3A_1122 : i32
    %ne3A_1140 = arith.constant 0 : i32
    %ne3A_1141 = arith.cmpi ne, %rem3A_1139, %ne3A_1140 : i32
    %and3A_1142 = arith.andi %ne3A_1138, %ne3A_1141 : i1
    %sub3A_1143 = arith.constant 1 : i32
    %sub3A_1144 = arith.subi %div3A_1123, %sub3A_1143 : i32
    %select_n3A_1145 = arith.select %and3A_1142, %sub3A_1144, %div3A_1123 : i32
    %dma_start3A_1146 = arith.constant 0 : i32
    %dma_start3A_1147 = arith.constant 0 : i32
    %dma_start3A_1148 = tpu.memref_slice %arg4[%add3A_1119, %dma_start3A_1146, %dma_start3A_1147] : memref<2048x1024x128xf32, #tpu.memory_space<hbm>> -> memref<1x1024x128xf32, #tpu.memory_space<hbm>>
    %dma_start3A_1149 = tpu.memref_squeeze %dma_start3A_1148 : memref<1x1024x128xf32, #tpu.memory_space<hbm>> -> memref<1024x128xf32, #tpu.memory_space<hbm>>
    %dma_start3A_1150 = arith.constant 0 : i32
    %dma_start3A_1151 = tpu.memref_slice %arg5[%select_n3A_1145, %dma_start3A_1150] : memref<2048x128xf32, #tpu.memory_space<vmem_shared>> -> memref<1024x128xf32, #tpu.memory_space<vmem_shared>>
    tpu.enqueue_dma source(%dma_start3A_1151 : memref<1024x128xf32, #tpu.memory_space<vmem_shared>>) target(%dma_start3A_1149 : memref<1024x128xf32, #tpu.memory_space<hbm>>) target_semaphore(%arg7 : memref<!tpu.dma_semaphore, #tpu.memory_space<semaphore_mem>>)
    %add3A_1152 = arith.constant 34 : i32
    %add3A_1153 = arith.addi %mul3A_4, %add3A_1152 : i32
    %sub3A_1154 = arith.constant 2047 : i32
    %sub3A_1155 = arith.subi %sub3A_1154, %add3A_1153 : i32
    %jit3A_1156 = arith.constant 2 : i32
    %div3A_1157 = arith.divsi %sub3A_1155, %jit3A_1156 : i32
    %sign3A_1158 = arith.constant 0 : i32
    %sign3A_1159 = arith.cmpi sgt, %sub3A_1155, %sign3A_1158 : i32
    %sign3A_1160 = arith.extui %sign3A_1159 : i1 to i32
    %sign3A_1161 = arith.constant 0 : i32
    %sign3A_1162 = arith.cmpi slt, %sub3A_1155, %sign3A_1161 : i32
    %sign3A_1163 = arith.extui %sign3A_1162 : i1 to i32
    %sign3A_1164 = arith.subi %sign3A_1160, %sign3A_1163 : i32
    %sign3A_1165 = arith.constant 0 : i32
    %sign3A_1166 = arith.cmpi sgt, %jit3A_1156, %sign3A_1165 : i32
    %sign3A_1167 = arith.extui %sign3A_1166 : i1 to i32
    %sign3A_1168 = arith.constant 0 : i32
    %sign3A_1169 = arith.cmpi slt, %jit3A_1156, %sign3A_1168 : i32
    %sign3A_1170 = arith.extui %sign3A_1169 : i1 to i32
    %sign3A_1171 = arith.subi %sign3A_1167, %sign3A_1170 : i32
    %ne3A_1172 = arith.cmpi ne, %sign3A_1164, %sign3A_1171 : i32
    %rem3A_1173 = arith.remsi %sub3A_1155, %jit3A_1156 : i32
    %ne3A_1174 = arith.constant 0 : i32
    %ne3A_1175 = arith.cmpi ne, %rem3A_1173, %ne3A_1174 : i32
    %and3A_1176 = arith.andi %ne3A_1172, %ne3A_1175 : i1
    %sub3A_1177 = arith.constant 1 : i32
    %sub3A_1178 = arith.subi %div3A_1157, %sub3A_1177 : i32
    %select_n3A_1179 = arith.select %and3A_1176, %sub3A_1178, %div3A_1157 : i32
    %dma_start3A_1180 = arith.constant 0 : i32
    %dma_start3A_1181 = arith.constant 0 : i32
    %dma_start3A_1182 = tpu.memref_slice %arg4[%add3A_1153, %dma_start3A_1180, %dma_start3A_1181] : memref<2048x1024x128xf32, #tpu.memory_space<hbm>> -> memref<1x1024x128xf32, #tpu.memory_space<hbm>>
    %dma_start3A_1183 = tpu.memref_squeeze %dma_start3A_1182 : memref<1x1024x128xf32, #tpu.memory_space<hbm>> -> memref<1024x128xf32, #tpu.memory_space<hbm>>
    %dma_start3A_1184 = arith.constant 0 : i32
    %dma_start3A_1185 = tpu.memref_slice %arg6[%select_n3A_1179, %dma_start3A_1184] : memref<2048x128xf32, #tpu.memory_space<vmem_shared>> -> memref<1024x128xf32, #tpu.memory_space<vmem_shared>>
    tpu.enqueue_dma source(%dma_start3A_1185 : memref<1024x128xf32, #tpu.memory_space<vmem_shared>>) target(%dma_start3A_1183 : memref<1024x128xf32, #tpu.memory_space<hbm>>) target_semaphore(%arg7 : memref<!tpu.dma_semaphore, #tpu.memory_space<semaphore_mem>>)
    %add3A_1186 = arith.constant 35 : i32
    %add3A_1187 = arith.addi %mul3A_4, %add3A_1186 : i32
    %sub3A_1188 = arith.constant 2047 : i32
    %sub3A_1189 = arith.subi %sub3A_1188, %add3A_1187 : i32
    %jit3A_1190 = arith.constant 2 : i32
    %div3A_1191 = arith.divsi %sub3A_1189, %jit3A_1190 : i32
    %sign3A_1192 = arith.constant 0 : i32
    %sign3A_1193 = arith.cmpi sgt, %sub3A_1189, %sign3A_1192 : i32
    %sign3A_1194 = arith.extui %sign3A_1193 : i1 to i32
    %sign3A_1195 = arith.constant 0 : i32
    %sign3A_1196 = arith.cmpi slt, %sub3A_1189, %sign3A_1195 : i32
    %sign3A_1197 = arith.extui %sign3A_1196 : i1 to i32
    %sign3A_1198 = arith.subi %sign3A_1194, %sign3A_1197 : i32
    %sign3A_1199 = arith.constant 0 : i32
    %sign3A_1200 = arith.cmpi sgt, %jit3A_1190, %sign3A_1199 : i32
    %sign3A_1201 = arith.extui %sign3A_1200 : i1 to i32
    %sign3A_1202 = arith.constant 0 : i32
    %sign3A_1203 = arith.cmpi slt, %jit3A_1190, %sign3A_1202 : i32
    %sign3A_1204 = arith.extui %sign3A_1203 : i1 to i32
    %sign3A_1205 = arith.subi %sign3A_1201, %sign3A_1204 : i32
    %ne3A_1206 = arith.cmpi ne, %sign3A_1198, %sign3A_1205 : i32
    %rem3A_1207 = arith.remsi %sub3A_1189, %jit3A_1190 : i32
    %ne3A_1208 = arith.constant 0 : i32
    %ne3A_1209 = arith.cmpi ne, %rem3A_1207, %ne3A_1208 : i32
    %and3A_1210 = arith.andi %ne3A_1206, %ne3A_1209 : i1
    %sub3A_1211 = arith.constant 1 : i32
    %sub3A_1212 = arith.subi %div3A_1191, %sub3A_1211 : i32
    %select_n3A_1213 = arith.select %and3A_1210, %sub3A_1212, %div3A_1191 : i32
    %dma_start3A_1214 = arith.constant 0 : i32
    %dma_start3A_1215 = arith.constant 0 : i32
    %dma_start3A_1216 = tpu.memref_slice %arg4[%add3A_1187, %dma_start3A_1214, %dma_start3A_1215] : memref<2048x1024x128xf32, #tpu.memory_space<hbm>> -> memref<1x1024x128xf32, #tpu.memory_space<hbm>>
    %dma_start3A_1217 = tpu.memref_squeeze %dma_start3A_1216 : memref<1x1024x128xf32, #tpu.memory_space<hbm>> -> memref<1024x128xf32, #tpu.memory_space<hbm>>
    %dma_start3A_1218 = arith.constant 0 : i32
    %dma_start3A_1219 = tpu.memref_slice %arg5[%select_n3A_1213, %dma_start3A_1218] : memref<2048x128xf32, #tpu.memory_space<vmem_shared>> -> memref<1024x128xf32, #tpu.memory_space<vmem_shared>>
    tpu.enqueue_dma source(%dma_start3A_1219 : memref<1024x128xf32, #tpu.memory_space<vmem_shared>>) target(%dma_start3A_1217 : memref<1024x128xf32, #tpu.memory_space<hbm>>) target_semaphore(%arg7 : memref<!tpu.dma_semaphore, #tpu.memory_space<semaphore_mem>>)
    %add3A_1220 = arith.constant 36 : i32
    %add3A_1221 = arith.addi %mul3A_4, %add3A_1220 : i32
    %sub3A_1222 = arith.constant 2047 : i32
    %sub3A_1223 = arith.subi %sub3A_1222, %add3A_1221 : i32
    %jit3A_1224 = arith.constant 2 : i32
    %div3A_1225 = arith.divsi %sub3A_1223, %jit3A_1224 : i32
    %sign3A_1226 = arith.constant 0 : i32
    %sign3A_1227 = arith.cmpi sgt, %sub3A_1223, %sign3A_1226 : i32
    %sign3A_1228 = arith.extui %sign3A_1227 : i1 to i32
    %sign3A_1229 = arith.constant 0 : i32
    %sign3A_1230 = arith.cmpi slt, %sub3A_1223, %sign3A_1229 : i32
    %sign3A_1231 = arith.extui %sign3A_1230 : i1 to i32
    %sign3A_1232 = arith.subi %sign3A_1228, %sign3A_1231 : i32
    %sign3A_1233 = arith.constant 0 : i32
    %sign3A_1234 = arith.cmpi sgt, %jit3A_1224, %sign3A_1233 : i32
    %sign3A_1235 = arith.extui %sign3A_1234 : i1 to i32
    %sign3A_1236 = arith.constant 0 : i32
    %sign3A_1237 = arith.cmpi slt, %jit3A_1224, %sign3A_1236 : i32
    %sign3A_1238 = arith.extui %sign3A_1237 : i1 to i32
    %sign3A_1239 = arith.subi %sign3A_1235, %sign3A_1238 : i32
    %ne3A_1240 = arith.cmpi ne, %sign3A_1232, %sign3A_1239 : i32
    %rem3A_1241 = arith.remsi %sub3A_1223, %jit3A_1224 : i32
    %ne3A_1242 = arith.constant 0 : i32
    %ne3A_1243 = arith.cmpi ne, %rem3A_1241, %ne3A_1242 : i32
    %and3A_1244 = arith.andi %ne3A_1240, %ne3A_1243 : i1
    %sub3A_1245 = arith.constant 1 : i32
    %sub3A_1246 = arith.subi %div3A_1225, %sub3A_1245 : i32
    %select_n3A_1247 = arith.select %and3A_1244, %sub3A_1246, %div3A_1225 : i32
    %dma_start3A_1248 = arith.constant 0 : i32
    %dma_start3A_1249 = arith.constant 0 : i32
    %dma_start3A_1250 = tpu.memref_slice %arg4[%add3A_1221, %dma_start3A_1248, %dma_start3A_1249] : memref<2048x1024x128xf32, #tpu.memory_space<hbm>> -> memref<1x1024x128xf32, #tpu.memory_space<hbm>>
    %dma_start3A_1251 = tpu.memref_squeeze %dma_start3A_1250 : memref<1x1024x128xf32, #tpu.memory_space<hbm>> -> memref<1024x128xf32, #tpu.memory_space<hbm>>
    %dma_start3A_1252 = arith.constant 0 : i32
    %dma_start3A_1253 = tpu.memref_slice %arg6[%select_n3A_1247, %dma_start3A_1252] : memref<2048x128xf32, #tpu.memory_space<vmem_shared>> -> memref<1024x128xf32, #tpu.memory_space<vmem_shared>>
    tpu.enqueue_dma source(%dma_start3A_1253 : memref<1024x128xf32, #tpu.memory_space<vmem_shared>>) target(%dma_start3A_1251 : memref<1024x128xf32, #tpu.memory_space<hbm>>) target_semaphore(%arg7 : memref<!tpu.dma_semaphore, #tpu.memory_space<semaphore_mem>>)
    %add3A_1254 = arith.constant 37 : i32
    %add3A_1255 = arith.addi %mul3A_4, %add3A_1254 : i32
    %sub3A_1256 = arith.constant 2047 : i32
    %sub3A_1257 = arith.subi %sub3A_1256, %add3A_1255 : i32
    %jit3A_1258 = arith.constant 2 : i32
    %div3A_1259 = arith.divsi %sub3A_1257, %jit3A_1258 : i32
    %sign3A_1260 = arith.constant 0 : i32
    %sign3A_1261 = arith.cmpi sgt, %sub3A_1257, %sign3A_1260 : i32
    %sign3A_1262 = arith.extui %sign3A_1261 : i1 to i32
    %sign3A_1263 = arith.constant 0 : i32
    %sign3A_1264 = arith.cmpi slt, %sub3A_1257, %sign3A_1263 : i32
    %sign3A_1265 = arith.extui %sign3A_1264 : i1 to i32
    %sign3A_1266 = arith.subi %sign3A_1262, %sign3A_1265 : i32
    %sign3A_1267 = arith.constant 0 : i32
    %sign3A_1268 = arith.cmpi sgt, %jit3A_1258, %sign3A_1267 : i32
    %sign3A_1269 = arith.extui %sign3A_1268 : i1 to i32
    %sign3A_1270 = arith.constant 0 : i32
    %sign3A_1271 = arith.cmpi slt, %jit3A_1258, %sign3A_1270 : i32
    %sign3A_1272 = arith.extui %sign3A_1271 : i1 to i32
    %sign3A_1273 = arith.subi %sign3A_1269, %sign3A_1272 : i32
    %ne3A_1274 = arith.cmpi ne, %sign3A_1266, %sign3A_1273 : i32
    %rem3A_1275 = arith.remsi %sub3A_1257, %jit3A_1258 : i32
    %ne3A_1276 = arith.constant 0 : i32
    %ne3A_1277 = arith.cmpi ne, %rem3A_1275, %ne3A_1276 : i32
    %and3A_1278 = arith.andi %ne3A_1274, %ne3A_1277 : i1
    %sub3A_1279 = arith.constant 1 : i32
    %sub3A_1280 = arith.subi %div3A_1259, %sub3A_1279 : i32
    %select_n3A_1281 = arith.select %and3A_1278, %sub3A_1280, %div3A_1259 : i32
    %dma_start3A_1282 = arith.constant 0 : i32
    %dma_start3A_1283 = arith.constant 0 : i32
    %dma_start3A_1284 = tpu.memref_slice %arg4[%add3A_1255, %dma_start3A_1282, %dma_start3A_1283] : memref<2048x1024x128xf32, #tpu.memory_space<hbm>> -> memref<1x1024x128xf32, #tpu.memory_space<hbm>>
    %dma_start3A_1285 = tpu.memref_squeeze %dma_start3A_1284 : memref<1x1024x128xf32, #tpu.memory_space<hbm>> -> memref<1024x128xf32, #tpu.memory_space<hbm>>
    %dma_start3A_1286 = arith.constant 0 : i32
    %dma_start3A_1287 = tpu.memref_slice %arg5[%select_n3A_1281, %dma_start3A_1286] : memref<2048x128xf32, #tpu.memory_space<vmem_shared>> -> memref<1024x128xf32, #tpu.memory_space<vmem_shared>>
    tpu.enqueue_dma source(%dma_start3A_1287 : memref<1024x128xf32, #tpu.memory_space<vmem_shared>>) target(%dma_start3A_1285 : memref<1024x128xf32, #tpu.memory_space<hbm>>) target_semaphore(%arg7 : memref<!tpu.dma_semaphore, #tpu.memory_space<semaphore_mem>>)
    %add3A_1288 = arith.constant 38 : i32
    %add3A_1289 = arith.addi %mul3A_4, %add3A_1288 : i32
    %sub3A_1290 = arith.constant 2047 : i32
    %sub3A_1291 = arith.subi %sub3A_1290, %add3A_1289 : i32
    %jit3A_1292 = arith.constant 2 : i32
    %div3A_1293 = arith.divsi %sub3A_1291, %jit3A_1292 : i32
    %sign3A_1294 = arith.constant 0 : i32
    %sign3A_1295 = arith.cmpi sgt, %sub3A_1291, %sign3A_1294 : i32
    %sign3A_1296 = arith.extui %sign3A_1295 : i1 to i32
    %sign3A_1297 = arith.constant 0 : i32
    %sign3A_1298 = arith.cmpi slt, %sub3A_1291, %sign3A_1297 : i32
    %sign3A_1299 = arith.extui %sign3A_1298 : i1 to i32
    %sign3A_1300 = arith.subi %sign3A_1296, %sign3A_1299 : i32
    %sign3A_1301 = arith.constant 0 : i32
    %sign3A_1302 = arith.cmpi sgt, %jit3A_1292, %sign3A_1301 : i32
    %sign3A_1303 = arith.extui %sign3A_1302 : i1 to i32
    %sign3A_1304 = arith.constant 0 : i32
    %sign3A_1305 = arith.cmpi slt, %jit3A_1292, %sign3A_1304 : i32
    %sign3A_1306 = arith.extui %sign3A_1305 : i1 to i32
    %sign3A_1307 = arith.subi %sign3A_1303, %sign3A_1306 : i32
    %ne3A_1308 = arith.cmpi ne, %sign3A_1300, %sign3A_1307 : i32
    %rem3A_1309 = arith.remsi %sub3A_1291, %jit3A_1292 : i32
    %ne3A_1310 = arith.constant 0 : i32
    %ne3A_1311 = arith.cmpi ne, %rem3A_1309, %ne3A_1310 : i32
    %and3A_1312 = arith.andi %ne3A_1308, %ne3A_1311 : i1
    %sub3A_1313 = arith.constant 1 : i32
    %sub3A_1314 = arith.subi %div3A_1293, %sub3A_1313 : i32
    %select_n3A_1315 = arith.select %and3A_1312, %sub3A_1314, %div3A_1293 : i32
    %dma_start3A_1316 = arith.constant 0 : i32
    %dma_start3A_1317 = arith.constant 0 : i32
    %dma_start3A_1318 = tpu.memref_slice %arg4[%add3A_1289, %dma_start3A_1316, %dma_start3A_1317] : memref<2048x1024x128xf32, #tpu.memory_space<hbm>> -> memref<1x1024x128xf32, #tpu.memory_space<hbm>>
    %dma_start3A_1319 = tpu.memref_squeeze %dma_start3A_1318 : memref<1x1024x128xf32, #tpu.memory_space<hbm>> -> memref<1024x128xf32, #tpu.memory_space<hbm>>
    %dma_start3A_1320 = arith.constant 0 : i32
    %dma_start3A_1321 = tpu.memref_slice %arg6[%select_n3A_1315, %dma_start3A_1320] : memref<2048x128xf32, #tpu.memory_space<vmem_shared>> -> memref<1024x128xf32, #tpu.memory_space<vmem_shared>>
    tpu.enqueue_dma source(%dma_start3A_1321 : memref<1024x128xf32, #tpu.memory_space<vmem_shared>>) target(%dma_start3A_1319 : memref<1024x128xf32, #tpu.memory_space<hbm>>) target_semaphore(%arg7 : memref<!tpu.dma_semaphore, #tpu.memory_space<semaphore_mem>>)
    %add3A_1322 = arith.constant 39 : i32
    %add3A_1323 = arith.addi %mul3A_4, %add3A_1322 : i32
    %sub3A_1324 = arith.constant 2047 : i32
    %sub3A_1325 = arith.subi %sub3A_1324, %add3A_1323 : i32
    %jit3A_1326 = arith.constant 2 : i32
    %div3A_1327 = arith.divsi %sub3A_1325, %jit3A_1326 : i32
    %sign3A_1328 = arith.constant 0 : i32
    %sign3A_1329 = arith.cmpi sgt, %sub3A_1325, %sign3A_1328 : i32
    %sign3A_1330 = arith.extui %sign3A_1329 : i1 to i32
    %sign3A_1331 = arith.constant 0 : i32
    %sign3A_1332 = arith.cmpi slt, %sub3A_1325, %sign3A_1331 : i32
    %sign3A_1333 = arith.extui %sign3A_1332 : i1 to i32
    %sign3A_1334 = arith.subi %sign3A_1330, %sign3A_1333 : i32
    %sign3A_1335 = arith.constant 0 : i32
    %sign3A_1336 = arith.cmpi sgt, %jit3A_1326, %sign3A_1335 : i32
    %sign3A_1337 = arith.extui %sign3A_1336 : i1 to i32
    %sign3A_1338 = arith.constant 0 : i32
    %sign3A_1339 = arith.cmpi slt, %jit3A_1326, %sign3A_1338 : i32
    %sign3A_1340 = arith.extui %sign3A_1339 : i1 to i32
    %sign3A_1341 = arith.subi %sign3A_1337, %sign3A_1340 : i32
    %ne3A_1342 = arith.cmpi ne, %sign3A_1334, %sign3A_1341 : i32
    %rem3A_1343 = arith.remsi %sub3A_1325, %jit3A_1326 : i32
    %ne3A_1344 = arith.constant 0 : i32
    %ne3A_1345 = arith.cmpi ne, %rem3A_1343, %ne3A_1344 : i32
    %and3A_1346 = arith.andi %ne3A_1342, %ne3A_1345 : i1
    %sub3A_1347 = arith.constant 1 : i32
    %sub3A_1348 = arith.subi %div3A_1327, %sub3A_1347 : i32
    %select_n3A_1349 = arith.select %and3A_1346, %sub3A_1348, %div3A_1327 : i32
    %dma_start3A_1350 = arith.constant 0 : i32
    %dma_start3A_1351 = arith.constant 0 : i32
    %dma_start3A_1352 = tpu.memref_slice %arg4[%add3A_1323, %dma_start3A_1350, %dma_start3A_1351] : memref<2048x1024x128xf32, #tpu.memory_space<hbm>> -> memref<1x1024x128xf32, #tpu.memory_space<hbm>>
    %dma_start3A_1353 = tpu.memref_squeeze %dma_start3A_1352 : memref<1x1024x128xf32, #tpu.memory_space<hbm>> -> memref<1024x128xf32, #tpu.memory_space<hbm>>
    %dma_start3A_1354 = arith.constant 0 : i32
    %dma_start3A_1355 = tpu.memref_slice %arg5[%select_n3A_1349, %dma_start3A_1354] : memref<2048x128xf32, #tpu.memory_space<vmem_shared>> -> memref<1024x128xf32, #tpu.memory_space<vmem_shared>>
    tpu.enqueue_dma source(%dma_start3A_1355 : memref<1024x128xf32, #tpu.memory_space<vmem_shared>>) target(%dma_start3A_1353 : memref<1024x128xf32, #tpu.memory_space<hbm>>) target_semaphore(%arg7 : memref<!tpu.dma_semaphore, #tpu.memory_space<semaphore_mem>>)
    %add3A_1356 = arith.constant 40 : i32
    %add3A_1357 = arith.addi %mul3A_4, %add3A_1356 : i32
    %sub3A_1358 = arith.constant 2047 : i32
    %sub3A_1359 = arith.subi %sub3A_1358, %add3A_1357 : i32
    %jit3A_1360 = arith.constant 2 : i32
    %div3A_1361 = arith.divsi %sub3A_1359, %jit3A_1360 : i32
    %sign3A_1362 = arith.constant 0 : i32
    %sign3A_1363 = arith.cmpi sgt, %sub3A_1359, %sign3A_1362 : i32
    %sign3A_1364 = arith.extui %sign3A_1363 : i1 to i32
    %sign3A_1365 = arith.constant 0 : i32
    %sign3A_1366 = arith.cmpi slt, %sub3A_1359, %sign3A_1365 : i32
    %sign3A_1367 = arith.extui %sign3A_1366 : i1 to i32
    %sign3A_1368 = arith.subi %sign3A_1364, %sign3A_1367 : i32
    %sign3A_1369 = arith.constant 0 : i32
    %sign3A_1370 = arith.cmpi sgt, %jit3A_1360, %sign3A_1369 : i32
    %sign3A_1371 = arith.extui %sign3A_1370 : i1 to i32
    %sign3A_1372 = arith.constant 0 : i32
    %sign3A_1373 = arith.cmpi slt, %jit3A_1360, %sign3A_1372 : i32
    %sign3A_1374 = arith.extui %sign3A_1373 : i1 to i32
    %sign3A_1375 = arith.subi %sign3A_1371, %sign3A_1374 : i32
    %ne3A_1376 = arith.cmpi ne, %sign3A_1368, %sign3A_1375 : i32
    %rem3A_1377 = arith.remsi %sub3A_1359, %jit3A_1360 : i32
    %ne3A_1378 = arith.constant 0 : i32
    %ne3A_1379 = arith.cmpi ne, %rem3A_1377, %ne3A_1378 : i32
    %and3A_1380 = arith.andi %ne3A_1376, %ne3A_1379 : i1
    %sub3A_1381 = arith.constant 1 : i32
    %sub3A_1382 = arith.subi %div3A_1361, %sub3A_1381 : i32
    %select_n3A_1383 = arith.select %and3A_1380, %sub3A_1382, %div3A_1361 : i32
    %dma_start3A_1384 = arith.constant 0 : i32
    %dma_start3A_1385 = arith.constant 0 : i32
    %dma_start3A_1386 = tpu.memref_slice %arg4[%add3A_1357, %dma_start3A_1384, %dma_start3A_1385] : memref<2048x1024x128xf32, #tpu.memory_space<hbm>> -> memref<1x1024x128xf32, #tpu.memory_space<hbm>>
    %dma_start3A_1387 = tpu.memref_squeeze %dma_start3A_1386 : memref<1x1024x128xf32, #tpu.memory_space<hbm>> -> memref<1024x128xf32, #tpu.memory_space<hbm>>
    %dma_start3A_1388 = arith.constant 0 : i32
    %dma_start3A_1389 = tpu.memref_slice %arg6[%select_n3A_1383, %dma_start3A_1388] : memref<2048x128xf32, #tpu.memory_space<vmem_shared>> -> memref<1024x128xf32, #tpu.memory_space<vmem_shared>>
    tpu.enqueue_dma source(%dma_start3A_1389 : memref<1024x128xf32, #tpu.memory_space<vmem_shared>>) target(%dma_start3A_1387 : memref<1024x128xf32, #tpu.memory_space<hbm>>) target_semaphore(%arg7 : memref<!tpu.dma_semaphore, #tpu.memory_space<semaphore_mem>>)
    %add3A_1390 = arith.constant 41 : i32
    %add3A_1391 = arith.addi %mul3A_4, %add3A_1390 : i32
    %sub3A_1392 = arith.constant 2047 : i32
    %sub3A_1393 = arith.subi %sub3A_1392, %add3A_1391 : i32
    %jit3A_1394 = arith.constant 2 : i32
    %div3A_1395 = arith.divsi %sub3A_1393, %jit3A_1394 : i32
    %sign3A_1396 = arith.constant 0 : i32
    %sign3A_1397 = arith.cmpi sgt, %sub3A_1393, %sign3A_1396 : i32
    %sign3A_1398 = arith.extui %sign3A_1397 : i1 to i32
    %sign3A_1399 = arith.constant 0 : i32
    %sign3A_1400 = arith.cmpi slt, %sub3A_1393, %sign3A_1399 : i32
    %sign3A_1401 = arith.extui %sign3A_1400 : i1 to i32
    %sign3A_1402 = arith.subi %sign3A_1398, %sign3A_1401 : i32
    %sign3A_1403 = arith.constant 0 : i32
    %sign3A_1404 = arith.cmpi sgt, %jit3A_1394, %sign3A_1403 : i32
    %sign3A_1405 = arith.extui %sign3A_1404 : i1 to i32
    %sign3A_1406 = arith.constant 0 : i32
    %sign3A_1407 = arith.cmpi slt, %jit3A_1394, %sign3A_1406 : i32
    %sign3A_1408 = arith.extui %sign3A_1407 : i1 to i32
    %sign3A_1409 = arith.subi %sign3A_1405, %sign3A_1408 : i32
    %ne3A_1410 = arith.cmpi ne, %sign3A_1402, %sign3A_1409 : i32
    %rem3A_1411 = arith.remsi %sub3A_1393, %jit3A_1394 : i32
    %ne3A_1412 = arith.constant 0 : i32
    %ne3A_1413 = arith.cmpi ne, %rem3A_1411, %ne3A_1412 : i32
    %and3A_1414 = arith.andi %ne3A_1410, %ne3A_1413 : i1
    %sub3A_1415 = arith.constant 1 : i32
    %sub3A_1416 = arith.subi %div3A_1395, %sub3A_1415 : i32
    %select_n3A_1417 = arith.select %and3A_1414, %sub3A_1416, %div3A_1395 : i32
    %dma_start3A_1418 = arith.constant 0 : i32
    %dma_start3A_1419 = arith.constant 0 : i32
    %dma_start3A_1420 = tpu.memref_slice %arg4[%add3A_1391, %dma_start3A_1418, %dma_start3A_1419] : memref<2048x1024x128xf32, #tpu.memory_space<hbm>> -> memref<1x1024x128xf32, #tpu.memory_space<hbm>>
    %dma_start3A_1421 = tpu.memref_squeeze %dma_start3A_1420 : memref<1x1024x128xf32, #tpu.memory_space<hbm>> -> memref<1024x128xf32, #tpu.memory_space<hbm>>
    %dma_start3A_1422 = arith.constant 0 : i32
    %dma_start3A_1423 = tpu.memref_slice %arg5[%select_n3A_1417, %dma_start3A_1422] : memref<2048x128xf32, #tpu.memory_space<vmem_shared>> -> memref<1024x128xf32, #tpu.memory_space<vmem_shared>>
    tpu.enqueue_dma source(%dma_start3A_1423 : memref<1024x128xf32, #tpu.memory_space<vmem_shared>>) target(%dma_start3A_1421 : memref<1024x128xf32, #tpu.memory_space<hbm>>) target_semaphore(%arg7 : memref<!tpu.dma_semaphore, #tpu.memory_space<semaphore_mem>>)
    %add3A_1424 = arith.constant 42 : i32
    %add3A_1425 = arith.addi %mul3A_4, %add3A_1424 : i32
    %sub3A_1426 = arith.constant 2047 : i32
    %sub3A_1427 = arith.subi %sub3A_1426, %add3A_1425 : i32
    %jit3A_1428 = arith.constant 2 : i32
    %div3A_1429 = arith.divsi %sub3A_1427, %jit3A_1428 : i32
    %sign3A_1430 = arith.constant 0 : i32
    %sign3A_1431 = arith.cmpi sgt, %sub3A_1427, %sign3A_1430 : i32
    %sign3A_1432 = arith.extui %sign3A_1431 : i1 to i32
    %sign3A_1433 = arith.constant 0 : i32
    %sign3A_1434 = arith.cmpi slt, %sub3A_1427, %sign3A_1433 : i32
    %sign3A_1435 = arith.extui %sign3A_1434 : i1 to i32
    %sign3A_1436 = arith.subi %sign3A_1432, %sign3A_1435 : i32
    %sign3A_1437 = arith.constant 0 : i32
    %sign3A_1438 = arith.cmpi sgt, %jit3A_1428, %sign3A_1437 : i32
    %sign3A_1439 = arith.extui %sign3A_1438 : i1 to i32
    %sign3A_1440 = arith.constant 0 : i32
    %sign3A_1441 = arith.cmpi slt, %jit3A_1428, %sign3A_1440 : i32
    %sign3A_1442 = arith.extui %sign3A_1441 : i1 to i32
    %sign3A_1443 = arith.subi %sign3A_1439, %sign3A_1442 : i32
    %ne3A_1444 = arith.cmpi ne, %sign3A_1436, %sign3A_1443 : i32
    %rem3A_1445 = arith.remsi %sub3A_1427, %jit3A_1428 : i32
    %ne3A_1446 = arith.constant 0 : i32
    %ne3A_1447 = arith.cmpi ne, %rem3A_1445, %ne3A_1446 : i32
    %and3A_1448 = arith.andi %ne3A_1444, %ne3A_1447 : i1
    %sub3A_1449 = arith.constant 1 : i32
    %sub3A_1450 = arith.subi %div3A_1429, %sub3A_1449 : i32
    %select_n3A_1451 = arith.select %and3A_1448, %sub3A_1450, %div3A_1429 : i32
    %dma_start3A_1452 = arith.constant 0 : i32
    %dma_start3A_1453 = arith.constant 0 : i32
    %dma_start3A_1454 = tpu.memref_slice %arg4[%add3A_1425, %dma_start3A_1452, %dma_start3A_1453] : memref<2048x1024x128xf32, #tpu.memory_space<hbm>> -> memref<1x1024x128xf32, #tpu.memory_space<hbm>>
    %dma_start3A_1455 = tpu.memref_squeeze %dma_start3A_1454 : memref<1x1024x128xf32, #tpu.memory_space<hbm>> -> memref<1024x128xf32, #tpu.memory_space<hbm>>
    %dma_start3A_1456 = arith.constant 0 : i32
    %dma_start3A_1457 = tpu.memref_slice %arg6[%select_n3A_1451, %dma_start3A_1456] : memref<2048x128xf32, #tpu.memory_space<vmem_shared>> -> memref<1024x128xf32, #tpu.memory_space<vmem_shared>>
    tpu.enqueue_dma source(%dma_start3A_1457 : memref<1024x128xf32, #tpu.memory_space<vmem_shared>>) target(%dma_start3A_1455 : memref<1024x128xf32, #tpu.memory_space<hbm>>) target_semaphore(%arg7 : memref<!tpu.dma_semaphore, #tpu.memory_space<semaphore_mem>>)
    %add3A_1458 = arith.constant 43 : i32
    %add3A_1459 = arith.addi %mul3A_4, %add3A_1458 : i32
    %sub3A_1460 = arith.constant 2047 : i32
    %sub3A_1461 = arith.subi %sub3A_1460, %add3A_1459 : i32
    %jit3A_1462 = arith.constant 2 : i32
    %div3A_1463 = arith.divsi %sub3A_1461, %jit3A_1462 : i32
    %sign3A_1464 = arith.constant 0 : i32
    %sign3A_1465 = arith.cmpi sgt, %sub3A_1461, %sign3A_1464 : i32
    %sign3A_1466 = arith.extui %sign3A_1465 : i1 to i32
    %sign3A_1467 = arith.constant 0 : i32
    %sign3A_1468 = arith.cmpi slt, %sub3A_1461, %sign3A_1467 : i32
    %sign3A_1469 = arith.extui %sign3A_1468 : i1 to i32
    %sign3A_1470 = arith.subi %sign3A_1466, %sign3A_1469 : i32
    %sign3A_1471 = arith.constant 0 : i32
    %sign3A_1472 = arith.cmpi sgt, %jit3A_1462, %sign3A_1471 : i32
    %sign3A_1473 = arith.extui %sign3A_1472 : i1 to i32
    %sign3A_1474 = arith.constant 0 : i32
    %sign3A_1475 = arith.cmpi slt, %jit3A_1462, %sign3A_1474 : i32
    %sign3A_1476 = arith.extui %sign3A_1475 : i1 to i32
    %sign3A_1477 = arith.subi %sign3A_1473, %sign3A_1476 : i32
    %ne3A_1478 = arith.cmpi ne, %sign3A_1470, %sign3A_1477 : i32
    %rem3A_1479 = arith.remsi %sub3A_1461, %jit3A_1462 : i32
    %ne3A_1480 = arith.constant 0 : i32
    %ne3A_1481 = arith.cmpi ne, %rem3A_1479, %ne3A_1480 : i32
    %and3A_1482 = arith.andi %ne3A_1478, %ne3A_1481 : i1
    %sub3A_1483 = arith.constant 1 : i32
    %sub3A_1484 = arith.subi %div3A_1463, %sub3A_1483 : i32
    %select_n3A_1485 = arith.select %and3A_1482, %sub3A_1484, %div3A_1463 : i32
    %dma_start3A_1486 = arith.constant 0 : i32
    %dma_start3A_1487 = arith.constant 0 : i32
    %dma_start3A_1488 = tpu.memref_slice %arg4[%add3A_1459, %dma_start3A_1486, %dma_start3A_1487] : memref<2048x1024x128xf32, #tpu.memory_space<hbm>> -> memref<1x1024x128xf32, #tpu.memory_space<hbm>>
    %dma_start3A_1489 = tpu.memref_squeeze %dma_start3A_1488 : memref<1x1024x128xf32, #tpu.memory_space<hbm>> -> memref<1024x128xf32, #tpu.memory_space<hbm>>
    %dma_start3A_1490 = arith.constant 0 : i32
    %dma_start3A_1491 = tpu.memref_slice %arg5[%select_n3A_1485, %dma_start3A_1490] : memref<2048x128xf32, #tpu.memory_space<vmem_shared>> -> memref<1024x128xf32, #tpu.memory_space<vmem_shared>>
    tpu.enqueue_dma source(%dma_start3A_1491 : memref<1024x128xf32, #tpu.memory_space<vmem_shared>>) target(%dma_start3A_1489 : memref<1024x128xf32, #tpu.memory_space<hbm>>) target_semaphore(%arg7 : memref<!tpu.dma_semaphore, #tpu.memory_space<semaphore_mem>>)
    %add3A_1492 = arith.constant 44 : i32
    %add3A_1493 = arith.addi %mul3A_4, %add3A_1492 : i32
    %sub3A_1494 = arith.constant 2047 : i32
    %sub3A_1495 = arith.subi %sub3A_1494, %add3A_1493 : i32
    %jit3A_1496 = arith.constant 2 : i32
    %div3A_1497 = arith.divsi %sub3A_1495, %jit3A_1496 : i32
    %sign3A_1498 = arith.constant 0 : i32
    %sign3A_1499 = arith.cmpi sgt, %sub3A_1495, %sign3A_1498 : i32
    %sign3A_1500 = arith.extui %sign3A_1499 : i1 to i32
    %sign3A_1501 = arith.constant 0 : i32
    %sign3A_1502 = arith.cmpi slt, %sub3A_1495, %sign3A_1501 : i32
    %sign3A_1503 = arith.extui %sign3A_1502 : i1 to i32
    %sign3A_1504 = arith.subi %sign3A_1500, %sign3A_1503 : i32
    %sign3A_1505 = arith.constant 0 : i32
    %sign3A_1506 = arith.cmpi sgt, %jit3A_1496, %sign3A_1505 : i32
    %sign3A_1507 = arith.extui %sign3A_1506 : i1 to i32
    %sign3A_1508 = arith.constant 0 : i32
    %sign3A_1509 = arith.cmpi slt, %jit3A_1496, %sign3A_1508 : i32
    %sign3A_1510 = arith.extui %sign3A_1509 : i1 to i32
    %sign3A_1511 = arith.subi %sign3A_1507, %sign3A_1510 : i32
    %ne3A_1512 = arith.cmpi ne, %sign3A_1504, %sign3A_1511 : i32
    %rem3A_1513 = arith.remsi %sub3A_1495, %jit3A_1496 : i32
    %ne3A_1514 = arith.constant 0 : i32
    %ne3A_1515 = arith.cmpi ne, %rem3A_1513, %ne3A_1514 : i32
    %and3A_1516 = arith.andi %ne3A_1512, %ne3A_1515 : i1
    %sub3A_1517 = arith.constant 1 : i32
    %sub3A_1518 = arith.subi %div3A_1497, %sub3A_1517 : i32
    %select_n3A_1519 = arith.select %and3A_1516, %sub3A_1518, %div3A_1497 : i32
    %dma_start3A_1520 = arith.constant 0 : i32
    %dma_start3A_1521 = arith.constant 0 : i32
    %dma_start3A_1522 = tpu.memref_slice %arg4[%add3A_1493, %dma_start3A_1520, %dma_start3A_1521] : memref<2048x1024x128xf32, #tpu.memory_space<hbm>> -> memref<1x1024x128xf32, #tpu.memory_space<hbm>>
    %dma_start3A_1523 = tpu.memref_squeeze %dma_start3A_1522 : memref<1x1024x128xf32, #tpu.memory_space<hbm>> -> memref<1024x128xf32, #tpu.memory_space<hbm>>
    %dma_start3A_1524 = arith.constant 0 : i32
    %dma_start3A_1525 = tpu.memref_slice %arg6[%select_n3A_1519, %dma_start3A_1524] : memref<2048x128xf32, #tpu.memory_space<vmem_shared>> -> memref<1024x128xf32, #tpu.memory_space<vmem_shared>>
    tpu.enqueue_dma source(%dma_start3A_1525 : memref<1024x128xf32, #tpu.memory_space<vmem_shared>>) target(%dma_start3A_1523 : memref<1024x128xf32, #tpu.memory_space<hbm>>) target_semaphore(%arg7 : memref<!tpu.dma_semaphore, #tpu.memory_space<semaphore_mem>>)
    %add3A_1526 = arith.constant 45 : i32
    %add3A_1527 = arith.addi %mul3A_4, %add3A_1526 : i32
    %sub3A_1528 = arith.constant 2047 : i32
    %sub3A_1529 = arith.subi %sub3A_1528, %add3A_1527 : i32
    %jit3A_1530 = arith.constant 2 : i32
    %div3A_1531 = arith.divsi %sub3A_1529, %jit3A_1530 : i32
    %sign3A_1532 = arith.constant 0 : i32
    %sign3A_1533 = arith.cmpi sgt, %sub3A_1529, %sign3A_1532 : i32
    %sign3A_1534 = arith.extui %sign3A_1533 : i1 to i32
    %sign3A_1535 = arith.constant 0 : i32
    %sign3A_1536 = arith.cmpi slt, %sub3A_1529, %sign3A_1535 : i32
    %sign3A_1537 = arith.extui %sign3A_1536 : i1 to i32
    %sign3A_1538 = arith.subi %sign3A_1534, %sign3A_1537 : i32
    %sign3A_1539 = arith.constant 0 : i32
    %sign3A_1540 = arith.cmpi sgt, %jit3A_1530, %sign3A_1539 : i32
    %sign3A_1541 = arith.extui %sign3A_1540 : i1 to i32
    %sign3A_1542 = arith.constant 0 : i32
    %sign3A_1543 = arith.cmpi slt, %jit3A_1530, %sign3A_1542 : i32
    %sign3A_1544 = arith.extui %sign3A_1543 : i1 to i32
    %sign3A_1545 = arith.subi %sign3A_1541, %sign3A_1544 : i32
    %ne3A_1546 = arith.cmpi ne, %sign3A_1538, %sign3A_1545 : i32
    %rem3A_1547 = arith.remsi %sub3A_1529, %jit3A_1530 : i32
    %ne3A_1548 = arith.constant 0 : i32
    %ne3A_1549 = arith.cmpi ne, %rem3A_1547, %ne3A_1548 : i32
    %and3A_1550 = arith.andi %ne3A_1546, %ne3A_1549 : i1
    %sub3A_1551 = arith.constant 1 : i32
    %sub3A_1552 = arith.subi %div3A_1531, %sub3A_1551 : i32
    %select_n3A_1553 = arith.select %and3A_1550, %sub3A_1552, %div3A_1531 : i32
    %dma_start3A_1554 = arith.constant 0 : i32
    %dma_start3A_1555 = arith.constant 0 : i32
    %dma_start3A_1556 = tpu.memref_slice %arg4[%add3A_1527, %dma_start3A_1554, %dma_start3A_1555] : memref<2048x1024x128xf32, #tpu.memory_space<hbm>> -> memref<1x1024x128xf32, #tpu.memory_space<hbm>>
    %dma_start3A_1557 = tpu.memref_squeeze %dma_start3A_1556 : memref<1x1024x128xf32, #tpu.memory_space<hbm>> -> memref<1024x128xf32, #tpu.memory_space<hbm>>
    %dma_start3A_1558 = arith.constant 0 : i32
    %dma_start3A_1559 = tpu.memref_slice %arg5[%select_n3A_1553, %dma_start3A_1558] : memref<2048x128xf32, #tpu.memory_space<vmem_shared>> -> memref<1024x128xf32, #tpu.memory_space<vmem_shared>>
    tpu.enqueue_dma source(%dma_start3A_1559 : memref<1024x128xf32, #tpu.memory_space<vmem_shared>>) target(%dma_start3A_1557 : memref<1024x128xf32, #tpu.memory_space<hbm>>) target_semaphore(%arg7 : memref<!tpu.dma_semaphore, #tpu.memory_space<semaphore_mem>>)
    %add3A_1560 = arith.constant 46 : i32
    %add3A_1561 = arith.addi %mul3A_4, %add3A_1560 : i32
    %sub3A_1562 = arith.constant 2047 : i32
    %sub3A_1563 = arith.subi %sub3A_1562, %add3A_1561 : i32
    %jit3A_1564 = arith.constant 2 : i32
    %div3A_1565 = arith.divsi %sub3A_1563, %jit3A_1564 : i32
    %sign3A_1566 = arith.constant 0 : i32
    %sign3A_1567 = arith.cmpi sgt, %sub3A_1563, %sign3A_1566 : i32
    %sign3A_1568 = arith.extui %sign3A_1567 : i1 to i32
    %sign3A_1569 = arith.constant 0 : i32
    %sign3A_1570 = arith.cmpi slt, %sub3A_1563, %sign3A_1569 : i32
    %sign3A_1571 = arith.extui %sign3A_1570 : i1 to i32
    %sign3A_1572 = arith.subi %sign3A_1568, %sign3A_1571 : i32
    %sign3A_1573 = arith.constant 0 : i32
    %sign3A_1574 = arith.cmpi sgt, %jit3A_1564, %sign3A_1573 : i32
    %sign3A_1575 = arith.extui %sign3A_1574 : i1 to i32
    %sign3A_1576 = arith.constant 0 : i32
    %sign3A_1577 = arith.cmpi slt, %jit3A_1564, %sign3A_1576 : i32
    %sign3A_1578 = arith.extui %sign3A_1577 : i1 to i32
    %sign3A_1579 = arith.subi %sign3A_1575, %sign3A_1578 : i32
    %ne3A_1580 = arith.cmpi ne, %sign3A_1572, %sign3A_1579 : i32
    %rem3A_1581 = arith.remsi %sub3A_1563, %jit3A_1564 : i32
    %ne3A_1582 = arith.constant 0 : i32
    %ne3A_1583 = arith.cmpi ne, %rem3A_1581, %ne3A_1582 : i32
    %and3A_1584 = arith.andi %ne3A_1580, %ne3A_1583 : i1
    %sub3A_1585 = arith.constant 1 : i32
    %sub3A_1586 = arith.subi %div3A_1565, %sub3A_1585 : i32
    %select_n3A_1587 = arith.select %and3A_1584, %sub3A_1586, %div3A_1565 : i32
    %dma_start3A_1588 = arith.constant 0 : i32
    %dma_start3A_1589 = arith.constant 0 : i32
    %dma_start3A_1590 = tpu.memref_slice %arg4[%add3A_1561, %dma_start3A_1588, %dma_start3A_1589] : memref<2048x1024x128xf32, #tpu.memory_space<hbm>> -> memref<1x1024x128xf32, #tpu.memory_space<hbm>>
    %dma_start3A_1591 = tpu.memref_squeeze %dma_start3A_1590 : memref<1x1024x128xf32, #tpu.memory_space<hbm>> -> memref<1024x128xf32, #tpu.memory_space<hbm>>
    %dma_start3A_1592 = arith.constant 0 : i32
    %dma_start3A_1593 = tpu.memref_slice %arg6[%select_n3A_1587, %dma_start3A_1592] : memref<2048x128xf32, #tpu.memory_space<vmem_shared>> -> memref<1024x128xf32, #tpu.memory_space<vmem_shared>>
    tpu.enqueue_dma source(%dma_start3A_1593 : memref<1024x128xf32, #tpu.memory_space<vmem_shared>>) target(%dma_start3A_1591 : memref<1024x128xf32, #tpu.memory_space<hbm>>) target_semaphore(%arg7 : memref<!tpu.dma_semaphore, #tpu.memory_space<semaphore_mem>>)
    %add3A_1594 = arith.constant 47 : i32
    %add3A_1595 = arith.addi %mul3A_4, %add3A_1594 : i32
    %sub3A_1596 = arith.constant 2047 : i32
    %sub3A_1597 = arith.subi %sub3A_1596, %add3A_1595 : i32
    %jit3A_1598 = arith.constant 2 : i32
    %div3A_1599 = arith.divsi %sub3A_1597, %jit3A_1598 : i32
    %sign3A_1600 = arith.constant 0 : i32
    %sign3A_1601 = arith.cmpi sgt, %sub3A_1597, %sign3A_1600 : i32
    %sign3A_1602 = arith.extui %sign3A_1601 : i1 to i32
    %sign3A_1603 = arith.constant 0 : i32
    %sign3A_1604 = arith.cmpi slt, %sub3A_1597, %sign3A_1603 : i32
    %sign3A_1605 = arith.extui %sign3A_1604 : i1 to i32
    %sign3A_1606 = arith.subi %sign3A_1602, %sign3A_1605 : i32
    %sign3A_1607 = arith.constant 0 : i32
    %sign3A_1608 = arith.cmpi sgt, %jit3A_1598, %sign3A_1607 : i32
    %sign3A_1609 = arith.extui %sign3A_1608 : i1 to i32
    %sign3A_1610 = arith.constant 0 : i32
    %sign3A_1611 = arith.cmpi slt, %jit3A_1598, %sign3A_1610 : i32
    %sign3A_1612 = arith.extui %sign3A_1611 : i1 to i32
    %sign3A_1613 = arith.subi %sign3A_1609, %sign3A_1612 : i32
    %ne3A_1614 = arith.cmpi ne, %sign3A_1606, %sign3A_1613 : i32
    %rem3A_1615 = arith.remsi %sub3A_1597, %jit3A_1598 : i32
    %ne3A_1616 = arith.constant 0 : i32
    %ne3A_1617 = arith.cmpi ne, %rem3A_1615, %ne3A_1616 : i32
    %and3A_1618 = arith.andi %ne3A_1614, %ne3A_1617 : i1
    %sub3A_1619 = arith.constant 1 : i32
    %sub3A_1620 = arith.subi %div3A_1599, %sub3A_1619 : i32
    %select_n3A_1621 = arith.select %and3A_1618, %sub3A_1620, %div3A_1599 : i32
    %dma_start3A_1622 = arith.constant 0 : i32
    %dma_start3A_1623 = arith.constant 0 : i32
    %dma_start3A_1624 = tpu.memref_slice %arg4[%add3A_1595, %dma_start3A_1622, %dma_start3A_1623] : memref<2048x1024x128xf32, #tpu.memory_space<hbm>> -> memref<1x1024x128xf32, #tpu.memory_space<hbm>>
    %dma_start3A_1625 = tpu.memref_squeeze %dma_start3A_1624 : memref<1x1024x128xf32, #tpu.memory_space<hbm>> -> memref<1024x128xf32, #tpu.memory_space<hbm>>
    %dma_start3A_1626 = arith.constant 0 : i32
    %dma_start3A_1627 = tpu.memref_slice %arg5[%select_n3A_1621, %dma_start3A_1626] : memref<2048x128xf32, #tpu.memory_space<vmem_shared>> -> memref<1024x128xf32, #tpu.memory_space<vmem_shared>>
    tpu.enqueue_dma source(%dma_start3A_1627 : memref<1024x128xf32, #tpu.memory_space<vmem_shared>>) target(%dma_start3A_1625 : memref<1024x128xf32, #tpu.memory_space<hbm>>) target_semaphore(%arg7 : memref<!tpu.dma_semaphore, #tpu.memory_space<semaphore_mem>>)
    %add3A_1628 = arith.constant 48 : i32
    %add3A_1629 = arith.addi %mul3A_4, %add3A_1628 : i32
    %sub3A_1630 = arith.constant 2047 : i32
    %sub3A_1631 = arith.subi %sub3A_1630, %add3A_1629 : i32
    %jit3A_1632 = arith.constant 2 : i32
    %div3A_1633 = arith.divsi %sub3A_1631, %jit3A_1632 : i32
    %sign3A_1634 = arith.constant 0 : i32
    %sign3A_1635 = arith.cmpi sgt, %sub3A_1631, %sign3A_1634 : i32
    %sign3A_1636 = arith.extui %sign3A_1635 : i1 to i32
    %sign3A_1637 = arith.constant 0 : i32
    %sign3A_1638 = arith.cmpi slt, %sub3A_1631, %sign3A_1637 : i32
    %sign3A_1639 = arith.extui %sign3A_1638 : i1 to i32
    %sign3A_1640 = arith.subi %sign3A_1636, %sign3A_1639 : i32
    %sign3A_1641 = arith.constant 0 : i32
    %sign3A_1642 = arith.cmpi sgt, %jit3A_1632, %sign3A_1641 : i32
    %sign3A_1643 = arith.extui %sign3A_1642 : i1 to i32
    %sign3A_1644 = arith.constant 0 : i32
    %sign3A_1645 = arith.cmpi slt, %jit3A_1632, %sign3A_1644 : i32
    %sign3A_1646 = arith.extui %sign3A_1645 : i1 to i32
    %sign3A_1647 = arith.subi %sign3A_1643, %sign3A_1646 : i32
    %ne3A_1648 = arith.cmpi ne, %sign3A_1640, %sign3A_1647 : i32
    %rem3A_1649 = arith.remsi %sub3A_1631, %jit3A_1632 : i32
    %ne3A_1650 = arith.constant 0 : i32
    %ne3A_1651 = arith.cmpi ne, %rem3A_1649, %ne3A_1650 : i32
    %and3A_1652 = arith.andi %ne3A_1648, %ne3A_1651 : i1
    %sub3A_1653 = arith.constant 1 : i32
    %sub3A_1654 = arith.subi %div3A_1633, %sub3A_1653 : i32
    %select_n3A_1655 = arith.select %and3A_1652, %sub3A_1654, %div3A_1633 : i32
    %dma_start3A_1656 = arith.constant 0 : i32
    %dma_start3A_1657 = arith.constant 0 : i32
    %dma_start3A_1658 = tpu.memref_slice %arg4[%add3A_1629, %dma_start3A_1656, %dma_start3A_1657] : memref<2048x1024x128xf32, #tpu.memory_space<hbm>> -> memref<1x1024x128xf32, #tpu.memory_space<hbm>>
    %dma_start3A_1659 = tpu.memref_squeeze %dma_start3A_1658 : memref<1x1024x128xf32, #tpu.memory_space<hbm>> -> memref<1024x128xf32, #tpu.memory_space<hbm>>
    %dma_start3A_1660 = arith.constant 0 : i32
    %dma_start3A_1661 = tpu.memref_slice %arg6[%select_n3A_1655, %dma_start3A_1660] : memref<2048x128xf32, #tpu.memory_space<vmem_shared>> -> memref<1024x128xf32, #tpu.memory_space<vmem_shared>>
    tpu.enqueue_dma source(%dma_start3A_1661 : memref<1024x128xf32, #tpu.memory_space<vmem_shared>>) target(%dma_start3A_1659 : memref<1024x128xf32, #tpu.memory_space<hbm>>) target_semaphore(%arg7 : memref<!tpu.dma_semaphore, #tpu.memory_space<semaphore_mem>>)
    %add3A_1662 = arith.constant 49 : i32
    %add3A_1663 = arith.addi %mul3A_4, %add3A_1662 : i32
    %sub3A_1664 = arith.constant 2047 : i32
    %sub3A_1665 = arith.subi %sub3A_1664, %add3A_1663 : i32
    %jit3A_1666 = arith.constant 2 : i32
    %div3A_1667 = arith.divsi %sub3A_1665, %jit3A_1666 : i32
    %sign3A_1668 = arith.constant 0 : i32
    %sign3A_1669 = arith.cmpi sgt, %sub3A_1665, %sign3A_1668 : i32
    %sign3A_1670 = arith.extui %sign3A_1669 : i1 to i32
    %sign3A_1671 = arith.constant 0 : i32
    %sign3A_1672 = arith.cmpi slt, %sub3A_1665, %sign3A_1671 : i32
    %sign3A_1673 = arith.extui %sign3A_1672 : i1 to i32
    %sign3A_1674 = arith.subi %sign3A_1670, %sign3A_1673 : i32
    %sign3A_1675 = arith.constant 0 : i32
    %sign3A_1676 = arith.cmpi sgt, %jit3A_1666, %sign3A_1675 : i32
    %sign3A_1677 = arith.extui %sign3A_1676 : i1 to i32
    %sign3A_1678 = arith.constant 0 : i32
    %sign3A_1679 = arith.cmpi slt, %jit3A_1666, %sign3A_1678 : i32
    %sign3A_1680 = arith.extui %sign3A_1679 : i1 to i32
    %sign3A_1681 = arith.subi %sign3A_1677, %sign3A_1680 : i32
    %ne3A_1682 = arith.cmpi ne, %sign3A_1674, %sign3A_1681 : i32
    %rem3A_1683 = arith.remsi %sub3A_1665, %jit3A_1666 : i32
    %ne3A_1684 = arith.constant 0 : i32
    %ne3A_1685 = arith.cmpi ne, %rem3A_1683, %ne3A_1684 : i32
    %and3A_1686 = arith.andi %ne3A_1682, %ne3A_1685 : i1
    %sub3A_1687 = arith.constant 1 : i32
    %sub3A_1688 = arith.subi %div3A_1667, %sub3A_1687 : i32
    %select_n3A_1689 = arith.select %and3A_1686, %sub3A_1688, %div3A_1667 : i32
    %dma_start3A_1690 = arith.constant 0 : i32
    %dma_start3A_1691 = arith.constant 0 : i32
    %dma_start3A_1692 = tpu.memref_slice %arg4[%add3A_1663, %dma_start3A_1690, %dma_start3A_1691] : memref<2048x1024x128xf32, #tpu.memory_space<hbm>> -> memref<1x1024x128xf32, #tpu.memory_space<hbm>>
    %dma_start3A_1693 = tpu.memref_squeeze %dma_start3A_1692 : memref<1x1024x128xf32, #tpu.memory_space<hbm>> -> memref<1024x128xf32, #tpu.memory_space<hbm>>
    %dma_start3A_1694 = arith.constant 0 : i32
    %dma_start3A_1695 = tpu.memref_slice %arg5[%select_n3A_1689, %dma_start3A_1694] : memref<2048x128xf32, #tpu.memory_space<vmem_shared>> -> memref<1024x128xf32, #tpu.memory_space<vmem_shared>>
    tpu.enqueue_dma source(%dma_start3A_1695 : memref<1024x128xf32, #tpu.memory_space<vmem_shared>>) target(%dma_start3A_1693 : memref<1024x128xf32, #tpu.memory_space<hbm>>) target_semaphore(%arg7 : memref<!tpu.dma_semaphore, #tpu.memory_space<semaphore_mem>>)
    %add3A_1696 = arith.constant 50 : i32
    %add3A_1697 = arith.addi %mul3A_4, %add3A_1696 : i32
    %sub3A_1698 = arith.constant 2047 : i32
    %sub3A_1699 = arith.subi %sub3A_1698, %add3A_1697 : i32
    %jit3A_1700 = arith.constant 2 : i32
    %div3A_1701 = arith.divsi %sub3A_1699, %jit3A_1700 : i32
    %sign3A_1702 = arith.constant 0 : i32
    %sign3A_1703 = arith.cmpi sgt, %sub3A_1699, %sign3A_1702 : i32
    %sign3A_1704 = arith.extui %sign3A_1703 : i1 to i32
    %sign3A_1705 = arith.constant 0 : i32
    %sign3A_1706 = arith.cmpi slt, %sub3A_1699, %sign3A_1705 : i32
    %sign3A_1707 = arith.extui %sign3A_1706 : i1 to i32
    %sign3A_1708 = arith.subi %sign3A_1704, %sign3A_1707 : i32
    %sign3A_1709 = arith.constant 0 : i32
    %sign3A_1710 = arith.cmpi sgt, %jit3A_1700, %sign3A_1709 : i32
    %sign3A_1711 = arith.extui %sign3A_1710 : i1 to i32
    %sign3A_1712 = arith.constant 0 : i32
    %sign3A_1713 = arith.cmpi slt, %jit3A_1700, %sign3A_1712 : i32
    %sign3A_1714 = arith.extui %sign3A_1713 : i1 to i32
    %sign3A_1715 = arith.subi %sign3A_1711, %sign3A_1714 : i32
    %ne3A_1716 = arith.cmpi ne, %sign3A_1708, %sign3A_1715 : i32
    %rem3A_1717 = arith.remsi %sub3A_1699, %jit3A_1700 : i32
    %ne3A_1718 = arith.constant 0 : i32
    %ne3A_1719 = arith.cmpi ne, %rem3A_1717, %ne3A_1718 : i32
    %and3A_1720 = arith.andi %ne3A_1716, %ne3A_1719 : i1
    %sub3A_1721 = arith.constant 1 : i32
    %sub3A_1722 = arith.subi %div3A_1701, %sub3A_1721 : i32
    %select_n3A_1723 = arith.select %and3A_1720, %sub3A_1722, %div3A_1701 : i32
    %dma_start3A_1724 = arith.constant 0 : i32
    %dma_start3A_1725 = arith.constant 0 : i32
    %dma_start3A_1726 = tpu.memref_slice %arg4[%add3A_1697, %dma_start3A_1724, %dma_start3A_1725] : memref<2048x1024x128xf32, #tpu.memory_space<hbm>> -> memref<1x1024x128xf32, #tpu.memory_space<hbm>>
    %dma_start3A_1727 = tpu.memref_squeeze %dma_start3A_1726 : memref<1x1024x128xf32, #tpu.memory_space<hbm>> -> memref<1024x128xf32, #tpu.memory_space<hbm>>
    %dma_start3A_1728 = arith.constant 0 : i32
    %dma_start3A_1729 = tpu.memref_slice %arg6[%select_n3A_1723, %dma_start3A_1728] : memref<2048x128xf32, #tpu.memory_space<vmem_shared>> -> memref<1024x128xf32, #tpu.memory_space<vmem_shared>>
    tpu.enqueue_dma source(%dma_start3A_1729 : memref<1024x128xf32, #tpu.memory_space<vmem_shared>>) target(%dma_start3A_1727 : memref<1024x128xf32, #tpu.memory_space<hbm>>) target_semaphore(%arg7 : memref<!tpu.dma_semaphore, #tpu.memory_space<semaphore_mem>>)
    %add3A_1730 = arith.constant 51 : i32
    %add3A_1731 = arith.addi %mul3A_4, %add3A_1730 : i32
    %sub3A_1732 = arith.constant 2047 : i32
    %sub3A_1733 = arith.subi %sub3A_1732, %add3A_1731 : i32
    %jit3A_1734 = arith.constant 2 : i32
    %div3A_1735 = arith.divsi %sub3A_1733, %jit3A_1734 : i32
    %sign3A_1736 = arith.constant 0 : i32
    %sign3A_1737 = arith.cmpi sgt, %sub3A_1733, %sign3A_1736 : i32
    %sign3A_1738 = arith.extui %sign3A_1737 : i1 to i32
    %sign3A_1739 = arith.constant 0 : i32
    %sign3A_1740 = arith.cmpi slt, %sub3A_1733, %sign3A_1739 : i32
    %sign3A_1741 = arith.extui %sign3A_1740 : i1 to i32
    %sign3A_1742 = arith.subi %sign3A_1738, %sign3A_1741 : i32
    %sign3A_1743 = arith.constant 0 : i32
    %sign3A_1744 = arith.cmpi sgt, %jit3A_1734, %sign3A_1743 : i32
    %sign3A_1745 = arith.extui %sign3A_1744 : i1 to i32
    %sign3A_1746 = arith.constant 0 : i32
    %sign3A_1747 = arith.cmpi slt, %jit3A_1734, %sign3A_1746 : i32
    %sign3A_1748 = arith.extui %sign3A_1747 : i1 to i32
    %sign3A_1749 = arith.subi %sign3A_1745, %sign3A_1748 : i32
    %ne3A_1750 = arith.cmpi ne, %sign3A_1742, %sign3A_1749 : i32
    %rem3A_1751 = arith.remsi %sub3A_1733, %jit3A_1734 : i32
    %ne3A_1752 = arith.constant 0 : i32
    %ne3A_1753 = arith.cmpi ne, %rem3A_1751, %ne3A_1752 : i32
    %and3A_1754 = arith.andi %ne3A_1750, %ne3A_1753 : i1
    %sub3A_1755 = arith.constant 1 : i32
    %sub3A_1756 = arith.subi %div3A_1735, %sub3A_1755 : i32
    %select_n3A_1757 = arith.select %and3A_1754, %sub3A_1756, %div3A_1735 : i32
    %dma_start3A_1758 = arith.constant 0 : i32
    %dma_start3A_1759 = arith.constant 0 : i32
    %dma_start3A_1760 = tpu.memref_slice %arg4[%add3A_1731, %dma_start3A_1758, %dma_start3A_1759] : memref<2048x1024x128xf32, #tpu.memory_space<hbm>> -> memref<1x1024x128xf32, #tpu.memory_space<hbm>>
    %dma_start3A_1761 = tpu.memref_squeeze %dma_start3A_1760 : memref<1x1024x128xf32, #tpu.memory_space<hbm>> -> memref<1024x128xf32, #tpu.memory_space<hbm>>
    %dma_start3A_1762 = arith.constant 0 : i32
    %dma_start3A_1763 = tpu.memref_slice %arg5[%select_n3A_1757, %dma_start3A_1762] : memref<2048x128xf32, #tpu.memory_space<vmem_shared>> -> memref<1024x128xf32, #tpu.memory_space<vmem_shared>>
    tpu.enqueue_dma source(%dma_start3A_1763 : memref<1024x128xf32, #tpu.memory_space<vmem_shared>>) target(%dma_start3A_1761 : memref<1024x128xf32, #tpu.memory_space<hbm>>) target_semaphore(%arg7 : memref<!tpu.dma_semaphore, #tpu.memory_space<semaphore_mem>>)
    %add3A_1764 = arith.constant 52 : i32
    %add3A_1765 = arith.addi %mul3A_4, %add3A_1764 : i32
    %sub3A_1766 = arith.constant 2047 : i32
    %sub3A_1767 = arith.subi %sub3A_1766, %add3A_1765 : i32
    %jit3A_1768 = arith.constant 2 : i32
    %div3A_1769 = arith.divsi %sub3A_1767, %jit3A_1768 : i32
    %sign3A_1770 = arith.constant 0 : i32
    %sign3A_1771 = arith.cmpi sgt, %sub3A_1767, %sign3A_1770 : i32
    %sign3A_1772 = arith.extui %sign3A_1771 : i1 to i32
    %sign3A_1773 = arith.constant 0 : i32
    %sign3A_1774 = arith.cmpi slt, %sub3A_1767, %sign3A_1773 : i32
    %sign3A_1775 = arith.extui %sign3A_1774 : i1 to i32
    %sign3A_1776 = arith.subi %sign3A_1772, %sign3A_1775 : i32
    %sign3A_1777 = arith.constant 0 : i32
    %sign3A_1778 = arith.cmpi sgt, %jit3A_1768, %sign3A_1777 : i32
    %sign3A_1779 = arith.extui %sign3A_1778 : i1 to i32
    %sign3A_1780 = arith.constant 0 : i32
    %sign3A_1781 = arith.cmpi slt, %jit3A_1768, %sign3A_1780 : i32
    %sign3A_1782 = arith.extui %sign3A_1781 : i1 to i32
    %sign3A_1783 = arith.subi %sign3A_1779, %sign3A_1782 : i32
    %ne3A_1784 = arith.cmpi ne, %sign3A_1776, %sign3A_1783 : i32
    %rem3A_1785 = arith.remsi %sub3A_1767, %jit3A_1768 : i32
    %ne3A_1786 = arith.constant 0 : i32
    %ne3A_1787 = arith.cmpi ne, %rem3A_1785, %ne3A_1786 : i32
    %and3A_1788 = arith.andi %ne3A_1784, %ne3A_1787 : i1
    %sub3A_1789 = arith.constant 1 : i32
    %sub3A_1790 = arith.subi %div3A_1769, %sub3A_1789 : i32
    %select_n3A_1791 = arith.select %and3A_1788, %sub3A_1790, %div3A_1769 : i32
    %dma_start3A_1792 = arith.constant 0 : i32
    %dma_start3A_1793 = arith.constant 0 : i32
    %dma_start3A_1794 = tpu.memref_slice %arg4[%add3A_1765, %dma_start3A_1792, %dma_start3A_1793] : memref<2048x1024x128xf32, #tpu.memory_space<hbm>> -> memref<1x1024x128xf32, #tpu.memory_space<hbm>>
    %dma_start3A_1795 = tpu.memref_squeeze %dma_start3A_1794 : memref<1x1024x128xf32, #tpu.memory_space<hbm>> -> memref<1024x128xf32, #tpu.memory_space<hbm>>
    %dma_start3A_1796 = arith.constant 0 : i32
    %dma_start3A_1797 = tpu.memref_slice %arg6[%select_n3A_1791, %dma_start3A_1796] : memref<2048x128xf32, #tpu.memory_space<vmem_shared>> -> memref<1024x128xf32, #tpu.memory_space<vmem_shared>>
    tpu.enqueue_dma source(%dma_start3A_1797 : memref<1024x128xf32, #tpu.memory_space<vmem_shared>>) target(%dma_start3A_1795 : memref<1024x128xf32, #tpu.memory_space<hbm>>) target_semaphore(%arg7 : memref<!tpu.dma_semaphore, #tpu.memory_space<semaphore_mem>>)
    %add3A_1798 = arith.constant 53 : i32
    %add3A_1799 = arith.addi %mul3A_4, %add3A_1798 : i32
    %sub3A_1800 = arith.constant 2047 : i32
    %sub3A_1801 = arith.subi %sub3A_1800, %add3A_1799 : i32
    %jit3A_1802 = arith.constant 2 : i32
    %div3A_1803 = arith.divsi %sub3A_1801, %jit3A_1802 : i32
    %sign3A_1804 = arith.constant 0 : i32
    %sign3A_1805 = arith.cmpi sgt, %sub3A_1801, %sign3A_1804 : i32
    %sign3A_1806 = arith.extui %sign3A_1805 : i1 to i32
    %sign3A_1807 = arith.constant 0 : i32
    %sign3A_1808 = arith.cmpi slt, %sub3A_1801, %sign3A_1807 : i32
    %sign3A_1809 = arith.extui %sign3A_1808 : i1 to i32
    %sign3A_1810 = arith.subi %sign3A_1806, %sign3A_1809 : i32
    %sign3A_1811 = arith.constant 0 : i32
    %sign3A_1812 = arith.cmpi sgt, %jit3A_1802, %sign3A_1811 : i32
    %sign3A_1813 = arith.extui %sign3A_1812 : i1 to i32
    %sign3A_1814 = arith.constant 0 : i32
    %sign3A_1815 = arith.cmpi slt, %jit3A_1802, %sign3A_1814 : i32
    %sign3A_1816 = arith.extui %sign3A_1815 : i1 to i32
    %sign3A_1817 = arith.subi %sign3A_1813, %sign3A_1816 : i32
    %ne3A_1818 = arith.cmpi ne, %sign3A_1810, %sign3A_1817 : i32
    %rem3A_1819 = arith.remsi %sub3A_1801, %jit3A_1802 : i32
    %ne3A_1820 = arith.constant 0 : i32
    %ne3A_1821 = arith.cmpi ne, %rem3A_1819, %ne3A_1820 : i32
    %and3A_1822 = arith.andi %ne3A_1818, %ne3A_1821 : i1
    %sub3A_1823 = arith.constant 1 : i32
    %sub3A_1824 = arith.subi %div3A_1803, %sub3A_1823 : i32
    %select_n3A_1825 = arith.select %and3A_1822, %sub3A_1824, %div3A_1803 : i32
    %dma_start3A_1826 = arith.constant 0 : i32
    %dma_start3A_1827 = arith.constant 0 : i32
    %dma_start3A_1828 = tpu.memref_slice %arg4[%add3A_1799, %dma_start3A_1826, %dma_start3A_1827] : memref<2048x1024x128xf32, #tpu.memory_space<hbm>> -> memref<1x1024x128xf32, #tpu.memory_space<hbm>>
    %dma_start3A_1829 = tpu.memref_squeeze %dma_start3A_1828 : memref<1x1024x128xf32, #tpu.memory_space<hbm>> -> memref<1024x128xf32, #tpu.memory_space<hbm>>
    %dma_start3A_1830 = arith.constant 0 : i32
    %dma_start3A_1831 = tpu.memref_slice %arg5[%select_n3A_1825, %dma_start3A_1830] : memref<2048x128xf32, #tpu.memory_space<vmem_shared>> -> memref<1024x128xf32, #tpu.memory_space<vmem_shared>>
    tpu.enqueue_dma source(%dma_start3A_1831 : memref<1024x128xf32, #tpu.memory_space<vmem_shared>>) target(%dma_start3A_1829 : memref<1024x128xf32, #tpu.memory_space<hbm>>) target_semaphore(%arg7 : memref<!tpu.dma_semaphore, #tpu.memory_space<semaphore_mem>>)
    %add3A_1832 = arith.constant 54 : i32
    %add3A_1833 = arith.addi %mul3A_4, %add3A_1832 : i32
    %sub3A_1834 = arith.constant 2047 : i32
    %sub3A_1835 = arith.subi %sub3A_1834, %add3A_1833 : i32
    %jit3A_1836 = arith.constant 2 : i32
    %div3A_1837 = arith.divsi %sub3A_1835, %jit3A_1836 : i32
    %sign3A_1838 = arith.constant 0 : i32
    %sign3A_1839 = arith.cmpi sgt, %sub3A_1835, %sign3A_1838 : i32
    %sign3A_1840 = arith.extui %sign3A_1839 : i1 to i32
    %sign3A_1841 = arith.constant 0 : i32
    %sign3A_1842 = arith.cmpi slt, %sub3A_1835, %sign3A_1841 : i32
    %sign3A_1843 = arith.extui %sign3A_1842 : i1 to i32
    %sign3A_1844 = arith.subi %sign3A_1840, %sign3A_1843 : i32
    %sign3A_1845 = arith.constant 0 : i32
    %sign3A_1846 = arith.cmpi sgt, %jit3A_1836, %sign3A_1845 : i32
    %sign3A_1847 = arith.extui %sign3A_1846 : i1 to i32
    %sign3A_1848 = arith.constant 0 : i32
    %sign3A_1849 = arith.cmpi slt, %jit3A_1836, %sign3A_1848 : i32
    %sign3A_1850 = arith.extui %sign3A_1849 : i1 to i32
    %sign3A_1851 = arith.subi %sign3A_1847, %sign3A_1850 : i32
    %ne3A_1852 = arith.cmpi ne, %sign3A_1844, %sign3A_1851 : i32
    %rem3A_1853 = arith.remsi %sub3A_1835, %jit3A_1836 : i32
    %ne3A_1854 = arith.constant 0 : i32
    %ne3A_1855 = arith.cmpi ne, %rem3A_1853, %ne3A_1854 : i32
    %and3A_1856 = arith.andi %ne3A_1852, %ne3A_1855 : i1
    %sub3A_1857 = arith.constant 1 : i32
    %sub3A_1858 = arith.subi %div3A_1837, %sub3A_1857 : i32
    %select_n3A_1859 = arith.select %and3A_1856, %sub3A_1858, %div3A_1837 : i32
    %dma_start3A_1860 = arith.constant 0 : i32
    %dma_start3A_1861 = arith.constant 0 : i32
    %dma_start3A_1862 = tpu.memref_slice %arg4[%add3A_1833, %dma_start3A_1860, %dma_start3A_1861] : memref<2048x1024x128xf32, #tpu.memory_space<hbm>> -> memref<1x1024x128xf32, #tpu.memory_space<hbm>>
    %dma_start3A_1863 = tpu.memref_squeeze %dma_start3A_1862 : memref<1x1024x128xf32, #tpu.memory_space<hbm>> -> memref<1024x128xf32, #tpu.memory_space<hbm>>
    %dma_start3A_1864 = arith.constant 0 : i32
    %dma_start3A_1865 = tpu.memref_slice %arg6[%select_n3A_1859, %dma_start3A_1864] : memref<2048x128xf32, #tpu.memory_space<vmem_shared>> -> memref<1024x128xf32, #tpu.memory_space<vmem_shared>>
    tpu.enqueue_dma source(%dma_start3A_1865 : memref<1024x128xf32, #tpu.memory_space<vmem_shared>>) target(%dma_start3A_1863 : memref<1024x128xf32, #tpu.memory_space<hbm>>) target_semaphore(%arg7 : memref<!tpu.dma_semaphore, #tpu.memory_space<semaphore_mem>>)
    %add3A_1866 = arith.constant 55 : i32
    %add3A_1867 = arith.addi %mul3A_4, %add3A_1866 : i32
    %sub3A_1868 = arith.constant 2047 : i32
    %sub3A_1869 = arith.subi %sub3A_1868, %add3A_1867 : i32
    %jit3A_1870 = arith.constant 2 : i32
    %div3A_1871 = arith.divsi %sub3A_1869, %jit3A_1870 : i32
    %sign3A_1872 = arith.constant 0 : i32
    %sign3A_1873 = arith.cmpi sgt, %sub3A_1869, %sign3A_1872 : i32
    %sign3A_1874 = arith.extui %sign3A_1873 : i1 to i32
    %sign3A_1875 = arith.constant 0 : i32
    %sign3A_1876 = arith.cmpi slt, %sub3A_1869, %sign3A_1875 : i32
    %sign3A_1877 = arith.extui %sign3A_1876 : i1 to i32
    %sign3A_1878 = arith.subi %sign3A_1874, %sign3A_1877 : i32
    %sign3A_1879 = arith.constant 0 : i32
    %sign3A_1880 = arith.cmpi sgt, %jit3A_1870, %sign3A_1879 : i32
    %sign3A_1881 = arith.extui %sign3A_1880 : i1 to i32
    %sign3A_1882 = arith.constant 0 : i32
    %sign3A_1883 = arith.cmpi slt, %jit3A_1870, %sign3A_1882 : i32
    %sign3A_1884 = arith.extui %sign3A_1883 : i1 to i32
    %sign3A_1885 = arith.subi %sign3A_1881, %sign3A_1884 : i32
    %ne3A_1886 = arith.cmpi ne, %sign3A_1878, %sign3A_1885 : i32
    %rem3A_1887 = arith.remsi %sub3A_1869, %jit3A_1870 : i32
    %ne3A_1888 = arith.constant 0 : i32
    %ne3A_1889 = arith.cmpi ne, %rem3A_1887, %ne3A_1888 : i32
    %and3A_1890 = arith.andi %ne3A_1886, %ne3A_1889 : i1
    %sub3A_1891 = arith.constant 1 : i32
    %sub3A_1892 = arith.subi %div3A_1871, %sub3A_1891 : i32
    %select_n3A_1893 = arith.select %and3A_1890, %sub3A_1892, %div3A_1871 : i32
    %dma_start3A_1894 = arith.constant 0 : i32
    %dma_start3A_1895 = arith.constant 0 : i32
    %dma_start3A_1896 = tpu.memref_slice %arg4[%add3A_1867, %dma_start3A_1894, %dma_start3A_1895] : memref<2048x1024x128xf32, #tpu.memory_space<hbm>> -> memref<1x1024x128xf32, #tpu.memory_space<hbm>>
    %dma_start3A_1897 = tpu.memref_squeeze %dma_start3A_1896 : memref<1x1024x128xf32, #tpu.memory_space<hbm>> -> memref<1024x128xf32, #tpu.memory_space<hbm>>
    %dma_start3A_1898 = arith.constant 0 : i32
    %dma_start3A_1899 = tpu.memref_slice %arg5[%select_n3A_1893, %dma_start3A_1898] : memref<2048x128xf32, #tpu.memory_space<vmem_shared>> -> memref<1024x128xf32, #tpu.memory_space<vmem_shared>>
    tpu.enqueue_dma source(%dma_start3A_1899 : memref<1024x128xf32, #tpu.memory_space<vmem_shared>>) target(%dma_start3A_1897 : memref<1024x128xf32, #tpu.memory_space<hbm>>) target_semaphore(%arg7 : memref<!tpu.dma_semaphore, #tpu.memory_space<semaphore_mem>>)
    %add3A_1900 = arith.constant 56 : i32
    %add3A_1901 = arith.addi %mul3A_4, %add3A_1900 : i32
    %sub3A_1902 = arith.constant 2047 : i32
    %sub3A_1903 = arith.subi %sub3A_1902, %add3A_1901 : i32
    %jit3A_1904 = arith.constant 2 : i32
    %div3A_1905 = arith.divsi %sub3A_1903, %jit3A_1904 : i32
    %sign3A_1906 = arith.constant 0 : i32
    %sign3A_1907 = arith.cmpi sgt, %sub3A_1903, %sign3A_1906 : i32
    %sign3A_1908 = arith.extui %sign3A_1907 : i1 to i32
    %sign3A_1909 = arith.constant 0 : i32
    %sign3A_1910 = arith.cmpi slt, %sub3A_1903, %sign3A_1909 : i32
    %sign3A_1911 = arith.extui %sign3A_1910 : i1 to i32
    %sign3A_1912 = arith.subi %sign3A_1908, %sign3A_1911 : i32
    %sign3A_1913 = arith.constant 0 : i32
    %sign3A_1914 = arith.cmpi sgt, %jit3A_1904, %sign3A_1913 : i32
    %sign3A_1915 = arith.extui %sign3A_1914 : i1 to i32
    %sign3A_1916 = arith.constant 0 : i32
    %sign3A_1917 = arith.cmpi slt, %jit3A_1904, %sign3A_1916 : i32
    %sign3A_1918 = arith.extui %sign3A_1917 : i1 to i32
    %sign3A_1919 = arith.subi %sign3A_1915, %sign3A_1918 : i32
    %ne3A_1920 = arith.cmpi ne, %sign3A_1912, %sign3A_1919 : i32
    %rem3A_1921 = arith.remsi %sub3A_1903, %jit3A_1904 : i32
    %ne3A_1922 = arith.constant 0 : i32
    %ne3A_1923 = arith.cmpi ne, %rem3A_1921, %ne3A_1922 : i32
    %and3A_1924 = arith.andi %ne3A_1920, %ne3A_1923 : i1
    %sub3A_1925 = arith.constant 1 : i32
    %sub3A_1926 = arith.subi %div3A_1905, %sub3A_1925 : i32
    %select_n3A_1927 = arith.select %and3A_1924, %sub3A_1926, %div3A_1905 : i32
    %dma_start3A_1928 = arith.constant 0 : i32
    %dma_start3A_1929 = arith.constant 0 : i32
    %dma_start3A_1930 = tpu.memref_slice %arg4[%add3A_1901, %dma_start3A_1928, %dma_start3A_1929] : memref<2048x1024x128xf32, #tpu.memory_space<hbm>> -> memref<1x1024x128xf32, #tpu.memory_space<hbm>>
    %dma_start3A_1931 = tpu.memref_squeeze %dma_start3A_1930 : memref<1x1024x128xf32, #tpu.memory_space<hbm>> -> memref<1024x128xf32, #tpu.memory_space<hbm>>
    %dma_start3A_1932 = arith.constant 0 : i32
    %dma_start3A_1933 = tpu.memref_slice %arg6[%select_n3A_1927, %dma_start3A_1932] : memref<2048x128xf32, #tpu.memory_space<vmem_shared>> -> memref<1024x128xf32, #tpu.memory_space<vmem_shared>>
    tpu.enqueue_dma source(%dma_start3A_1933 : memref<1024x128xf32, #tpu.memory_space<vmem_shared>>) target(%dma_start3A_1931 : memref<1024x128xf32, #tpu.memory_space<hbm>>) target_semaphore(%arg7 : memref<!tpu.dma_semaphore, #tpu.memory_space<semaphore_mem>>)
    %add3A_1934 = arith.constant 57 : i32
    %add3A_1935 = arith.addi %mul3A_4, %add3A_1934 : i32
    %sub3A_1936 = arith.constant 2047 : i32
    %sub3A_1937 = arith.subi %sub3A_1936, %add3A_1935 : i32
    %jit3A_1938 = arith.constant 2 : i32
    %div3A_1939 = arith.divsi %sub3A_1937, %jit3A_1938 : i32
    %sign3A_1940 = arith.constant 0 : i32
    %sign3A_1941 = arith.cmpi sgt, %sub3A_1937, %sign3A_1940 : i32
    %sign3A_1942 = arith.extui %sign3A_1941 : i1 to i32
    %sign3A_1943 = arith.constant 0 : i32
    %sign3A_1944 = arith.cmpi slt, %sub3A_1937, %sign3A_1943 : i32
    %sign3A_1945 = arith.extui %sign3A_1944 : i1 to i32
    %sign3A_1946 = arith.subi %sign3A_1942, %sign3A_1945 : i32
    %sign3A_1947 = arith.constant 0 : i32
    %sign3A_1948 = arith.cmpi sgt, %jit3A_1938, %sign3A_1947 : i32
    %sign3A_1949 = arith.extui %sign3A_1948 : i1 to i32
    %sign3A_1950 = arith.constant 0 : i32
    %sign3A_1951 = arith.cmpi slt, %jit3A_1938, %sign3A_1950 : i32
    %sign3A_1952 = arith.extui %sign3A_1951 : i1 to i32
    %sign3A_1953 = arith.subi %sign3A_1949, %sign3A_1952 : i32
    %ne3A_1954 = arith.cmpi ne, %sign3A_1946, %sign3A_1953 : i32
    %rem3A_1955 = arith.remsi %sub3A_1937, %jit3A_1938 : i32
    %ne3A_1956 = arith.constant 0 : i32
    %ne3A_1957 = arith.cmpi ne, %rem3A_1955, %ne3A_1956 : i32
    %and3A_1958 = arith.andi %ne3A_1954, %ne3A_1957 : i1
    %sub3A_1959 = arith.constant 1 : i32
    %sub3A_1960 = arith.subi %div3A_1939, %sub3A_1959 : i32
    %select_n3A_1961 = arith.select %and3A_1958, %sub3A_1960, %div3A_1939 : i32
    %dma_start3A_1962 = arith.constant 0 : i32
    %dma_start3A_1963 = arith.constant 0 : i32
    %dma_start3A_1964 = tpu.memref_slice %arg4[%add3A_1935, %dma_start3A_1962, %dma_start3A_1963] : memref<2048x1024x128xf32, #tpu.memory_space<hbm>> -> memref<1x1024x128xf32, #tpu.memory_space<hbm>>
    %dma_start3A_1965 = tpu.memref_squeeze %dma_start3A_1964 : memref<1x1024x128xf32, #tpu.memory_space<hbm>> -> memref<1024x128xf32, #tpu.memory_space<hbm>>
    %dma_start3A_1966 = arith.constant 0 : i32
    %dma_start3A_1967 = tpu.memref_slice %arg5[%select_n3A_1961, %dma_start3A_1966] : memref<2048x128xf32, #tpu.memory_space<vmem_shared>> -> memref<1024x128xf32, #tpu.memory_space<vmem_shared>>
    tpu.enqueue_dma source(%dma_start3A_1967 : memref<1024x128xf32, #tpu.memory_space<vmem_shared>>) target(%dma_start3A_1965 : memref<1024x128xf32, #tpu.memory_space<hbm>>) target_semaphore(%arg7 : memref<!tpu.dma_semaphore, #tpu.memory_space<semaphore_mem>>)
    %add3A_1968 = arith.constant 58 : i32
    %add3A_1969 = arith.addi %mul3A_4, %add3A_1968 : i32
    %sub3A_1970 = arith.constant 2047 : i32
    %sub3A_1971 = arith.subi %sub3A_1970, %add3A_1969 : i32
    %jit3A_1972 = arith.constant 2 : i32
    %div3A_1973 = arith.divsi %sub3A_1971, %jit3A_1972 : i32
    %sign3A_1974 = arith.constant 0 : i32
    %sign3A_1975 = arith.cmpi sgt, %sub3A_1971, %sign3A_1974 : i32
    %sign3A_1976 = arith.extui %sign3A_1975 : i1 to i32
    %sign3A_1977 = arith.constant 0 : i32
    %sign3A_1978 = arith.cmpi slt, %sub3A_1971, %sign3A_1977 : i32
    %sign3A_1979 = arith.extui %sign3A_1978 : i1 to i32
    %sign3A_1980 = arith.subi %sign3A_1976, %sign3A_1979 : i32
    %sign3A_1981 = arith.constant 0 : i32
    %sign3A_1982 = arith.cmpi sgt, %jit3A_1972, %sign3A_1981 : i32
    %sign3A_1983 = arith.extui %sign3A_1982 : i1 to i32
    %sign3A_1984 = arith.constant 0 : i32
    %sign3A_1985 = arith.cmpi slt, %jit3A_1972, %sign3A_1984 : i32
    %sign3A_1986 = arith.extui %sign3A_1985 : i1 to i32
    %sign3A_1987 = arith.subi %sign3A_1983, %sign3A_1986 : i32
    %ne3A_1988 = arith.cmpi ne, %sign3A_1980, %sign3A_1987 : i32
    %rem3A_1989 = arith.remsi %sub3A_1971, %jit3A_1972 : i32
    %ne3A_1990 = arith.constant 0 : i32
    %ne3A_1991 = arith.cmpi ne, %rem3A_1989, %ne3A_1990 : i32
    %and3A_1992 = arith.andi %ne3A_1988, %ne3A_1991 : i1
    %sub3A_1993 = arith.constant 1 : i32
    %sub3A_1994 = arith.subi %div3A_1973, %sub3A_1993 : i32
    %select_n3A_1995 = arith.select %and3A_1992, %sub3A_1994, %div3A_1973 : i32
    %dma_start3A_1996 = arith.constant 0 : i32
    %dma_start3A_1997 = arith.constant 0 : i32
    %dma_start3A_1998 = tpu.memref_slice %arg4[%add3A_1969, %dma_start3A_1996, %dma_start3A_1997] : memref<2048x1024x128xf32, #tpu.memory_space<hbm>> -> memref<1x1024x128xf32, #tpu.memory_space<hbm>>
    %dma_start3A_1999 = tpu.memref_squeeze %dma_start3A_1998 : memref<1x1024x128xf32, #tpu.memory_space<hbm>> -> memref<1024x128xf32, #tpu.memory_space<hbm>>
    %dma_start3A_2000 = arith.constant 0 : i32
    %dma_start3A_2001 = tpu.memref_slice %arg6[%select_n3A_1995, %dma_start3A_2000] : memref<2048x128xf32, #tpu.memory_space<vmem_shared>> -> memref<1024x128xf32, #tpu.memory_space<vmem_shared>>
    tpu.enqueue_dma source(%dma_start3A_2001 : memref<1024x128xf32, #tpu.memory_space<vmem_shared>>) target(%dma_start3A_1999 : memref<1024x128xf32, #tpu.memory_space<hbm>>) target_semaphore(%arg7 : memref<!tpu.dma_semaphore, #tpu.memory_space<semaphore_mem>>)
    %add3A_2002 = arith.constant 59 : i32
    %add3A_2003 = arith.addi %mul3A_4, %add3A_2002 : i32
    %sub3A_2004 = arith.constant 2047 : i32
    %sub3A_2005 = arith.subi %sub3A_2004, %add3A_2003 : i32
    %jit3A_2006 = arith.constant 2 : i32
    %div3A_2007 = arith.divsi %sub3A_2005, %jit3A_2006 : i32
    %sign3A_2008 = arith.constant 0 : i32
    %sign3A_2009 = arith.cmpi sgt, %sub3A_2005, %sign3A_2008 : i32
    %sign3A_2010 = arith.extui %sign3A_2009 : i1 to i32
    %sign3A_2011 = arith.constant 0 : i32
    %sign3A_2012 = arith.cmpi slt, %sub3A_2005, %sign3A_2011 : i32
    %sign3A_2013 = arith.extui %sign3A_2012 : i1 to i32
    %sign3A_2014 = arith.subi %sign3A_2010, %sign3A_2013 : i32
    %sign3A_2015 = arith.constant 0 : i32
    %sign3A_2016 = arith.cmpi sgt, %jit3A_2006, %sign3A_2015 : i32
    %sign3A_2017 = arith.extui %sign3A_2016 : i1 to i32
    %sign3A_2018 = arith.constant 0 : i32
    %sign3A_2019 = arith.cmpi slt, %jit3A_2006, %sign3A_2018 : i32
    %sign3A_2020 = arith.extui %sign3A_2019 : i1 to i32
    %sign3A_2021 = arith.subi %sign3A_2017, %sign3A_2020 : i32
    %ne3A_2022 = arith.cmpi ne, %sign3A_2014, %sign3A_2021 : i32
    %rem3A_2023 = arith.remsi %sub3A_2005, %jit3A_2006 : i32
    %ne3A_2024 = arith.constant 0 : i32
    %ne3A_2025 = arith.cmpi ne, %rem3A_2023, %ne3A_2024 : i32
    %and3A_2026 = arith.andi %ne3A_2022, %ne3A_2025 : i1
    %sub3A_2027 = arith.constant 1 : i32
    %sub3A_2028 = arith.subi %div3A_2007, %sub3A_2027 : i32
    %select_n3A_2029 = arith.select %and3A_2026, %sub3A_2028, %div3A_2007 : i32
    %dma_start3A_2030 = arith.constant 0 : i32
    %dma_start3A_2031 = arith.constant 0 : i32
    %dma_start3A_2032 = tpu.memref_slice %arg4[%add3A_2003, %dma_start3A_2030, %dma_start3A_2031] : memref<2048x1024x128xf32, #tpu.memory_space<hbm>> -> memref<1x1024x128xf32, #tpu.memory_space<hbm>>
    %dma_start3A_2033 = tpu.memref_squeeze %dma_start3A_2032 : memref<1x1024x128xf32, #tpu.memory_space<hbm>> -> memref<1024x128xf32, #tpu.memory_space<hbm>>
    %dma_start3A_2034 = arith.constant 0 : i32
    %dma_start3A_2035 = tpu.memref_slice %arg5[%select_n3A_2029, %dma_start3A_2034] : memref<2048x128xf32, #tpu.memory_space<vmem_shared>> -> memref<1024x128xf32, #tpu.memory_space<vmem_shared>>
    tpu.enqueue_dma source(%dma_start3A_2035 : memref<1024x128xf32, #tpu.memory_space<vmem_shared>>) target(%dma_start3A_2033 : memref<1024x128xf32, #tpu.memory_space<hbm>>) target_semaphore(%arg7 : memref<!tpu.dma_semaphore, #tpu.memory_space<semaphore_mem>>)
    %add3A_2036 = arith.constant 60 : i32
    %add3A_2037 = arith.addi %mul3A_4, %add3A_2036 : i32
    %sub3A_2038 = arith.constant 2047 : i32
    %sub3A_2039 = arith.subi %sub3A_2038, %add3A_2037 : i32
    %jit3A_2040 = arith.constant 2 : i32
    %div3A_2041 = arith.divsi %sub3A_2039, %jit3A_2040 : i32
    %sign3A_2042 = arith.constant 0 : i32
    %sign3A_2043 = arith.cmpi sgt, %sub3A_2039, %sign3A_2042 : i32
    %sign3A_2044 = arith.extui %sign3A_2043 : i1 to i32
    %sign3A_2045 = arith.constant 0 : i32
    %sign3A_2046 = arith.cmpi slt, %sub3A_2039, %sign3A_2045 : i32
    %sign3A_2047 = arith.extui %sign3A_2046 : i1 to i32
    %sign3A_2048 = arith.subi %sign3A_2044, %sign3A_2047 : i32
    %sign3A_2049 = arith.constant 0 : i32
    %sign3A_2050 = arith.cmpi sgt, %jit3A_2040, %sign3A_2049 : i32
    %sign3A_2051 = arith.extui %sign3A_2050 : i1 to i32
    %sign3A_2052 = arith.constant 0 : i32
    %sign3A_2053 = arith.cmpi slt, %jit3A_2040, %sign3A_2052 : i32
    %sign3A_2054 = arith.extui %sign3A_2053 : i1 to i32
    %sign3A_2055 = arith.subi %sign3A_2051, %sign3A_2054 : i32
    %ne3A_2056 = arith.cmpi ne, %sign3A_2048, %sign3A_2055 : i32
    %rem3A_2057 = arith.remsi %sub3A_2039, %jit3A_2040 : i32
    %ne3A_2058 = arith.constant 0 : i32
    %ne3A_2059 = arith.cmpi ne, %rem3A_2057, %ne3A_2058 : i32
    %and3A_2060 = arith.andi %ne3A_2056, %ne3A_2059 : i1
    %sub3A_2061 = arith.constant 1 : i32
    %sub3A_2062 = arith.subi %div3A_2041, %sub3A_2061 : i32
    %select_n3A_2063 = arith.select %and3A_2060, %sub3A_2062, %div3A_2041 : i32
    %dma_start3A_2064 = arith.constant 0 : i32
    %dma_start3A_2065 = arith.constant 0 : i32
    %dma_start3A_2066 = tpu.memref_slice %arg4[%add3A_2037, %dma_start3A_2064, %dma_start3A_2065] : memref<2048x1024x128xf32, #tpu.memory_space<hbm>> -> memref<1x1024x128xf32, #tpu.memory_space<hbm>>
    %dma_start3A_2067 = tpu.memref_squeeze %dma_start3A_2066 : memref<1x1024x128xf32, #tpu.memory_space<hbm>> -> memref<1024x128xf32, #tpu.memory_space<hbm>>
    %dma_start3A_2068 = arith.constant 0 : i32
    %dma_start3A_2069 = tpu.memref_slice %arg6[%select_n3A_2063, %dma_start3A_2068] : memref<2048x128xf32, #tpu.memory_space<vmem_shared>> -> memref<1024x128xf32, #tpu.memory_space<vmem_shared>>
    tpu.enqueue_dma source(%dma_start3A_2069 : memref<1024x128xf32, #tpu.memory_space<vmem_shared>>) target(%dma_start3A_2067 : memref<1024x128xf32, #tpu.memory_space<hbm>>) target_semaphore(%arg7 : memref<!tpu.dma_semaphore, #tpu.memory_space<semaphore_mem>>)
    %add3A_2070 = arith.constant 61 : i32
    %add3A_2071 = arith.addi %mul3A_4, %add3A_2070 : i32
    %sub3A_2072 = arith.constant 2047 : i32
    %sub3A_2073 = arith.subi %sub3A_2072, %add3A_2071 : i32
    %jit3A_2074 = arith.constant 2 : i32
    %div3A_2075 = arith.divsi %sub3A_2073, %jit3A_2074 : i32
    %sign3A_2076 = arith.constant 0 : i32
    %sign3A_2077 = arith.cmpi sgt, %sub3A_2073, %sign3A_2076 : i32
    %sign3A_2078 = arith.extui %sign3A_2077 : i1 to i32
    %sign3A_2079 = arith.constant 0 : i32
    %sign3A_2080 = arith.cmpi slt, %sub3A_2073, %sign3A_2079 : i32
    %sign3A_2081 = arith.extui %sign3A_2080 : i1 to i32
    %sign3A_2082 = arith.subi %sign3A_2078, %sign3A_2081 : i32
    %sign3A_2083 = arith.constant 0 : i32
    %sign3A_2084 = arith.cmpi sgt, %jit3A_2074, %sign3A_2083 : i32
    %sign3A_2085 = arith.extui %sign3A_2084 : i1 to i32
    %sign3A_2086 = arith.constant 0 : i32
    %sign3A_2087 = arith.cmpi slt, %jit3A_2074, %sign3A_2086 : i32
    %sign3A_2088 = arith.extui %sign3A_2087 : i1 to i32
    %sign3A_2089 = arith.subi %sign3A_2085, %sign3A_2088 : i32
    %ne3A_2090 = arith.cmpi ne, %sign3A_2082, %sign3A_2089 : i32
    %rem3A_2091 = arith.remsi %sub3A_2073, %jit3A_2074 : i32
    %ne3A_2092 = arith.constant 0 : i32
    %ne3A_2093 = arith.cmpi ne, %rem3A_2091, %ne3A_2092 : i32
    %and3A_2094 = arith.andi %ne3A_2090, %ne3A_2093 : i1
    %sub3A_2095 = arith.constant 1 : i32
    %sub3A_2096 = arith.subi %div3A_2075, %sub3A_2095 : i32
    %select_n3A_2097 = arith.select %and3A_2094, %sub3A_2096, %div3A_2075 : i32
    %dma_start3A_2098 = arith.constant 0 : i32
    %dma_start3A_2099 = arith.constant 0 : i32
    %dma_start3A_2100 = tpu.memref_slice %arg4[%add3A_2071, %dma_start3A_2098, %dma_start3A_2099] : memref<2048x1024x128xf32, #tpu.memory_space<hbm>> -> memref<1x1024x128xf32, #tpu.memory_space<hbm>>
    %dma_start3A_2101 = tpu.memref_squeeze %dma_start3A_2100 : memref<1x1024x128xf32, #tpu.memory_space<hbm>> -> memref<1024x128xf32, #tpu.memory_space<hbm>>
    %dma_start3A_2102 = arith.constant 0 : i32
    %dma_start3A_2103 = tpu.memref_slice %arg5[%select_n3A_2097, %dma_start3A_2102] : memref<2048x128xf32, #tpu.memory_space<vmem_shared>> -> memref<1024x128xf32, #tpu.memory_space<vmem_shared>>
    tpu.enqueue_dma source(%dma_start3A_2103 : memref<1024x128xf32, #tpu.memory_space<vmem_shared>>) target(%dma_start3A_2101 : memref<1024x128xf32, #tpu.memory_space<hbm>>) target_semaphore(%arg7 : memref<!tpu.dma_semaphore, #tpu.memory_space<semaphore_mem>>)
    %add3A_2104 = arith.constant 62 : i32
    %add3A_2105 = arith.addi %mul3A_4, %add3A_2104 : i32
    %sub3A_2106 = arith.constant 2047 : i32
    %sub3A_2107 = arith.subi %sub3A_2106, %add3A_2105 : i32
    %jit3A_2108 = arith.constant 2 : i32
    %div3A_2109 = arith.divsi %sub3A_2107, %jit3A_2108 : i32
    %sign3A_2110 = arith.constant 0 : i32
    %sign3A_2111 = arith.cmpi sgt, %sub3A_2107, %sign3A_2110 : i32
    %sign3A_2112 = arith.extui %sign3A_2111 : i1 to i32
    %sign3A_2113 = arith.constant 0 : i32
    %sign3A_2114 = arith.cmpi slt, %sub3A_2107, %sign3A_2113 : i32
    %sign3A_2115 = arith.extui %sign3A_2114 : i1 to i32
    %sign3A_2116 = arith.subi %sign3A_2112, %sign3A_2115 : i32
    %sign3A_2117 = arith.constant 0 : i32
    %sign3A_2118 = arith.cmpi sgt, %jit3A_2108, %sign3A_2117 : i32
    %sign3A_2119 = arith.extui %sign3A_2118 : i1 to i32
    %sign3A_2120 = arith.constant 0 : i32
    %sign3A_2121 = arith.cmpi slt, %jit3A_2108, %sign3A_2120 : i32
    %sign3A_2122 = arith.extui %sign3A_2121 : i1 to i32
    %sign3A_2123 = arith.subi %sign3A_2119, %sign3A_2122 : i32
    %ne3A_2124 = arith.cmpi ne, %sign3A_2116, %sign3A_2123 : i32
    %rem3A_2125 = arith.remsi %sub3A_2107, %jit3A_2108 : i32
    %ne3A_2126 = arith.constant 0 : i32
    %ne3A_2127 = arith.cmpi ne, %rem3A_2125, %ne3A_2126 : i32
    %and3A_2128 = arith.andi %ne3A_2124, %ne3A_2127 : i1
    %sub3A_2129 = arith.constant 1 : i32
    %sub3A_2130 = arith.subi %div3A_2109, %sub3A_2129 : i32
    %select_n3A_2131 = arith.select %and3A_2128, %sub3A_2130, %div3A_2109 : i32
    %dma_start3A_2132 = arith.constant 0 : i32
    %dma_start3A_2133 = arith.constant 0 : i32
    %dma_start3A_2134 = tpu.memref_slice %arg4[%add3A_2105, %dma_start3A_2132, %dma_start3A_2133] : memref<2048x1024x128xf32, #tpu.memory_space<hbm>> -> memref<1x1024x128xf32, #tpu.memory_space<hbm>>
    %dma_start3A_2135 = tpu.memref_squeeze %dma_start3A_2134 : memref<1x1024x128xf32, #tpu.memory_space<hbm>> -> memref<1024x128xf32, #tpu.memory_space<hbm>>
    %dma_start3A_2136 = arith.constant 0 : i32
    %dma_start3A_2137 = tpu.memref_slice %arg6[%select_n3A_2131, %dma_start3A_2136] : memref<2048x128xf32, #tpu.memory_space<vmem_shared>> -> memref<1024x128xf32, #tpu.memory_space<vmem_shared>>
    tpu.enqueue_dma source(%dma_start3A_2137 : memref<1024x128xf32, #tpu.memory_space<vmem_shared>>) target(%dma_start3A_2135 : memref<1024x128xf32, #tpu.memory_space<hbm>>) target_semaphore(%arg7 : memref<!tpu.dma_semaphore, #tpu.memory_space<semaphore_mem>>)
    %add3A_2138 = arith.constant 63 : i32
    %add3A_2139 = arith.addi %mul3A_4, %add3A_2138 : i32
    %sub3A_2140 = arith.constant 2047 : i32
    %sub3A_2141 = arith.subi %sub3A_2140, %add3A_2139 : i32
    %jit3A_2142 = arith.constant 2 : i32
    %div3A_2143 = arith.divsi %sub3A_2141, %jit3A_2142 : i32
    %sign3A_2144 = arith.constant 0 : i32
    %sign3A_2145 = arith.cmpi sgt, %sub3A_2141, %sign3A_2144 : i32
    %sign3A_2146 = arith.extui %sign3A_2145 : i1 to i32
    %sign3A_2147 = arith.constant 0 : i32
    %sign3A_2148 = arith.cmpi slt, %sub3A_2141, %sign3A_2147 : i32
    %sign3A_2149 = arith.extui %sign3A_2148 : i1 to i32
    %sign3A_2150 = arith.subi %sign3A_2146, %sign3A_2149 : i32
    %sign3A_2151 = arith.constant 0 : i32
    %sign3A_2152 = arith.cmpi sgt, %jit3A_2142, %sign3A_2151 : i32
    %sign3A_2153 = arith.extui %sign3A_2152 : i1 to i32
    %sign3A_2154 = arith.constant 0 : i32
    %sign3A_2155 = arith.cmpi slt, %jit3A_2142, %sign3A_2154 : i32
    %sign3A_2156 = arith.extui %sign3A_2155 : i1 to i32
    %sign3A_2157 = arith.subi %sign3A_2153, %sign3A_2156 : i32
    %ne3A_2158 = arith.cmpi ne, %sign3A_2150, %sign3A_2157 : i32
    %rem3A_2159 = arith.remsi %sub3A_2141, %jit3A_2142 : i32
    %ne3A_2160 = arith.constant 0 : i32
    %ne3A_2161 = arith.cmpi ne, %rem3A_2159, %ne3A_2160 : i32
    %and3A_2162 = arith.andi %ne3A_2158, %ne3A_2161 : i1
    %sub3A_2163 = arith.constant 1 : i32
    %sub3A_2164 = arith.subi %div3A_2143, %sub3A_2163 : i32
    %select_n3A_2165 = arith.select %and3A_2162, %sub3A_2164, %div3A_2143 : i32
    %dma_start3A_2166 = arith.constant 0 : i32
    %dma_start3A_2167 = arith.constant 0 : i32
    %dma_start3A_2168 = tpu.memref_slice %arg4[%add3A_2139, %dma_start3A_2166, %dma_start3A_2167] : memref<2048x1024x128xf32, #tpu.memory_space<hbm>> -> memref<1x1024x128xf32, #tpu.memory_space<hbm>>
    %dma_start3A_2169 = tpu.memref_squeeze %dma_start3A_2168 : memref<1x1024x128xf32, #tpu.memory_space<hbm>> -> memref<1024x128xf32, #tpu.memory_space<hbm>>
    %dma_start3A_2170 = arith.constant 0 : i32
    %dma_start3A_2171 = tpu.memref_slice %arg5[%select_n3A_2165, %dma_start3A_2170] : memref<2048x128xf32, #tpu.memory_space<vmem_shared>> -> memref<1024x128xf32, #tpu.memory_space<vmem_shared>>
    tpu.enqueue_dma source(%dma_start3A_2171 : memref<1024x128xf32, #tpu.memory_space<vmem_shared>>) target(%dma_start3A_2169 : memref<1024x128xf32, #tpu.memory_space<hbm>>) target_semaphore(%arg7 : memref<!tpu.dma_semaphore, #tpu.memory_space<semaphore_mem>>)
    %dma_wait3A = arith.constant 0 : i32
    %dma_wait3A_2172 = arith.constant 0 : i32
    %dma_wait3A_2173 = tpu.memref_slice %arg4[%add3A_6, %dma_wait3A, %dma_wait3A_2172] : memref<2048x1024x128xf32, #tpu.memory_space<hbm>> -> memref<1x1024x128xf32, #tpu.memory_space<hbm>>
    %dma_wait3A_2174 = tpu.memref_squeeze %dma_wait3A_2173 : memref<1x1024x128xf32, #tpu.memory_space<hbm>> -> memref<1024x128xf32, #tpu.memory_space<hbm>>
    %dma_wait3A_2175 = arith.constant 0 : i32
    %dma_wait3A_2176 = tpu.memref_slice %arg6[%select_n3A, %dma_wait3A_2175] : memref<2048x128xf32, #tpu.memory_space<vmem_shared>> -> memref<1024x128xf32, #tpu.memory_space<vmem_shared>>
    tpu.wait_dma2 semaphore(%arg7 : memref<!tpu.dma_semaphore, #tpu.memory_space<semaphore_mem>>) src(%dma_wait3A_2176 : memref<1024x128xf32, #tpu.memory_space<vmem_shared>>) dst(%dma_wait3A_2174 : memref<1024x128xf32, #tpu.memory_space<hbm>>)
    %dma_wait3A_2177 = arith.constant 0 : i32
    %dma_wait3A_2178 = arith.constant 0 : i32
    %dma_wait3A_2179 = tpu.memref_slice %arg4[%add3A_31, %dma_wait3A_2177, %dma_wait3A_2178] : memref<2048x1024x128xf32, #tpu.memory_space<hbm>> -> memref<1x1024x128xf32, #tpu.memory_space<hbm>>
    %dma_wait3A_2180 = tpu.memref_squeeze %dma_wait3A_2179 : memref<1x1024x128xf32, #tpu.memory_space<hbm>> -> memref<1024x128xf32, #tpu.memory_space<hbm>>
    %dma_wait3A_2181 = arith.constant 0 : i32
    %dma_wait3A_2182 = tpu.memref_slice %arg5[%select_n3A_57, %dma_wait3A_2181] : memref<2048x128xf32, #tpu.memory_space<vmem_shared>> -> memref<1024x128xf32, #tpu.memory_space<vmem_shared>>
    tpu.wait_dma2 semaphore(%arg7 : memref<!tpu.dma_semaphore, #tpu.memory_space<semaphore_mem>>) src(%dma_wait3A_2182 : memref<1024x128xf32, #tpu.memory_space<vmem_shared>>) dst(%dma_wait3A_2180 : memref<1024x128xf32, #tpu.memory_space<hbm>>)
    %dma_wait3A_2183 = arith.constant 0 : i32
    %dma_wait3A_2184 = arith.constant 0 : i32
    %dma_wait3A_2185 = tpu.memref_slice %arg4[%add3A_65, %dma_wait3A_2183, %dma_wait3A_2184] : memref<2048x1024x128xf32, #tpu.memory_space<hbm>> -> memref<1x1024x128xf32, #tpu.memory_space<hbm>>
    %dma_wait3A_2186 = tpu.memref_squeeze %dma_wait3A_2185 : memref<1x1024x128xf32, #tpu.memory_space<hbm>> -> memref<1024x128xf32, #tpu.memory_space<hbm>>
    %dma_wait3A_2187 = arith.constant 0 : i32
    %dma_wait3A_2188 = tpu.memref_slice %arg6[%select_n3A_91, %dma_wait3A_2187] : memref<2048x128xf32, #tpu.memory_space<vmem_shared>> -> memref<1024x128xf32, #tpu.memory_space<vmem_shared>>
    tpu.wait_dma2 semaphore(%arg7 : memref<!tpu.dma_semaphore, #tpu.memory_space<semaphore_mem>>) src(%dma_wait3A_2188 : memref<1024x128xf32, #tpu.memory_space<vmem_shared>>) dst(%dma_wait3A_2186 : memref<1024x128xf32, #tpu.memory_space<hbm>>)
    %dma_wait3A_2189 = arith.constant 0 : i32
    %dma_wait3A_2190 = arith.constant 0 : i32
    %dma_wait3A_2191 = tpu.memref_slice %arg4[%add3A_99, %dma_wait3A_2189, %dma_wait3A_2190] : memref<2048x1024x128xf32, #tpu.memory_space<hbm>> -> memref<1x1024x128xf32, #tpu.memory_space<hbm>>
    %dma_wait3A_2192 = tpu.memref_squeeze %dma_wait3A_2191 : memref<1x1024x128xf32, #tpu.memory_space<hbm>> -> memref<1024x128xf32, #tpu.memory_space<hbm>>
    %dma_wait3A_2193 = arith.constant 0 : i32
    %dma_wait3A_2194 = tpu.memref_slice %arg5[%select_n3A_125, %dma_wait3A_2193] : memref<2048x128xf32, #tpu.memory_space<vmem_shared>> -> memref<1024x128xf32, #tpu.memory_space<vmem_shared>>
    tpu.wait_dma2 semaphore(%arg7 : memref<!tpu.dma_semaphore, #tpu.memory_space<semaphore_mem>>) src(%dma_wait3A_2194 : memref<1024x128xf32, #tpu.memory_space<vmem_shared>>) dst(%dma_wait3A_2192 : memref<1024x128xf32, #tpu.memory_space<hbm>>)
    %dma_wait3A_2195 = arith.constant 0 : i32
    %dma_wait3A_2196 = arith.constant 0 : i32
    %dma_wait3A_2197 = tpu.memref_slice %arg4[%add3A_133, %dma_wait3A_2195, %dma_wait3A_2196] : memref<2048x1024x128xf32, #tpu.memory_space<hbm>> -> memref<1x1024x128xf32, #tpu.memory_space<hbm>>
    %dma_wait3A_2198 = tpu.memref_squeeze %dma_wait3A_2197 : memref<1x1024x128xf32, #tpu.memory_space<hbm>> -> memref<1024x128xf32, #tpu.memory_space<hbm>>
    %dma_wait3A_2199 = arith.constant 0 : i32
    %dma_wait3A_2200 = tpu.memref_slice %arg6[%select_n3A_159, %dma_wait3A_2199] : memref<2048x128xf32, #tpu.memory_space<vmem_shared>> -> memref<1024x128xf32, #tpu.memory_space<vmem_shared>>
    tpu.wait_dma2 semaphore(%arg7 : memref<!tpu.dma_semaphore, #tpu.memory_space<semaphore_mem>>) src(%dma_wait3A_2200 : memref<1024x128xf32, #tpu.memory_space<vmem_shared>>) dst(%dma_wait3A_2198 : memref<1024x128xf32, #tpu.memory_space<hbm>>)
    %dma_wait3A_2201 = arith.constant 0 : i32
    %dma_wait3A_2202 = arith.constant 0 : i32
    %dma_wait3A_2203 = tpu.memref_slice %arg4[%add3A_167, %dma_wait3A_2201, %dma_wait3A_2202] : memref<2048x1024x128xf32, #tpu.memory_space<hbm>> -> memref<1x1024x128xf32, #tpu.memory_space<hbm>>
    %dma_wait3A_2204 = tpu.memref_squeeze %dma_wait3A_2203 : memref<1x1024x128xf32, #tpu.memory_space<hbm>> -> memref<1024x128xf32, #tpu.memory_space<hbm>>
    %dma_wait3A_2205 = arith.constant 0 : i32
    %dma_wait3A_2206 = tpu.memref_slice %arg5[%select_n3A_193, %dma_wait3A_2205] : memref<2048x128xf32, #tpu.memory_space<vmem_shared>> -> memref<1024x128xf32, #tpu.memory_space<vmem_shared>>
    tpu.wait_dma2 semaphore(%arg7 : memref<!tpu.dma_semaphore, #tpu.memory_space<semaphore_mem>>) src(%dma_wait3A_2206 : memref<1024x128xf32, #tpu.memory_space<vmem_shared>>) dst(%dma_wait3A_2204 : memref<1024x128xf32, #tpu.memory_space<hbm>>)
    %dma_wait3A_2207 = arith.constant 0 : i32
    %dma_wait3A_2208 = arith.constant 0 : i32
    %dma_wait3A_2209 = tpu.memref_slice %arg4[%add3A_201, %dma_wait3A_2207, %dma_wait3A_2208] : memref<2048x1024x128xf32, #tpu.memory_space<hbm>> -> memref<1x1024x128xf32, #tpu.memory_space<hbm>>
    %dma_wait3A_2210 = tpu.memref_squeeze %dma_wait3A_2209 : memref<1x1024x128xf32, #tpu.memory_space<hbm>> -> memref<1024x128xf32, #tpu.memory_space<hbm>>
    %dma_wait3A_2211 = arith.constant 0 : i32
    %dma_wait3A_2212 = tpu.memref_slice %arg6[%select_n3A_227, %dma_wait3A_2211] : memref<2048x128xf32, #tpu.memory_space<vmem_shared>> -> memref<1024x128xf32, #tpu.memory_space<vmem_shared>>
    tpu.wait_dma2 semaphore(%arg7 : memref<!tpu.dma_semaphore, #tpu.memory_space<semaphore_mem>>) src(%dma_wait3A_2212 : memref<1024x128xf32, #tpu.memory_space<vmem_shared>>) dst(%dma_wait3A_2210 : memref<1024x128xf32, #tpu.memory_space<hbm>>)
    %dma_wait3A_2213 = arith.constant 0 : i32
    %dma_wait3A_2214 = arith.constant 0 : i32
    %dma_wait3A_2215 = tpu.memref_slice %arg4[%add3A_235, %dma_wait3A_2213, %dma_wait3A_2214] : memref<2048x1024x128xf32, #tpu.memory_space<hbm>> -> memref<1x1024x128xf32, #tpu.memory_space<hbm>>
    %dma_wait3A_2216 = tpu.memref_squeeze %dma_wait3A_2215 : memref<1x1024x128xf32, #tpu.memory_space<hbm>> -> memref<1024x128xf32, #tpu.memory_space<hbm>>
    %dma_wait3A_2217 = arith.constant 0 : i32
    %dma_wait3A_2218 = tpu.memref_slice %arg5[%select_n3A_261, %dma_wait3A_2217] : memref<2048x128xf32, #tpu.memory_space<vmem_shared>> -> memref<1024x128xf32, #tpu.memory_space<vmem_shared>>
    tpu.wait_dma2 semaphore(%arg7 : memref<!tpu.dma_semaphore, #tpu.memory_space<semaphore_mem>>) src(%dma_wait3A_2218 : memref<1024x128xf32, #tpu.memory_space<vmem_shared>>) dst(%dma_wait3A_2216 : memref<1024x128xf32, #tpu.memory_space<hbm>>)
    %dma_wait3A_2219 = arith.constant 0 : i32
    %dma_wait3A_2220 = arith.constant 0 : i32
    %dma_wait3A_2221 = tpu.memref_slice %arg4[%add3A_269, %dma_wait3A_2219, %dma_wait3A_2220] : memref<2048x1024x128xf32, #tpu.memory_space<hbm>> -> memref<1x1024x128xf32, #tpu.memory_space<hbm>>
    %dma_wait3A_2222 = tpu.memref_squeeze %dma_wait3A_2221 : memref<1x1024x128xf32, #tpu.memory_space<hbm>> -> memref<1024x128xf32, #tpu.memory_space<hbm>>
    %dma_wait3A_2223 = arith.constant 0 : i32
    %dma_wait3A_2224 = tpu.memref_slice %arg6[%select_n3A_295, %dma_wait3A_2223] : memref<2048x128xf32, #tpu.memory_space<vmem_shared>> -> memref<1024x128xf32, #tpu.memory_space<vmem_shared>>
    tpu.wait_dma2 semaphore(%arg7 : memref<!tpu.dma_semaphore, #tpu.memory_space<semaphore_mem>>) src(%dma_wait3A_2224 : memref<1024x128xf32, #tpu.memory_space<vmem_shared>>) dst(%dma_wait3A_2222 : memref<1024x128xf32, #tpu.memory_space<hbm>>)
    %dma_wait3A_2225 = arith.constant 0 : i32
    %dma_wait3A_2226 = arith.constant 0 : i32
    %dma_wait3A_2227 = tpu.memref_slice %arg4[%add3A_303, %dma_wait3A_2225, %dma_wait3A_2226] : memref<2048x1024x128xf32, #tpu.memory_space<hbm>> -> memref<1x1024x128xf32, #tpu.memory_space<hbm>>
    %dma_wait3A_2228 = tpu.memref_squeeze %dma_wait3A_2227 : memref<1x1024x128xf32, #tpu.memory_space<hbm>> -> memref<1024x128xf32, #tpu.memory_space<hbm>>
    %dma_wait3A_2229 = arith.constant 0 : i32
    %dma_wait3A_2230 = tpu.memref_slice %arg5[%select_n3A_329, %dma_wait3A_2229] : memref<2048x128xf32, #tpu.memory_space<vmem_shared>> -> memref<1024x128xf32, #tpu.memory_space<vmem_shared>>
    tpu.wait_dma2 semaphore(%arg7 : memref<!tpu.dma_semaphore, #tpu.memory_space<semaphore_mem>>) src(%dma_wait3A_2230 : memref<1024x128xf32, #tpu.memory_space<vmem_shared>>) dst(%dma_wait3A_2228 : memref<1024x128xf32, #tpu.memory_space<hbm>>)
    %dma_wait3A_2231 = arith.constant 0 : i32
    %dma_wait3A_2232 = arith.constant 0 : i32
    %dma_wait3A_2233 = tpu.memref_slice %arg4[%add3A_337, %dma_wait3A_2231, %dma_wait3A_2232] : memref<2048x1024x128xf32, #tpu.memory_space<hbm>> -> memref<1x1024x128xf32, #tpu.memory_space<hbm>>
    %dma_wait3A_2234 = tpu.memref_squeeze %dma_wait3A_2233 : memref<1x1024x128xf32, #tpu.memory_space<hbm>> -> memref<1024x128xf32, #tpu.memory_space<hbm>>
    %dma_wait3A_2235 = arith.constant 0 : i32
    %dma_wait3A_2236 = tpu.memref_slice %arg6[%select_n3A_363, %dma_wait3A_2235] : memref<2048x128xf32, #tpu.memory_space<vmem_shared>> -> memref<1024x128xf32, #tpu.memory_space<vmem_shared>>
    tpu.wait_dma2 semaphore(%arg7 : memref<!tpu.dma_semaphore, #tpu.memory_space<semaphore_mem>>) src(%dma_wait3A_2236 : memref<1024x128xf32, #tpu.memory_space<vmem_shared>>) dst(%dma_wait3A_2234 : memref<1024x128xf32, #tpu.memory_space<hbm>>)
    %dma_wait3A_2237 = arith.constant 0 : i32
    %dma_wait3A_2238 = arith.constant 0 : i32
    %dma_wait3A_2239 = tpu.memref_slice %arg4[%add3A_371, %dma_wait3A_2237, %dma_wait3A_2238] : memref<2048x1024x128xf32, #tpu.memory_space<hbm>> -> memref<1x1024x128xf32, #tpu.memory_space<hbm>>
    %dma_wait3A_2240 = tpu.memref_squeeze %dma_wait3A_2239 : memref<1x1024x128xf32, #tpu.memory_space<hbm>> -> memref<1024x128xf32, #tpu.memory_space<hbm>>
    %dma_wait3A_2241 = arith.constant 0 : i32
    %dma_wait3A_2242 = tpu.memref_slice %arg5[%select_n3A_397, %dma_wait3A_2241] : memref<2048x128xf32, #tpu.memory_space<vmem_shared>> -> memref<1024x128xf32, #tpu.memory_space<vmem_shared>>
    tpu.wait_dma2 semaphore(%arg7 : memref<!tpu.dma_semaphore, #tpu.memory_space<semaphore_mem>>) src(%dma_wait3A_2242 : memref<1024x128xf32, #tpu.memory_space<vmem_shared>>) dst(%dma_wait3A_2240 : memref<1024x128xf32, #tpu.memory_space<hbm>>)
    %dma_wait3A_2243 = arith.constant 0 : i32
    %dma_wait3A_2244 = arith.constant 0 : i32
    %dma_wait3A_2245 = tpu.memref_slice %arg4[%add3A_405, %dma_wait3A_2243, %dma_wait3A_2244] : memref<2048x1024x128xf32, #tpu.memory_space<hbm>> -> memref<1x1024x128xf32, #tpu.memory_space<hbm>>
    %dma_wait3A_2246 = tpu.memref_squeeze %dma_wait3A_2245 : memref<1x1024x128xf32, #tpu.memory_space<hbm>> -> memref<1024x128xf32, #tpu.memory_space<hbm>>
    %dma_wait3A_2247 = arith.constant 0 : i32
    %dma_wait3A_2248 = tpu.memref_slice %arg6[%select_n3A_431, %dma_wait3A_2247] : memref<2048x128xf32, #tpu.memory_space<vmem_shared>> -> memref<1024x128xf32, #tpu.memory_space<vmem_shared>>
    tpu.wait_dma2 semaphore(%arg7 : memref<!tpu.dma_semaphore, #tpu.memory_space<semaphore_mem>>) src(%dma_wait3A_2248 : memref<1024x128xf32, #tpu.memory_space<vmem_shared>>) dst(%dma_wait3A_2246 : memref<1024x128xf32, #tpu.memory_space<hbm>>)
    %dma_wait3A_2249 = arith.constant 0 : i32
    %dma_wait3A_2250 = arith.constant 0 : i32
    %dma_wait3A_2251 = tpu.memref_slice %arg4[%add3A_439, %dma_wait3A_2249, %dma_wait3A_2250] : memref<2048x1024x128xf32, #tpu.memory_space<hbm>> -> memref<1x1024x128xf32, #tpu.memory_space<hbm>>
    %dma_wait3A_2252 = tpu.memref_squeeze %dma_wait3A_2251 : memref<1x1024x128xf32, #tpu.memory_space<hbm>> -> memref<1024x128xf32, #tpu.memory_space<hbm>>
    %dma_wait3A_2253 = arith.constant 0 : i32
    %dma_wait3A_2254 = tpu.memref_slice %arg5[%select_n3A_465, %dma_wait3A_2253] : memref<2048x128xf32, #tpu.memory_space<vmem_shared>> -> memref<1024x128xf32, #tpu.memory_space<vmem_shared>>
    tpu.wait_dma2 semaphore(%arg7 : memref<!tpu.dma_semaphore, #tpu.memory_space<semaphore_mem>>) src(%dma_wait3A_2254 : memref<1024x128xf32, #tpu.memory_space<vmem_shared>>) dst(%dma_wait3A_2252 : memref<1024x128xf32, #tpu.memory_space<hbm>>)
    %dma_wait3A_2255 = arith.constant 0 : i32
    %dma_wait3A_2256 = arith.constant 0 : i32
    %dma_wait3A_2257 = tpu.memref_slice %arg4[%add3A_473, %dma_wait3A_2255, %dma_wait3A_2256] : memref<2048x1024x128xf32, #tpu.memory_space<hbm>> -> memref<1x1024x128xf32, #tpu.memory_space<hbm>>
    %dma_wait3A_2258 = tpu.memref_squeeze %dma_wait3A_2257 : memref<1x1024x128xf32, #tpu.memory_space<hbm>> -> memref<1024x128xf32, #tpu.memory_space<hbm>>
    %dma_wait3A_2259 = arith.constant 0 : i32
    %dma_wait3A_2260 = tpu.memref_slice %arg6[%select_n3A_499, %dma_wait3A_2259] : memref<2048x128xf32, #tpu.memory_space<vmem_shared>> -> memref<1024x128xf32, #tpu.memory_space<vmem_shared>>
    tpu.wait_dma2 semaphore(%arg7 : memref<!tpu.dma_semaphore, #tpu.memory_space<semaphore_mem>>) src(%dma_wait3A_2260 : memref<1024x128xf32, #tpu.memory_space<vmem_shared>>) dst(%dma_wait3A_2258 : memref<1024x128xf32, #tpu.memory_space<hbm>>)
    %dma_wait3A_2261 = arith.constant 0 : i32
    %dma_wait3A_2262 = arith.constant 0 : i32
    %dma_wait3A_2263 = tpu.memref_slice %arg4[%add3A_507, %dma_wait3A_2261, %dma_wait3A_2262] : memref<2048x1024x128xf32, #tpu.memory_space<hbm>> -> memref<1x1024x128xf32, #tpu.memory_space<hbm>>
    %dma_wait3A_2264 = tpu.memref_squeeze %dma_wait3A_2263 : memref<1x1024x128xf32, #tpu.memory_space<hbm>> -> memref<1024x128xf32, #tpu.memory_space<hbm>>
    %dma_wait3A_2265 = arith.constant 0 : i32
    %dma_wait3A_2266 = tpu.memref_slice %arg5[%select_n3A_533, %dma_wait3A_2265] : memref<2048x128xf32, #tpu.memory_space<vmem_shared>> -> memref<1024x128xf32, #tpu.memory_space<vmem_shared>>
    tpu.wait_dma2 semaphore(%arg7 : memref<!tpu.dma_semaphore, #tpu.memory_space<semaphore_mem>>) src(%dma_wait3A_2266 : memref<1024x128xf32, #tpu.memory_space<vmem_shared>>) dst(%dma_wait3A_2264 : memref<1024x128xf32, #tpu.memory_space<hbm>>)
    %dma_wait3A_2267 = arith.constant 0 : i32
    %dma_wait3A_2268 = arith.constant 0 : i32
    %dma_wait3A_2269 = tpu.memref_slice %arg4[%add3A_541, %dma_wait3A_2267, %dma_wait3A_2268] : memref<2048x1024x128xf32, #tpu.memory_space<hbm>> -> memref<1x1024x128xf32, #tpu.memory_space<hbm>>
    %dma_wait3A_2270 = tpu.memref_squeeze %dma_wait3A_2269 : memref<1x1024x128xf32, #tpu.memory_space<hbm>> -> memref<1024x128xf32, #tpu.memory_space<hbm>>
    %dma_wait3A_2271 = arith.constant 0 : i32
    %dma_wait3A_2272 = tpu.memref_slice %arg6[%select_n3A_567, %dma_wait3A_2271] : memref<2048x128xf32, #tpu.memory_space<vmem_shared>> -> memref<1024x128xf32, #tpu.memory_space<vmem_shared>>
    tpu.wait_dma2 semaphore(%arg7 : memref<!tpu.dma_semaphore, #tpu.memory_space<semaphore_mem>>) src(%dma_wait3A_2272 : memref<1024x128xf32, #tpu.memory_space<vmem_shared>>) dst(%dma_wait3A_2270 : memref<1024x128xf32, #tpu.memory_space<hbm>>)
    %dma_wait3A_2273 = arith.constant 0 : i32
    %dma_wait3A_2274 = arith.constant 0 : i32
    %dma_wait3A_2275 = tpu.memref_slice %arg4[%add3A_575, %dma_wait3A_2273, %dma_wait3A_2274] : memref<2048x1024x128xf32, #tpu.memory_space<hbm>> -> memref<1x1024x128xf32, #tpu.memory_space<hbm>>
    %dma_wait3A_2276 = tpu.memref_squeeze %dma_wait3A_2275 : memref<1x1024x128xf32, #tpu.memory_space<hbm>> -> memref<1024x128xf32, #tpu.memory_space<hbm>>
    %dma_wait3A_2277 = arith.constant 0 : i32
    %dma_wait3A_2278 = tpu.memref_slice %arg5[%select_n3A_601, %dma_wait3A_2277] : memref<2048x128xf32, #tpu.memory_space<vmem_shared>> -> memref<1024x128xf32, #tpu.memory_space<vmem_shared>>
    tpu.wait_dma2 semaphore(%arg7 : memref<!tpu.dma_semaphore, #tpu.memory_space<semaphore_mem>>) src(%dma_wait3A_2278 : memref<1024x128xf32, #tpu.memory_space<vmem_shared>>) dst(%dma_wait3A_2276 : memref<1024x128xf32, #tpu.memory_space<hbm>>)
    %dma_wait3A_2279 = arith.constant 0 : i32
    %dma_wait3A_2280 = arith.constant 0 : i32
    %dma_wait3A_2281 = tpu.memref_slice %arg4[%add3A_609, %dma_wait3A_2279, %dma_wait3A_2280] : memref<2048x1024x128xf32, #tpu.memory_space<hbm>> -> memref<1x1024x128xf32, #tpu.memory_space<hbm>>
    %dma_wait3A_2282 = tpu.memref_squeeze %dma_wait3A_2281 : memref<1x1024x128xf32, #tpu.memory_space<hbm>> -> memref<1024x128xf32, #tpu.memory_space<hbm>>
    %dma_wait3A_2283 = arith.constant 0 : i32
    %dma_wait3A_2284 = tpu.memref_slice %arg6[%select_n3A_635, %dma_wait3A_2283] : memref<2048x128xf32, #tpu.memory_space<vmem_shared>> -> memref<1024x128xf32, #tpu.memory_space<vmem_shared>>
    tpu.wait_dma2 semaphore(%arg7 : memref<!tpu.dma_semaphore, #tpu.memory_space<semaphore_mem>>) src(%dma_wait3A_2284 : memref<1024x128xf32, #tpu.memory_space<vmem_shared>>) dst(%dma_wait3A_2282 : memref<1024x128xf32, #tpu.memory_space<hbm>>)
    %dma_wait3A_2285 = arith.constant 0 : i32
    %dma_wait3A_2286 = arith.constant 0 : i32
    %dma_wait3A_2287 = tpu.memref_slice %arg4[%add3A_643, %dma_wait3A_2285, %dma_wait3A_2286] : memref<2048x1024x128xf32, #tpu.memory_space<hbm>> -> memref<1x1024x128xf32, #tpu.memory_space<hbm>>
    %dma_wait3A_2288 = tpu.memref_squeeze %dma_wait3A_2287 : memref<1x1024x128xf32, #tpu.memory_space<hbm>> -> memref<1024x128xf32, #tpu.memory_space<hbm>>
    %dma_wait3A_2289 = arith.constant 0 : i32
    %dma_wait3A_2290 = tpu.memref_slice %arg5[%select_n3A_669, %dma_wait3A_2289] : memref<2048x128xf32, #tpu.memory_space<vmem_shared>> -> memref<1024x128xf32, #tpu.memory_space<vmem_shared>>
    tpu.wait_dma2 semaphore(%arg7 : memref<!tpu.dma_semaphore, #tpu.memory_space<semaphore_mem>>) src(%dma_wait3A_2290 : memref<1024x128xf32, #tpu.memory_space<vmem_shared>>) dst(%dma_wait3A_2288 : memref<1024x128xf32, #tpu.memory_space<hbm>>)
    %dma_wait3A_2291 = arith.constant 0 : i32
    %dma_wait3A_2292 = arith.constant 0 : i32
    %dma_wait3A_2293 = tpu.memref_slice %arg4[%add3A_677, %dma_wait3A_2291, %dma_wait3A_2292] : memref<2048x1024x128xf32, #tpu.memory_space<hbm>> -> memref<1x1024x128xf32, #tpu.memory_space<hbm>>
    %dma_wait3A_2294 = tpu.memref_squeeze %dma_wait3A_2293 : memref<1x1024x128xf32, #tpu.memory_space<hbm>> -> memref<1024x128xf32, #tpu.memory_space<hbm>>
    %dma_wait3A_2295 = arith.constant 0 : i32
    %dma_wait3A_2296 = tpu.memref_slice %arg6[%select_n3A_703, %dma_wait3A_2295] : memref<2048x128xf32, #tpu.memory_space<vmem_shared>> -> memref<1024x128xf32, #tpu.memory_space<vmem_shared>>
    tpu.wait_dma2 semaphore(%arg7 : memref<!tpu.dma_semaphore, #tpu.memory_space<semaphore_mem>>) src(%dma_wait3A_2296 : memref<1024x128xf32, #tpu.memory_space<vmem_shared>>) dst(%dma_wait3A_2294 : memref<1024x128xf32, #tpu.memory_space<hbm>>)
    %dma_wait3A_2297 = arith.constant 0 : i32
    %dma_wait3A_2298 = arith.constant 0 : i32
    %dma_wait3A_2299 = tpu.memref_slice %arg4[%add3A_711, %dma_wait3A_2297, %dma_wait3A_2298] : memref<2048x1024x128xf32, #tpu.memory_space<hbm>> -> memref<1x1024x128xf32, #tpu.memory_space<hbm>>
    %dma_wait3A_2300 = tpu.memref_squeeze %dma_wait3A_2299 : memref<1x1024x128xf32, #tpu.memory_space<hbm>> -> memref<1024x128xf32, #tpu.memory_space<hbm>>
    %dma_wait3A_2301 = arith.constant 0 : i32
    %dma_wait3A_2302 = tpu.memref_slice %arg5[%select_n3A_737, %dma_wait3A_2301] : memref<2048x128xf32, #tpu.memory_space<vmem_shared>> -> memref<1024x128xf32, #tpu.memory_space<vmem_shared>>
    tpu.wait_dma2 semaphore(%arg7 : memref<!tpu.dma_semaphore, #tpu.memory_space<semaphore_mem>>) src(%dma_wait3A_2302 : memref<1024x128xf32, #tpu.memory_space<vmem_shared>>) dst(%dma_wait3A_2300 : memref<1024x128xf32, #tpu.memory_space<hbm>>)
    %dma_wait3A_2303 = arith.constant 0 : i32
    %dma_wait3A_2304 = arith.constant 0 : i32
    %dma_wait3A_2305 = tpu.memref_slice %arg4[%add3A_745, %dma_wait3A_2303, %dma_wait3A_2304] : memref<2048x1024x128xf32, #tpu.memory_space<hbm>> -> memref<1x1024x128xf32, #tpu.memory_space<hbm>>
    %dma_wait3A_2306 = tpu.memref_squeeze %dma_wait3A_2305 : memref<1x1024x128xf32, #tpu.memory_space<hbm>> -> memref<1024x128xf32, #tpu.memory_space<hbm>>
    %dma_wait3A_2307 = arith.constant 0 : i32
    %dma_wait3A_2308 = tpu.memref_slice %arg6[%select_n3A_771, %dma_wait3A_2307] : memref<2048x128xf32, #tpu.memory_space<vmem_shared>> -> memref<1024x128xf32, #tpu.memory_space<vmem_shared>>
    tpu.wait_dma2 semaphore(%arg7 : memref<!tpu.dma_semaphore, #tpu.memory_space<semaphore_mem>>) src(%dma_wait3A_2308 : memref<1024x128xf32, #tpu.memory_space<vmem_shared>>) dst(%dma_wait3A_2306 : memref<1024x128xf32, #tpu.memory_space<hbm>>)
    %dma_wait3A_2309 = arith.constant 0 : i32
    %dma_wait3A_2310 = arith.constant 0 : i32
    %dma_wait3A_2311 = tpu.memref_slice %arg4[%add3A_779, %dma_wait3A_2309, %dma_wait3A_2310] : memref<2048x1024x128xf32, #tpu.memory_space<hbm>> -> memref<1x1024x128xf32, #tpu.memory_space<hbm>>
    %dma_wait3A_2312 = tpu.memref_squeeze %dma_wait3A_2311 : memref<1x1024x128xf32, #tpu.memory_space<hbm>> -> memref<1024x128xf32, #tpu.memory_space<hbm>>
    %dma_wait3A_2313 = arith.constant 0 : i32
    %dma_wait3A_2314 = tpu.memref_slice %arg5[%select_n3A_805, %dma_wait3A_2313] : memref<2048x128xf32, #tpu.memory_space<vmem_shared>> -> memref<1024x128xf32, #tpu.memory_space<vmem_shared>>
    tpu.wait_dma2 semaphore(%arg7 : memref<!tpu.dma_semaphore, #tpu.memory_space<semaphore_mem>>) src(%dma_wait3A_2314 : memref<1024x128xf32, #tpu.memory_space<vmem_shared>>) dst(%dma_wait3A_2312 : memref<1024x128xf32, #tpu.memory_space<hbm>>)
    %dma_wait3A_2315 = arith.constant 0 : i32
    %dma_wait3A_2316 = arith.constant 0 : i32
    %dma_wait3A_2317 = tpu.memref_slice %arg4[%add3A_813, %dma_wait3A_2315, %dma_wait3A_2316] : memref<2048x1024x128xf32, #tpu.memory_space<hbm>> -> memref<1x1024x128xf32, #tpu.memory_space<hbm>>
    %dma_wait3A_2318 = tpu.memref_squeeze %dma_wait3A_2317 : memref<1x1024x128xf32, #tpu.memory_space<hbm>> -> memref<1024x128xf32, #tpu.memory_space<hbm>>
    %dma_wait3A_2319 = arith.constant 0 : i32
    %dma_wait3A_2320 = tpu.memref_slice %arg6[%select_n3A_839, %dma_wait3A_2319] : memref<2048x128xf32, #tpu.memory_space<vmem_shared>> -> memref<1024x128xf32, #tpu.memory_space<vmem_shared>>
    tpu.wait_dma2 semaphore(%arg7 : memref<!tpu.dma_semaphore, #tpu.memory_space<semaphore_mem>>) src(%dma_wait3A_2320 : memref<1024x128xf32, #tpu.memory_space<vmem_shared>>) dst(%dma_wait3A_2318 : memref<1024x128xf32, #tpu.memory_space<hbm>>)
    %dma_wait3A_2321 = arith.constant 0 : i32
    %dma_wait3A_2322 = arith.constant 0 : i32
    %dma_wait3A_2323 = tpu.memref_slice %arg4[%add3A_847, %dma_wait3A_2321, %dma_wait3A_2322] : memref<2048x1024x128xf32, #tpu.memory_space<hbm>> -> memref<1x1024x128xf32, #tpu.memory_space<hbm>>
    %dma_wait3A_2324 = tpu.memref_squeeze %dma_wait3A_2323 : memref<1x1024x128xf32, #tpu.memory_space<hbm>> -> memref<1024x128xf32, #tpu.memory_space<hbm>>
    %dma_wait3A_2325 = arith.constant 0 : i32
    %dma_wait3A_2326 = tpu.memref_slice %arg5[%select_n3A_873, %dma_wait3A_2325] : memref<2048x128xf32, #tpu.memory_space<vmem_shared>> -> memref<1024x128xf32, #tpu.memory_space<vmem_shared>>
    tpu.wait_dma2 semaphore(%arg7 : memref<!tpu.dma_semaphore, #tpu.memory_space<semaphore_mem>>) src(%dma_wait3A_2326 : memref<1024x128xf32, #tpu.memory_space<vmem_shared>>) dst(%dma_wait3A_2324 : memref<1024x128xf32, #tpu.memory_space<hbm>>)
    %dma_wait3A_2327 = arith.constant 0 : i32
    %dma_wait3A_2328 = arith.constant 0 : i32
    %dma_wait3A_2329 = tpu.memref_slice %arg4[%add3A_881, %dma_wait3A_2327, %dma_wait3A_2328] : memref<2048x1024x128xf32, #tpu.memory_space<hbm>> -> memref<1x1024x128xf32, #tpu.memory_space<hbm>>
    %dma_wait3A_2330 = tpu.memref_squeeze %dma_wait3A_2329 : memref<1x1024x128xf32, #tpu.memory_space<hbm>> -> memref<1024x128xf32, #tpu.memory_space<hbm>>
    %dma_wait3A_2331 = arith.constant 0 : i32
    %dma_wait3A_2332 = tpu.memref_slice %arg6[%select_n3A_907, %dma_wait3A_2331] : memref<2048x128xf32, #tpu.memory_space<vmem_shared>> -> memref<1024x128xf32, #tpu.memory_space<vmem_shared>>
    tpu.wait_dma2 semaphore(%arg7 : memref<!tpu.dma_semaphore, #tpu.memory_space<semaphore_mem>>) src(%dma_wait3A_2332 : memref<1024x128xf32, #tpu.memory_space<vmem_shared>>) dst(%dma_wait3A_2330 : memref<1024x128xf32, #tpu.memory_space<hbm>>)
    %dma_wait3A_2333 = arith.constant 0 : i32
    %dma_wait3A_2334 = arith.constant 0 : i32
    %dma_wait3A_2335 = tpu.memref_slice %arg4[%add3A_915, %dma_wait3A_2333, %dma_wait3A_2334] : memref<2048x1024x128xf32, #tpu.memory_space<hbm>> -> memref<1x1024x128xf32, #tpu.memory_space<hbm>>
    %dma_wait3A_2336 = tpu.memref_squeeze %dma_wait3A_2335 : memref<1x1024x128xf32, #tpu.memory_space<hbm>> -> memref<1024x128xf32, #tpu.memory_space<hbm>>
    %dma_wait3A_2337 = arith.constant 0 : i32
    %dma_wait3A_2338 = tpu.memref_slice %arg5[%select_n3A_941, %dma_wait3A_2337] : memref<2048x128xf32, #tpu.memory_space<vmem_shared>> -> memref<1024x128xf32, #tpu.memory_space<vmem_shared>>
    tpu.wait_dma2 semaphore(%arg7 : memref<!tpu.dma_semaphore, #tpu.memory_space<semaphore_mem>>) src(%dma_wait3A_2338 : memref<1024x128xf32, #tpu.memory_space<vmem_shared>>) dst(%dma_wait3A_2336 : memref<1024x128xf32, #tpu.memory_space<hbm>>)
    %dma_wait3A_2339 = arith.constant 0 : i32
    %dma_wait3A_2340 = arith.constant 0 : i32
    %dma_wait3A_2341 = tpu.memref_slice %arg4[%add3A_949, %dma_wait3A_2339, %dma_wait3A_2340] : memref<2048x1024x128xf32, #tpu.memory_space<hbm>> -> memref<1x1024x128xf32, #tpu.memory_space<hbm>>
    %dma_wait3A_2342 = tpu.memref_squeeze %dma_wait3A_2341 : memref<1x1024x128xf32, #tpu.memory_space<hbm>> -> memref<1024x128xf32, #tpu.memory_space<hbm>>
    %dma_wait3A_2343 = arith.constant 0 : i32
    %dma_wait3A_2344 = tpu.memref_slice %arg6[%select_n3A_975, %dma_wait3A_2343] : memref<2048x128xf32, #tpu.memory_space<vmem_shared>> -> memref<1024x128xf32, #tpu.memory_space<vmem_shared>>
    tpu.wait_dma2 semaphore(%arg7 : memref<!tpu.dma_semaphore, #tpu.memory_space<semaphore_mem>>) src(%dma_wait3A_2344 : memref<1024x128xf32, #tpu.memory_space<vmem_shared>>) dst(%dma_wait3A_2342 : memref<1024x128xf32, #tpu.memory_space<hbm>>)
    %dma_wait3A_2345 = arith.constant 0 : i32
    %dma_wait3A_2346 = arith.constant 0 : i32
    %dma_wait3A_2347 = tpu.memref_slice %arg4[%add3A_983, %dma_wait3A_2345, %dma_wait3A_2346] : memref<2048x1024x128xf32, #tpu.memory_space<hbm>> -> memref<1x1024x128xf32, #tpu.memory_space<hbm>>
    %dma_wait3A_2348 = tpu.memref_squeeze %dma_wait3A_2347 : memref<1x1024x128xf32, #tpu.memory_space<hbm>> -> memref<1024x128xf32, #tpu.memory_space<hbm>>
    %dma_wait3A_2349 = arith.constant 0 : i32
    %dma_wait3A_2350 = tpu.memref_slice %arg5[%select_n3A_1009, %dma_wait3A_2349] : memref<2048x128xf32, #tpu.memory_space<vmem_shared>> -> memref<1024x128xf32, #tpu.memory_space<vmem_shared>>
    tpu.wait_dma2 semaphore(%arg7 : memref<!tpu.dma_semaphore, #tpu.memory_space<semaphore_mem>>) src(%dma_wait3A_2350 : memref<1024x128xf32, #tpu.memory_space<vmem_shared>>) dst(%dma_wait3A_2348 : memref<1024x128xf32, #tpu.memory_space<hbm>>)
    %dma_wait3A_2351 = arith.constant 0 : i32
    %dma_wait3A_2352 = arith.constant 0 : i32
    %dma_wait3A_2353 = tpu.memref_slice %arg4[%add3A_1017, %dma_wait3A_2351, %dma_wait3A_2352] : memref<2048x1024x128xf32, #tpu.memory_space<hbm>> -> memref<1x1024x128xf32, #tpu.memory_space<hbm>>
    %dma_wait3A_2354 = tpu.memref_squeeze %dma_wait3A_2353 : memref<1x1024x128xf32, #tpu.memory_space<hbm>> -> memref<1024x128xf32, #tpu.memory_space<hbm>>
    %dma_wait3A_2355 = arith.constant 0 : i32
    %dma_wait3A_2356 = tpu.memref_slice %arg6[%select_n3A_1043, %dma_wait3A_2355] : memref<2048x128xf32, #tpu.memory_space<vmem_shared>> -> memref<1024x128xf32, #tpu.memory_space<vmem_shared>>
    tpu.wait_dma2 semaphore(%arg7 : memref<!tpu.dma_semaphore, #tpu.memory_space<semaphore_mem>>) src(%dma_wait3A_2356 : memref<1024x128xf32, #tpu.memory_space<vmem_shared>>) dst(%dma_wait3A_2354 : memref<1024x128xf32, #tpu.memory_space<hbm>>)
    %dma_wait3A_2357 = arith.constant 0 : i32
    %dma_wait3A_2358 = arith.constant 0 : i32
    %dma_wait3A_2359 = tpu.memref_slice %arg4[%add3A_1051, %dma_wait3A_2357, %dma_wait3A_2358] : memref<2048x1024x128xf32, #tpu.memory_space<hbm>> -> memref<1x1024x128xf32, #tpu.memory_space<hbm>>
    %dma_wait3A_2360 = tpu.memref_squeeze %dma_wait3A_2359 : memref<1x1024x128xf32, #tpu.memory_space<hbm>> -> memref<1024x128xf32, #tpu.memory_space<hbm>>
    %dma_wait3A_2361 = arith.constant 0 : i32
    %dma_wait3A_2362 = tpu.memref_slice %arg5[%select_n3A_1077, %dma_wait3A_2361] : memref<2048x128xf32, #tpu.memory_space<vmem_shared>> -> memref<1024x128xf32, #tpu.memory_space<vmem_shared>>
    tpu.wait_dma2 semaphore(%arg7 : memref<!tpu.dma_semaphore, #tpu.memory_space<semaphore_mem>>) src(%dma_wait3A_2362 : memref<1024x128xf32, #tpu.memory_space<vmem_shared>>) dst(%dma_wait3A_2360 : memref<1024x128xf32, #tpu.memory_space<hbm>>)
    %dma_wait3A_2363 = arith.constant 0 : i32
    %dma_wait3A_2364 = arith.constant 0 : i32
    %dma_wait3A_2365 = tpu.memref_slice %arg4[%add3A_1085, %dma_wait3A_2363, %dma_wait3A_2364] : memref<2048x1024x128xf32, #tpu.memory_space<hbm>> -> memref<1x1024x128xf32, #tpu.memory_space<hbm>>
    %dma_wait3A_2366 = tpu.memref_squeeze %dma_wait3A_2365 : memref<1x1024x128xf32, #tpu.memory_space<hbm>> -> memref<1024x128xf32, #tpu.memory_space<hbm>>
    %dma_wait3A_2367 = arith.constant 0 : i32
    %dma_wait3A_2368 = tpu.memref_slice %arg6[%select_n3A_1111, %dma_wait3A_2367] : memref<2048x128xf32, #tpu.memory_space<vmem_shared>> -> memref<1024x128xf32, #tpu.memory_space<vmem_shared>>
    tpu.wait_dma2 semaphore(%arg7 : memref<!tpu.dma_semaphore, #tpu.memory_space<semaphore_mem>>) src(%dma_wait3A_2368 : memref<1024x128xf32, #tpu.memory_space<vmem_shared>>) dst(%dma_wait3A_2366 : memref<1024x128xf32, #tpu.memory_space<hbm>>)
    %dma_wait3A_2369 = arith.constant 0 : i32
    %dma_wait3A_2370 = arith.constant 0 : i32
    %dma_wait3A_2371 = tpu.memref_slice %arg4[%add3A_1119, %dma_wait3A_2369, %dma_wait3A_2370] : memref<2048x1024x128xf32, #tpu.memory_space<hbm>> -> memref<1x1024x128xf32, #tpu.memory_space<hbm>>
    %dma_wait3A_2372 = tpu.memref_squeeze %dma_wait3A_2371 : memref<1x1024x128xf32, #tpu.memory_space<hbm>> -> memref<1024x128xf32, #tpu.memory_space<hbm>>
    %dma_wait3A_2373 = arith.constant 0 : i32
    %dma_wait3A_2374 = tpu.memref_slice %arg5[%select_n3A_1145, %dma_wait3A_2373] : memref<2048x128xf32, #tpu.memory_space<vmem_shared>> -> memref<1024x128xf32, #tpu.memory_space<vmem_shared>>
    tpu.wait_dma2 semaphore(%arg7 : memref<!tpu.dma_semaphore, #tpu.memory_space<semaphore_mem>>) src(%dma_wait3A_2374 : memref<1024x128xf32, #tpu.memory_space<vmem_shared>>) dst(%dma_wait3A_2372 : memref<1024x128xf32, #tpu.memory_space<hbm>>)
    %dma_wait3A_2375 = arith.constant 0 : i32
    %dma_wait3A_2376 = arith.constant 0 : i32
    %dma_wait3A_2377 = tpu.memref_slice %arg4[%add3A_1153, %dma_wait3A_2375, %dma_wait3A_2376] : memref<2048x1024x128xf32, #tpu.memory_space<hbm>> -> memref<1x1024x128xf32, #tpu.memory_space<hbm>>
    %dma_wait3A_2378 = tpu.memref_squeeze %dma_wait3A_2377 : memref<1x1024x128xf32, #tpu.memory_space<hbm>> -> memref<1024x128xf32, #tpu.memory_space<hbm>>
    %dma_wait3A_2379 = arith.constant 0 : i32
    %dma_wait3A_2380 = tpu.memref_slice %arg6[%select_n3A_1179, %dma_wait3A_2379] : memref<2048x128xf32, #tpu.memory_space<vmem_shared>> -> memref<1024x128xf32, #tpu.memory_space<vmem_shared>>
    tpu.wait_dma2 semaphore(%arg7 : memref<!tpu.dma_semaphore, #tpu.memory_space<semaphore_mem>>) src(%dma_wait3A_2380 : memref<1024x128xf32, #tpu.memory_space<vmem_shared>>) dst(%dma_wait3A_2378 : memref<1024x128xf32, #tpu.memory_space<hbm>>)
    %dma_wait3A_2381 = arith.constant 0 : i32
    %dma_wait3A_2382 = arith.constant 0 : i32
    %dma_wait3A_2383 = tpu.memref_slice %arg4[%add3A_1187, %dma_wait3A_2381, %dma_wait3A_2382] : memref<2048x1024x128xf32, #tpu.memory_space<hbm>> -> memref<1x1024x128xf32, #tpu.memory_space<hbm>>
    %dma_wait3A_2384 = tpu.memref_squeeze %dma_wait3A_2383 : memref<1x1024x128xf32, #tpu.memory_space<hbm>> -> memref<1024x128xf32, #tpu.memory_space<hbm>>
    %dma_wait3A_2385 = arith.constant 0 : i32
    %dma_wait3A_2386 = tpu.memref_slice %arg5[%select_n3A_1213, %dma_wait3A_2385] : memref<2048x128xf32, #tpu.memory_space<vmem_shared>> -> memref<1024x128xf32, #tpu.memory_space<vmem_shared>>
    tpu.wait_dma2 semaphore(%arg7 : memref<!tpu.dma_semaphore, #tpu.memory_space<semaphore_mem>>) src(%dma_wait3A_2386 : memref<1024x128xf32, #tpu.memory_space<vmem_shared>>) dst(%dma_wait3A_2384 : memref<1024x128xf32, #tpu.memory_space<hbm>>)
    %dma_wait3A_2387 = arith.constant 0 : i32
    %dma_wait3A_2388 = arith.constant 0 : i32
    %dma_wait3A_2389 = tpu.memref_slice %arg4[%add3A_1221, %dma_wait3A_2387, %dma_wait3A_2388] : memref<2048x1024x128xf32, #tpu.memory_space<hbm>> -> memref<1x1024x128xf32, #tpu.memory_space<hbm>>
    %dma_wait3A_2390 = tpu.memref_squeeze %dma_wait3A_2389 : memref<1x1024x128xf32, #tpu.memory_space<hbm>> -> memref<1024x128xf32, #tpu.memory_space<hbm>>
    %dma_wait3A_2391 = arith.constant 0 : i32
    %dma_wait3A_2392 = tpu.memref_slice %arg6[%select_n3A_1247, %dma_wait3A_2391] : memref<2048x128xf32, #tpu.memory_space<vmem_shared>> -> memref<1024x128xf32, #tpu.memory_space<vmem_shared>>
    tpu.wait_dma2 semaphore(%arg7 : memref<!tpu.dma_semaphore, #tpu.memory_space<semaphore_mem>>) src(%dma_wait3A_2392 : memref<1024x128xf32, #tpu.memory_space<vmem_shared>>) dst(%dma_wait3A_2390 : memref<1024x128xf32, #tpu.memory_space<hbm>>)
    %dma_wait3A_2393 = arith.constant 0 : i32
    %dma_wait3A_2394 = arith.constant 0 : i32
    %dma_wait3A_2395 = tpu.memref_slice %arg4[%add3A_1255, %dma_wait3A_2393, %dma_wait3A_2394] : memref<2048x1024x128xf32, #tpu.memory_space<hbm>> -> memref<1x1024x128xf32, #tpu.memory_space<hbm>>
    %dma_wait3A_2396 = tpu.memref_squeeze %dma_wait3A_2395 : memref<1x1024x128xf32, #tpu.memory_space<hbm>> -> memref<1024x128xf32, #tpu.memory_space<hbm>>
    %dma_wait3A_2397 = arith.constant 0 : i32
    %dma_wait3A_2398 = tpu.memref_slice %arg5[%select_n3A_1281, %dma_wait3A_2397] : memref<2048x128xf32, #tpu.memory_space<vmem_shared>> -> memref<1024x128xf32, #tpu.memory_space<vmem_shared>>
    tpu.wait_dma2 semaphore(%arg7 : memref<!tpu.dma_semaphore, #tpu.memory_space<semaphore_mem>>) src(%dma_wait3A_2398 : memref<1024x128xf32, #tpu.memory_space<vmem_shared>>) dst(%dma_wait3A_2396 : memref<1024x128xf32, #tpu.memory_space<hbm>>)
    %dma_wait3A_2399 = arith.constant 0 : i32
    %dma_wait3A_2400 = arith.constant 0 : i32
    %dma_wait3A_2401 = tpu.memref_slice %arg4[%add3A_1289, %dma_wait3A_2399, %dma_wait3A_2400] : memref<2048x1024x128xf32, #tpu.memory_space<hbm>> -> memref<1x1024x128xf32, #tpu.memory_space<hbm>>
    %dma_wait3A_2402 = tpu.memref_squeeze %dma_wait3A_2401 : memref<1x1024x128xf32, #tpu.memory_space<hbm>> -> memref<1024x128xf32, #tpu.memory_space<hbm>>
    %dma_wait3A_2403 = arith.constant 0 : i32
    %dma_wait3A_2404 = tpu.memref_slice %arg6[%select_n3A_1315, %dma_wait3A_2403] : memref<2048x128xf32, #tpu.memory_space<vmem_shared>> -> memref<1024x128xf32, #tpu.memory_space<vmem_shared>>
    tpu.wait_dma2 semaphore(%arg7 : memref<!tpu.dma_semaphore, #tpu.memory_space<semaphore_mem>>) src(%dma_wait3A_2404 : memref<1024x128xf32, #tpu.memory_space<vmem_shared>>) dst(%dma_wait3A_2402 : memref<1024x128xf32, #tpu.memory_space<hbm>>)
    %dma_wait3A_2405 = arith.constant 0 : i32
    %dma_wait3A_2406 = arith.constant 0 : i32
    %dma_wait3A_2407 = tpu.memref_slice %arg4[%add3A_1323, %dma_wait3A_2405, %dma_wait3A_2406] : memref<2048x1024x128xf32, #tpu.memory_space<hbm>> -> memref<1x1024x128xf32, #tpu.memory_space<hbm>>
    %dma_wait3A_2408 = tpu.memref_squeeze %dma_wait3A_2407 : memref<1x1024x128xf32, #tpu.memory_space<hbm>> -> memref<1024x128xf32, #tpu.memory_space<hbm>>
    %dma_wait3A_2409 = arith.constant 0 : i32
    %dma_wait3A_2410 = tpu.memref_slice %arg5[%select_n3A_1349, %dma_wait3A_2409] : memref<2048x128xf32, #tpu.memory_space<vmem_shared>> -> memref<1024x128xf32, #tpu.memory_space<vmem_shared>>
    tpu.wait_dma2 semaphore(%arg7 : memref<!tpu.dma_semaphore, #tpu.memory_space<semaphore_mem>>) src(%dma_wait3A_2410 : memref<1024x128xf32, #tpu.memory_space<vmem_shared>>) dst(%dma_wait3A_2408 : memref<1024x128xf32, #tpu.memory_space<hbm>>)
    %dma_wait3A_2411 = arith.constant 0 : i32
    %dma_wait3A_2412 = arith.constant 0 : i32
    %dma_wait3A_2413 = tpu.memref_slice %arg4[%add3A_1357, %dma_wait3A_2411, %dma_wait3A_2412] : memref<2048x1024x128xf32, #tpu.memory_space<hbm>> -> memref<1x1024x128xf32, #tpu.memory_space<hbm>>
    %dma_wait3A_2414 = tpu.memref_squeeze %dma_wait3A_2413 : memref<1x1024x128xf32, #tpu.memory_space<hbm>> -> memref<1024x128xf32, #tpu.memory_space<hbm>>
    %dma_wait3A_2415 = arith.constant 0 : i32
    %dma_wait3A_2416 = tpu.memref_slice %arg6[%select_n3A_1383, %dma_wait3A_2415] : memref<2048x128xf32, #tpu.memory_space<vmem_shared>> -> memref<1024x128xf32, #tpu.memory_space<vmem_shared>>
    tpu.wait_dma2 semaphore(%arg7 : memref<!tpu.dma_semaphore, #tpu.memory_space<semaphore_mem>>) src(%dma_wait3A_2416 : memref<1024x128xf32, #tpu.memory_space<vmem_shared>>) dst(%dma_wait3A_2414 : memref<1024x128xf32, #tpu.memory_space<hbm>>)
    %dma_wait3A_2417 = arith.constant 0 : i32
    %dma_wait3A_2418 = arith.constant 0 : i32
    %dma_wait3A_2419 = tpu.memref_slice %arg4[%add3A_1391, %dma_wait3A_2417, %dma_wait3A_2418] : memref<2048x1024x128xf32, #tpu.memory_space<hbm>> -> memref<1x1024x128xf32, #tpu.memory_space<hbm>>
    %dma_wait3A_2420 = tpu.memref_squeeze %dma_wait3A_2419 : memref<1x1024x128xf32, #tpu.memory_space<hbm>> -> memref<1024x128xf32, #tpu.memory_space<hbm>>
    %dma_wait3A_2421 = arith.constant 0 : i32
    %dma_wait3A_2422 = tpu.memref_slice %arg5[%select_n3A_1417, %dma_wait3A_2421] : memref<2048x128xf32, #tpu.memory_space<vmem_shared>> -> memref<1024x128xf32, #tpu.memory_space<vmem_shared>>
    tpu.wait_dma2 semaphore(%arg7 : memref<!tpu.dma_semaphore, #tpu.memory_space<semaphore_mem>>) src(%dma_wait3A_2422 : memref<1024x128xf32, #tpu.memory_space<vmem_shared>>) dst(%dma_wait3A_2420 : memref<1024x128xf32, #tpu.memory_space<hbm>>)
    %dma_wait3A_2423 = arith.constant 0 : i32
    %dma_wait3A_2424 = arith.constant 0 : i32
    %dma_wait3A_2425 = tpu.memref_slice %arg4[%add3A_1425, %dma_wait3A_2423, %dma_wait3A_2424] : memref<2048x1024x128xf32, #tpu.memory_space<hbm>> -> memref<1x1024x128xf32, #tpu.memory_space<hbm>>
    %dma_wait3A_2426 = tpu.memref_squeeze %dma_wait3A_2425 : memref<1x1024x128xf32, #tpu.memory_space<hbm>> -> memref<1024x128xf32, #tpu.memory_space<hbm>>
    %dma_wait3A_2427 = arith.constant 0 : i32
    %dma_wait3A_2428 = tpu.memref_slice %arg6[%select_n3A_1451, %dma_wait3A_2427] : memref<2048x128xf32, #tpu.memory_space<vmem_shared>> -> memref<1024x128xf32, #tpu.memory_space<vmem_shared>>
    tpu.wait_dma2 semaphore(%arg7 : memref<!tpu.dma_semaphore, #tpu.memory_space<semaphore_mem>>) src(%dma_wait3A_2428 : memref<1024x128xf32, #tpu.memory_space<vmem_shared>>) dst(%dma_wait3A_2426 : memref<1024x128xf32, #tpu.memory_space<hbm>>)
    %dma_wait3A_2429 = arith.constant 0 : i32
    %dma_wait3A_2430 = arith.constant 0 : i32
    %dma_wait3A_2431 = tpu.memref_slice %arg4[%add3A_1459, %dma_wait3A_2429, %dma_wait3A_2430] : memref<2048x1024x128xf32, #tpu.memory_space<hbm>> -> memref<1x1024x128xf32, #tpu.memory_space<hbm>>
    %dma_wait3A_2432 = tpu.memref_squeeze %dma_wait3A_2431 : memref<1x1024x128xf32, #tpu.memory_space<hbm>> -> memref<1024x128xf32, #tpu.memory_space<hbm>>
    %dma_wait3A_2433 = arith.constant 0 : i32
    %dma_wait3A_2434 = tpu.memref_slice %arg5[%select_n3A_1485, %dma_wait3A_2433] : memref<2048x128xf32, #tpu.memory_space<vmem_shared>> -> memref<1024x128xf32, #tpu.memory_space<vmem_shared>>
    tpu.wait_dma2 semaphore(%arg7 : memref<!tpu.dma_semaphore, #tpu.memory_space<semaphore_mem>>) src(%dma_wait3A_2434 : memref<1024x128xf32, #tpu.memory_space<vmem_shared>>) dst(%dma_wait3A_2432 : memref<1024x128xf32, #tpu.memory_space<hbm>>)
    %dma_wait3A_2435 = arith.constant 0 : i32
    %dma_wait3A_2436 = arith.constant 0 : i32
    %dma_wait3A_2437 = tpu.memref_slice %arg4[%add3A_1493, %dma_wait3A_2435, %dma_wait3A_2436] : memref<2048x1024x128xf32, #tpu.memory_space<hbm>> -> memref<1x1024x128xf32, #tpu.memory_space<hbm>>
    %dma_wait3A_2438 = tpu.memref_squeeze %dma_wait3A_2437 : memref<1x1024x128xf32, #tpu.memory_space<hbm>> -> memref<1024x128xf32, #tpu.memory_space<hbm>>
    %dma_wait3A_2439 = arith.constant 0 : i32
    %dma_wait3A_2440 = tpu.memref_slice %arg6[%select_n3A_1519, %dma_wait3A_2439] : memref<2048x128xf32, #tpu.memory_space<vmem_shared>> -> memref<1024x128xf32, #tpu.memory_space<vmem_shared>>
    tpu.wait_dma2 semaphore(%arg7 : memref<!tpu.dma_semaphore, #tpu.memory_space<semaphore_mem>>) src(%dma_wait3A_2440 : memref<1024x128xf32, #tpu.memory_space<vmem_shared>>) dst(%dma_wait3A_2438 : memref<1024x128xf32, #tpu.memory_space<hbm>>)
    %dma_wait3A_2441 = arith.constant 0 : i32
    %dma_wait3A_2442 = arith.constant 0 : i32
    %dma_wait3A_2443 = tpu.memref_slice %arg4[%add3A_1527, %dma_wait3A_2441, %dma_wait3A_2442] : memref<2048x1024x128xf32, #tpu.memory_space<hbm>> -> memref<1x1024x128xf32, #tpu.memory_space<hbm>>
    %dma_wait3A_2444 = tpu.memref_squeeze %dma_wait3A_2443 : memref<1x1024x128xf32, #tpu.memory_space<hbm>> -> memref<1024x128xf32, #tpu.memory_space<hbm>>
    %dma_wait3A_2445 = arith.constant 0 : i32
    %dma_wait3A_2446 = tpu.memref_slice %arg5[%select_n3A_1553, %dma_wait3A_2445] : memref<2048x128xf32, #tpu.memory_space<vmem_shared>> -> memref<1024x128xf32, #tpu.memory_space<vmem_shared>>
    tpu.wait_dma2 semaphore(%arg7 : memref<!tpu.dma_semaphore, #tpu.memory_space<semaphore_mem>>) src(%dma_wait3A_2446 : memref<1024x128xf32, #tpu.memory_space<vmem_shared>>) dst(%dma_wait3A_2444 : memref<1024x128xf32, #tpu.memory_space<hbm>>)
    %dma_wait3A_2447 = arith.constant 0 : i32
    %dma_wait3A_2448 = arith.constant 0 : i32
    %dma_wait3A_2449 = tpu.memref_slice %arg4[%add3A_1561, %dma_wait3A_2447, %dma_wait3A_2448] : memref<2048x1024x128xf32, #tpu.memory_space<hbm>> -> memref<1x1024x128xf32, #tpu.memory_space<hbm>>
    %dma_wait3A_2450 = tpu.memref_squeeze %dma_wait3A_2449 : memref<1x1024x128xf32, #tpu.memory_space<hbm>> -> memref<1024x128xf32, #tpu.memory_space<hbm>>
    %dma_wait3A_2451 = arith.constant 0 : i32
    %dma_wait3A_2452 = tpu.memref_slice %arg6[%select_n3A_1587, %dma_wait3A_2451] : memref<2048x128xf32, #tpu.memory_space<vmem_shared>> -> memref<1024x128xf32, #tpu.memory_space<vmem_shared>>
    tpu.wait_dma2 semaphore(%arg7 : memref<!tpu.dma_semaphore, #tpu.memory_space<semaphore_mem>>) src(%dma_wait3A_2452 : memref<1024x128xf32, #tpu.memory_space<vmem_shared>>) dst(%dma_wait3A_2450 : memref<1024x128xf32, #tpu.memory_space<hbm>>)
    %dma_wait3A_2453 = arith.constant 0 : i32
    %dma_wait3A_2454 = arith.constant 0 : i32
    %dma_wait3A_2455 = tpu.memref_slice %arg4[%add3A_1595, %dma_wait3A_2453, %dma_wait3A_2454] : memref<2048x1024x128xf32, #tpu.memory_space<hbm>> -> memref<1x1024x128xf32, #tpu.memory_space<hbm>>
    %dma_wait3A_2456 = tpu.memref_squeeze %dma_wait3A_2455 : memref<1x1024x128xf32, #tpu.memory_space<hbm>> -> memref<1024x128xf32, #tpu.memory_space<hbm>>
    %dma_wait3A_2457 = arith.constant 0 : i32
    %dma_wait3A_2458 = tpu.memref_slice %arg5[%select_n3A_1621, %dma_wait3A_2457] : memref<2048x128xf32, #tpu.memory_space<vmem_shared>> -> memref<1024x128xf32, #tpu.memory_space<vmem_shared>>
    tpu.wait_dma2 semaphore(%arg7 : memref<!tpu.dma_semaphore, #tpu.memory_space<semaphore_mem>>) src(%dma_wait3A_2458 : memref<1024x128xf32, #tpu.memory_space<vmem_shared>>) dst(%dma_wait3A_2456 : memref<1024x128xf32, #tpu.memory_space<hbm>>)
    %dma_wait3A_2459 = arith.constant 0 : i32
    %dma_wait3A_2460 = arith.constant 0 : i32
    %dma_wait3A_2461 = tpu.memref_slice %arg4[%add3A_1629, %dma_wait3A_2459, %dma_wait3A_2460] : memref<2048x1024x128xf32, #tpu.memory_space<hbm>> -> memref<1x1024x128xf32, #tpu.memory_space<hbm>>
    %dma_wait3A_2462 = tpu.memref_squeeze %dma_wait3A_2461 : memref<1x1024x128xf32, #tpu.memory_space<hbm>> -> memref<1024x128xf32, #tpu.memory_space<hbm>>
    %dma_wait3A_2463 = arith.constant 0 : i32
    %dma_wait3A_2464 = tpu.memref_slice %arg6[%select_n3A_1655, %dma_wait3A_2463] : memref<2048x128xf32, #tpu.memory_space<vmem_shared>> -> memref<1024x128xf32, #tpu.memory_space<vmem_shared>>
    tpu.wait_dma2 semaphore(%arg7 : memref<!tpu.dma_semaphore, #tpu.memory_space<semaphore_mem>>) src(%dma_wait3A_2464 : memref<1024x128xf32, #tpu.memory_space<vmem_shared>>) dst(%dma_wait3A_2462 : memref<1024x128xf32, #tpu.memory_space<hbm>>)
    %dma_wait3A_2465 = arith.constant 0 : i32
    %dma_wait3A_2466 = arith.constant 0 : i32
    %dma_wait3A_2467 = tpu.memref_slice %arg4[%add3A_1663, %dma_wait3A_2465, %dma_wait3A_2466] : memref<2048x1024x128xf32, #tpu.memory_space<hbm>> -> memref<1x1024x128xf32, #tpu.memory_space<hbm>>
    %dma_wait3A_2468 = tpu.memref_squeeze %dma_wait3A_2467 : memref<1x1024x128xf32, #tpu.memory_space<hbm>> -> memref<1024x128xf32, #tpu.memory_space<hbm>>
    %dma_wait3A_2469 = arith.constant 0 : i32
    %dma_wait3A_2470 = tpu.memref_slice %arg5[%select_n3A_1689, %dma_wait3A_2469] : memref<2048x128xf32, #tpu.memory_space<vmem_shared>> -> memref<1024x128xf32, #tpu.memory_space<vmem_shared>>
    tpu.wait_dma2 semaphore(%arg7 : memref<!tpu.dma_semaphore, #tpu.memory_space<semaphore_mem>>) src(%dma_wait3A_2470 : memref<1024x128xf32, #tpu.memory_space<vmem_shared>>) dst(%dma_wait3A_2468 : memref<1024x128xf32, #tpu.memory_space<hbm>>)
    %dma_wait3A_2471 = arith.constant 0 : i32
    %dma_wait3A_2472 = arith.constant 0 : i32
    %dma_wait3A_2473 = tpu.memref_slice %arg4[%add3A_1697, %dma_wait3A_2471, %dma_wait3A_2472] : memref<2048x1024x128xf32, #tpu.memory_space<hbm>> -> memref<1x1024x128xf32, #tpu.memory_space<hbm>>
    %dma_wait3A_2474 = tpu.memref_squeeze %dma_wait3A_2473 : memref<1x1024x128xf32, #tpu.memory_space<hbm>> -> memref<1024x128xf32, #tpu.memory_space<hbm>>
    %dma_wait3A_2475 = arith.constant 0 : i32
    %dma_wait3A_2476 = tpu.memref_slice %arg6[%select_n3A_1723, %dma_wait3A_2475] : memref<2048x128xf32, #tpu.memory_space<vmem_shared>> -> memref<1024x128xf32, #tpu.memory_space<vmem_shared>>
    tpu.wait_dma2 semaphore(%arg7 : memref<!tpu.dma_semaphore, #tpu.memory_space<semaphore_mem>>) src(%dma_wait3A_2476 : memref<1024x128xf32, #tpu.memory_space<vmem_shared>>) dst(%dma_wait3A_2474 : memref<1024x128xf32, #tpu.memory_space<hbm>>)
    %dma_wait3A_2477 = arith.constant 0 : i32
    %dma_wait3A_2478 = arith.constant 0 : i32
    %dma_wait3A_2479 = tpu.memref_slice %arg4[%add3A_1731, %dma_wait3A_2477, %dma_wait3A_2478] : memref<2048x1024x128xf32, #tpu.memory_space<hbm>> -> memref<1x1024x128xf32, #tpu.memory_space<hbm>>
    %dma_wait3A_2480 = tpu.memref_squeeze %dma_wait3A_2479 : memref<1x1024x128xf32, #tpu.memory_space<hbm>> -> memref<1024x128xf32, #tpu.memory_space<hbm>>
    %dma_wait3A_2481 = arith.constant 0 : i32
    %dma_wait3A_2482 = tpu.memref_slice %arg5[%select_n3A_1757, %dma_wait3A_2481] : memref<2048x128xf32, #tpu.memory_space<vmem_shared>> -> memref<1024x128xf32, #tpu.memory_space<vmem_shared>>
    tpu.wait_dma2 semaphore(%arg7 : memref<!tpu.dma_semaphore, #tpu.memory_space<semaphore_mem>>) src(%dma_wait3A_2482 : memref<1024x128xf32, #tpu.memory_space<vmem_shared>>) dst(%dma_wait3A_2480 : memref<1024x128xf32, #tpu.memory_space<hbm>>)
    %dma_wait3A_2483 = arith.constant 0 : i32
    %dma_wait3A_2484 = arith.constant 0 : i32
    %dma_wait3A_2485 = tpu.memref_slice %arg4[%add3A_1765, %dma_wait3A_2483, %dma_wait3A_2484] : memref<2048x1024x128xf32, #tpu.memory_space<hbm>> -> memref<1x1024x128xf32, #tpu.memory_space<hbm>>
    %dma_wait3A_2486 = tpu.memref_squeeze %dma_wait3A_2485 : memref<1x1024x128xf32, #tpu.memory_space<hbm>> -> memref<1024x128xf32, #tpu.memory_space<hbm>>
    %dma_wait3A_2487 = arith.constant 0 : i32
    %dma_wait3A_2488 = tpu.memref_slice %arg6[%select_n3A_1791, %dma_wait3A_2487] : memref<2048x128xf32, #tpu.memory_space<vmem_shared>> -> memref<1024x128xf32, #tpu.memory_space<vmem_shared>>
    tpu.wait_dma2 semaphore(%arg7 : memref<!tpu.dma_semaphore, #tpu.memory_space<semaphore_mem>>) src(%dma_wait3A_2488 : memref<1024x128xf32, #tpu.memory_space<vmem_shared>>) dst(%dma_wait3A_2486 : memref<1024x128xf32, #tpu.memory_space<hbm>>)
    %dma_wait3A_2489 = arith.constant 0 : i32
    %dma_wait3A_2490 = arith.constant 0 : i32
    %dma_wait3A_2491 = tpu.memref_slice %arg4[%add3A_1799, %dma_wait3A_2489, %dma_wait3A_2490] : memref<2048x1024x128xf32, #tpu.memory_space<hbm>> -> memref<1x1024x128xf32, #tpu.memory_space<hbm>>
    %dma_wait3A_2492 = tpu.memref_squeeze %dma_wait3A_2491 : memref<1x1024x128xf32, #tpu.memory_space<hbm>> -> memref<1024x128xf32, #tpu.memory_space<hbm>>
    %dma_wait3A_2493 = arith.constant 0 : i32
    %dma_wait3A_2494 = tpu.memref_slice %arg5[%select_n3A_1825, %dma_wait3A_2493] : memref<2048x128xf32, #tpu.memory_space<vmem_shared>> -> memref<1024x128xf32, #tpu.memory_space<vmem_shared>>
    tpu.wait_dma2 semaphore(%arg7 : memref<!tpu.dma_semaphore, #tpu.memory_space<semaphore_mem>>) src(%dma_wait3A_2494 : memref<1024x128xf32, #tpu.memory_space<vmem_shared>>) dst(%dma_wait3A_2492 : memref<1024x128xf32, #tpu.memory_space<hbm>>)
    %dma_wait3A_2495 = arith.constant 0 : i32
    %dma_wait3A_2496 = arith.constant 0 : i32
    %dma_wait3A_2497 = tpu.memref_slice %arg4[%add3A_1833, %dma_wait3A_2495, %dma_wait3A_2496] : memref<2048x1024x128xf32, #tpu.memory_space<hbm>> -> memref<1x1024x128xf32, #tpu.memory_space<hbm>>
    %dma_wait3A_2498 = tpu.memref_squeeze %dma_wait3A_2497 : memref<1x1024x128xf32, #tpu.memory_space<hbm>> -> memref<1024x128xf32, #tpu.memory_space<hbm>>
    %dma_wait3A_2499 = arith.constant 0 : i32
    %dma_wait3A_2500 = tpu.memref_slice %arg6[%select_n3A_1859, %dma_wait3A_2499] : memref<2048x128xf32, #tpu.memory_space<vmem_shared>> -> memref<1024x128xf32, #tpu.memory_space<vmem_shared>>
    tpu.wait_dma2 semaphore(%arg7 : memref<!tpu.dma_semaphore, #tpu.memory_space<semaphore_mem>>) src(%dma_wait3A_2500 : memref<1024x128xf32, #tpu.memory_space<vmem_shared>>) dst(%dma_wait3A_2498 : memref<1024x128xf32, #tpu.memory_space<hbm>>)
    %dma_wait3A_2501 = arith.constant 0 : i32
    %dma_wait3A_2502 = arith.constant 0 : i32
    %dma_wait3A_2503 = tpu.memref_slice %arg4[%add3A_1867, %dma_wait3A_2501, %dma_wait3A_2502] : memref<2048x1024x128xf32, #tpu.memory_space<hbm>> -> memref<1x1024x128xf32, #tpu.memory_space<hbm>>
    %dma_wait3A_2504 = tpu.memref_squeeze %dma_wait3A_2503 : memref<1x1024x128xf32, #tpu.memory_space<hbm>> -> memref<1024x128xf32, #tpu.memory_space<hbm>>
    %dma_wait3A_2505 = arith.constant 0 : i32
    %dma_wait3A_2506 = tpu.memref_slice %arg5[%select_n3A_1893, %dma_wait3A_2505] : memref<2048x128xf32, #tpu.memory_space<vmem_shared>> -> memref<1024x128xf32, #tpu.memory_space<vmem_shared>>
    tpu.wait_dma2 semaphore(%arg7 : memref<!tpu.dma_semaphore, #tpu.memory_space<semaphore_mem>>) src(%dma_wait3A_2506 : memref<1024x128xf32, #tpu.memory_space<vmem_shared>>) dst(%dma_wait3A_2504 : memref<1024x128xf32, #tpu.memory_space<hbm>>)
    %dma_wait3A_2507 = arith.constant 0 : i32
    %dma_wait3A_2508 = arith.constant 0 : i32
    %dma_wait3A_2509 = tpu.memref_slice %arg4[%add3A_1901, %dma_wait3A_2507, %dma_wait3A_2508] : memref<2048x1024x128xf32, #tpu.memory_space<hbm>> -> memref<1x1024x128xf32, #tpu.memory_space<hbm>>
    %dma_wait3A_2510 = tpu.memref_squeeze %dma_wait3A_2509 : memref<1x1024x128xf32, #tpu.memory_space<hbm>> -> memref<1024x128xf32, #tpu.memory_space<hbm>>
    %dma_wait3A_2511 = arith.constant 0 : i32
    %dma_wait3A_2512 = tpu.memref_slice %arg6[%select_n3A_1927, %dma_wait3A_2511] : memref<2048x128xf32, #tpu.memory_space<vmem_shared>> -> memref<1024x128xf32, #tpu.memory_space<vmem_shared>>
    tpu.wait_dma2 semaphore(%arg7 : memref<!tpu.dma_semaphore, #tpu.memory_space<semaphore_mem>>) src(%dma_wait3A_2512 : memref<1024x128xf32, #tpu.memory_space<vmem_shared>>) dst(%dma_wait3A_2510 : memref<1024x128xf32, #tpu.memory_space<hbm>>)
    %dma_wait3A_2513 = arith.constant 0 : i32
    %dma_wait3A_2514 = arith.constant 0 : i32
    %dma_wait3A_2515 = tpu.memref_slice %arg4[%add3A_1935, %dma_wait3A_2513, %dma_wait3A_2514] : memref<2048x1024x128xf32, #tpu.memory_space<hbm>> -> memref<1x1024x128xf32, #tpu.memory_space<hbm>>
    %dma_wait3A_2516 = tpu.memref_squeeze %dma_wait3A_2515 : memref<1x1024x128xf32, #tpu.memory_space<hbm>> -> memref<1024x128xf32, #tpu.memory_space<hbm>>
    %dma_wait3A_2517 = arith.constant 0 : i32
    %dma_wait3A_2518 = tpu.memref_slice %arg5[%select_n3A_1961, %dma_wait3A_2517] : memref<2048x128xf32, #tpu.memory_space<vmem_shared>> -> memref<1024x128xf32, #tpu.memory_space<vmem_shared>>
    tpu.wait_dma2 semaphore(%arg7 : memref<!tpu.dma_semaphore, #tpu.memory_space<semaphore_mem>>) src(%dma_wait3A_2518 : memref<1024x128xf32, #tpu.memory_space<vmem_shared>>) dst(%dma_wait3A_2516 : memref<1024x128xf32, #tpu.memory_space<hbm>>)
    %dma_wait3A_2519 = arith.constant 0 : i32
    %dma_wait3A_2520 = arith.constant 0 : i32
    %dma_wait3A_2521 = tpu.memref_slice %arg4[%add3A_1969, %dma_wait3A_2519, %dma_wait3A_2520] : memref<2048x1024x128xf32, #tpu.memory_space<hbm>> -> memref<1x1024x128xf32, #tpu.memory_space<hbm>>
    %dma_wait3A_2522 = tpu.memref_squeeze %dma_wait3A_2521 : memref<1x1024x128xf32, #tpu.memory_space<hbm>> -> memref<1024x128xf32, #tpu.memory_space<hbm>>
    %dma_wait3A_2523 = arith.constant 0 : i32
    %dma_wait3A_2524 = tpu.memref_slice %arg6[%select_n3A_1995, %dma_wait3A_2523] : memref<2048x128xf32, #tpu.memory_space<vmem_shared>> -> memref<1024x128xf32, #tpu.memory_space<vmem_shared>>
    tpu.wait_dma2 semaphore(%arg7 : memref<!tpu.dma_semaphore, #tpu.memory_space<semaphore_mem>>) src(%dma_wait3A_2524 : memref<1024x128xf32, #tpu.memory_space<vmem_shared>>) dst(%dma_wait3A_2522 : memref<1024x128xf32, #tpu.memory_space<hbm>>)
    %dma_wait3A_2525 = arith.constant 0 : i32
    %dma_wait3A_2526 = arith.constant 0 : i32
    %dma_wait3A_2527 = tpu.memref_slice %arg4[%add3A_2003, %dma_wait3A_2525, %dma_wait3A_2526] : memref<2048x1024x128xf32, #tpu.memory_space<hbm>> -> memref<1x1024x128xf32, #tpu.memory_space<hbm>>
    %dma_wait3A_2528 = tpu.memref_squeeze %dma_wait3A_2527 : memref<1x1024x128xf32, #tpu.memory_space<hbm>> -> memref<1024x128xf32, #tpu.memory_space<hbm>>
    %dma_wait3A_2529 = arith.constant 0 : i32
    %dma_wait3A_2530 = tpu.memref_slice %arg5[%select_n3A_2029, %dma_wait3A_2529] : memref<2048x128xf32, #tpu.memory_space<vmem_shared>> -> memref<1024x128xf32, #tpu.memory_space<vmem_shared>>
    tpu.wait_dma2 semaphore(%arg7 : memref<!tpu.dma_semaphore, #tpu.memory_space<semaphore_mem>>) src(%dma_wait3A_2530 : memref<1024x128xf32, #tpu.memory_space<vmem_shared>>) dst(%dma_wait3A_2528 : memref<1024x128xf32, #tpu.memory_space<hbm>>)
    %dma_wait3A_2531 = arith.constant 0 : i32
    %dma_wait3A_2532 = arith.constant 0 : i32
    %dma_wait3A_2533 = tpu.memref_slice %arg4[%add3A_2037, %dma_wait3A_2531, %dma_wait3A_2532] : memref<2048x1024x128xf32, #tpu.memory_space<hbm>> -> memref<1x1024x128xf32, #tpu.memory_space<hbm>>
    %dma_wait3A_2534 = tpu.memref_squeeze %dma_wait3A_2533 : memref<1x1024x128xf32, #tpu.memory_space<hbm>> -> memref<1024x128xf32, #tpu.memory_space<hbm>>
    %dma_wait3A_2535 = arith.constant 0 : i32
    %dma_wait3A_2536 = tpu.memref_slice %arg6[%select_n3A_2063, %dma_wait3A_2535] : memref<2048x128xf32, #tpu.memory_space<vmem_shared>> -> memref<1024x128xf32, #tpu.memory_space<vmem_shared>>
    tpu.wait_dma2 semaphore(%arg7 : memref<!tpu.dma_semaphore, #tpu.memory_space<semaphore_mem>>) src(%dma_wait3A_2536 : memref<1024x128xf32, #tpu.memory_space<vmem_shared>>) dst(%dma_wait3A_2534 : memref<1024x128xf32, #tpu.memory_space<hbm>>)
    %dma_wait3A_2537 = arith.constant 0 : i32
    %dma_wait3A_2538 = arith.constant 0 : i32
    %dma_wait3A_2539 = tpu.memref_slice %arg4[%add3A_2071, %dma_wait3A_2537, %dma_wait3A_2538] : memref<2048x1024x128xf32, #tpu.memory_space<hbm>> -> memref<1x1024x128xf32, #tpu.memory_space<hbm>>
    %dma_wait3A_2540 = tpu.memref_squeeze %dma_wait3A_2539 : memref<1x1024x128xf32, #tpu.memory_space<hbm>> -> memref<1024x128xf32, #tpu.memory_space<hbm>>
    %dma_wait3A_2541 = arith.constant 0 : i32
    %dma_wait3A_2542 = tpu.memref_slice %arg5[%select_n3A_2097, %dma_wait3A_2541] : memref<2048x128xf32, #tpu.memory_space<vmem_shared>> -> memref<1024x128xf32, #tpu.memory_space<vmem_shared>>
    tpu.wait_dma2 semaphore(%arg7 : memref<!tpu.dma_semaphore, #tpu.memory_space<semaphore_mem>>) src(%dma_wait3A_2542 : memref<1024x128xf32, #tpu.memory_space<vmem_shared>>) dst(%dma_wait3A_2540 : memref<1024x128xf32, #tpu.memory_space<hbm>>)
    %dma_wait3A_2543 = arith.constant 0 : i32
    %dma_wait3A_2544 = arith.constant 0 : i32
    %dma_wait3A_2545 = tpu.memref_slice %arg4[%add3A_2105, %dma_wait3A_2543, %dma_wait3A_2544] : memref<2048x1024x128xf32, #tpu.memory_space<hbm>> -> memref<1x1024x128xf32, #tpu.memory_space<hbm>>
    %dma_wait3A_2546 = tpu.memref_squeeze %dma_wait3A_2545 : memref<1x1024x128xf32, #tpu.memory_space<hbm>> -> memref<1024x128xf32, #tpu.memory_space<hbm>>
    %dma_wait3A_2547 = arith.constant 0 : i32
    %dma_wait3A_2548 = tpu.memref_slice %arg6[%select_n3A_2131, %dma_wait3A_2547] : memref<2048x128xf32, #tpu.memory_space<vmem_shared>> -> memref<1024x128xf32, #tpu.memory_space<vmem_shared>>
    tpu.wait_dma2 semaphore(%arg7 : memref<!tpu.dma_semaphore, #tpu.memory_space<semaphore_mem>>) src(%dma_wait3A_2548 : memref<1024x128xf32, #tpu.memory_space<vmem_shared>>) dst(%dma_wait3A_2546 : memref<1024x128xf32, #tpu.memory_space<hbm>>)
    %dma_wait3A_2549 = arith.constant 0 : i32
    %dma_wait3A_2550 = arith.constant 0 : i32
    %dma_wait3A_2551 = tpu.memref_slice %arg4[%add3A_2139, %dma_wait3A_2549, %dma_wait3A_2550] : memref<2048x1024x128xf32, #tpu.memory_space<hbm>> -> memref<1x1024x128xf32, #tpu.memory_space<hbm>>
    %dma_wait3A_2552 = tpu.memref_squeeze %dma_wait3A_2551 : memref<1x1024x128xf32, #tpu.memory_space<hbm>> -> memref<1024x128xf32, #tpu.memory_space<hbm>>
    %dma_wait3A_2553 = arith.constant 0 : i32
    %dma_wait3A_2554 = tpu.memref_slice %arg5[%select_n3A_2165, %dma_wait3A_2553] : memref<2048x128xf32, #tpu.memory_space<vmem_shared>> -> memref<1024x128xf32, #tpu.memory_space<vmem_shared>>
    tpu.wait_dma2 semaphore(%arg7 : memref<!tpu.dma_semaphore, #tpu.memory_space<semaphore_mem>>) src(%dma_wait3A_2554 : memref<1024x128xf32, #tpu.memory_space<vmem_shared>>) dst(%dma_wait3A_2552 : memref<1024x128xf32, #tpu.memory_space<hbm>>)
    return
  }
}

module attributes {stable_mosaic.version = 14 : i64} {
  func.func @_build_frev_kernel(%arg0: memref<257x64xf32, #tpu.memory_space<vmem>>, %arg1: memref<4104x64xf32, #tpu.memory_space<vmem>>) attributes {dimension_semantics = [], scalar_prefetch = 0 : i64, scratch_operands = 0 : i64, tpu.core_type = #tpu.core_type<tc>} {
    %get3A = arith.constant 256 : index
    %get3A_0 = arith.constant 0 : index
    %get3A_1 = vector.load %arg0[%get3A, %get3A_0] : memref<257x64xf32, #tpu.memory_space<vmem>>, vector<1x64xf32>
    %broadcast_in_dim3A = vector.shape_cast %get3A_1 : vector<1x64xf32> to vector<1x64xf32>
    %broadcast_in_dim3A_2 = vector.broadcast %broadcast_in_dim3A : vector<1x64xf32> to vector<1919x64xf32>
    %swap3A = arith.constant 0 : index
    %swap3A_3 = arith.constant 0 : index
    %swap3A_4 = vector.load %arg1[%swap3A, %swap3A_3] : memref<4104x64xf32, #tpu.memory_space<vmem>>, vector<1919x64xf32>
    tpu.vector_store %arg1[%swap3A, %swap3A_3], %broadcast_in_dim3A_2 {strides = array<i32>} : memref<4104x64xf32, #tpu.memory_space<vmem>>, vector<1919x64xf32>,
    %get3A_5 = arith.constant 0 : index
    %get3A_6 = arith.constant 0 : index
    %get3A_7 = vector.load %arg0[%get3A_5, %get3A_6] : memref<257x64xf32, #tpu.memory_space<vmem>>, vector<1x64xf32>
    %broadcast_in_dim3A_8 = vector.shape_cast %get3A_7 : vector<1x64xf32> to vector<1x64xf32>
    %broadcast_in_dim3A_9 = vector.broadcast %broadcast_in_dim3A_8 : vector<1x64xf32> to vector<1928x64xf32>
    %swap3A_10 = arith.constant 2176 : index
    %swap3A_11 = arith.constant 0 : index
    %swap3A_12 = vector.load %arg1[%swap3A_10, %swap3A_11] : memref<4104x64xf32, #tpu.memory_space<vmem>>, vector<1928x64xf32>
    tpu.vector_store %arg1[%swap3A_10, %swap3A_11], %broadcast_in_dim3A_9 {strides = array<i32>} : memref<4104x64xf32, #tpu.memory_space<vmem>>, vector<1928x64xf32>,
    %get3A_13 = arith.constant 256 : index
    %get3A_14 = arith.constant 0 : index
    %get3A_15 = vector.load %arg0[%get3A_13, %get3A_14] : memref<257x64xf32, #tpu.memory_space<vmem>>, vector<1x64xf32>
    %swap3A_16 = arith.constant 1919 : index
    %swap3A_17 = arith.constant 0 : index
    %swap3A_18 = vector.load %arg1[%swap3A_16, %swap3A_17] : memref<4104x64xf32, #tpu.memory_space<vmem>>, vector<1x64xf32>
    tpu.vector_store %arg1[%swap3A_16, %swap3A_17], %get3A_15 {strides = array<i32>} : memref<4104x64xf32, #tpu.memory_space<vmem>>, vector<1x64xf32>,
    %get3A_19 = arith.constant 255 : index
    %get3A_20 = arith.constant 0 : index
    %get3A_21 = vector.load %arg0[%get3A_19, %get3A_20] : memref<257x64xf32, #tpu.memory_space<vmem>>, vector<1x64xf32>
    %swap3A_22 = arith.constant 1920 : index
    %swap3A_23 = arith.constant 0 : index
    %swap3A_24 = vector.load %arg1[%swap3A_22, %swap3A_23] : memref<4104x64xf32, #tpu.memory_space<vmem>>, vector<1x64xf32>
    tpu.vector_store %arg1[%swap3A_22, %swap3A_23], %get3A_21 {strides = array<i32>} : memref<4104x64xf32, #tpu.memory_space<vmem>>, vector<1x64xf32>,
    %get3A_25 = arith.constant 254 : index
    %get3A_26 = arith.constant 0 : index
    %get3A_27 = vector.load %arg0[%get3A_25, %get3A_26] : memref<257x64xf32, #tpu.memory_space<vmem>>, vector<1x64xf32>
    %swap3A_28 = arith.constant 1921 : index
    %swap3A_29 = arith.constant 0 : index
    %swap3A_30 = vector.load %arg1[%swap3A_28, %swap3A_29] : memref<4104x64xf32, #tpu.memory_space<vmem>>, vector<1x64xf32>
    tpu.vector_store %arg1[%swap3A_28, %swap3A_29], %get3A_27 {strides = array<i32>} : memref<4104x64xf32, #tpu.memory_space<vmem>>, vector<1x64xf32>,
    %get3A_31 = arith.constant 253 : index
    %get3A_32 = arith.constant 0 : index
    %get3A_33 = vector.load %arg0[%get3A_31, %get3A_32] : memref<257x64xf32, #tpu.memory_space<vmem>>, vector<1x64xf32>
    %swap3A_34 = arith.constant 1922 : index
    %swap3A_35 = arith.constant 0 : index
    %swap3A_36 = vector.load %arg1[%swap3A_34, %swap3A_35] : memref<4104x64xf32, #tpu.memory_space<vmem>>, vector<1x64xf32>
    tpu.vector_store %arg1[%swap3A_34, %swap3A_35], %get3A_33 {strides = array<i32>} : memref<4104x64xf32, #tpu.memory_space<vmem>>, vector<1x64xf32>,
    %get3A_37 = arith.constant 252 : index
    %get3A_38 = arith.constant 0 : index
    %get3A_39 = vector.load %arg0[%get3A_37, %get3A_38] : memref<257x64xf32, #tpu.memory_space<vmem>>, vector<1x64xf32>
    %swap3A_40 = arith.constant 1923 : index
    %swap3A_41 = arith.constant 0 : index
    %swap3A_42 = vector.load %arg1[%swap3A_40, %swap3A_41] : memref<4104x64xf32, #tpu.memory_space<vmem>>, vector<1x64xf32>
    tpu.vector_store %arg1[%swap3A_40, %swap3A_41], %get3A_39 {strides = array<i32>} : memref<4104x64xf32, #tpu.memory_space<vmem>>, vector<1x64xf32>,
    %get3A_43 = arith.constant 251 : index
    %get3A_44 = arith.constant 0 : index
    %get3A_45 = vector.load %arg0[%get3A_43, %get3A_44] : memref<257x64xf32, #tpu.memory_space<vmem>>, vector<1x64xf32>
    %swap3A_46 = arith.constant 1924 : index
    %swap3A_47 = arith.constant 0 : index
    %swap3A_48 = vector.load %arg1[%swap3A_46, %swap3A_47] : memref<4104x64xf32, #tpu.memory_space<vmem>>, vector<1x64xf32>
    tpu.vector_store %arg1[%swap3A_46, %swap3A_47], %get3A_45 {strides = array<i32>} : memref<4104x64xf32, #tpu.memory_space<vmem>>, vector<1x64xf32>,
    %get3A_49 = arith.constant 250 : index
    %get3A_50 = arith.constant 0 : index
    %get3A_51 = vector.load %arg0[%get3A_49, %get3A_50] : memref<257x64xf32, #tpu.memory_space<vmem>>, vector<1x64xf32>
    %swap3A_52 = arith.constant 1925 : index
    %swap3A_53 = arith.constant 0 : index
    %swap3A_54 = vector.load %arg1[%swap3A_52, %swap3A_53] : memref<4104x64xf32, #tpu.memory_space<vmem>>, vector<1x64xf32>
    tpu.vector_store %arg1[%swap3A_52, %swap3A_53], %get3A_51 {strides = array<i32>} : memref<4104x64xf32, #tpu.memory_space<vmem>>, vector<1x64xf32>,
    %get3A_55 = arith.constant 249 : index
    %get3A_56 = arith.constant 0 : index
    %get3A_57 = vector.load %arg0[%get3A_55, %get3A_56] : memref<257x64xf32, #tpu.memory_space<vmem>>, vector<1x64xf32>
    %swap3A_58 = arith.constant 1926 : index
    %swap3A_59 = arith.constant 0 : index
    %swap3A_60 = vector.load %arg1[%swap3A_58, %swap3A_59] : memref<4104x64xf32, #tpu.memory_space<vmem>>, vector<1x64xf32>
    tpu.vector_store %arg1[%swap3A_58, %swap3A_59], %get3A_57 {strides = array<i32>} : memref<4104x64xf32, #tpu.memory_space<vmem>>, vector<1x64xf32>,
    %get3A_61 = arith.constant 248 : index
    %get3A_62 = arith.constant 0 : index
    %get3A_63 = vector.load %arg0[%get3A_61, %get3A_62] : memref<257x64xf32, #tpu.memory_space<vmem>>, vector<1x64xf32>
    %swap3A_64 = arith.constant 1927 : index
    %swap3A_65 = arith.constant 0 : index
    %swap3A_66 = vector.load %arg1[%swap3A_64, %swap3A_65] : memref<4104x64xf32, #tpu.memory_space<vmem>>, vector<1x64xf32>
    tpu.vector_store %arg1[%swap3A_64, %swap3A_65], %get3A_63 {strides = array<i32>} : memref<4104x64xf32, #tpu.memory_space<vmem>>, vector<1x64xf32>,
    %get3A_67 = arith.constant 247 : index
    %get3A_68 = arith.constant 0 : index
    %get3A_69 = vector.load %arg0[%get3A_67, %get3A_68] : memref<257x64xf32, #tpu.memory_space<vmem>>, vector<1x64xf32>
    %swap3A_70 = arith.constant 1928 : index
    %swap3A_71 = arith.constant 0 : index
    %swap3A_72 = vector.load %arg1[%swap3A_70, %swap3A_71] : memref<4104x64xf32, #tpu.memory_space<vmem>>, vector<1x64xf32>
    tpu.vector_store %arg1[%swap3A_70, %swap3A_71], %get3A_69 {strides = array<i32>} : memref<4104x64xf32, #tpu.memory_space<vmem>>, vector<1x64xf32>,
    %get3A_73 = arith.constant 246 : index
    %get3A_74 = arith.constant 0 : index
    %get3A_75 = vector.load %arg0[%get3A_73, %get3A_74] : memref<257x64xf32, #tpu.memory_space<vmem>>, vector<1x64xf32>
    %swap3A_76 = arith.constant 1929 : index
    %swap3A_77 = arith.constant 0 : index
    %swap3A_78 = vector.load %arg1[%swap3A_76, %swap3A_77] : memref<4104x64xf32, #tpu.memory_space<vmem>>, vector<1x64xf32>
    tpu.vector_store %arg1[%swap3A_76, %swap3A_77], %get3A_75 {strides = array<i32>} : memref<4104x64xf32, #tpu.memory_space<vmem>>, vector<1x64xf32>,
    %get3A_79 = arith.constant 245 : index
    %get3A_80 = arith.constant 0 : index
    %get3A_81 = vector.load %arg0[%get3A_79, %get3A_80] : memref<257x64xf32, #tpu.memory_space<vmem>>, vector<1x64xf32>
    %swap3A_82 = arith.constant 1930 : index
    %swap3A_83 = arith.constant 0 : index
    %swap3A_84 = vector.load %arg1[%swap3A_82, %swap3A_83] : memref<4104x64xf32, #tpu.memory_space<vmem>>, vector<1x64xf32>
    tpu.vector_store %arg1[%swap3A_82, %swap3A_83], %get3A_81 {strides = array<i32>} : memref<4104x64xf32, #tpu.memory_space<vmem>>, vector<1x64xf32>,
    %get3A_85 = arith.constant 244 : index
    %get3A_86 = arith.constant 0 : index
    %get3A_87 = vector.load %arg0[%get3A_85, %get3A_86] : memref<257x64xf32, #tpu.memory_space<vmem>>, vector<1x64xf32>
    %swap3A_88 = arith.constant 1931 : index
    %swap3A_89 = arith.constant 0 : index
    %swap3A_90 = vector.load %arg1[%swap3A_88, %swap3A_89] : memref<4104x64xf32, #tpu.memory_space<vmem>>, vector<1x64xf32>
    tpu.vector_store %arg1[%swap3A_88, %swap3A_89], %get3A_87 {strides = array<i32>} : memref<4104x64xf32, #tpu.memory_space<vmem>>, vector<1x64xf32>,
    %get3A_91 = arith.constant 243 : index
    %get3A_92 = arith.constant 0 : index
    %get3A_93 = vector.load %arg0[%get3A_91, %get3A_92] : memref<257x64xf32, #tpu.memory_space<vmem>>, vector<1x64xf32>
    %swap3A_94 = arith.constant 1932 : index
    %swap3A_95 = arith.constant 0 : index
    %swap3A_96 = vector.load %arg1[%swap3A_94, %swap3A_95] : memref<4104x64xf32, #tpu.memory_space<vmem>>, vector<1x64xf32>
    tpu.vector_store %arg1[%swap3A_94, %swap3A_95], %get3A_93 {strides = array<i32>} : memref<4104x64xf32, #tpu.memory_space<vmem>>, vector<1x64xf32>,
    %get3A_97 = arith.constant 242 : index
    %get3A_98 = arith.constant 0 : index
    %get3A_99 = vector.load %arg0[%get3A_97, %get3A_98] : memref<257x64xf32, #tpu.memory_space<vmem>>, vector<1x64xf32>
    %swap3A_100 = arith.constant 1933 : index
    %swap3A_101 = arith.constant 0 : index
    %swap3A_102 = vector.load %arg1[%swap3A_100, %swap3A_101] : memref<4104x64xf32, #tpu.memory_space<vmem>>, vector<1x64xf32>
    tpu.vector_store %arg1[%swap3A_100, %swap3A_101], %get3A_99 {strides = array<i32>} : memref<4104x64xf32, #tpu.memory_space<vmem>>, vector<1x64xf32>,
    %get3A_103 = arith.constant 241 : index
    %get3A_104 = arith.constant 0 : index
    %get3A_105 = vector.load %arg0[%get3A_103, %get3A_104] : memref<257x64xf32, #tpu.memory_space<vmem>>, vector<1x64xf32>
    %swap3A_106 = arith.constant 1934 : index
    %swap3A_107 = arith.constant 0 : index
    %swap3A_108 = vector.load %arg1[%swap3A_106, %swap3A_107] : memref<4104x64xf32, #tpu.memory_space<vmem>>, vector<1x64xf32>
    tpu.vector_store %arg1[%swap3A_106, %swap3A_107], %get3A_105 {strides = array<i32>} : memref<4104x64xf32, #tpu.memory_space<vmem>>, vector<1x64xf32>,
    %get3A_109 = arith.constant 240 : index
    %get3A_110 = arith.constant 0 : index
    %get3A_111 = vector.load %arg0[%get3A_109, %get3A_110] : memref<257x64xf32, #tpu.memory_space<vmem>>, vector<1x64xf32>
    %swap3A_112 = arith.constant 1935 : index
    %swap3A_113 = arith.constant 0 : index
    %swap3A_114 = vector.load %arg1[%swap3A_112, %swap3A_113] : memref<4104x64xf32, #tpu.memory_space<vmem>>, vector<1x64xf32>
    tpu.vector_store %arg1[%swap3A_112, %swap3A_113], %get3A_111 {strides = array<i32>} : memref<4104x64xf32, #tpu.memory_space<vmem>>, vector<1x64xf32>,
    %get3A_115 = arith.constant 239 : index
    %get3A_116 = arith.constant 0 : index
    %get3A_117 = vector.load %arg0[%get3A_115, %get3A_116] : memref<257x64xf32, #tpu.memory_space<vmem>>, vector<1x64xf32>
    %swap3A_118 = arith.constant 1936 : index
    %swap3A_119 = arith.constant 0 : index
    %swap3A_120 = vector.load %arg1[%swap3A_118, %swap3A_119] : memref<4104x64xf32, #tpu.memory_space<vmem>>, vector<1x64xf32>
    tpu.vector_store %arg1[%swap3A_118, %swap3A_119], %get3A_117 {strides = array<i32>} : memref<4104x64xf32, #tpu.memory_space<vmem>>, vector<1x64xf32>,
    %get3A_121 = arith.constant 238 : index
    %get3A_122 = arith.constant 0 : index
    %get3A_123 = vector.load %arg0[%get3A_121, %get3A_122] : memref<257x64xf32, #tpu.memory_space<vmem>>, vector<1x64xf32>
    %swap3A_124 = arith.constant 1937 : index
    %swap3A_125 = arith.constant 0 : index
    %swap3A_126 = vector.load %arg1[%swap3A_124, %swap3A_125] : memref<4104x64xf32, #tpu.memory_space<vmem>>, vector<1x64xf32>
    tpu.vector_store %arg1[%swap3A_124, %swap3A_125], %get3A_123 {strides = array<i32>} : memref<4104x64xf32, #tpu.memory_space<vmem>>, vector<1x64xf32>,
    %get3A_127 = arith.constant 237 : index
    %get3A_128 = arith.constant 0 : index
    %get3A_129 = vector.load %arg0[%get3A_127, %get3A_128] : memref<257x64xf32, #tpu.memory_space<vmem>>, vector<1x64xf32>
    %swap3A_130 = arith.constant 1938 : index
    %swap3A_131 = arith.constant 0 : index
    %swap3A_132 = vector.load %arg1[%swap3A_130, %swap3A_131] : memref<4104x64xf32, #tpu.memory_space<vmem>>, vector<1x64xf32>
    tpu.vector_store %arg1[%swap3A_130, %swap3A_131], %get3A_129 {strides = array<i32>} : memref<4104x64xf32, #tpu.memory_space<vmem>>, vector<1x64xf32>,
    %get3A_133 = arith.constant 236 : index
    %get3A_134 = arith.constant 0 : index
    %get3A_135 = vector.load %arg0[%get3A_133, %get3A_134] : memref<257x64xf32, #tpu.memory_space<vmem>>, vector<1x64xf32>
    %swap3A_136 = arith.constant 1939 : index
    %swap3A_137 = arith.constant 0 : index
    %swap3A_138 = vector.load %arg1[%swap3A_136, %swap3A_137] : memref<4104x64xf32, #tpu.memory_space<vmem>>, vector<1x64xf32>
    tpu.vector_store %arg1[%swap3A_136, %swap3A_137], %get3A_135 {strides = array<i32>} : memref<4104x64xf32, #tpu.memory_space<vmem>>, vector<1x64xf32>,
    %get3A_139 = arith.constant 235 : index
    %get3A_140 = arith.constant 0 : index
    %get3A_141 = vector.load %arg0[%get3A_139, %get3A_140] : memref<257x64xf32, #tpu.memory_space<vmem>>, vector<1x64xf32>
    %swap3A_142 = arith.constant 1940 : index
    %swap3A_143 = arith.constant 0 : index
    %swap3A_144 = vector.load %arg1[%swap3A_142, %swap3A_143] : memref<4104x64xf32, #tpu.memory_space<vmem>>, vector<1x64xf32>
    tpu.vector_store %arg1[%swap3A_142, %swap3A_143], %get3A_141 {strides = array<i32>} : memref<4104x64xf32, #tpu.memory_space<vmem>>, vector<1x64xf32>,
    %get3A_145 = arith.constant 234 : index
    %get3A_146 = arith.constant 0 : index
    %get3A_147 = vector.load %arg0[%get3A_145, %get3A_146] : memref<257x64xf32, #tpu.memory_space<vmem>>, vector<1x64xf32>
    %swap3A_148 = arith.constant 1941 : index
    %swap3A_149 = arith.constant 0 : index
    %swap3A_150 = vector.load %arg1[%swap3A_148, %swap3A_149] : memref<4104x64xf32, #tpu.memory_space<vmem>>, vector<1x64xf32>
    tpu.vector_store %arg1[%swap3A_148, %swap3A_149], %get3A_147 {strides = array<i32>} : memref<4104x64xf32, #tpu.memory_space<vmem>>, vector<1x64xf32>,
    %get3A_151 = arith.constant 233 : index
    %get3A_152 = arith.constant 0 : index
    %get3A_153 = vector.load %arg0[%get3A_151, %get3A_152] : memref<257x64xf32, #tpu.memory_space<vmem>>, vector<1x64xf32>
    %swap3A_154 = arith.constant 1942 : index
    %swap3A_155 = arith.constant 0 : index
    %swap3A_156 = vector.load %arg1[%swap3A_154, %swap3A_155] : memref<4104x64xf32, #tpu.memory_space<vmem>>, vector<1x64xf32>
    tpu.vector_store %arg1[%swap3A_154, %swap3A_155], %get3A_153 {strides = array<i32>} : memref<4104x64xf32, #tpu.memory_space<vmem>>, vector<1x64xf32>,
    %get3A_157 = arith.constant 232 : index
    %get3A_158 = arith.constant 0 : index
    %get3A_159 = vector.load %arg0[%get3A_157, %get3A_158] : memref<257x64xf32, #tpu.memory_space<vmem>>, vector<1x64xf32>
    %swap3A_160 = arith.constant 1943 : index
    %swap3A_161 = arith.constant 0 : index
    %swap3A_162 = vector.load %arg1[%swap3A_160, %swap3A_161] : memref<4104x64xf32, #tpu.memory_space<vmem>>, vector<1x64xf32>
    tpu.vector_store %arg1[%swap3A_160, %swap3A_161], %get3A_159 {strides = array<i32>} : memref<4104x64xf32, #tpu.memory_space<vmem>>, vector<1x64xf32>,
    %get3A_163 = arith.constant 231 : index
    %get3A_164 = arith.constant 0 : index
    %get3A_165 = vector.load %arg0[%get3A_163, %get3A_164] : memref<257x64xf32, #tpu.memory_space<vmem>>, vector<1x64xf32>
    %swap3A_166 = arith.constant 1944 : index
    %swap3A_167 = arith.constant 0 : index
    %swap3A_168 = vector.load %arg1[%swap3A_166, %swap3A_167] : memref<4104x64xf32, #tpu.memory_space<vmem>>, vector<1x64xf32>
    tpu.vector_store %arg1[%swap3A_166, %swap3A_167], %get3A_165 {strides = array<i32>} : memref<4104x64xf32, #tpu.memory_space<vmem>>, vector<1x64xf32>,
    %get3A_169 = arith.constant 230 : index
    %get3A_170 = arith.constant 0 : index
    %get3A_171 = vector.load %arg0[%get3A_169, %get3A_170] : memref<257x64xf32, #tpu.memory_space<vmem>>, vector<1x64xf32>
    %swap3A_172 = arith.constant 1945 : index
    %swap3A_173 = arith.constant 0 : index
    %swap3A_174 = vector.load %arg1[%swap3A_172, %swap3A_173] : memref<4104x64xf32, #tpu.memory_space<vmem>>, vector<1x64xf32>
    tpu.vector_store %arg1[%swap3A_172, %swap3A_173], %get3A_171 {strides = array<i32>} : memref<4104x64xf32, #tpu.memory_space<vmem>>, vector<1x64xf32>,
    %get3A_175 = arith.constant 229 : index
    %get3A_176 = arith.constant 0 : index
    %get3A_177 = vector.load %arg0[%get3A_175, %get3A_176] : memref<257x64xf32, #tpu.memory_space<vmem>>, vector<1x64xf32>
    %swap3A_178 = arith.constant 1946 : index
    %swap3A_179 = arith.constant 0 : index
    %swap3A_180 = vector.load %arg1[%swap3A_178, %swap3A_179] : memref<4104x64xf32, #tpu.memory_space<vmem>>, vector<1x64xf32>
    tpu.vector_store %arg1[%swap3A_178, %swap3A_179], %get3A_177 {strides = array<i32>} : memref<4104x64xf32, #tpu.memory_space<vmem>>, vector<1x64xf32>,
    %get3A_181 = arith.constant 228 : index
    %get3A_182 = arith.constant 0 : index
    %get3A_183 = vector.load %arg0[%get3A_181, %get3A_182] : memref<257x64xf32, #tpu.memory_space<vmem>>, vector<1x64xf32>
    %swap3A_184 = arith.constant 1947 : index
    %swap3A_185 = arith.constant 0 : index
    %swap3A_186 = vector.load %arg1[%swap3A_184, %swap3A_185] : memref<4104x64xf32, #tpu.memory_space<vmem>>, vector<1x64xf32>
    tpu.vector_store %arg1[%swap3A_184, %swap3A_185], %get3A_183 {strides = array<i32>} : memref<4104x64xf32, #tpu.memory_space<vmem>>, vector<1x64xf32>,
    %get3A_187 = arith.constant 227 : index
    %get3A_188 = arith.constant 0 : index
    %get3A_189 = vector.load %arg0[%get3A_187, %get3A_188] : memref<257x64xf32, #tpu.memory_space<vmem>>, vector<1x64xf32>
    %swap3A_190 = arith.constant 1948 : index
    %swap3A_191 = arith.constant 0 : index
    %swap3A_192 = vector.load %arg1[%swap3A_190, %swap3A_191] : memref<4104x64xf32, #tpu.memory_space<vmem>>, vector<1x64xf32>
    tpu.vector_store %arg1[%swap3A_190, %swap3A_191], %get3A_189 {strides = array<i32>} : memref<4104x64xf32, #tpu.memory_space<vmem>>, vector<1x64xf32>,
    %get3A_193 = arith.constant 226 : index
    %get3A_194 = arith.constant 0 : index
    %get3A_195 = vector.load %arg0[%get3A_193, %get3A_194] : memref<257x64xf32, #tpu.memory_space<vmem>>, vector<1x64xf32>
    %swap3A_196 = arith.constant 1949 : index
    %swap3A_197 = arith.constant 0 : index
    %swap3A_198 = vector.load %arg1[%swap3A_196, %swap3A_197] : memref<4104x64xf32, #tpu.memory_space<vmem>>, vector<1x64xf32>
    tpu.vector_store %arg1[%swap3A_196, %swap3A_197], %get3A_195 {strides = array<i32>} : memref<4104x64xf32, #tpu.memory_space<vmem>>, vector<1x64xf32>,
    %get3A_199 = arith.constant 225 : index
    %get3A_200 = arith.constant 0 : index
    %get3A_201 = vector.load %arg0[%get3A_199, %get3A_200] : memref<257x64xf32, #tpu.memory_space<vmem>>, vector<1x64xf32>
    %swap3A_202 = arith.constant 1950 : index
    %swap3A_203 = arith.constant 0 : index
    %swap3A_204 = vector.load %arg1[%swap3A_202, %swap3A_203] : memref<4104x64xf32, #tpu.memory_space<vmem>>, vector<1x64xf32>
    tpu.vector_store %arg1[%swap3A_202, %swap3A_203], %get3A_201 {strides = array<i32>} : memref<4104x64xf32, #tpu.memory_space<vmem>>, vector<1x64xf32>,
    %get3A_205 = arith.constant 224 : index
    %get3A_206 = arith.constant 0 : index
    %get3A_207 = vector.load %arg0[%get3A_205, %get3A_206] : memref<257x64xf32, #tpu.memory_space<vmem>>, vector<1x64xf32>
    %swap3A_208 = arith.constant 1951 : index
    %swap3A_209 = arith.constant 0 : index
    %swap3A_210 = vector.load %arg1[%swap3A_208, %swap3A_209] : memref<4104x64xf32, #tpu.memory_space<vmem>>, vector<1x64xf32>
    tpu.vector_store %arg1[%swap3A_208, %swap3A_209], %get3A_207 {strides = array<i32>} : memref<4104x64xf32, #tpu.memory_space<vmem>>, vector<1x64xf32>,
    %get3A_211 = arith.constant 223 : index
    %get3A_212 = arith.constant 0 : index
    %get3A_213 = vector.load %arg0[%get3A_211, %get3A_212] : memref<257x64xf32, #tpu.memory_space<vmem>>, vector<1x64xf32>
    %swap3A_214 = arith.constant 1952 : index
    %swap3A_215 = arith.constant 0 : index
    %swap3A_216 = vector.load %arg1[%swap3A_214, %swap3A_215] : memref<4104x64xf32, #tpu.memory_space<vmem>>, vector<1x64xf32>
    tpu.vector_store %arg1[%swap3A_214, %swap3A_215], %get3A_213 {strides = array<i32>} : memref<4104x64xf32, #tpu.memory_space<vmem>>, vector<1x64xf32>,
    %get3A_217 = arith.constant 222 : index
    %get3A_218 = arith.constant 0 : index
    %get3A_219 = vector.load %arg0[%get3A_217, %get3A_218] : memref<257x64xf32, #tpu.memory_space<vmem>>, vector<1x64xf32>
    %swap3A_220 = arith.constant 1953 : index
    %swap3A_221 = arith.constant 0 : index
    %swap3A_222 = vector.load %arg1[%swap3A_220, %swap3A_221] : memref<4104x64xf32, #tpu.memory_space<vmem>>, vector<1x64xf32>
    tpu.vector_store %arg1[%swap3A_220, %swap3A_221], %get3A_219 {strides = array<i32>} : memref<4104x64xf32, #tpu.memory_space<vmem>>, vector<1x64xf32>,
    %get3A_223 = arith.constant 221 : index
    %get3A_224 = arith.constant 0 : index
    %get3A_225 = vector.load %arg0[%get3A_223, %get3A_224] : memref<257x64xf32, #tpu.memory_space<vmem>>, vector<1x64xf32>
    %swap3A_226 = arith.constant 1954 : index
    %swap3A_227 = arith.constant 0 : index
    %swap3A_228 = vector.load %arg1[%swap3A_226, %swap3A_227] : memref<4104x64xf32, #tpu.memory_space<vmem>>, vector<1x64xf32>
    tpu.vector_store %arg1[%swap3A_226, %swap3A_227], %get3A_225 {strides = array<i32>} : memref<4104x64xf32, #tpu.memory_space<vmem>>, vector<1x64xf32>,
    %get3A_229 = arith.constant 220 : index
    %get3A_230 = arith.constant 0 : index
    %get3A_231 = vector.load %arg0[%get3A_229, %get3A_230] : memref<257x64xf32, #tpu.memory_space<vmem>>, vector<1x64xf32>
    %swap3A_232 = arith.constant 1955 : index
    %swap3A_233 = arith.constant 0 : index
    %swap3A_234 = vector.load %arg1[%swap3A_232, %swap3A_233] : memref<4104x64xf32, #tpu.memory_space<vmem>>, vector<1x64xf32>
    tpu.vector_store %arg1[%swap3A_232, %swap3A_233], %get3A_231 {strides = array<i32>} : memref<4104x64xf32, #tpu.memory_space<vmem>>, vector<1x64xf32>,
    %get3A_235 = arith.constant 219 : index
    %get3A_236 = arith.constant 0 : index
    %get3A_237 = vector.load %arg0[%get3A_235, %get3A_236] : memref<257x64xf32, #tpu.memory_space<vmem>>, vector<1x64xf32>
    %swap3A_238 = arith.constant 1956 : index
    %swap3A_239 = arith.constant 0 : index
    %swap3A_240 = vector.load %arg1[%swap3A_238, %swap3A_239] : memref<4104x64xf32, #tpu.memory_space<vmem>>, vector<1x64xf32>
    tpu.vector_store %arg1[%swap3A_238, %swap3A_239], %get3A_237 {strides = array<i32>} : memref<4104x64xf32, #tpu.memory_space<vmem>>, vector<1x64xf32>,
    %get3A_241 = arith.constant 218 : index
    %get3A_242 = arith.constant 0 : index
    %get3A_243 = vector.load %arg0[%get3A_241, %get3A_242] : memref<257x64xf32, #tpu.memory_space<vmem>>, vector<1x64xf32>
    %swap3A_244 = arith.constant 1957 : index
    %swap3A_245 = arith.constant 0 : index
    %swap3A_246 = vector.load %arg1[%swap3A_244, %swap3A_245] : memref<4104x64xf32, #tpu.memory_space<vmem>>, vector<1x64xf32>
    tpu.vector_store %arg1[%swap3A_244, %swap3A_245], %get3A_243 {strides = array<i32>} : memref<4104x64xf32, #tpu.memory_space<vmem>>, vector<1x64xf32>,
    %get3A_247 = arith.constant 217 : index
    %get3A_248 = arith.constant 0 : index
    %get3A_249 = vector.load %arg0[%get3A_247, %get3A_248] : memref<257x64xf32, #tpu.memory_space<vmem>>, vector<1x64xf32>
    %swap3A_250 = arith.constant 1958 : index
    %swap3A_251 = arith.constant 0 : index
    %swap3A_252 = vector.load %arg1[%swap3A_250, %swap3A_251] : memref<4104x64xf32, #tpu.memory_space<vmem>>, vector<1x64xf32>
    tpu.vector_store %arg1[%swap3A_250, %swap3A_251], %get3A_249 {strides = array<i32>} : memref<4104x64xf32, #tpu.memory_space<vmem>>, vector<1x64xf32>,
    %get3A_253 = arith.constant 216 : index
    %get3A_254 = arith.constant 0 : index
    %get3A_255 = vector.load %arg0[%get3A_253, %get3A_254] : memref<257x64xf32, #tpu.memory_space<vmem>>, vector<1x64xf32>
    %swap3A_256 = arith.constant 1959 : index
    %swap3A_257 = arith.constant 0 : index
    %swap3A_258 = vector.load %arg1[%swap3A_256, %swap3A_257] : memref<4104x64xf32, #tpu.memory_space<vmem>>, vector<1x64xf32>
    tpu.vector_store %arg1[%swap3A_256, %swap3A_257], %get3A_255 {strides = array<i32>} : memref<4104x64xf32, #tpu.memory_space<vmem>>, vector<1x64xf32>,
    %get3A_259 = arith.constant 215 : index
    %get3A_260 = arith.constant 0 : index
    %get3A_261 = vector.load %arg0[%get3A_259, %get3A_260] : memref<257x64xf32, #tpu.memory_space<vmem>>, vector<1x64xf32>
    %swap3A_262 = arith.constant 1960 : index
    %swap3A_263 = arith.constant 0 : index
    %swap3A_264 = vector.load %arg1[%swap3A_262, %swap3A_263] : memref<4104x64xf32, #tpu.memory_space<vmem>>, vector<1x64xf32>
    tpu.vector_store %arg1[%swap3A_262, %swap3A_263], %get3A_261 {strides = array<i32>} : memref<4104x64xf32, #tpu.memory_space<vmem>>, vector<1x64xf32>,
    %get3A_265 = arith.constant 214 : index
    %get3A_266 = arith.constant 0 : index
    %get3A_267 = vector.load %arg0[%get3A_265, %get3A_266] : memref<257x64xf32, #tpu.memory_space<vmem>>, vector<1x64xf32>
    %swap3A_268 = arith.constant 1961 : index
    %swap3A_269 = arith.constant 0 : index
    %swap3A_270 = vector.load %arg1[%swap3A_268, %swap3A_269] : memref<4104x64xf32, #tpu.memory_space<vmem>>, vector<1x64xf32>
    tpu.vector_store %arg1[%swap3A_268, %swap3A_269], %get3A_267 {strides = array<i32>} : memref<4104x64xf32, #tpu.memory_space<vmem>>, vector<1x64xf32>,
    %get3A_271 = arith.constant 213 : index
    %get3A_272 = arith.constant 0 : index
    %get3A_273 = vector.load %arg0[%get3A_271, %get3A_272] : memref<257x64xf32, #tpu.memory_space<vmem>>, vector<1x64xf32>
    %swap3A_274 = arith.constant 1962 : index
    %swap3A_275 = arith.constant 0 : index
    %swap3A_276 = vector.load %arg1[%swap3A_274, %swap3A_275] : memref<4104x64xf32, #tpu.memory_space<vmem>>, vector<1x64xf32>
    tpu.vector_store %arg1[%swap3A_274, %swap3A_275], %get3A_273 {strides = array<i32>} : memref<4104x64xf32, #tpu.memory_space<vmem>>, vector<1x64xf32>,
    %get3A_277 = arith.constant 212 : index
    %get3A_278 = arith.constant 0 : index
    %get3A_279 = vector.load %arg0[%get3A_277, %get3A_278] : memref<257x64xf32, #tpu.memory_space<vmem>>, vector<1x64xf32>
    %swap3A_280 = arith.constant 1963 : index
    %swap3A_281 = arith.constant 0 : index
    %swap3A_282 = vector.load %arg1[%swap3A_280, %swap3A_281] : memref<4104x64xf32, #tpu.memory_space<vmem>>, vector<1x64xf32>
    tpu.vector_store %arg1[%swap3A_280, %swap3A_281], %get3A_279 {strides = array<i32>} : memref<4104x64xf32, #tpu.memory_space<vmem>>, vector<1x64xf32>,
    %get3A_283 = arith.constant 211 : index
    %get3A_284 = arith.constant 0 : index
    %get3A_285 = vector.load %arg0[%get3A_283, %get3A_284] : memref<257x64xf32, #tpu.memory_space<vmem>>, vector<1x64xf32>
    %swap3A_286 = arith.constant 1964 : index
    %swap3A_287 = arith.constant 0 : index
    %swap3A_288 = vector.load %arg1[%swap3A_286, %swap3A_287] : memref<4104x64xf32, #tpu.memory_space<vmem>>, vector<1x64xf32>
    tpu.vector_store %arg1[%swap3A_286, %swap3A_287], %get3A_285 {strides = array<i32>} : memref<4104x64xf32, #tpu.memory_space<vmem>>, vector<1x64xf32>,
    %get3A_289 = arith.constant 210 : index
    %get3A_290 = arith.constant 0 : index
    %get3A_291 = vector.load %arg0[%get3A_289, %get3A_290] : memref<257x64xf32, #tpu.memory_space<vmem>>, vector<1x64xf32>
    %swap3A_292 = arith.constant 1965 : index
    %swap3A_293 = arith.constant 0 : index
    %swap3A_294 = vector.load %arg1[%swap3A_292, %swap3A_293] : memref<4104x64xf32, #tpu.memory_space<vmem>>, vector<1x64xf32>
    tpu.vector_store %arg1[%swap3A_292, %swap3A_293], %get3A_291 {strides = array<i32>} : memref<4104x64xf32, #tpu.memory_space<vmem>>, vector<1x64xf32>,
    %get3A_295 = arith.constant 209 : index
    %get3A_296 = arith.constant 0 : index
    %get3A_297 = vector.load %arg0[%get3A_295, %get3A_296] : memref<257x64xf32, #tpu.memory_space<vmem>>, vector<1x64xf32>
    %swap3A_298 = arith.constant 1966 : index
    %swap3A_299 = arith.constant 0 : index
    %swap3A_300 = vector.load %arg1[%swap3A_298, %swap3A_299] : memref<4104x64xf32, #tpu.memory_space<vmem>>, vector<1x64xf32>
    tpu.vector_store %arg1[%swap3A_298, %swap3A_299], %get3A_297 {strides = array<i32>} : memref<4104x64xf32, #tpu.memory_space<vmem>>, vector<1x64xf32>,
    %get3A_301 = arith.constant 208 : index
    %get3A_302 = arith.constant 0 : index
    %get3A_303 = vector.load %arg0[%get3A_301, %get3A_302] : memref<257x64xf32, #tpu.memory_space<vmem>>, vector<1x64xf32>
    %swap3A_304 = arith.constant 1967 : index
    %swap3A_305 = arith.constant 0 : index
    %swap3A_306 = vector.load %arg1[%swap3A_304, %swap3A_305] : memref<4104x64xf32, #tpu.memory_space<vmem>>, vector<1x64xf32>
    tpu.vector_store %arg1[%swap3A_304, %swap3A_305], %get3A_303 {strides = array<i32>} : memref<4104x64xf32, #tpu.memory_space<vmem>>, vector<1x64xf32>,
    %get3A_307 = arith.constant 207 : index
    %get3A_308 = arith.constant 0 : index
    %get3A_309 = vector.load %arg0[%get3A_307, %get3A_308] : memref<257x64xf32, #tpu.memory_space<vmem>>, vector<1x64xf32>
    %swap3A_310 = arith.constant 1968 : index
    %swap3A_311 = arith.constant 0 : index
    %swap3A_312 = vector.load %arg1[%swap3A_310, %swap3A_311] : memref<4104x64xf32, #tpu.memory_space<vmem>>, vector<1x64xf32>
    tpu.vector_store %arg1[%swap3A_310, %swap3A_311], %get3A_309 {strides = array<i32>} : memref<4104x64xf32, #tpu.memory_space<vmem>>, vector<1x64xf32>,
    %get3A_313 = arith.constant 206 : index
    %get3A_314 = arith.constant 0 : index
    %get3A_315 = vector.load %arg0[%get3A_313, %get3A_314] : memref<257x64xf32, #tpu.memory_space<vmem>>, vector<1x64xf32>
    %swap3A_316 = arith.constant 1969 : index
    %swap3A_317 = arith.constant 0 : index
    %swap3A_318 = vector.load %arg1[%swap3A_316, %swap3A_317] : memref<4104x64xf32, #tpu.memory_space<vmem>>, vector<1x64xf32>
    tpu.vector_store %arg1[%swap3A_316, %swap3A_317], %get3A_315 {strides = array<i32>} : memref<4104x64xf32, #tpu.memory_space<vmem>>, vector<1x64xf32>,
    %get3A_319 = arith.constant 205 : index
    %get3A_320 = arith.constant 0 : index
    %get3A_321 = vector.load %arg0[%get3A_319, %get3A_320] : memref<257x64xf32, #tpu.memory_space<vmem>>, vector<1x64xf32>
    %swap3A_322 = arith.constant 1970 : index
    %swap3A_323 = arith.constant 0 : index
    %swap3A_324 = vector.load %arg1[%swap3A_322, %swap3A_323] : memref<4104x64xf32, #tpu.memory_space<vmem>>, vector<1x64xf32>
    tpu.vector_store %arg1[%swap3A_322, %swap3A_323], %get3A_321 {strides = array<i32>} : memref<4104x64xf32, #tpu.memory_space<vmem>>, vector<1x64xf32>,
    %get3A_325 = arith.constant 204 : index
    %get3A_326 = arith.constant 0 : index
    %get3A_327 = vector.load %arg0[%get3A_325, %get3A_326] : memref<257x64xf32, #tpu.memory_space<vmem>>, vector<1x64xf32>
    %swap3A_328 = arith.constant 1971 : index
    %swap3A_329 = arith.constant 0 : index
    %swap3A_330 = vector.load %arg1[%swap3A_328, %swap3A_329] : memref<4104x64xf32, #tpu.memory_space<vmem>>, vector<1x64xf32>
    tpu.vector_store %arg1[%swap3A_328, %swap3A_329], %get3A_327 {strides = array<i32>} : memref<4104x64xf32, #tpu.memory_space<vmem>>, vector<1x64xf32>,
    %get3A_331 = arith.constant 203 : index
    %get3A_332 = arith.constant 0 : index
    %get3A_333 = vector.load %arg0[%get3A_331, %get3A_332] : memref<257x64xf32, #tpu.memory_space<vmem>>, vector<1x64xf32>
    %swap3A_334 = arith.constant 1972 : index
    %swap3A_335 = arith.constant 0 : index
    %swap3A_336 = vector.load %arg1[%swap3A_334, %swap3A_335] : memref<4104x64xf32, #tpu.memory_space<vmem>>, vector<1x64xf32>
    tpu.vector_store %arg1[%swap3A_334, %swap3A_335], %get3A_333 {strides = array<i32>} : memref<4104x64xf32, #tpu.memory_space<vmem>>, vector<1x64xf32>,
    %get3A_337 = arith.constant 202 : index
    %get3A_338 = arith.constant 0 : index
    %get3A_339 = vector.load %arg0[%get3A_337, %get3A_338] : memref<257x64xf32, #tpu.memory_space<vmem>>, vector<1x64xf32>
    %swap3A_340 = arith.constant 1973 : index
    %swap3A_341 = arith.constant 0 : index
    %swap3A_342 = vector.load %arg1[%swap3A_340, %swap3A_341] : memref<4104x64xf32, #tpu.memory_space<vmem>>, vector<1x64xf32>
    tpu.vector_store %arg1[%swap3A_340, %swap3A_341], %get3A_339 {strides = array<i32>} : memref<4104x64xf32, #tpu.memory_space<vmem>>, vector<1x64xf32>,
    %get3A_343 = arith.constant 201 : index
    %get3A_344 = arith.constant 0 : index
    %get3A_345 = vector.load %arg0[%get3A_343, %get3A_344] : memref<257x64xf32, #tpu.memory_space<vmem>>, vector<1x64xf32>
    %swap3A_346 = arith.constant 1974 : index
    %swap3A_347 = arith.constant 0 : index
    %swap3A_348 = vector.load %arg1[%swap3A_346, %swap3A_347] : memref<4104x64xf32, #tpu.memory_space<vmem>>, vector<1x64xf32>
    tpu.vector_store %arg1[%swap3A_346, %swap3A_347], %get3A_345 {strides = array<i32>} : memref<4104x64xf32, #tpu.memory_space<vmem>>, vector<1x64xf32>,
    %get3A_349 = arith.constant 200 : index
    %get3A_350 = arith.constant 0 : index
    %get3A_351 = vector.load %arg0[%get3A_349, %get3A_350] : memref<257x64xf32, #tpu.memory_space<vmem>>, vector<1x64xf32>
    %swap3A_352 = arith.constant 1975 : index
    %swap3A_353 = arith.constant 0 : index
    %swap3A_354 = vector.load %arg1[%swap3A_352, %swap3A_353] : memref<4104x64xf32, #tpu.memory_space<vmem>>, vector<1x64xf32>
    tpu.vector_store %arg1[%swap3A_352, %swap3A_353], %get3A_351 {strides = array<i32>} : memref<4104x64xf32, #tpu.memory_space<vmem>>, vector<1x64xf32>,
    %get3A_355 = arith.constant 199 : index
    %get3A_356 = arith.constant 0 : index
    %get3A_357 = vector.load %arg0[%get3A_355, %get3A_356] : memref<257x64xf32, #tpu.memory_space<vmem>>, vector<1x64xf32>
    %swap3A_358 = arith.constant 1976 : index
    %swap3A_359 = arith.constant 0 : index
    %swap3A_360 = vector.load %arg1[%swap3A_358, %swap3A_359] : memref<4104x64xf32, #tpu.memory_space<vmem>>, vector<1x64xf32>
    tpu.vector_store %arg1[%swap3A_358, %swap3A_359], %get3A_357 {strides = array<i32>} : memref<4104x64xf32, #tpu.memory_space<vmem>>, vector<1x64xf32>,
    %get3A_361 = arith.constant 198 : index
    %get3A_362 = arith.constant 0 : index
    %get3A_363 = vector.load %arg0[%get3A_361, %get3A_362] : memref<257x64xf32, #tpu.memory_space<vmem>>, vector<1x64xf32>
    %swap3A_364 = arith.constant 1977 : index
    %swap3A_365 = arith.constant 0 : index
    %swap3A_366 = vector.load %arg1[%swap3A_364, %swap3A_365] : memref<4104x64xf32, #tpu.memory_space<vmem>>, vector<1x64xf32>
    tpu.vector_store %arg1[%swap3A_364, %swap3A_365], %get3A_363 {strides = array<i32>} : memref<4104x64xf32, #tpu.memory_space<vmem>>, vector<1x64xf32>,
    %get3A_367 = arith.constant 197 : index
    %get3A_368 = arith.constant 0 : index
    %get3A_369 = vector.load %arg0[%get3A_367, %get3A_368] : memref<257x64xf32, #tpu.memory_space<vmem>>, vector<1x64xf32>
    %swap3A_370 = arith.constant 1978 : index
    %swap3A_371 = arith.constant 0 : index
    %swap3A_372 = vector.load %arg1[%swap3A_370, %swap3A_371] : memref<4104x64xf32, #tpu.memory_space<vmem>>, vector<1x64xf32>
    tpu.vector_store %arg1[%swap3A_370, %swap3A_371], %get3A_369 {strides = array<i32>} : memref<4104x64xf32, #tpu.memory_space<vmem>>, vector<1x64xf32>,
    %get3A_373 = arith.constant 196 : index
    %get3A_374 = arith.constant 0 : index
    %get3A_375 = vector.load %arg0[%get3A_373, %get3A_374] : memref<257x64xf32, #tpu.memory_space<vmem>>, vector<1x64xf32>
    %swap3A_376 = arith.constant 1979 : index
    %swap3A_377 = arith.constant 0 : index
    %swap3A_378 = vector.load %arg1[%swap3A_376, %swap3A_377] : memref<4104x64xf32, #tpu.memory_space<vmem>>, vector<1x64xf32>
    tpu.vector_store %arg1[%swap3A_376, %swap3A_377], %get3A_375 {strides = array<i32>} : memref<4104x64xf32, #tpu.memory_space<vmem>>, vector<1x64xf32>,
    %get3A_379 = arith.constant 195 : index
    %get3A_380 = arith.constant 0 : index
    %get3A_381 = vector.load %arg0[%get3A_379, %get3A_380] : memref<257x64xf32, #tpu.memory_space<vmem>>, vector<1x64xf32>
    %swap3A_382 = arith.constant 1980 : index
    %swap3A_383 = arith.constant 0 : index
    %swap3A_384 = vector.load %arg1[%swap3A_382, %swap3A_383] : memref<4104x64xf32, #tpu.memory_space<vmem>>, vector<1x64xf32>
    tpu.vector_store %arg1[%swap3A_382, %swap3A_383], %get3A_381 {strides = array<i32>} : memref<4104x64xf32, #tpu.memory_space<vmem>>, vector<1x64xf32>,
    %get3A_385 = arith.constant 194 : index
    %get3A_386 = arith.constant 0 : index
    %get3A_387 = vector.load %arg0[%get3A_385, %get3A_386] : memref<257x64xf32, #tpu.memory_space<vmem>>, vector<1x64xf32>
    %swap3A_388 = arith.constant 1981 : index
    %swap3A_389 = arith.constant 0 : index
    %swap3A_390 = vector.load %arg1[%swap3A_388, %swap3A_389] : memref<4104x64xf32, #tpu.memory_space<vmem>>, vector<1x64xf32>
    tpu.vector_store %arg1[%swap3A_388, %swap3A_389], %get3A_387 {strides = array<i32>} : memref<4104x64xf32, #tpu.memory_space<vmem>>, vector<1x64xf32>,
    %get3A_391 = arith.constant 193 : index
    %get3A_392 = arith.constant 0 : index
    %get3A_393 = vector.load %arg0[%get3A_391, %get3A_392] : memref<257x64xf32, #tpu.memory_space<vmem>>, vector<1x64xf32>
    %swap3A_394 = arith.constant 1982 : index
    %swap3A_395 = arith.constant 0 : index
    %swap3A_396 = vector.load %arg1[%swap3A_394, %swap3A_395] : memref<4104x64xf32, #tpu.memory_space<vmem>>, vector<1x64xf32>
    tpu.vector_store %arg1[%swap3A_394, %swap3A_395], %get3A_393 {strides = array<i32>} : memref<4104x64xf32, #tpu.memory_space<vmem>>, vector<1x64xf32>,
    %get3A_397 = arith.constant 192 : index
    %get3A_398 = arith.constant 0 : index
    %get3A_399 = vector.load %arg0[%get3A_397, %get3A_398] : memref<257x64xf32, #tpu.memory_space<vmem>>, vector<1x64xf32>
    %swap3A_400 = arith.constant 1983 : index
    %swap3A_401 = arith.constant 0 : index
    %swap3A_402 = vector.load %arg1[%swap3A_400, %swap3A_401] : memref<4104x64xf32, #tpu.memory_space<vmem>>, vector<1x64xf32>
    tpu.vector_store %arg1[%swap3A_400, %swap3A_401], %get3A_399 {strides = array<i32>} : memref<4104x64xf32, #tpu.memory_space<vmem>>, vector<1x64xf32>,
    %get3A_403 = arith.constant 191 : index
    %get3A_404 = arith.constant 0 : index
    %get3A_405 = vector.load %arg0[%get3A_403, %get3A_404] : memref<257x64xf32, #tpu.memory_space<vmem>>, vector<1x64xf32>
    %swap3A_406 = arith.constant 1984 : index
    %swap3A_407 = arith.constant 0 : index
    %swap3A_408 = vector.load %arg1[%swap3A_406, %swap3A_407] : memref<4104x64xf32, #tpu.memory_space<vmem>>, vector<1x64xf32>
    tpu.vector_store %arg1[%swap3A_406, %swap3A_407], %get3A_405 {strides = array<i32>} : memref<4104x64xf32, #tpu.memory_space<vmem>>, vector<1x64xf32>,
    %get3A_409 = arith.constant 190 : index
    %get3A_410 = arith.constant 0 : index
    %get3A_411 = vector.load %arg0[%get3A_409, %get3A_410] : memref<257x64xf32, #tpu.memory_space<vmem>>, vector<1x64xf32>
    %swap3A_412 = arith.constant 1985 : index
    %swap3A_413 = arith.constant 0 : index
    %swap3A_414 = vector.load %arg1[%swap3A_412, %swap3A_413] : memref<4104x64xf32, #tpu.memory_space<vmem>>, vector<1x64xf32>
    tpu.vector_store %arg1[%swap3A_412, %swap3A_413], %get3A_411 {strides = array<i32>} : memref<4104x64xf32, #tpu.memory_space<vmem>>, vector<1x64xf32>,
    %get3A_415 = arith.constant 189 : index
    %get3A_416 = arith.constant 0 : index
    %get3A_417 = vector.load %arg0[%get3A_415, %get3A_416] : memref<257x64xf32, #tpu.memory_space<vmem>>, vector<1x64xf32>
    %swap3A_418 = arith.constant 1986 : index
    %swap3A_419 = arith.constant 0 : index
    %swap3A_420 = vector.load %arg1[%swap3A_418, %swap3A_419] : memref<4104x64xf32, #tpu.memory_space<vmem>>, vector<1x64xf32>
    tpu.vector_store %arg1[%swap3A_418, %swap3A_419], %get3A_417 {strides = array<i32>} : memref<4104x64xf32, #tpu.memory_space<vmem>>, vector<1x64xf32>,
    %get3A_421 = arith.constant 188 : index
    %get3A_422 = arith.constant 0 : index
    %get3A_423 = vector.load %arg0[%get3A_421, %get3A_422] : memref<257x64xf32, #tpu.memory_space<vmem>>, vector<1x64xf32>
    %swap3A_424 = arith.constant 1987 : index
    %swap3A_425 = arith.constant 0 : index
    %swap3A_426 = vector.load %arg1[%swap3A_424, %swap3A_425] : memref<4104x64xf32, #tpu.memory_space<vmem>>, vector<1x64xf32>
    tpu.vector_store %arg1[%swap3A_424, %swap3A_425], %get3A_423 {strides = array<i32>} : memref<4104x64xf32, #tpu.memory_space<vmem>>, vector<1x64xf32>,
    %get3A_427 = arith.constant 187 : index
    %get3A_428 = arith.constant 0 : index
    %get3A_429 = vector.load %arg0[%get3A_427, %get3A_428] : memref<257x64xf32, #tpu.memory_space<vmem>>, vector<1x64xf32>
    %swap3A_430 = arith.constant 1988 : index
    %swap3A_431 = arith.constant 0 : index
    %swap3A_432 = vector.load %arg1[%swap3A_430, %swap3A_431] : memref<4104x64xf32, #tpu.memory_space<vmem>>, vector<1x64xf32>
    tpu.vector_store %arg1[%swap3A_430, %swap3A_431], %get3A_429 {strides = array<i32>} : memref<4104x64xf32, #tpu.memory_space<vmem>>, vector<1x64xf32>,
    %get3A_433 = arith.constant 186 : index
    %get3A_434 = arith.constant 0 : index
    %get3A_435 = vector.load %arg0[%get3A_433, %get3A_434] : memref<257x64xf32, #tpu.memory_space<vmem>>, vector<1x64xf32>
    %swap3A_436 = arith.constant 1989 : index
    %swap3A_437 = arith.constant 0 : index
    %swap3A_438 = vector.load %arg1[%swap3A_436, %swap3A_437] : memref<4104x64xf32, #tpu.memory_space<vmem>>, vector<1x64xf32>
    tpu.vector_store %arg1[%swap3A_436, %swap3A_437], %get3A_435 {strides = array<i32>} : memref<4104x64xf32, #tpu.memory_space<vmem>>, vector<1x64xf32>,
    %get3A_439 = arith.constant 185 : index
    %get3A_440 = arith.constant 0 : index
    %get3A_441 = vector.load %arg0[%get3A_439, %get3A_440] : memref<257x64xf32, #tpu.memory_space<vmem>>, vector<1x64xf32>
    %swap3A_442 = arith.constant 1990 : index
    %swap3A_443 = arith.constant 0 : index
    %swap3A_444 = vector.load %arg1[%swap3A_442, %swap3A_443] : memref<4104x64xf32, #tpu.memory_space<vmem>>, vector<1x64xf32>
    tpu.vector_store %arg1[%swap3A_442, %swap3A_443], %get3A_441 {strides = array<i32>} : memref<4104x64xf32, #tpu.memory_space<vmem>>, vector<1x64xf32>,
    %get3A_445 = arith.constant 184 : index
    %get3A_446 = arith.constant 0 : index
    %get3A_447 = vector.load %arg0[%get3A_445, %get3A_446] : memref<257x64xf32, #tpu.memory_space<vmem>>, vector<1x64xf32>
    %swap3A_448 = arith.constant 1991 : index
    %swap3A_449 = arith.constant 0 : index
    %swap3A_450 = vector.load %arg1[%swap3A_448, %swap3A_449] : memref<4104x64xf32, #tpu.memory_space<vmem>>, vector<1x64xf32>
    tpu.vector_store %arg1[%swap3A_448, %swap3A_449], %get3A_447 {strides = array<i32>} : memref<4104x64xf32, #tpu.memory_space<vmem>>, vector<1x64xf32>,
    %get3A_451 = arith.constant 183 : index
    %get3A_452 = arith.constant 0 : index
    %get3A_453 = vector.load %arg0[%get3A_451, %get3A_452] : memref<257x64xf32, #tpu.memory_space<vmem>>, vector<1x64xf32>
    %swap3A_454 = arith.constant 1992 : index
    %swap3A_455 = arith.constant 0 : index
    %swap3A_456 = vector.load %arg1[%swap3A_454, %swap3A_455] : memref<4104x64xf32, #tpu.memory_space<vmem>>, vector<1x64xf32>
    tpu.vector_store %arg1[%swap3A_454, %swap3A_455], %get3A_453 {strides = array<i32>} : memref<4104x64xf32, #tpu.memory_space<vmem>>, vector<1x64xf32>,
    %get3A_457 = arith.constant 182 : index
    %get3A_458 = arith.constant 0 : index
    %get3A_459 = vector.load %arg0[%get3A_457, %get3A_458] : memref<257x64xf32, #tpu.memory_space<vmem>>, vector<1x64xf32>
    %swap3A_460 = arith.constant 1993 : index
    %swap3A_461 = arith.constant 0 : index
    %swap3A_462 = vector.load %arg1[%swap3A_460, %swap3A_461] : memref<4104x64xf32, #tpu.memory_space<vmem>>, vector<1x64xf32>
    tpu.vector_store %arg1[%swap3A_460, %swap3A_461], %get3A_459 {strides = array<i32>} : memref<4104x64xf32, #tpu.memory_space<vmem>>, vector<1x64xf32>,
    %get3A_463 = arith.constant 181 : index
    %get3A_464 = arith.constant 0 : index
    %get3A_465 = vector.load %arg0[%get3A_463, %get3A_464] : memref<257x64xf32, #tpu.memory_space<vmem>>, vector<1x64xf32>
    %swap3A_466 = arith.constant 1994 : index
    %swap3A_467 = arith.constant 0 : index
    %swap3A_468 = vector.load %arg1[%swap3A_466, %swap3A_467] : memref<4104x64xf32, #tpu.memory_space<vmem>>, vector<1x64xf32>
    tpu.vector_store %arg1[%swap3A_466, %swap3A_467], %get3A_465 {strides = array<i32>} : memref<4104x64xf32, #tpu.memory_space<vmem>>, vector<1x64xf32>,
    %get3A_469 = arith.constant 180 : index
    %get3A_470 = arith.constant 0 : index
    %get3A_471 = vector.load %arg0[%get3A_469, %get3A_470] : memref<257x64xf32, #tpu.memory_space<vmem>>, vector<1x64xf32>
    %swap3A_472 = arith.constant 1995 : index
    %swap3A_473 = arith.constant 0 : index
    %swap3A_474 = vector.load %arg1[%swap3A_472, %swap3A_473] : memref<4104x64xf32, #tpu.memory_space<vmem>>, vector<1x64xf32>
    tpu.vector_store %arg1[%swap3A_472, %swap3A_473], %get3A_471 {strides = array<i32>} : memref<4104x64xf32, #tpu.memory_space<vmem>>, vector<1x64xf32>,
    %get3A_475 = arith.constant 179 : index
    %get3A_476 = arith.constant 0 : index
    %get3A_477 = vector.load %arg0[%get3A_475, %get3A_476] : memref<257x64xf32, #tpu.memory_space<vmem>>, vector<1x64xf32>
    %swap3A_478 = arith.constant 1996 : index
    %swap3A_479 = arith.constant 0 : index
    %swap3A_480 = vector.load %arg1[%swap3A_478, %swap3A_479] : memref<4104x64xf32, #tpu.memory_space<vmem>>, vector<1x64xf32>
    tpu.vector_store %arg1[%swap3A_478, %swap3A_479], %get3A_477 {strides = array<i32>} : memref<4104x64xf32, #tpu.memory_space<vmem>>, vector<1x64xf32>,
    %get3A_481 = arith.constant 178 : index
    %get3A_482 = arith.constant 0 : index
    %get3A_483 = vector.load %arg0[%get3A_481, %get3A_482] : memref<257x64xf32, #tpu.memory_space<vmem>>, vector<1x64xf32>
    %swap3A_484 = arith.constant 1997 : index
    %swap3A_485 = arith.constant 0 : index
    %swap3A_486 = vector.load %arg1[%swap3A_484, %swap3A_485] : memref<4104x64xf32, #tpu.memory_space<vmem>>, vector<1x64xf32>
    tpu.vector_store %arg1[%swap3A_484, %swap3A_485], %get3A_483 {strides = array<i32>} : memref<4104x64xf32, #tpu.memory_space<vmem>>, vector<1x64xf32>,
    %get3A_487 = arith.constant 177 : index
    %get3A_488 = arith.constant 0 : index
    %get3A_489 = vector.load %arg0[%get3A_487, %get3A_488] : memref<257x64xf32, #tpu.memory_space<vmem>>, vector<1x64xf32>
    %swap3A_490 = arith.constant 1998 : index
    %swap3A_491 = arith.constant 0 : index
    %swap3A_492 = vector.load %arg1[%swap3A_490, %swap3A_491] : memref<4104x64xf32, #tpu.memory_space<vmem>>, vector<1x64xf32>
    tpu.vector_store %arg1[%swap3A_490, %swap3A_491], %get3A_489 {strides = array<i32>} : memref<4104x64xf32, #tpu.memory_space<vmem>>, vector<1x64xf32>,
    %get3A_493 = arith.constant 176 : index
    %get3A_494 = arith.constant 0 : index
    %get3A_495 = vector.load %arg0[%get3A_493, %get3A_494] : memref<257x64xf32, #tpu.memory_space<vmem>>, vector<1x64xf32>
    %swap3A_496 = arith.constant 1999 : index
    %swap3A_497 = arith.constant 0 : index
    %swap3A_498 = vector.load %arg1[%swap3A_496, %swap3A_497] : memref<4104x64xf32, #tpu.memory_space<vmem>>, vector<1x64xf32>
    tpu.vector_store %arg1[%swap3A_496, %swap3A_497], %get3A_495 {strides = array<i32>} : memref<4104x64xf32, #tpu.memory_space<vmem>>, vector<1x64xf32>,
    %get3A_499 = arith.constant 175 : index
    %get3A_500 = arith.constant 0 : index
    %get3A_501 = vector.load %arg0[%get3A_499, %get3A_500] : memref<257x64xf32, #tpu.memory_space<vmem>>, vector<1x64xf32>
    %swap3A_502 = arith.constant 2000 : index
    %swap3A_503 = arith.constant 0 : index
    %swap3A_504 = vector.load %arg1[%swap3A_502, %swap3A_503] : memref<4104x64xf32, #tpu.memory_space<vmem>>, vector<1x64xf32>
    tpu.vector_store %arg1[%swap3A_502, %swap3A_503], %get3A_501 {strides = array<i32>} : memref<4104x64xf32, #tpu.memory_space<vmem>>, vector<1x64xf32>,
    %get3A_505 = arith.constant 174 : index
    %get3A_506 = arith.constant 0 : index
    %get3A_507 = vector.load %arg0[%get3A_505, %get3A_506] : memref<257x64xf32, #tpu.memory_space<vmem>>, vector<1x64xf32>
    %swap3A_508 = arith.constant 2001 : index
    %swap3A_509 = arith.constant 0 : index
    %swap3A_510 = vector.load %arg1[%swap3A_508, %swap3A_509] : memref<4104x64xf32, #tpu.memory_space<vmem>>, vector<1x64xf32>
    tpu.vector_store %arg1[%swap3A_508, %swap3A_509], %get3A_507 {strides = array<i32>} : memref<4104x64xf32, #tpu.memory_space<vmem>>, vector<1x64xf32>,
    %get3A_511 = arith.constant 173 : index
    %get3A_512 = arith.constant 0 : index
    %get3A_513 = vector.load %arg0[%get3A_511, %get3A_512] : memref<257x64xf32, #tpu.memory_space<vmem>>, vector<1x64xf32>
    %swap3A_514 = arith.constant 2002 : index
    %swap3A_515 = arith.constant 0 : index
    %swap3A_516 = vector.load %arg1[%swap3A_514, %swap3A_515] : memref<4104x64xf32, #tpu.memory_space<vmem>>, vector<1x64xf32>
    tpu.vector_store %arg1[%swap3A_514, %swap3A_515], %get3A_513 {strides = array<i32>} : memref<4104x64xf32, #tpu.memory_space<vmem>>, vector<1x64xf32>,
    %get3A_517 = arith.constant 172 : index
    %get3A_518 = arith.constant 0 : index
    %get3A_519 = vector.load %arg0[%get3A_517, %get3A_518] : memref<257x64xf32, #tpu.memory_space<vmem>>, vector<1x64xf32>
    %swap3A_520 = arith.constant 2003 : index
    %swap3A_521 = arith.constant 0 : index
    %swap3A_522 = vector.load %arg1[%swap3A_520, %swap3A_521] : memref<4104x64xf32, #tpu.memory_space<vmem>>, vector<1x64xf32>
    tpu.vector_store %arg1[%swap3A_520, %swap3A_521], %get3A_519 {strides = array<i32>} : memref<4104x64xf32, #tpu.memory_space<vmem>>, vector<1x64xf32>,
    %get3A_523 = arith.constant 171 : index
    %get3A_524 = arith.constant 0 : index
    %get3A_525 = vector.load %arg0[%get3A_523, %get3A_524] : memref<257x64xf32, #tpu.memory_space<vmem>>, vector<1x64xf32>
    %swap3A_526 = arith.constant 2004 : index
    %swap3A_527 = arith.constant 0 : index
    %swap3A_528 = vector.load %arg1[%swap3A_526, %swap3A_527] : memref<4104x64xf32, #tpu.memory_space<vmem>>, vector<1x64xf32>
    tpu.vector_store %arg1[%swap3A_526, %swap3A_527], %get3A_525 {strides = array<i32>} : memref<4104x64xf32, #tpu.memory_space<vmem>>, vector<1x64xf32>,
    %get3A_529 = arith.constant 170 : index
    %get3A_530 = arith.constant 0 : index
    %get3A_531 = vector.load %arg0[%get3A_529, %get3A_530] : memref<257x64xf32, #tpu.memory_space<vmem>>, vector<1x64xf32>
    %swap3A_532 = arith.constant 2005 : index
    %swap3A_533 = arith.constant 0 : index
    %swap3A_534 = vector.load %arg1[%swap3A_532, %swap3A_533] : memref<4104x64xf32, #tpu.memory_space<vmem>>, vector<1x64xf32>
    tpu.vector_store %arg1[%swap3A_532, %swap3A_533], %get3A_531 {strides = array<i32>} : memref<4104x64xf32, #tpu.memory_space<vmem>>, vector<1x64xf32>,
    %get3A_535 = arith.constant 169 : index
    %get3A_536 = arith.constant 0 : index
    %get3A_537 = vector.load %arg0[%get3A_535, %get3A_536] : memref<257x64xf32, #tpu.memory_space<vmem>>, vector<1x64xf32>
    %swap3A_538 = arith.constant 2006 : index
    %swap3A_539 = arith.constant 0 : index
    %swap3A_540 = vector.load %arg1[%swap3A_538, %swap3A_539] : memref<4104x64xf32, #tpu.memory_space<vmem>>, vector<1x64xf32>
    tpu.vector_store %arg1[%swap3A_538, %swap3A_539], %get3A_537 {strides = array<i32>} : memref<4104x64xf32, #tpu.memory_space<vmem>>, vector<1x64xf32>,
    %get3A_541 = arith.constant 168 : index
    %get3A_542 = arith.constant 0 : index
    %get3A_543 = vector.load %arg0[%get3A_541, %get3A_542] : memref<257x64xf32, #tpu.memory_space<vmem>>, vector<1x64xf32>
    %swap3A_544 = arith.constant 2007 : index
    %swap3A_545 = arith.constant 0 : index
    %swap3A_546 = vector.load %arg1[%swap3A_544, %swap3A_545] : memref<4104x64xf32, #tpu.memory_space<vmem>>, vector<1x64xf32>
    tpu.vector_store %arg1[%swap3A_544, %swap3A_545], %get3A_543 {strides = array<i32>} : memref<4104x64xf32, #tpu.memory_space<vmem>>, vector<1x64xf32>,
    %get3A_547 = arith.constant 167 : index
    %get3A_548 = arith.constant 0 : index
    %get3A_549 = vector.load %arg0[%get3A_547, %get3A_548] : memref<257x64xf32, #tpu.memory_space<vmem>>, vector<1x64xf32>
    %swap3A_550 = arith.constant 2008 : index
    %swap3A_551 = arith.constant 0 : index
    %swap3A_552 = vector.load %arg1[%swap3A_550, %swap3A_551] : memref<4104x64xf32, #tpu.memory_space<vmem>>, vector<1x64xf32>
    tpu.vector_store %arg1[%swap3A_550, %swap3A_551], %get3A_549 {strides = array<i32>} : memref<4104x64xf32, #tpu.memory_space<vmem>>, vector<1x64xf32>,
    %get3A_553 = arith.constant 166 : index
    %get3A_554 = arith.constant 0 : index
    %get3A_555 = vector.load %arg0[%get3A_553, %get3A_554] : memref<257x64xf32, #tpu.memory_space<vmem>>, vector<1x64xf32>
    %swap3A_556 = arith.constant 2009 : index
    %swap3A_557 = arith.constant 0 : index
    %swap3A_558 = vector.load %arg1[%swap3A_556, %swap3A_557] : memref<4104x64xf32, #tpu.memory_space<vmem>>, vector<1x64xf32>
    tpu.vector_store %arg1[%swap3A_556, %swap3A_557], %get3A_555 {strides = array<i32>} : memref<4104x64xf32, #tpu.memory_space<vmem>>, vector<1x64xf32>,
    %get3A_559 = arith.constant 165 : index
    %get3A_560 = arith.constant 0 : index
    %get3A_561 = vector.load %arg0[%get3A_559, %get3A_560] : memref<257x64xf32, #tpu.memory_space<vmem>>, vector<1x64xf32>
    %swap3A_562 = arith.constant 2010 : index
    %swap3A_563 = arith.constant 0 : index
    %swap3A_564 = vector.load %arg1[%swap3A_562, %swap3A_563] : memref<4104x64xf32, #tpu.memory_space<vmem>>, vector<1x64xf32>
    tpu.vector_store %arg1[%swap3A_562, %swap3A_563], %get3A_561 {strides = array<i32>} : memref<4104x64xf32, #tpu.memory_space<vmem>>, vector<1x64xf32>,
    %get3A_565 = arith.constant 164 : index
    %get3A_566 = arith.constant 0 : index
    %get3A_567 = vector.load %arg0[%get3A_565, %get3A_566] : memref<257x64xf32, #tpu.memory_space<vmem>>, vector<1x64xf32>
    %swap3A_568 = arith.constant 2011 : index
    %swap3A_569 = arith.constant 0 : index
    %swap3A_570 = vector.load %arg1[%swap3A_568, %swap3A_569] : memref<4104x64xf32, #tpu.memory_space<vmem>>, vector<1x64xf32>
    tpu.vector_store %arg1[%swap3A_568, %swap3A_569], %get3A_567 {strides = array<i32>} : memref<4104x64xf32, #tpu.memory_space<vmem>>, vector<1x64xf32>,
    %get3A_571 = arith.constant 163 : index
    %get3A_572 = arith.constant 0 : index
    %get3A_573 = vector.load %arg0[%get3A_571, %get3A_572] : memref<257x64xf32, #tpu.memory_space<vmem>>, vector<1x64xf32>
    %swap3A_574 = arith.constant 2012 : index
    %swap3A_575 = arith.constant 0 : index
    %swap3A_576 = vector.load %arg1[%swap3A_574, %swap3A_575] : memref<4104x64xf32, #tpu.memory_space<vmem>>, vector<1x64xf32>
    tpu.vector_store %arg1[%swap3A_574, %swap3A_575], %get3A_573 {strides = array<i32>} : memref<4104x64xf32, #tpu.memory_space<vmem>>, vector<1x64xf32>,
    %get3A_577 = arith.constant 162 : index
    %get3A_578 = arith.constant 0 : index
    %get3A_579 = vector.load %arg0[%get3A_577, %get3A_578] : memref<257x64xf32, #tpu.memory_space<vmem>>, vector<1x64xf32>
    %swap3A_580 = arith.constant 2013 : index
    %swap3A_581 = arith.constant 0 : index
    %swap3A_582 = vector.load %arg1[%swap3A_580, %swap3A_581] : memref<4104x64xf32, #tpu.memory_space<vmem>>, vector<1x64xf32>
    tpu.vector_store %arg1[%swap3A_580, %swap3A_581], %get3A_579 {strides = array<i32>} : memref<4104x64xf32, #tpu.memory_space<vmem>>, vector<1x64xf32>,
    %get3A_583 = arith.constant 161 : index
    %get3A_584 = arith.constant 0 : index
    %get3A_585 = vector.load %arg0[%get3A_583, %get3A_584] : memref<257x64xf32, #tpu.memory_space<vmem>>, vector<1x64xf32>
    %swap3A_586 = arith.constant 2014 : index
    %swap3A_587 = arith.constant 0 : index
    %swap3A_588 = vector.load %arg1[%swap3A_586, %swap3A_587] : memref<4104x64xf32, #tpu.memory_space<vmem>>, vector<1x64xf32>
    tpu.vector_store %arg1[%swap3A_586, %swap3A_587], %get3A_585 {strides = array<i32>} : memref<4104x64xf32, #tpu.memory_space<vmem>>, vector<1x64xf32>,
    %get3A_589 = arith.constant 160 : index
    %get3A_590 = arith.constant 0 : index
    %get3A_591 = vector.load %arg0[%get3A_589, %get3A_590] : memref<257x64xf32, #tpu.memory_space<vmem>>, vector<1x64xf32>
    %swap3A_592 = arith.constant 2015 : index
    %swap3A_593 = arith.constant 0 : index
    %swap3A_594 = vector.load %arg1[%swap3A_592, %swap3A_593] : memref<4104x64xf32, #tpu.memory_space<vmem>>, vector<1x64xf32>
    tpu.vector_store %arg1[%swap3A_592, %swap3A_593], %get3A_591 {strides = array<i32>} : memref<4104x64xf32, #tpu.memory_space<vmem>>, vector<1x64xf32>,
    %get3A_595 = arith.constant 159 : index
    %get3A_596 = arith.constant 0 : index
    %get3A_597 = vector.load %arg0[%get3A_595, %get3A_596] : memref<257x64xf32, #tpu.memory_space<vmem>>, vector<1x64xf32>
    %swap3A_598 = arith.constant 2016 : index
    %swap3A_599 = arith.constant 0 : index
    %swap3A_600 = vector.load %arg1[%swap3A_598, %swap3A_599] : memref<4104x64xf32, #tpu.memory_space<vmem>>, vector<1x64xf32>
    tpu.vector_store %arg1[%swap3A_598, %swap3A_599], %get3A_597 {strides = array<i32>} : memref<4104x64xf32, #tpu.memory_space<vmem>>, vector<1x64xf32>,
    %get3A_601 = arith.constant 158 : index
    %get3A_602 = arith.constant 0 : index
    %get3A_603 = vector.load %arg0[%get3A_601, %get3A_602] : memref<257x64xf32, #tpu.memory_space<vmem>>, vector<1x64xf32>
    %swap3A_604 = arith.constant 2017 : index
    %swap3A_605 = arith.constant 0 : index
    %swap3A_606 = vector.load %arg1[%swap3A_604, %swap3A_605] : memref<4104x64xf32, #tpu.memory_space<vmem>>, vector<1x64xf32>
    tpu.vector_store %arg1[%swap3A_604, %swap3A_605], %get3A_603 {strides = array<i32>} : memref<4104x64xf32, #tpu.memory_space<vmem>>, vector<1x64xf32>,
    %get3A_607 = arith.constant 157 : index
    %get3A_608 = arith.constant 0 : index
    %get3A_609 = vector.load %arg0[%get3A_607, %get3A_608] : memref<257x64xf32, #tpu.memory_space<vmem>>, vector<1x64xf32>
    %swap3A_610 = arith.constant 2018 : index
    %swap3A_611 = arith.constant 0 : index
    %swap3A_612 = vector.load %arg1[%swap3A_610, %swap3A_611] : memref<4104x64xf32, #tpu.memory_space<vmem>>, vector<1x64xf32>
    tpu.vector_store %arg1[%swap3A_610, %swap3A_611], %get3A_609 {strides = array<i32>} : memref<4104x64xf32, #tpu.memory_space<vmem>>, vector<1x64xf32>,
    %get3A_613 = arith.constant 156 : index
    %get3A_614 = arith.constant 0 : index
    %get3A_615 = vector.load %arg0[%get3A_613, %get3A_614] : memref<257x64xf32, #tpu.memory_space<vmem>>, vector<1x64xf32>
    %swap3A_616 = arith.constant 2019 : index
    %swap3A_617 = arith.constant 0 : index
    %swap3A_618 = vector.load %arg1[%swap3A_616, %swap3A_617] : memref<4104x64xf32, #tpu.memory_space<vmem>>, vector<1x64xf32>
    tpu.vector_store %arg1[%swap3A_616, %swap3A_617], %get3A_615 {strides = array<i32>} : memref<4104x64xf32, #tpu.memory_space<vmem>>, vector<1x64xf32>,
    %get3A_619 = arith.constant 155 : index
    %get3A_620 = arith.constant 0 : index
    %get3A_621 = vector.load %arg0[%get3A_619, %get3A_620] : memref<257x64xf32, #tpu.memory_space<vmem>>, vector<1x64xf32>
    %swap3A_622 = arith.constant 2020 : index
    %swap3A_623 = arith.constant 0 : index
    %swap3A_624 = vector.load %arg1[%swap3A_622, %swap3A_623] : memref<4104x64xf32, #tpu.memory_space<vmem>>, vector<1x64xf32>
    tpu.vector_store %arg1[%swap3A_622, %swap3A_623], %get3A_621 {strides = array<i32>} : memref<4104x64xf32, #tpu.memory_space<vmem>>, vector<1x64xf32>,
    %get3A_625 = arith.constant 154 : index
    %get3A_626 = arith.constant 0 : index
    %get3A_627 = vector.load %arg0[%get3A_625, %get3A_626] : memref<257x64xf32, #tpu.memory_space<vmem>>, vector<1x64xf32>
    %swap3A_628 = arith.constant 2021 : index
    %swap3A_629 = arith.constant 0 : index
    %swap3A_630 = vector.load %arg1[%swap3A_628, %swap3A_629] : memref<4104x64xf32, #tpu.memory_space<vmem>>, vector<1x64xf32>
    tpu.vector_store %arg1[%swap3A_628, %swap3A_629], %get3A_627 {strides = array<i32>} : memref<4104x64xf32, #tpu.memory_space<vmem>>, vector<1x64xf32>,
    %get3A_631 = arith.constant 153 : index
    %get3A_632 = arith.constant 0 : index
    %get3A_633 = vector.load %arg0[%get3A_631, %get3A_632] : memref<257x64xf32, #tpu.memory_space<vmem>>, vector<1x64xf32>
    %swap3A_634 = arith.constant 2022 : index
    %swap3A_635 = arith.constant 0 : index
    %swap3A_636 = vector.load %arg1[%swap3A_634, %swap3A_635] : memref<4104x64xf32, #tpu.memory_space<vmem>>, vector<1x64xf32>
    tpu.vector_store %arg1[%swap3A_634, %swap3A_635], %get3A_633 {strides = array<i32>} : memref<4104x64xf32, #tpu.memory_space<vmem>>, vector<1x64xf32>,
    %get3A_637 = arith.constant 152 : index
    %get3A_638 = arith.constant 0 : index
    %get3A_639 = vector.load %arg0[%get3A_637, %get3A_638] : memref<257x64xf32, #tpu.memory_space<vmem>>, vector<1x64xf32>
    %swap3A_640 = arith.constant 2023 : index
    %swap3A_641 = arith.constant 0 : index
    %swap3A_642 = vector.load %arg1[%swap3A_640, %swap3A_641] : memref<4104x64xf32, #tpu.memory_space<vmem>>, vector<1x64xf32>
    tpu.vector_store %arg1[%swap3A_640, %swap3A_641], %get3A_639 {strides = array<i32>} : memref<4104x64xf32, #tpu.memory_space<vmem>>, vector<1x64xf32>,
    %get3A_643 = arith.constant 151 : index
    %get3A_644 = arith.constant 0 : index
    %get3A_645 = vector.load %arg0[%get3A_643, %get3A_644] : memref<257x64xf32, #tpu.memory_space<vmem>>, vector<1x64xf32>
    %swap3A_646 = arith.constant 2024 : index
    %swap3A_647 = arith.constant 0 : index
    %swap3A_648 = vector.load %arg1[%swap3A_646, %swap3A_647] : memref<4104x64xf32, #tpu.memory_space<vmem>>, vector<1x64xf32>
    tpu.vector_store %arg1[%swap3A_646, %swap3A_647], %get3A_645 {strides = array<i32>} : memref<4104x64xf32, #tpu.memory_space<vmem>>, vector<1x64xf32>,
    %get3A_649 = arith.constant 150 : index
    %get3A_650 = arith.constant 0 : index
    %get3A_651 = vector.load %arg0[%get3A_649, %get3A_650] : memref<257x64xf32, #tpu.memory_space<vmem>>, vector<1x64xf32>
    %swap3A_652 = arith.constant 2025 : index
    %swap3A_653 = arith.constant 0 : index
    %swap3A_654 = vector.load %arg1[%swap3A_652, %swap3A_653] : memref<4104x64xf32, #tpu.memory_space<vmem>>, vector<1x64xf32>
    tpu.vector_store %arg1[%swap3A_652, %swap3A_653], %get3A_651 {strides = array<i32>} : memref<4104x64xf32, #tpu.memory_space<vmem>>, vector<1x64xf32>,
    %get3A_655 = arith.constant 149 : index
    %get3A_656 = arith.constant 0 : index
    %get3A_657 = vector.load %arg0[%get3A_655, %get3A_656] : memref<257x64xf32, #tpu.memory_space<vmem>>, vector<1x64xf32>
    %swap3A_658 = arith.constant 2026 : index
    %swap3A_659 = arith.constant 0 : index
    %swap3A_660 = vector.load %arg1[%swap3A_658, %swap3A_659] : memref<4104x64xf32, #tpu.memory_space<vmem>>, vector<1x64xf32>
    tpu.vector_store %arg1[%swap3A_658, %swap3A_659], %get3A_657 {strides = array<i32>} : memref<4104x64xf32, #tpu.memory_space<vmem>>, vector<1x64xf32>,
    %get3A_661 = arith.constant 148 : index
    %get3A_662 = arith.constant 0 : index
    %get3A_663 = vector.load %arg0[%get3A_661, %get3A_662] : memref<257x64xf32, #tpu.memory_space<vmem>>, vector<1x64xf32>
    %swap3A_664 = arith.constant 2027 : index
    %swap3A_665 = arith.constant 0 : index
    %swap3A_666 = vector.load %arg1[%swap3A_664, %swap3A_665] : memref<4104x64xf32, #tpu.memory_space<vmem>>, vector<1x64xf32>
    tpu.vector_store %arg1[%swap3A_664, %swap3A_665], %get3A_663 {strides = array<i32>} : memref<4104x64xf32, #tpu.memory_space<vmem>>, vector<1x64xf32>,
    %get3A_667 = arith.constant 147 : index
    %get3A_668 = arith.constant 0 : index
    %get3A_669 = vector.load %arg0[%get3A_667, %get3A_668] : memref<257x64xf32, #tpu.memory_space<vmem>>, vector<1x64xf32>
    %swap3A_670 = arith.constant 2028 : index
    %swap3A_671 = arith.constant 0 : index
    %swap3A_672 = vector.load %arg1[%swap3A_670, %swap3A_671] : memref<4104x64xf32, #tpu.memory_space<vmem>>, vector<1x64xf32>
    tpu.vector_store %arg1[%swap3A_670, %swap3A_671], %get3A_669 {strides = array<i32>} : memref<4104x64xf32, #tpu.memory_space<vmem>>, vector<1x64xf32>,
    %get3A_673 = arith.constant 146 : index
    %get3A_674 = arith.constant 0 : index
    %get3A_675 = vector.load %arg0[%get3A_673, %get3A_674] : memref<257x64xf32, #tpu.memory_space<vmem>>, vector<1x64xf32>
    %swap3A_676 = arith.constant 2029 : index
    %swap3A_677 = arith.constant 0 : index
    %swap3A_678 = vector.load %arg1[%swap3A_676, %swap3A_677] : memref<4104x64xf32, #tpu.memory_space<vmem>>, vector<1x64xf32>
    tpu.vector_store %arg1[%swap3A_676, %swap3A_677], %get3A_675 {strides = array<i32>} : memref<4104x64xf32, #tpu.memory_space<vmem>>, vector<1x64xf32>,
    %get3A_679 = arith.constant 145 : index
    %get3A_680 = arith.constant 0 : index
    %get3A_681 = vector.load %arg0[%get3A_679, %get3A_680] : memref<257x64xf32, #tpu.memory_space<vmem>>, vector<1x64xf32>
    %swap3A_682 = arith.constant 2030 : index
    %swap3A_683 = arith.constant 0 : index
    %swap3A_684 = vector.load %arg1[%swap3A_682, %swap3A_683] : memref<4104x64xf32, #tpu.memory_space<vmem>>, vector<1x64xf32>
    tpu.vector_store %arg1[%swap3A_682, %swap3A_683], %get3A_681 {strides = array<i32>} : memref<4104x64xf32, #tpu.memory_space<vmem>>, vector<1x64xf32>,
    %get3A_685 = arith.constant 144 : index
    %get3A_686 = arith.constant 0 : index
    %get3A_687 = vector.load %arg0[%get3A_685, %get3A_686] : memref<257x64xf32, #tpu.memory_space<vmem>>, vector<1x64xf32>
    %swap3A_688 = arith.constant 2031 : index
    %swap3A_689 = arith.constant 0 : index
    %swap3A_690 = vector.load %arg1[%swap3A_688, %swap3A_689] : memref<4104x64xf32, #tpu.memory_space<vmem>>, vector<1x64xf32>
    tpu.vector_store %arg1[%swap3A_688, %swap3A_689], %get3A_687 {strides = array<i32>} : memref<4104x64xf32, #tpu.memory_space<vmem>>, vector<1x64xf32>,
    %get3A_691 = arith.constant 143 : index
    %get3A_692 = arith.constant 0 : index
    %get3A_693 = vector.load %arg0[%get3A_691, %get3A_692] : memref<257x64xf32, #tpu.memory_space<vmem>>, vector<1x64xf32>
    %swap3A_694 = arith.constant 2032 : index
    %swap3A_695 = arith.constant 0 : index
    %swap3A_696 = vector.load %arg1[%swap3A_694, %swap3A_695] : memref<4104x64xf32, #tpu.memory_space<vmem>>, vector<1x64xf32>
    tpu.vector_store %arg1[%swap3A_694, %swap3A_695], %get3A_693 {strides = array<i32>} : memref<4104x64xf32, #tpu.memory_space<vmem>>, vector<1x64xf32>,
    %get3A_697 = arith.constant 142 : index
    %get3A_698 = arith.constant 0 : index
    %get3A_699 = vector.load %arg0[%get3A_697, %get3A_698] : memref<257x64xf32, #tpu.memory_space<vmem>>, vector<1x64xf32>
    %swap3A_700 = arith.constant 2033 : index
    %swap3A_701 = arith.constant 0 : index
    %swap3A_702 = vector.load %arg1[%swap3A_700, %swap3A_701] : memref<4104x64xf32, #tpu.memory_space<vmem>>, vector<1x64xf32>
    tpu.vector_store %arg1[%swap3A_700, %swap3A_701], %get3A_699 {strides = array<i32>} : memref<4104x64xf32, #tpu.memory_space<vmem>>, vector<1x64xf32>,
    %get3A_703 = arith.constant 141 : index
    %get3A_704 = arith.constant 0 : index
    %get3A_705 = vector.load %arg0[%get3A_703, %get3A_704] : memref<257x64xf32, #tpu.memory_space<vmem>>, vector<1x64xf32>
    %swap3A_706 = arith.constant 2034 : index
    %swap3A_707 = arith.constant 0 : index
    %swap3A_708 = vector.load %arg1[%swap3A_706, %swap3A_707] : memref<4104x64xf32, #tpu.memory_space<vmem>>, vector<1x64xf32>
    tpu.vector_store %arg1[%swap3A_706, %swap3A_707], %get3A_705 {strides = array<i32>} : memref<4104x64xf32, #tpu.memory_space<vmem>>, vector<1x64xf32>,
    %get3A_709 = arith.constant 140 : index
    %get3A_710 = arith.constant 0 : index
    %get3A_711 = vector.load %arg0[%get3A_709, %get3A_710] : memref<257x64xf32, #tpu.memory_space<vmem>>, vector<1x64xf32>
    %swap3A_712 = arith.constant 2035 : index
    %swap3A_713 = arith.constant 0 : index
    %swap3A_714 = vector.load %arg1[%swap3A_712, %swap3A_713] : memref<4104x64xf32, #tpu.memory_space<vmem>>, vector<1x64xf32>
    tpu.vector_store %arg1[%swap3A_712, %swap3A_713], %get3A_711 {strides = array<i32>} : memref<4104x64xf32, #tpu.memory_space<vmem>>, vector<1x64xf32>,
    %get3A_715 = arith.constant 139 : index
    %get3A_716 = arith.constant 0 : index
    %get3A_717 = vector.load %arg0[%get3A_715, %get3A_716] : memref<257x64xf32, #tpu.memory_space<vmem>>, vector<1x64xf32>
    %swap3A_718 = arith.constant 2036 : index
    %swap3A_719 = arith.constant 0 : index
    %swap3A_720 = vector.load %arg1[%swap3A_718, %swap3A_719] : memref<4104x64xf32, #tpu.memory_space<vmem>>, vector<1x64xf32>
    tpu.vector_store %arg1[%swap3A_718, %swap3A_719], %get3A_717 {strides = array<i32>} : memref<4104x64xf32, #tpu.memory_space<vmem>>, vector<1x64xf32>,
    %get3A_721 = arith.constant 138 : index
    %get3A_722 = arith.constant 0 : index
    %get3A_723 = vector.load %arg0[%get3A_721, %get3A_722] : memref<257x64xf32, #tpu.memory_space<vmem>>, vector<1x64xf32>
    %swap3A_724 = arith.constant 2037 : index
    %swap3A_725 = arith.constant 0 : index
    %swap3A_726 = vector.load %arg1[%swap3A_724, %swap3A_725] : memref<4104x64xf32, #tpu.memory_space<vmem>>, vector<1x64xf32>
    tpu.vector_store %arg1[%swap3A_724, %swap3A_725], %get3A_723 {strides = array<i32>} : memref<4104x64xf32, #tpu.memory_space<vmem>>, vector<1x64xf32>,
    %get3A_727 = arith.constant 137 : index
    %get3A_728 = arith.constant 0 : index
    %get3A_729 = vector.load %arg0[%get3A_727, %get3A_728] : memref<257x64xf32, #tpu.memory_space<vmem>>, vector<1x64xf32>
    %swap3A_730 = arith.constant 2038 : index
    %swap3A_731 = arith.constant 0 : index
    %swap3A_732 = vector.load %arg1[%swap3A_730, %swap3A_731] : memref<4104x64xf32, #tpu.memory_space<vmem>>, vector<1x64xf32>
    tpu.vector_store %arg1[%swap3A_730, %swap3A_731], %get3A_729 {strides = array<i32>} : memref<4104x64xf32, #tpu.memory_space<vmem>>, vector<1x64xf32>,
    %get3A_733 = arith.constant 136 : index
    %get3A_734 = arith.constant 0 : index
    %get3A_735 = vector.load %arg0[%get3A_733, %get3A_734] : memref<257x64xf32, #tpu.memory_space<vmem>>, vector<1x64xf32>
    %swap3A_736 = arith.constant 2039 : index
    %swap3A_737 = arith.constant 0 : index
    %swap3A_738 = vector.load %arg1[%swap3A_736, %swap3A_737] : memref<4104x64xf32, #tpu.memory_space<vmem>>, vector<1x64xf32>
    tpu.vector_store %arg1[%swap3A_736, %swap3A_737], %get3A_735 {strides = array<i32>} : memref<4104x64xf32, #tpu.memory_space<vmem>>, vector<1x64xf32>,
    %get3A_739 = arith.constant 135 : index
    %get3A_740 = arith.constant 0 : index
    %get3A_741 = vector.load %arg0[%get3A_739, %get3A_740] : memref<257x64xf32, #tpu.memory_space<vmem>>, vector<1x64xf32>
    %swap3A_742 = arith.constant 2040 : index
    %swap3A_743 = arith.constant 0 : index
    %swap3A_744 = vector.load %arg1[%swap3A_742, %swap3A_743] : memref<4104x64xf32, #tpu.memory_space<vmem>>, vector<1x64xf32>
    tpu.vector_store %arg1[%swap3A_742, %swap3A_743], %get3A_741 {strides = array<i32>} : memref<4104x64xf32, #tpu.memory_space<vmem>>, vector<1x64xf32>,
    %get3A_745 = arith.constant 134 : index
    %get3A_746 = arith.constant 0 : index
    %get3A_747 = vector.load %arg0[%get3A_745, %get3A_746] : memref<257x64xf32, #tpu.memory_space<vmem>>, vector<1x64xf32>
    %swap3A_748 = arith.constant 2041 : index
    %swap3A_749 = arith.constant 0 : index
    %swap3A_750 = vector.load %arg1[%swap3A_748, %swap3A_749] : memref<4104x64xf32, #tpu.memory_space<vmem>>, vector<1x64xf32>
    tpu.vector_store %arg1[%swap3A_748, %swap3A_749], %get3A_747 {strides = array<i32>} : memref<4104x64xf32, #tpu.memory_space<vmem>>, vector<1x64xf32>,
    %get3A_751 = arith.constant 133 : index
    %get3A_752 = arith.constant 0 : index
    %get3A_753 = vector.load %arg0[%get3A_751, %get3A_752] : memref<257x64xf32, #tpu.memory_space<vmem>>, vector<1x64xf32>
    %swap3A_754 = arith.constant 2042 : index
    %swap3A_755 = arith.constant 0 : index
    %swap3A_756 = vector.load %arg1[%swap3A_754, %swap3A_755] : memref<4104x64xf32, #tpu.memory_space<vmem>>, vector<1x64xf32>
    tpu.vector_store %arg1[%swap3A_754, %swap3A_755], %get3A_753 {strides = array<i32>} : memref<4104x64xf32, #tpu.memory_space<vmem>>, vector<1x64xf32>,
    %get3A_757 = arith.constant 132 : index
    %get3A_758 = arith.constant 0 : index
    %get3A_759 = vector.load %arg0[%get3A_757, %get3A_758] : memref<257x64xf32, #tpu.memory_space<vmem>>, vector<1x64xf32>
    %swap3A_760 = arith.constant 2043 : index
    %swap3A_761 = arith.constant 0 : index
    %swap3A_762 = vector.load %arg1[%swap3A_760, %swap3A_761] : memref<4104x64xf32, #tpu.memory_space<vmem>>, vector<1x64xf32>
    tpu.vector_store %arg1[%swap3A_760, %swap3A_761], %get3A_759 {strides = array<i32>} : memref<4104x64xf32, #tpu.memory_space<vmem>>, vector<1x64xf32>,
    %get3A_763 = arith.constant 131 : index
    %get3A_764 = arith.constant 0 : index
    %get3A_765 = vector.load %arg0[%get3A_763, %get3A_764] : memref<257x64xf32, #tpu.memory_space<vmem>>, vector<1x64xf32>
    %swap3A_766 = arith.constant 2044 : index
    %swap3A_767 = arith.constant 0 : index
    %swap3A_768 = vector.load %arg1[%swap3A_766, %swap3A_767] : memref<4104x64xf32, #tpu.memory_space<vmem>>, vector<1x64xf32>
    tpu.vector_store %arg1[%swap3A_766, %swap3A_767], %get3A_765 {strides = array<i32>} : memref<4104x64xf32, #tpu.memory_space<vmem>>, vector<1x64xf32>,
    %get3A_769 = arith.constant 130 : index
    %get3A_770 = arith.constant 0 : index
    %get3A_771 = vector.load %arg0[%get3A_769, %get3A_770] : memref<257x64xf32, #tpu.memory_space<vmem>>, vector<1x64xf32>
    %swap3A_772 = arith.constant 2045 : index
    %swap3A_773 = arith.constant 0 : index
    %swap3A_774 = vector.load %arg1[%swap3A_772, %swap3A_773] : memref<4104x64xf32, #tpu.memory_space<vmem>>, vector<1x64xf32>
    tpu.vector_store %arg1[%swap3A_772, %swap3A_773], %get3A_771 {strides = array<i32>} : memref<4104x64xf32, #tpu.memory_space<vmem>>, vector<1x64xf32>,
    %get3A_775 = arith.constant 129 : index
    %get3A_776 = arith.constant 0 : index
    %get3A_777 = vector.load %arg0[%get3A_775, %get3A_776] : memref<257x64xf32, #tpu.memory_space<vmem>>, vector<1x64xf32>
    %swap3A_778 = arith.constant 2046 : index
    %swap3A_779 = arith.constant 0 : index
    %swap3A_780 = vector.load %arg1[%swap3A_778, %swap3A_779] : memref<4104x64xf32, #tpu.memory_space<vmem>>, vector<1x64xf32>
    tpu.vector_store %arg1[%swap3A_778, %swap3A_779], %get3A_777 {strides = array<i32>} : memref<4104x64xf32, #tpu.memory_space<vmem>>, vector<1x64xf32>,
    %get3A_781 = arith.constant 128 : index
    %get3A_782 = arith.constant 0 : index
    %get3A_783 = vector.load %arg0[%get3A_781, %get3A_782] : memref<257x64xf32, #tpu.memory_space<vmem>>, vector<1x64xf32>
    %swap3A_784 = arith.constant 2047 : index
    %swap3A_785 = arith.constant 0 : index
    %swap3A_786 = vector.load %arg1[%swap3A_784, %swap3A_785] : memref<4104x64xf32, #tpu.memory_space<vmem>>, vector<1x64xf32>
    tpu.vector_store %arg1[%swap3A_784, %swap3A_785], %get3A_783 {strides = array<i32>} : memref<4104x64xf32, #tpu.memory_space<vmem>>, vector<1x64xf32>,
    %get3A_787 = arith.constant 127 : index
    %get3A_788 = arith.constant 0 : index
    %get3A_789 = vector.load %arg0[%get3A_787, %get3A_788] : memref<257x64xf32, #tpu.memory_space<vmem>>, vector<1x64xf32>
    %swap3A_790 = arith.constant 2048 : index
    %swap3A_791 = arith.constant 0 : index
    %swap3A_792 = vector.load %arg1[%swap3A_790, %swap3A_791] : memref<4104x64xf32, #tpu.memory_space<vmem>>, vector<1x64xf32>
    tpu.vector_store %arg1[%swap3A_790, %swap3A_791], %get3A_789 {strides = array<i32>} : memref<4104x64xf32, #tpu.memory_space<vmem>>, vector<1x64xf32>,
    %get3A_793 = arith.constant 126 : index
    %get3A_794 = arith.constant 0 : index
    %get3A_795 = vector.load %arg0[%get3A_793, %get3A_794] : memref<257x64xf32, #tpu.memory_space<vmem>>, vector<1x64xf32>
    %swap3A_796 = arith.constant 2049 : index
    %swap3A_797 = arith.constant 0 : index
    %swap3A_798 = vector.load %arg1[%swap3A_796, %swap3A_797] : memref<4104x64xf32, #tpu.memory_space<vmem>>, vector<1x64xf32>
    tpu.vector_store %arg1[%swap3A_796, %swap3A_797], %get3A_795 {strides = array<i32>} : memref<4104x64xf32, #tpu.memory_space<vmem>>, vector<1x64xf32>,
    %get3A_799 = arith.constant 125 : index
    %get3A_800 = arith.constant 0 : index
    %get3A_801 = vector.load %arg0[%get3A_799, %get3A_800] : memref<257x64xf32, #tpu.memory_space<vmem>>, vector<1x64xf32>
    %swap3A_802 = arith.constant 2050 : index
    %swap3A_803 = arith.constant 0 : index
    %swap3A_804 = vector.load %arg1[%swap3A_802, %swap3A_803] : memref<4104x64xf32, #tpu.memory_space<vmem>>, vector<1x64xf32>
    tpu.vector_store %arg1[%swap3A_802, %swap3A_803], %get3A_801 {strides = array<i32>} : memref<4104x64xf32, #tpu.memory_space<vmem>>, vector<1x64xf32>,
    %get3A_805 = arith.constant 124 : index
    %get3A_806 = arith.constant 0 : index
    %get3A_807 = vector.load %arg0[%get3A_805, %get3A_806] : memref<257x64xf32, #tpu.memory_space<vmem>>, vector<1x64xf32>
    %swap3A_808 = arith.constant 2051 : index
    %swap3A_809 = arith.constant 0 : index
    %swap3A_810 = vector.load %arg1[%swap3A_808, %swap3A_809] : memref<4104x64xf32, #tpu.memory_space<vmem>>, vector<1x64xf32>
    tpu.vector_store %arg1[%swap3A_808, %swap3A_809], %get3A_807 {strides = array<i32>} : memref<4104x64xf32, #tpu.memory_space<vmem>>, vector<1x64xf32>,
    %get3A_811 = arith.constant 123 : index
    %get3A_812 = arith.constant 0 : index
    %get3A_813 = vector.load %arg0[%get3A_811, %get3A_812] : memref<257x64xf32, #tpu.memory_space<vmem>>, vector<1x64xf32>
    %swap3A_814 = arith.constant 2052 : index
    %swap3A_815 = arith.constant 0 : index
    %swap3A_816 = vector.load %arg1[%swap3A_814, %swap3A_815] : memref<4104x64xf32, #tpu.memory_space<vmem>>, vector<1x64xf32>
    tpu.vector_store %arg1[%swap3A_814, %swap3A_815], %get3A_813 {strides = array<i32>} : memref<4104x64xf32, #tpu.memory_space<vmem>>, vector<1x64xf32>,
    %get3A_817 = arith.constant 122 : index
    %get3A_818 = arith.constant 0 : index
    %get3A_819 = vector.load %arg0[%get3A_817, %get3A_818] : memref<257x64xf32, #tpu.memory_space<vmem>>, vector<1x64xf32>
    %swap3A_820 = arith.constant 2053 : index
    %swap3A_821 = arith.constant 0 : index
    %swap3A_822 = vector.load %arg1[%swap3A_820, %swap3A_821] : memref<4104x64xf32, #tpu.memory_space<vmem>>, vector<1x64xf32>
    tpu.vector_store %arg1[%swap3A_820, %swap3A_821], %get3A_819 {strides = array<i32>} : memref<4104x64xf32, #tpu.memory_space<vmem>>, vector<1x64xf32>,
    %get3A_823 = arith.constant 121 : index
    %get3A_824 = arith.constant 0 : index
    %get3A_825 = vector.load %arg0[%get3A_823, %get3A_824] : memref<257x64xf32, #tpu.memory_space<vmem>>, vector<1x64xf32>
    %swap3A_826 = arith.constant 2054 : index
    %swap3A_827 = arith.constant 0 : index
    %swap3A_828 = vector.load %arg1[%swap3A_826, %swap3A_827] : memref<4104x64xf32, #tpu.memory_space<vmem>>, vector<1x64xf32>
    tpu.vector_store %arg1[%swap3A_826, %swap3A_827], %get3A_825 {strides = array<i32>} : memref<4104x64xf32, #tpu.memory_space<vmem>>, vector<1x64xf32>,
    %get3A_829 = arith.constant 120 : index
    %get3A_830 = arith.constant 0 : index
    %get3A_831 = vector.load %arg0[%get3A_829, %get3A_830] : memref<257x64xf32, #tpu.memory_space<vmem>>, vector<1x64xf32>
    %swap3A_832 = arith.constant 2055 : index
    %swap3A_833 = arith.constant 0 : index
    %swap3A_834 = vector.load %arg1[%swap3A_832, %swap3A_833] : memref<4104x64xf32, #tpu.memory_space<vmem>>, vector<1x64xf32>
    tpu.vector_store %arg1[%swap3A_832, %swap3A_833], %get3A_831 {strides = array<i32>} : memref<4104x64xf32, #tpu.memory_space<vmem>>, vector<1x64xf32>,
    %get3A_835 = arith.constant 119 : index
    %get3A_836 = arith.constant 0 : index
    %get3A_837 = vector.load %arg0[%get3A_835, %get3A_836] : memref<257x64xf32, #tpu.memory_space<vmem>>, vector<1x64xf32>
    %swap3A_838 = arith.constant 2056 : index
    %swap3A_839 = arith.constant 0 : index
    %swap3A_840 = vector.load %arg1[%swap3A_838, %swap3A_839] : memref<4104x64xf32, #tpu.memory_space<vmem>>, vector<1x64xf32>
    tpu.vector_store %arg1[%swap3A_838, %swap3A_839], %get3A_837 {strides = array<i32>} : memref<4104x64xf32, #tpu.memory_space<vmem>>, vector<1x64xf32>,
    %get3A_841 = arith.constant 118 : index
    %get3A_842 = arith.constant 0 : index
    %get3A_843 = vector.load %arg0[%get3A_841, %get3A_842] : memref<257x64xf32, #tpu.memory_space<vmem>>, vector<1x64xf32>
    %swap3A_844 = arith.constant 2057 : index
    %swap3A_845 = arith.constant 0 : index
    %swap3A_846 = vector.load %arg1[%swap3A_844, %swap3A_845] : memref<4104x64xf32, #tpu.memory_space<vmem>>, vector<1x64xf32>
    tpu.vector_store %arg1[%swap3A_844, %swap3A_845], %get3A_843 {strides = array<i32>} : memref<4104x64xf32, #tpu.memory_space<vmem>>, vector<1x64xf32>,
    %get3A_847 = arith.constant 117 : index
    %get3A_848 = arith.constant 0 : index
    %get3A_849 = vector.load %arg0[%get3A_847, %get3A_848] : memref<257x64xf32, #tpu.memory_space<vmem>>, vector<1x64xf32>
    %swap3A_850 = arith.constant 2058 : index
    %swap3A_851 = arith.constant 0 : index
    %swap3A_852 = vector.load %arg1[%swap3A_850, %swap3A_851] : memref<4104x64xf32, #tpu.memory_space<vmem>>, vector<1x64xf32>
    tpu.vector_store %arg1[%swap3A_850, %swap3A_851], %get3A_849 {strides = array<i32>} : memref<4104x64xf32, #tpu.memory_space<vmem>>, vector<1x64xf32>,
    %get3A_853 = arith.constant 116 : index
    %get3A_854 = arith.constant 0 : index
    %get3A_855 = vector.load %arg0[%get3A_853, %get3A_854] : memref<257x64xf32, #tpu.memory_space<vmem>>, vector<1x64xf32>
    %swap3A_856 = arith.constant 2059 : index
    %swap3A_857 = arith.constant 0 : index
    %swap3A_858 = vector.load %arg1[%swap3A_856, %swap3A_857] : memref<4104x64xf32, #tpu.memory_space<vmem>>, vector<1x64xf32>
    tpu.vector_store %arg1[%swap3A_856, %swap3A_857], %get3A_855 {strides = array<i32>} : memref<4104x64xf32, #tpu.memory_space<vmem>>, vector<1x64xf32>,
    %get3A_859 = arith.constant 115 : index
    %get3A_860 = arith.constant 0 : index
    %get3A_861 = vector.load %arg0[%get3A_859, %get3A_860] : memref<257x64xf32, #tpu.memory_space<vmem>>, vector<1x64xf32>
    %swap3A_862 = arith.constant 2060 : index
    %swap3A_863 = arith.constant 0 : index
    %swap3A_864 = vector.load %arg1[%swap3A_862, %swap3A_863] : memref<4104x64xf32, #tpu.memory_space<vmem>>, vector<1x64xf32>
    tpu.vector_store %arg1[%swap3A_862, %swap3A_863], %get3A_861 {strides = array<i32>} : memref<4104x64xf32, #tpu.memory_space<vmem>>, vector<1x64xf32>,
    %get3A_865 = arith.constant 114 : index
    %get3A_866 = arith.constant 0 : index
    %get3A_867 = vector.load %arg0[%get3A_865, %get3A_866] : memref<257x64xf32, #tpu.memory_space<vmem>>, vector<1x64xf32>
    %swap3A_868 = arith.constant 2061 : index
    %swap3A_869 = arith.constant 0 : index
    %swap3A_870 = vector.load %arg1[%swap3A_868, %swap3A_869] : memref<4104x64xf32, #tpu.memory_space<vmem>>, vector<1x64xf32>
    tpu.vector_store %arg1[%swap3A_868, %swap3A_869], %get3A_867 {strides = array<i32>} : memref<4104x64xf32, #tpu.memory_space<vmem>>, vector<1x64xf32>,
    %get3A_871 = arith.constant 113 : index
    %get3A_872 = arith.constant 0 : index
    %get3A_873 = vector.load %arg0[%get3A_871, %get3A_872] : memref<257x64xf32, #tpu.memory_space<vmem>>, vector<1x64xf32>
    %swap3A_874 = arith.constant 2062 : index
    %swap3A_875 = arith.constant 0 : index
    %swap3A_876 = vector.load %arg1[%swap3A_874, %swap3A_875] : memref<4104x64xf32, #tpu.memory_space<vmem>>, vector<1x64xf32>
    tpu.vector_store %arg1[%swap3A_874, %swap3A_875], %get3A_873 {strides = array<i32>} : memref<4104x64xf32, #tpu.memory_space<vmem>>, vector<1x64xf32>,
    %get3A_877 = arith.constant 112 : index
    %get3A_878 = arith.constant 0 : index
    %get3A_879 = vector.load %arg0[%get3A_877, %get3A_878] : memref<257x64xf32, #tpu.memory_space<vmem>>, vector<1x64xf32>
    %swap3A_880 = arith.constant 2063 : index
    %swap3A_881 = arith.constant 0 : index
    %swap3A_882 = vector.load %arg1[%swap3A_880, %swap3A_881] : memref<4104x64xf32, #tpu.memory_space<vmem>>, vector<1x64xf32>
    tpu.vector_store %arg1[%swap3A_880, %swap3A_881], %get3A_879 {strides = array<i32>} : memref<4104x64xf32, #tpu.memory_space<vmem>>, vector<1x64xf32>,
    %get3A_883 = arith.constant 111 : index
    %get3A_884 = arith.constant 0 : index
    %get3A_885 = vector.load %arg0[%get3A_883, %get3A_884] : memref<257x64xf32, #tpu.memory_space<vmem>>, vector<1x64xf32>
    %swap3A_886 = arith.constant 2064 : index
    %swap3A_887 = arith.constant 0 : index
    %swap3A_888 = vector.load %arg1[%swap3A_886, %swap3A_887] : memref<4104x64xf32, #tpu.memory_space<vmem>>, vector<1x64xf32>
    tpu.vector_store %arg1[%swap3A_886, %swap3A_887], %get3A_885 {strides = array<i32>} : memref<4104x64xf32, #tpu.memory_space<vmem>>, vector<1x64xf32>,
    %get3A_889 = arith.constant 110 : index
    %get3A_890 = arith.constant 0 : index
    %get3A_891 = vector.load %arg0[%get3A_889, %get3A_890] : memref<257x64xf32, #tpu.memory_space<vmem>>, vector<1x64xf32>
    %swap3A_892 = arith.constant 2065 : index
    %swap3A_893 = arith.constant 0 : index
    %swap3A_894 = vector.load %arg1[%swap3A_892, %swap3A_893] : memref<4104x64xf32, #tpu.memory_space<vmem>>, vector<1x64xf32>
    tpu.vector_store %arg1[%swap3A_892, %swap3A_893], %get3A_891 {strides = array<i32>} : memref<4104x64xf32, #tpu.memory_space<vmem>>, vector<1x64xf32>,
    %get3A_895 = arith.constant 109 : index
    %get3A_896 = arith.constant 0 : index
    %get3A_897 = vector.load %arg0[%get3A_895, %get3A_896] : memref<257x64xf32, #tpu.memory_space<vmem>>, vector<1x64xf32>
    %swap3A_898 = arith.constant 2066 : index
    %swap3A_899 = arith.constant 0 : index
    %swap3A_900 = vector.load %arg1[%swap3A_898, %swap3A_899] : memref<4104x64xf32, #tpu.memory_space<vmem>>, vector<1x64xf32>
    tpu.vector_store %arg1[%swap3A_898, %swap3A_899], %get3A_897 {strides = array<i32>} : memref<4104x64xf32, #tpu.memory_space<vmem>>, vector<1x64xf32>,
    %get3A_901 = arith.constant 108 : index
    %get3A_902 = arith.constant 0 : index
    %get3A_903 = vector.load %arg0[%get3A_901, %get3A_902] : memref<257x64xf32, #tpu.memory_space<vmem>>, vector<1x64xf32>
    %swap3A_904 = arith.constant 2067 : index
    %swap3A_905 = arith.constant 0 : index
    %swap3A_906 = vector.load %arg1[%swap3A_904, %swap3A_905] : memref<4104x64xf32, #tpu.memory_space<vmem>>, vector<1x64xf32>
    tpu.vector_store %arg1[%swap3A_904, %swap3A_905], %get3A_903 {strides = array<i32>} : memref<4104x64xf32, #tpu.memory_space<vmem>>, vector<1x64xf32>,
    %get3A_907 = arith.constant 107 : index
    %get3A_908 = arith.constant 0 : index
    %get3A_909 = vector.load %arg0[%get3A_907, %get3A_908] : memref<257x64xf32, #tpu.memory_space<vmem>>, vector<1x64xf32>
    %swap3A_910 = arith.constant 2068 : index
    %swap3A_911 = arith.constant 0 : index
    %swap3A_912 = vector.load %arg1[%swap3A_910, %swap3A_911] : memref<4104x64xf32, #tpu.memory_space<vmem>>, vector<1x64xf32>
    tpu.vector_store %arg1[%swap3A_910, %swap3A_911], %get3A_909 {strides = array<i32>} : memref<4104x64xf32, #tpu.memory_space<vmem>>, vector<1x64xf32>,
    %get3A_913 = arith.constant 106 : index
    %get3A_914 = arith.constant 0 : index
    %get3A_915 = vector.load %arg0[%get3A_913, %get3A_914] : memref<257x64xf32, #tpu.memory_space<vmem>>, vector<1x64xf32>
    %swap3A_916 = arith.constant 2069 : index
    %swap3A_917 = arith.constant 0 : index
    %swap3A_918 = vector.load %arg1[%swap3A_916, %swap3A_917] : memref<4104x64xf32, #tpu.memory_space<vmem>>, vector<1x64xf32>
    tpu.vector_store %arg1[%swap3A_916, %swap3A_917], %get3A_915 {strides = array<i32>} : memref<4104x64xf32, #tpu.memory_space<vmem>>, vector<1x64xf32>,
    %get3A_919 = arith.constant 105 : index
    %get3A_920 = arith.constant 0 : index
    %get3A_921 = vector.load %arg0[%get3A_919, %get3A_920] : memref<257x64xf32, #tpu.memory_space<vmem>>, vector<1x64xf32>
    %swap3A_922 = arith.constant 2070 : index
    %swap3A_923 = arith.constant 0 : index
    %swap3A_924 = vector.load %arg1[%swap3A_922, %swap3A_923] : memref<4104x64xf32, #tpu.memory_space<vmem>>, vector<1x64xf32>
    tpu.vector_store %arg1[%swap3A_922, %swap3A_923], %get3A_921 {strides = array<i32>} : memref<4104x64xf32, #tpu.memory_space<vmem>>, vector<1x64xf32>,
    %get3A_925 = arith.constant 104 : index
    %get3A_926 = arith.constant 0 : index
    %get3A_927 = vector.load %arg0[%get3A_925, %get3A_926] : memref<257x64xf32, #tpu.memory_space<vmem>>, vector<1x64xf32>
    %swap3A_928 = arith.constant 2071 : index
    %swap3A_929 = arith.constant 0 : index
    %swap3A_930 = vector.load %arg1[%swap3A_928, %swap3A_929] : memref<4104x64xf32, #tpu.memory_space<vmem>>, vector<1x64xf32>
    tpu.vector_store %arg1[%swap3A_928, %swap3A_929], %get3A_927 {strides = array<i32>} : memref<4104x64xf32, #tpu.memory_space<vmem>>, vector<1x64xf32>,
    %get3A_931 = arith.constant 103 : index
    %get3A_932 = arith.constant 0 : index
    %get3A_933 = vector.load %arg0[%get3A_931, %get3A_932] : memref<257x64xf32, #tpu.memory_space<vmem>>, vector<1x64xf32>
    %swap3A_934 = arith.constant 2072 : index
    %swap3A_935 = arith.constant 0 : index
    %swap3A_936 = vector.load %arg1[%swap3A_934, %swap3A_935] : memref<4104x64xf32, #tpu.memory_space<vmem>>, vector<1x64xf32>
    tpu.vector_store %arg1[%swap3A_934, %swap3A_935], %get3A_933 {strides = array<i32>} : memref<4104x64xf32, #tpu.memory_space<vmem>>, vector<1x64xf32>,
    %get3A_937 = arith.constant 102 : index
    %get3A_938 = arith.constant 0 : index
    %get3A_939 = vector.load %arg0[%get3A_937, %get3A_938] : memref<257x64xf32, #tpu.memory_space<vmem>>, vector<1x64xf32>
    %swap3A_940 = arith.constant 2073 : index
    %swap3A_941 = arith.constant 0 : index
    %swap3A_942 = vector.load %arg1[%swap3A_940, %swap3A_941] : memref<4104x64xf32, #tpu.memory_space<vmem>>, vector<1x64xf32>
    tpu.vector_store %arg1[%swap3A_940, %swap3A_941], %get3A_939 {strides = array<i32>} : memref<4104x64xf32, #tpu.memory_space<vmem>>, vector<1x64xf32>,
    %get3A_943 = arith.constant 101 : index
    %get3A_944 = arith.constant 0 : index
    %get3A_945 = vector.load %arg0[%get3A_943, %get3A_944] : memref<257x64xf32, #tpu.memory_space<vmem>>, vector<1x64xf32>
    %swap3A_946 = arith.constant 2074 : index
    %swap3A_947 = arith.constant 0 : index
    %swap3A_948 = vector.load %arg1[%swap3A_946, %swap3A_947] : memref<4104x64xf32, #tpu.memory_space<vmem>>, vector<1x64xf32>
    tpu.vector_store %arg1[%swap3A_946, %swap3A_947], %get3A_945 {strides = array<i32>} : memref<4104x64xf32, #tpu.memory_space<vmem>>, vector<1x64xf32>,
    %get3A_949 = arith.constant 100 : index
    %get3A_950 = arith.constant 0 : index
    %get3A_951 = vector.load %arg0[%get3A_949, %get3A_950] : memref<257x64xf32, #tpu.memory_space<vmem>>, vector<1x64xf32>
    %swap3A_952 = arith.constant 2075 : index
    %swap3A_953 = arith.constant 0 : index
    %swap3A_954 = vector.load %arg1[%swap3A_952, %swap3A_953] : memref<4104x64xf32, #tpu.memory_space<vmem>>, vector<1x64xf32>
    tpu.vector_store %arg1[%swap3A_952, %swap3A_953], %get3A_951 {strides = array<i32>} : memref<4104x64xf32, #tpu.memory_space<vmem>>, vector<1x64xf32>,
    %get3A_955 = arith.constant 99 : index
    %get3A_956 = arith.constant 0 : index
    %get3A_957 = vector.load %arg0[%get3A_955, %get3A_956] : memref<257x64xf32, #tpu.memory_space<vmem>>, vector<1x64xf32>
    %swap3A_958 = arith.constant 2076 : index
    %swap3A_959 = arith.constant 0 : index
    %swap3A_960 = vector.load %arg1[%swap3A_958, %swap3A_959] : memref<4104x64xf32, #tpu.memory_space<vmem>>, vector<1x64xf32>
    tpu.vector_store %arg1[%swap3A_958, %swap3A_959], %get3A_957 {strides = array<i32>} : memref<4104x64xf32, #tpu.memory_space<vmem>>, vector<1x64xf32>,
    %get3A_961 = arith.constant 98 : index
    %get3A_962 = arith.constant 0 : index
    %get3A_963 = vector.load %arg0[%get3A_961, %get3A_962] : memref<257x64xf32, #tpu.memory_space<vmem>>, vector<1x64xf32>
    %swap3A_964 = arith.constant 2077 : index
    %swap3A_965 = arith.constant 0 : index
    %swap3A_966 = vector.load %arg1[%swap3A_964, %swap3A_965] : memref<4104x64xf32, #tpu.memory_space<vmem>>, vector<1x64xf32>
    tpu.vector_store %arg1[%swap3A_964, %swap3A_965], %get3A_963 {strides = array<i32>} : memref<4104x64xf32, #tpu.memory_space<vmem>>, vector<1x64xf32>,
    %get3A_967 = arith.constant 97 : index
    %get3A_968 = arith.constant 0 : index
    %get3A_969 = vector.load %arg0[%get3A_967, %get3A_968] : memref<257x64xf32, #tpu.memory_space<vmem>>, vector<1x64xf32>
    %swap3A_970 = arith.constant 2078 : index
    %swap3A_971 = arith.constant 0 : index
    %swap3A_972 = vector.load %arg1[%swap3A_970, %swap3A_971] : memref<4104x64xf32, #tpu.memory_space<vmem>>, vector<1x64xf32>
    tpu.vector_store %arg1[%swap3A_970, %swap3A_971], %get3A_969 {strides = array<i32>} : memref<4104x64xf32, #tpu.memory_space<vmem>>, vector<1x64xf32>,
    %get3A_973 = arith.constant 96 : index
    %get3A_974 = arith.constant 0 : index
    %get3A_975 = vector.load %arg0[%get3A_973, %get3A_974] : memref<257x64xf32, #tpu.memory_space<vmem>>, vector<1x64xf32>
    %swap3A_976 = arith.constant 2079 : index
    %swap3A_977 = arith.constant 0 : index
    %swap3A_978 = vector.load %arg1[%swap3A_976, %swap3A_977] : memref<4104x64xf32, #tpu.memory_space<vmem>>, vector<1x64xf32>
    tpu.vector_store %arg1[%swap3A_976, %swap3A_977], %get3A_975 {strides = array<i32>} : memref<4104x64xf32, #tpu.memory_space<vmem>>, vector<1x64xf32>,
    %get3A_979 = arith.constant 95 : index
    %get3A_980 = arith.constant 0 : index
    %get3A_981 = vector.load %arg0[%get3A_979, %get3A_980] : memref<257x64xf32, #tpu.memory_space<vmem>>, vector<1x64xf32>
    %swap3A_982 = arith.constant 2080 : index
    %swap3A_983 = arith.constant 0 : index
    %swap3A_984 = vector.load %arg1[%swap3A_982, %swap3A_983] : memref<4104x64xf32, #tpu.memory_space<vmem>>, vector<1x64xf32>
    tpu.vector_store %arg1[%swap3A_982, %swap3A_983], %get3A_981 {strides = array<i32>} : memref<4104x64xf32, #tpu.memory_space<vmem>>, vector<1x64xf32>,
    %get3A_985 = arith.constant 94 : index
    %get3A_986 = arith.constant 0 : index
    %get3A_987 = vector.load %arg0[%get3A_985, %get3A_986] : memref<257x64xf32, #tpu.memory_space<vmem>>, vector<1x64xf32>
    %swap3A_988 = arith.constant 2081 : index
    %swap3A_989 = arith.constant 0 : index
    %swap3A_990 = vector.load %arg1[%swap3A_988, %swap3A_989] : memref<4104x64xf32, #tpu.memory_space<vmem>>, vector<1x64xf32>
    tpu.vector_store %arg1[%swap3A_988, %swap3A_989], %get3A_987 {strides = array<i32>} : memref<4104x64xf32, #tpu.memory_space<vmem>>, vector<1x64xf32>,
    %get3A_991 = arith.constant 93 : index
    %get3A_992 = arith.constant 0 : index
    %get3A_993 = vector.load %arg0[%get3A_991, %get3A_992] : memref<257x64xf32, #tpu.memory_space<vmem>>, vector<1x64xf32>
    %swap3A_994 = arith.constant 2082 : index
    %swap3A_995 = arith.constant 0 : index
    %swap3A_996 = vector.load %arg1[%swap3A_994, %swap3A_995] : memref<4104x64xf32, #tpu.memory_space<vmem>>, vector<1x64xf32>
    tpu.vector_store %arg1[%swap3A_994, %swap3A_995], %get3A_993 {strides = array<i32>} : memref<4104x64xf32, #tpu.memory_space<vmem>>, vector<1x64xf32>,
    %get3A_997 = arith.constant 92 : index
    %get3A_998 = arith.constant 0 : index
    %get3A_999 = vector.load %arg0[%get3A_997, %get3A_998] : memref<257x64xf32, #tpu.memory_space<vmem>>, vector<1x64xf32>
    %swap3A_1000 = arith.constant 2083 : index
    %swap3A_1001 = arith.constant 0 : index
    %swap3A_1002 = vector.load %arg1[%swap3A_1000, %swap3A_1001] : memref<4104x64xf32, #tpu.memory_space<vmem>>, vector<1x64xf32>
    tpu.vector_store %arg1[%swap3A_1000, %swap3A_1001], %get3A_999 {strides = array<i32>} : memref<4104x64xf32, #tpu.memory_space<vmem>>, vector<1x64xf32>,
    %get3A_1003 = arith.constant 91 : index
    %get3A_1004 = arith.constant 0 : index
    %get3A_1005 = vector.load %arg0[%get3A_1003, %get3A_1004] : memref<257x64xf32, #tpu.memory_space<vmem>>, vector<1x64xf32>
    %swap3A_1006 = arith.constant 2084 : index
    %swap3A_1007 = arith.constant 0 : index
    %swap3A_1008 = vector.load %arg1[%swap3A_1006, %swap3A_1007] : memref<4104x64xf32, #tpu.memory_space<vmem>>, vector<1x64xf32>
    tpu.vector_store %arg1[%swap3A_1006, %swap3A_1007], %get3A_1005 {strides = array<i32>} : memref<4104x64xf32, #tpu.memory_space<vmem>>, vector<1x64xf32>,
    %get3A_1009 = arith.constant 90 : index
    %get3A_1010 = arith.constant 0 : index
    %get3A_1011 = vector.load %arg0[%get3A_1009, %get3A_1010] : memref<257x64xf32, #tpu.memory_space<vmem>>, vector<1x64xf32>
    %swap3A_1012 = arith.constant 2085 : index
    %swap3A_1013 = arith.constant 0 : index
    %swap3A_1014 = vector.load %arg1[%swap3A_1012, %swap3A_1013] : memref<4104x64xf32, #tpu.memory_space<vmem>>, vector<1x64xf32>
    tpu.vector_store %arg1[%swap3A_1012, %swap3A_1013], %get3A_1011 {strides = array<i32>} : memref<4104x64xf32, #tpu.memory_space<vmem>>, vector<1x64xf32>,
    %get3A_1015 = arith.constant 89 : index
    %get3A_1016 = arith.constant 0 : index
    %get3A_1017 = vector.load %arg0[%get3A_1015, %get3A_1016] : memref<257x64xf32, #tpu.memory_space<vmem>>, vector<1x64xf32>
    %swap3A_1018 = arith.constant 2086 : index
    %swap3A_1019 = arith.constant 0 : index
    %swap3A_1020 = vector.load %arg1[%swap3A_1018, %swap3A_1019] : memref<4104x64xf32, #tpu.memory_space<vmem>>, vector<1x64xf32>
    tpu.vector_store %arg1[%swap3A_1018, %swap3A_1019], %get3A_1017 {strides = array<i32>} : memref<4104x64xf32, #tpu.memory_space<vmem>>, vector<1x64xf32>,
    %get3A_1021 = arith.constant 88 : index
    %get3A_1022 = arith.constant 0 : index
    %get3A_1023 = vector.load %arg0[%get3A_1021, %get3A_1022] : memref<257x64xf32, #tpu.memory_space<vmem>>, vector<1x64xf32>
    %swap3A_1024 = arith.constant 2087 : index
    %swap3A_1025 = arith.constant 0 : index
    %swap3A_1026 = vector.load %arg1[%swap3A_1024, %swap3A_1025] : memref<4104x64xf32, #tpu.memory_space<vmem>>, vector<1x64xf32>
    tpu.vector_store %arg1[%swap3A_1024, %swap3A_1025], %get3A_1023 {strides = array<i32>} : memref<4104x64xf32, #tpu.memory_space<vmem>>, vector<1x64xf32>,
    %get3A_1027 = arith.constant 87 : index
    %get3A_1028 = arith.constant 0 : index
    %get3A_1029 = vector.load %arg0[%get3A_1027, %get3A_1028] : memref<257x64xf32, #tpu.memory_space<vmem>>, vector<1x64xf32>
    %swap3A_1030 = arith.constant 2088 : index
    %swap3A_1031 = arith.constant 0 : index
    %swap3A_1032 = vector.load %arg1[%swap3A_1030, %swap3A_1031] : memref<4104x64xf32, #tpu.memory_space<vmem>>, vector<1x64xf32>
    tpu.vector_store %arg1[%swap3A_1030, %swap3A_1031], %get3A_1029 {strides = array<i32>} : memref<4104x64xf32, #tpu.memory_space<vmem>>, vector<1x64xf32>,
    %get3A_1033 = arith.constant 86 : index
    %get3A_1034 = arith.constant 0 : index
    %get3A_1035 = vector.load %arg0[%get3A_1033, %get3A_1034] : memref<257x64xf32, #tpu.memory_space<vmem>>, vector<1x64xf32>
    %swap3A_1036 = arith.constant 2089 : index
    %swap3A_1037 = arith.constant 0 : index
    %swap3A_1038 = vector.load %arg1[%swap3A_1036, %swap3A_1037] : memref<4104x64xf32, #tpu.memory_space<vmem>>, vector<1x64xf32>
    tpu.vector_store %arg1[%swap3A_1036, %swap3A_1037], %get3A_1035 {strides = array<i32>} : memref<4104x64xf32, #tpu.memory_space<vmem>>, vector<1x64xf32>,
    %get3A_1039 = arith.constant 85 : index
    %get3A_1040 = arith.constant 0 : index
    %get3A_1041 = vector.load %arg0[%get3A_1039, %get3A_1040] : memref<257x64xf32, #tpu.memory_space<vmem>>, vector<1x64xf32>
    %swap3A_1042 = arith.constant 2090 : index
    %swap3A_1043 = arith.constant 0 : index
    %swap3A_1044 = vector.load %arg1[%swap3A_1042, %swap3A_1043] : memref<4104x64xf32, #tpu.memory_space<vmem>>, vector<1x64xf32>
    tpu.vector_store %arg1[%swap3A_1042, %swap3A_1043], %get3A_1041 {strides = array<i32>} : memref<4104x64xf32, #tpu.memory_space<vmem>>, vector<1x64xf32>,
    %get3A_1045 = arith.constant 84 : index
    %get3A_1046 = arith.constant 0 : index
    %get3A_1047 = vector.load %arg0[%get3A_1045, %get3A_1046] : memref<257x64xf32, #tpu.memory_space<vmem>>, vector<1x64xf32>
    %swap3A_1048 = arith.constant 2091 : index
    %swap3A_1049 = arith.constant 0 : index
    %swap3A_1050 = vector.load %arg1[%swap3A_1048, %swap3A_1049] : memref<4104x64xf32, #tpu.memory_space<vmem>>, vector<1x64xf32>
    tpu.vector_store %arg1[%swap3A_1048, %swap3A_1049], %get3A_1047 {strides = array<i32>} : memref<4104x64xf32, #tpu.memory_space<vmem>>, vector<1x64xf32>,
    %get3A_1051 = arith.constant 83 : index
    %get3A_1052 = arith.constant 0 : index
    %get3A_1053 = vector.load %arg0[%get3A_1051, %get3A_1052] : memref<257x64xf32, #tpu.memory_space<vmem>>, vector<1x64xf32>
    %swap3A_1054 = arith.constant 2092 : index
    %swap3A_1055 = arith.constant 0 : index
    %swap3A_1056 = vector.load %arg1[%swap3A_1054, %swap3A_1055] : memref<4104x64xf32, #tpu.memory_space<vmem>>, vector<1x64xf32>
    tpu.vector_store %arg1[%swap3A_1054, %swap3A_1055], %get3A_1053 {strides = array<i32>} : memref<4104x64xf32, #tpu.memory_space<vmem>>, vector<1x64xf32>,
    %get3A_1057 = arith.constant 82 : index
    %get3A_1058 = arith.constant 0 : index
    %get3A_1059 = vector.load %arg0[%get3A_1057, %get3A_1058] : memref<257x64xf32, #tpu.memory_space<vmem>>, vector<1x64xf32>
    %swap3A_1060 = arith.constant 2093 : index
    %swap3A_1061 = arith.constant 0 : index
    %swap3A_1062 = vector.load %arg1[%swap3A_1060, %swap3A_1061] : memref<4104x64xf32, #tpu.memory_space<vmem>>, vector<1x64xf32>
    tpu.vector_store %arg1[%swap3A_1060, %swap3A_1061], %get3A_1059 {strides = array<i32>} : memref<4104x64xf32, #tpu.memory_space<vmem>>, vector<1x64xf32>,
    %get3A_1063 = arith.constant 81 : index
    %get3A_1064 = arith.constant 0 : index
    %get3A_1065 = vector.load %arg0[%get3A_1063, %get3A_1064] : memref<257x64xf32, #tpu.memory_space<vmem>>, vector<1x64xf32>
    %swap3A_1066 = arith.constant 2094 : index
    %swap3A_1067 = arith.constant 0 : index
    %swap3A_1068 = vector.load %arg1[%swap3A_1066, %swap3A_1067] : memref<4104x64xf32, #tpu.memory_space<vmem>>, vector<1x64xf32>
    tpu.vector_store %arg1[%swap3A_1066, %swap3A_1067], %get3A_1065 {strides = array<i32>} : memref<4104x64xf32, #tpu.memory_space<vmem>>, vector<1x64xf32>,
    %get3A_1069 = arith.constant 80 : index
    %get3A_1070 = arith.constant 0 : index
    %get3A_1071 = vector.load %arg0[%get3A_1069, %get3A_1070] : memref<257x64xf32, #tpu.memory_space<vmem>>, vector<1x64xf32>
    %swap3A_1072 = arith.constant 2095 : index
    %swap3A_1073 = arith.constant 0 : index
    %swap3A_1074 = vector.load %arg1[%swap3A_1072, %swap3A_1073] : memref<4104x64xf32, #tpu.memory_space<vmem>>, vector<1x64xf32>
    tpu.vector_store %arg1[%swap3A_1072, %swap3A_1073], %get3A_1071 {strides = array<i32>} : memref<4104x64xf32, #tpu.memory_space<vmem>>, vector<1x64xf32>,
    %get3A_1075 = arith.constant 79 : index
    %get3A_1076 = arith.constant 0 : index
    %get3A_1077 = vector.load %arg0[%get3A_1075, %get3A_1076] : memref<257x64xf32, #tpu.memory_space<vmem>>, vector<1x64xf32>
    %swap3A_1078 = arith.constant 2096 : index
    %swap3A_1079 = arith.constant 0 : index
    %swap3A_1080 = vector.load %arg1[%swap3A_1078, %swap3A_1079] : memref<4104x64xf32, #tpu.memory_space<vmem>>, vector<1x64xf32>
    tpu.vector_store %arg1[%swap3A_1078, %swap3A_1079], %get3A_1077 {strides = array<i32>} : memref<4104x64xf32, #tpu.memory_space<vmem>>, vector<1x64xf32>,
    %get3A_1081 = arith.constant 78 : index
    %get3A_1082 = arith.constant 0 : index
    %get3A_1083 = vector.load %arg0[%get3A_1081, %get3A_1082] : memref<257x64xf32, #tpu.memory_space<vmem>>, vector<1x64xf32>
    %swap3A_1084 = arith.constant 2097 : index
    %swap3A_1085 = arith.constant 0 : index
    %swap3A_1086 = vector.load %arg1[%swap3A_1084, %swap3A_1085] : memref<4104x64xf32, #tpu.memory_space<vmem>>, vector<1x64xf32>
    tpu.vector_store %arg1[%swap3A_1084, %swap3A_1085], %get3A_1083 {strides = array<i32>} : memref<4104x64xf32, #tpu.memory_space<vmem>>, vector<1x64xf32>,
    %get3A_1087 = arith.constant 77 : index
    %get3A_1088 = arith.constant 0 : index
    %get3A_1089 = vector.load %arg0[%get3A_1087, %get3A_1088] : memref<257x64xf32, #tpu.memory_space<vmem>>, vector<1x64xf32>
    %swap3A_1090 = arith.constant 2098 : index
    %swap3A_1091 = arith.constant 0 : index
    %swap3A_1092 = vector.load %arg1[%swap3A_1090, %swap3A_1091] : memref<4104x64xf32, #tpu.memory_space<vmem>>, vector<1x64xf32>
    tpu.vector_store %arg1[%swap3A_1090, %swap3A_1091], %get3A_1089 {strides = array<i32>} : memref<4104x64xf32, #tpu.memory_space<vmem>>, vector<1x64xf32>,
    %get3A_1093 = arith.constant 76 : index
    %get3A_1094 = arith.constant 0 : index
    %get3A_1095 = vector.load %arg0[%get3A_1093, %get3A_1094] : memref<257x64xf32, #tpu.memory_space<vmem>>, vector<1x64xf32>
    %swap3A_1096 = arith.constant 2099 : index
    %swap3A_1097 = arith.constant 0 : index
    %swap3A_1098 = vector.load %arg1[%swap3A_1096, %swap3A_1097] : memref<4104x64xf32, #tpu.memory_space<vmem>>, vector<1x64xf32>
    tpu.vector_store %arg1[%swap3A_1096, %swap3A_1097], %get3A_1095 {strides = array<i32>} : memref<4104x64xf32, #tpu.memory_space<vmem>>, vector<1x64xf32>,
    %get3A_1099 = arith.constant 75 : index
    %get3A_1100 = arith.constant 0 : index
    %get3A_1101 = vector.load %arg0[%get3A_1099, %get3A_1100] : memref<257x64xf32, #tpu.memory_space<vmem>>, vector<1x64xf32>
    %swap3A_1102 = arith.constant 2100 : index
    %swap3A_1103 = arith.constant 0 : index
    %swap3A_1104 = vector.load %arg1[%swap3A_1102, %swap3A_1103] : memref<4104x64xf32, #tpu.memory_space<vmem>>, vector<1x64xf32>
    tpu.vector_store %arg1[%swap3A_1102, %swap3A_1103], %get3A_1101 {strides = array<i32>} : memref<4104x64xf32, #tpu.memory_space<vmem>>, vector<1x64xf32>,
    %get3A_1105 = arith.constant 74 : index
    %get3A_1106 = arith.constant 0 : index
    %get3A_1107 = vector.load %arg0[%get3A_1105, %get3A_1106] : memref<257x64xf32, #tpu.memory_space<vmem>>, vector<1x64xf32>
    %swap3A_1108 = arith.constant 2101 : index
    %swap3A_1109 = arith.constant 0 : index
    %swap3A_1110 = vector.load %arg1[%swap3A_1108, %swap3A_1109] : memref<4104x64xf32, #tpu.memory_space<vmem>>, vector<1x64xf32>
    tpu.vector_store %arg1[%swap3A_1108, %swap3A_1109], %get3A_1107 {strides = array<i32>} : memref<4104x64xf32, #tpu.memory_space<vmem>>, vector<1x64xf32>,
    %get3A_1111 = arith.constant 73 : index
    %get3A_1112 = arith.constant 0 : index
    %get3A_1113 = vector.load %arg0[%get3A_1111, %get3A_1112] : memref<257x64xf32, #tpu.memory_space<vmem>>, vector<1x64xf32>
    %swap3A_1114 = arith.constant 2102 : index
    %swap3A_1115 = arith.constant 0 : index
    %swap3A_1116 = vector.load %arg1[%swap3A_1114, %swap3A_1115] : memref<4104x64xf32, #tpu.memory_space<vmem>>, vector<1x64xf32>
    tpu.vector_store %arg1[%swap3A_1114, %swap3A_1115], %get3A_1113 {strides = array<i32>} : memref<4104x64xf32, #tpu.memory_space<vmem>>, vector<1x64xf32>,
    %get3A_1117 = arith.constant 72 : index
    %get3A_1118 = arith.constant 0 : index
    %get3A_1119 = vector.load %arg0[%get3A_1117, %get3A_1118] : memref<257x64xf32, #tpu.memory_space<vmem>>, vector<1x64xf32>
    %swap3A_1120 = arith.constant 2103 : index
    %swap3A_1121 = arith.constant 0 : index
    %swap3A_1122 = vector.load %arg1[%swap3A_1120, %swap3A_1121] : memref<4104x64xf32, #tpu.memory_space<vmem>>, vector<1x64xf32>
    tpu.vector_store %arg1[%swap3A_1120, %swap3A_1121], %get3A_1119 {strides = array<i32>} : memref<4104x64xf32, #tpu.memory_space<vmem>>, vector<1x64xf32>,
    %get3A_1123 = arith.constant 71 : index
    %get3A_1124 = arith.constant 0 : index
    %get3A_1125 = vector.load %arg0[%get3A_1123, %get3A_1124] : memref<257x64xf32, #tpu.memory_space<vmem>>, vector<1x64xf32>
    %swap3A_1126 = arith.constant 2104 : index
    %swap3A_1127 = arith.constant 0 : index
    %swap3A_1128 = vector.load %arg1[%swap3A_1126, %swap3A_1127] : memref<4104x64xf32, #tpu.memory_space<vmem>>, vector<1x64xf32>
    tpu.vector_store %arg1[%swap3A_1126, %swap3A_1127], %get3A_1125 {strides = array<i32>} : memref<4104x64xf32, #tpu.memory_space<vmem>>, vector<1x64xf32>,
    %get3A_1129 = arith.constant 70 : index
    %get3A_1130 = arith.constant 0 : index
    %get3A_1131 = vector.load %arg0[%get3A_1129, %get3A_1130] : memref<257x64xf32, #tpu.memory_space<vmem>>, vector<1x64xf32>
    %swap3A_1132 = arith.constant 2105 : index
    %swap3A_1133 = arith.constant 0 : index
    %swap3A_1134 = vector.load %arg1[%swap3A_1132, %swap3A_1133] : memref<4104x64xf32, #tpu.memory_space<vmem>>, vector<1x64xf32>
    tpu.vector_store %arg1[%swap3A_1132, %swap3A_1133], %get3A_1131 {strides = array<i32>} : memref<4104x64xf32, #tpu.memory_space<vmem>>, vector<1x64xf32>,
    %get3A_1135 = arith.constant 69 : index
    %get3A_1136 = arith.constant 0 : index
    %get3A_1137 = vector.load %arg0[%get3A_1135, %get3A_1136] : memref<257x64xf32, #tpu.memory_space<vmem>>, vector<1x64xf32>
    %swap3A_1138 = arith.constant 2106 : index
    %swap3A_1139 = arith.constant 0 : index
    %swap3A_1140 = vector.load %arg1[%swap3A_1138, %swap3A_1139] : memref<4104x64xf32, #tpu.memory_space<vmem>>, vector<1x64xf32>
    tpu.vector_store %arg1[%swap3A_1138, %swap3A_1139], %get3A_1137 {strides = array<i32>} : memref<4104x64xf32, #tpu.memory_space<vmem>>, vector<1x64xf32>,
    %get3A_1141 = arith.constant 68 : index
    %get3A_1142 = arith.constant 0 : index
    %get3A_1143 = vector.load %arg0[%get3A_1141, %get3A_1142] : memref<257x64xf32, #tpu.memory_space<vmem>>, vector<1x64xf32>
    %swap3A_1144 = arith.constant 2107 : index
    %swap3A_1145 = arith.constant 0 : index
    %swap3A_1146 = vector.load %arg1[%swap3A_1144, %swap3A_1145] : memref<4104x64xf32, #tpu.memory_space<vmem>>, vector<1x64xf32>
    tpu.vector_store %arg1[%swap3A_1144, %swap3A_1145], %get3A_1143 {strides = array<i32>} : memref<4104x64xf32, #tpu.memory_space<vmem>>, vector<1x64xf32>,
    %get3A_1147 = arith.constant 67 : index
    %get3A_1148 = arith.constant 0 : index
    %get3A_1149 = vector.load %arg0[%get3A_1147, %get3A_1148] : memref<257x64xf32, #tpu.memory_space<vmem>>, vector<1x64xf32>
    %swap3A_1150 = arith.constant 2108 : index
    %swap3A_1151 = arith.constant 0 : index
    %swap3A_1152 = vector.load %arg1[%swap3A_1150, %swap3A_1151] : memref<4104x64xf32, #tpu.memory_space<vmem>>, vector<1x64xf32>
    tpu.vector_store %arg1[%swap3A_1150, %swap3A_1151], %get3A_1149 {strides = array<i32>} : memref<4104x64xf32, #tpu.memory_space<vmem>>, vector<1x64xf32>,
    %get3A_1153 = arith.constant 66 : index
    %get3A_1154 = arith.constant 0 : index
    %get3A_1155 = vector.load %arg0[%get3A_1153, %get3A_1154] : memref<257x64xf32, #tpu.memory_space<vmem>>, vector<1x64xf32>
    %swap3A_1156 = arith.constant 2109 : index
    %swap3A_1157 = arith.constant 0 : index
    %swap3A_1158 = vector.load %arg1[%swap3A_1156, %swap3A_1157] : memref<4104x64xf32, #tpu.memory_space<vmem>>, vector<1x64xf32>
    tpu.vector_store %arg1[%swap3A_1156, %swap3A_1157], %get3A_1155 {strides = array<i32>} : memref<4104x64xf32, #tpu.memory_space<vmem>>, vector<1x64xf32>,
    %get3A_1159 = arith.constant 65 : index
    %get3A_1160 = arith.constant 0 : index
    %get3A_1161 = vector.load %arg0[%get3A_1159, %get3A_1160] : memref<257x64xf32, #tpu.memory_space<vmem>>, vector<1x64xf32>
    %swap3A_1162 = arith.constant 2110 : index
    %swap3A_1163 = arith.constant 0 : index
    %swap3A_1164 = vector.load %arg1[%swap3A_1162, %swap3A_1163] : memref<4104x64xf32, #tpu.memory_space<vmem>>, vector<1x64xf32>
    tpu.vector_store %arg1[%swap3A_1162, %swap3A_1163], %get3A_1161 {strides = array<i32>} : memref<4104x64xf32, #tpu.memory_space<vmem>>, vector<1x64xf32>,
    %get3A_1165 = arith.constant 64 : index
    %get3A_1166 = arith.constant 0 : index
    %get3A_1167 = vector.load %arg0[%get3A_1165, %get3A_1166] : memref<257x64xf32, #tpu.memory_space<vmem>>, vector<1x64xf32>
    %swap3A_1168 = arith.constant 2111 : index
    %swap3A_1169 = arith.constant 0 : index
    %swap3A_1170 = vector.load %arg1[%swap3A_1168, %swap3A_1169] : memref<4104x64xf32, #tpu.memory_space<vmem>>, vector<1x64xf32>
    tpu.vector_store %arg1[%swap3A_1168, %swap3A_1169], %get3A_1167 {strides = array<i32>} : memref<4104x64xf32, #tpu.memory_space<vmem>>, vector<1x64xf32>,
    %get3A_1171 = arith.constant 63 : index
    %get3A_1172 = arith.constant 0 : index
    %get3A_1173 = vector.load %arg0[%get3A_1171, %get3A_1172] : memref<257x64xf32, #tpu.memory_space<vmem>>, vector<1x64xf32>
    %swap3A_1174 = arith.constant 2112 : index
    %swap3A_1175 = arith.constant 0 : index
    %swap3A_1176 = vector.load %arg1[%swap3A_1174, %swap3A_1175] : memref<4104x64xf32, #tpu.memory_space<vmem>>, vector<1x64xf32>
    tpu.vector_store %arg1[%swap3A_1174, %swap3A_1175], %get3A_1173 {strides = array<i32>} : memref<4104x64xf32, #tpu.memory_space<vmem>>, vector<1x64xf32>,
    %get3A_1177 = arith.constant 62 : index
    %get3A_1178 = arith.constant 0 : index
    %get3A_1179 = vector.load %arg0[%get3A_1177, %get3A_1178] : memref<257x64xf32, #tpu.memory_space<vmem>>, vector<1x64xf32>
    %swap3A_1180 = arith.constant 2113 : index
    %swap3A_1181 = arith.constant 0 : index
    %swap3A_1182 = vector.load %arg1[%swap3A_1180, %swap3A_1181] : memref<4104x64xf32, #tpu.memory_space<vmem>>, vector<1x64xf32>
    tpu.vector_store %arg1[%swap3A_1180, %swap3A_1181], %get3A_1179 {strides = array<i32>} : memref<4104x64xf32, #tpu.memory_space<vmem>>, vector<1x64xf32>,
    %get3A_1183 = arith.constant 61 : index
    %get3A_1184 = arith.constant 0 : index
    %get3A_1185 = vector.load %arg0[%get3A_1183, %get3A_1184] : memref<257x64xf32, #tpu.memory_space<vmem>>, vector<1x64xf32>
    %swap3A_1186 = arith.constant 2114 : index
    %swap3A_1187 = arith.constant 0 : index
    %swap3A_1188 = vector.load %arg1[%swap3A_1186, %swap3A_1187] : memref<4104x64xf32, #tpu.memory_space<vmem>>, vector<1x64xf32>
    tpu.vector_store %arg1[%swap3A_1186, %swap3A_1187], %get3A_1185 {strides = array<i32>} : memref<4104x64xf32, #tpu.memory_space<vmem>>, vector<1x64xf32>,
    %get3A_1189 = arith.constant 60 : index
    %get3A_1190 = arith.constant 0 : index
    %get3A_1191 = vector.load %arg0[%get3A_1189, %get3A_1190] : memref<257x64xf32, #tpu.memory_space<vmem>>, vector<1x64xf32>
    %swap3A_1192 = arith.constant 2115 : index
    %swap3A_1193 = arith.constant 0 : index
    %swap3A_1194 = vector.load %arg1[%swap3A_1192, %swap3A_1193] : memref<4104x64xf32, #tpu.memory_space<vmem>>, vector<1x64xf32>
    tpu.vector_store %arg1[%swap3A_1192, %swap3A_1193], %get3A_1191 {strides = array<i32>} : memref<4104x64xf32, #tpu.memory_space<vmem>>, vector<1x64xf32>,
    %get3A_1195 = arith.constant 59 : index
    %get3A_1196 = arith.constant 0 : index
    %get3A_1197 = vector.load %arg0[%get3A_1195, %get3A_1196] : memref<257x64xf32, #tpu.memory_space<vmem>>, vector<1x64xf32>
    %swap3A_1198 = arith.constant 2116 : index
    %swap3A_1199 = arith.constant 0 : index
    %swap3A_1200 = vector.load %arg1[%swap3A_1198, %swap3A_1199] : memref<4104x64xf32, #tpu.memory_space<vmem>>, vector<1x64xf32>
    tpu.vector_store %arg1[%swap3A_1198, %swap3A_1199], %get3A_1197 {strides = array<i32>} : memref<4104x64xf32, #tpu.memory_space<vmem>>, vector<1x64xf32>,
    %get3A_1201 = arith.constant 58 : index
    %get3A_1202 = arith.constant 0 : index
    %get3A_1203 = vector.load %arg0[%get3A_1201, %get3A_1202] : memref<257x64xf32, #tpu.memory_space<vmem>>, vector<1x64xf32>
    %swap3A_1204 = arith.constant 2117 : index
    %swap3A_1205 = arith.constant 0 : index
    %swap3A_1206 = vector.load %arg1[%swap3A_1204, %swap3A_1205] : memref<4104x64xf32, #tpu.memory_space<vmem>>, vector<1x64xf32>
    tpu.vector_store %arg1[%swap3A_1204, %swap3A_1205], %get3A_1203 {strides = array<i32>} : memref<4104x64xf32, #tpu.memory_space<vmem>>, vector<1x64xf32>,
    %get3A_1207 = arith.constant 57 : index
    %get3A_1208 = arith.constant 0 : index
    %get3A_1209 = vector.load %arg0[%get3A_1207, %get3A_1208] : memref<257x64xf32, #tpu.memory_space<vmem>>, vector<1x64xf32>
    %swap3A_1210 = arith.constant 2118 : index
    %swap3A_1211 = arith.constant 0 : index
    %swap3A_1212 = vector.load %arg1[%swap3A_1210, %swap3A_1211] : memref<4104x64xf32, #tpu.memory_space<vmem>>, vector<1x64xf32>
    tpu.vector_store %arg1[%swap3A_1210, %swap3A_1211], %get3A_1209 {strides = array<i32>} : memref<4104x64xf32, #tpu.memory_space<vmem>>, vector<1x64xf32>,
    %get3A_1213 = arith.constant 56 : index
    %get3A_1214 = arith.constant 0 : index
    %get3A_1215 = vector.load %arg0[%get3A_1213, %get3A_1214] : memref<257x64xf32, #tpu.memory_space<vmem>>, vector<1x64xf32>
    %swap3A_1216 = arith.constant 2119 : index
    %swap3A_1217 = arith.constant 0 : index
    %swap3A_1218 = vector.load %arg1[%swap3A_1216, %swap3A_1217] : memref<4104x64xf32, #tpu.memory_space<vmem>>, vector<1x64xf32>
    tpu.vector_store %arg1[%swap3A_1216, %swap3A_1217], %get3A_1215 {strides = array<i32>} : memref<4104x64xf32, #tpu.memory_space<vmem>>, vector<1x64xf32>,
    %get3A_1219 = arith.constant 55 : index
    %get3A_1220 = arith.constant 0 : index
    %get3A_1221 = vector.load %arg0[%get3A_1219, %get3A_1220] : memref<257x64xf32, #tpu.memory_space<vmem>>, vector<1x64xf32>
    %swap3A_1222 = arith.constant 2120 : index
    %swap3A_1223 = arith.constant 0 : index
    %swap3A_1224 = vector.load %arg1[%swap3A_1222, %swap3A_1223] : memref<4104x64xf32, #tpu.memory_space<vmem>>, vector<1x64xf32>
    tpu.vector_store %arg1[%swap3A_1222, %swap3A_1223], %get3A_1221 {strides = array<i32>} : memref<4104x64xf32, #tpu.memory_space<vmem>>, vector<1x64xf32>,
    %get3A_1225 = arith.constant 54 : index
    %get3A_1226 = arith.constant 0 : index
    %get3A_1227 = vector.load %arg0[%get3A_1225, %get3A_1226] : memref<257x64xf32, #tpu.memory_space<vmem>>, vector<1x64xf32>
    %swap3A_1228 = arith.constant 2121 : index
    %swap3A_1229 = arith.constant 0 : index
    %swap3A_1230 = vector.load %arg1[%swap3A_1228, %swap3A_1229] : memref<4104x64xf32, #tpu.memory_space<vmem>>, vector<1x64xf32>
    tpu.vector_store %arg1[%swap3A_1228, %swap3A_1229], %get3A_1227 {strides = array<i32>} : memref<4104x64xf32, #tpu.memory_space<vmem>>, vector<1x64xf32>,
    %get3A_1231 = arith.constant 53 : index
    %get3A_1232 = arith.constant 0 : index
    %get3A_1233 = vector.load %arg0[%get3A_1231, %get3A_1232] : memref<257x64xf32, #tpu.memory_space<vmem>>, vector<1x64xf32>
    %swap3A_1234 = arith.constant 2122 : index
    %swap3A_1235 = arith.constant 0 : index
    %swap3A_1236 = vector.load %arg1[%swap3A_1234, %swap3A_1235] : memref<4104x64xf32, #tpu.memory_space<vmem>>, vector<1x64xf32>
    tpu.vector_store %arg1[%swap3A_1234, %swap3A_1235], %get3A_1233 {strides = array<i32>} : memref<4104x64xf32, #tpu.memory_space<vmem>>, vector<1x64xf32>,
    %get3A_1237 = arith.constant 52 : index
    %get3A_1238 = arith.constant 0 : index
    %get3A_1239 = vector.load %arg0[%get3A_1237, %get3A_1238] : memref<257x64xf32, #tpu.memory_space<vmem>>, vector<1x64xf32>
    %swap3A_1240 = arith.constant 2123 : index
    %swap3A_1241 = arith.constant 0 : index
    %swap3A_1242 = vector.load %arg1[%swap3A_1240, %swap3A_1241] : memref<4104x64xf32, #tpu.memory_space<vmem>>, vector<1x64xf32>
    tpu.vector_store %arg1[%swap3A_1240, %swap3A_1241], %get3A_1239 {strides = array<i32>} : memref<4104x64xf32, #tpu.memory_space<vmem>>, vector<1x64xf32>,
    %get3A_1243 = arith.constant 51 : index
    %get3A_1244 = arith.constant 0 : index
    %get3A_1245 = vector.load %arg0[%get3A_1243, %get3A_1244] : memref<257x64xf32, #tpu.memory_space<vmem>>, vector<1x64xf32>
    %swap3A_1246 = arith.constant 2124 : index
    %swap3A_1247 = arith.constant 0 : index
    %swap3A_1248 = vector.load %arg1[%swap3A_1246, %swap3A_1247] : memref<4104x64xf32, #tpu.memory_space<vmem>>, vector<1x64xf32>
    tpu.vector_store %arg1[%swap3A_1246, %swap3A_1247], %get3A_1245 {strides = array<i32>} : memref<4104x64xf32, #tpu.memory_space<vmem>>, vector<1x64xf32>,
    %get3A_1249 = arith.constant 50 : index
    %get3A_1250 = arith.constant 0 : index
    %get3A_1251 = vector.load %arg0[%get3A_1249, %get3A_1250] : memref<257x64xf32, #tpu.memory_space<vmem>>, vector<1x64xf32>
    %swap3A_1252 = arith.constant 2125 : index
    %swap3A_1253 = arith.constant 0 : index
    %swap3A_1254 = vector.load %arg1[%swap3A_1252, %swap3A_1253] : memref<4104x64xf32, #tpu.memory_space<vmem>>, vector<1x64xf32>
    tpu.vector_store %arg1[%swap3A_1252, %swap3A_1253], %get3A_1251 {strides = array<i32>} : memref<4104x64xf32, #tpu.memory_space<vmem>>, vector<1x64xf32>,
    %get3A_1255 = arith.constant 49 : index
    %get3A_1256 = arith.constant 0 : index
    %get3A_1257 = vector.load %arg0[%get3A_1255, %get3A_1256] : memref<257x64xf32, #tpu.memory_space<vmem>>, vector<1x64xf32>
    %swap3A_1258 = arith.constant 2126 : index
    %swap3A_1259 = arith.constant 0 : index
    %swap3A_1260 = vector.load %arg1[%swap3A_1258, %swap3A_1259] : memref<4104x64xf32, #tpu.memory_space<vmem>>, vector<1x64xf32>
    tpu.vector_store %arg1[%swap3A_1258, %swap3A_1259], %get3A_1257 {strides = array<i32>} : memref<4104x64xf32, #tpu.memory_space<vmem>>, vector<1x64xf32>,
    %get3A_1261 = arith.constant 48 : index
    %get3A_1262 = arith.constant 0 : index
    %get3A_1263 = vector.load %arg0[%get3A_1261, %get3A_1262] : memref<257x64xf32, #tpu.memory_space<vmem>>, vector<1x64xf32>
    %swap3A_1264 = arith.constant 2127 : index
    %swap3A_1265 = arith.constant 0 : index
    %swap3A_1266 = vector.load %arg1[%swap3A_1264, %swap3A_1265] : memref<4104x64xf32, #tpu.memory_space<vmem>>, vector<1x64xf32>
    tpu.vector_store %arg1[%swap3A_1264, %swap3A_1265], %get3A_1263 {strides = array<i32>} : memref<4104x64xf32, #tpu.memory_space<vmem>>, vector<1x64xf32>,
    %get3A_1267 = arith.constant 47 : index
    %get3A_1268 = arith.constant 0 : index
    %get3A_1269 = vector.load %arg0[%get3A_1267, %get3A_1268] : memref<257x64xf32, #tpu.memory_space<vmem>>, vector<1x64xf32>
    %swap3A_1270 = arith.constant 2128 : index
    %swap3A_1271 = arith.constant 0 : index
    %swap3A_1272 = vector.load %arg1[%swap3A_1270, %swap3A_1271] : memref<4104x64xf32, #tpu.memory_space<vmem>>, vector<1x64xf32>
    tpu.vector_store %arg1[%swap3A_1270, %swap3A_1271], %get3A_1269 {strides = array<i32>} : memref<4104x64xf32, #tpu.memory_space<vmem>>, vector<1x64xf32>,
    %get3A_1273 = arith.constant 46 : index
    %get3A_1274 = arith.constant 0 : index
    %get3A_1275 = vector.load %arg0[%get3A_1273, %get3A_1274] : memref<257x64xf32, #tpu.memory_space<vmem>>, vector<1x64xf32>
    %swap3A_1276 = arith.constant 2129 : index
    %swap3A_1277 = arith.constant 0 : index
    %swap3A_1278 = vector.load %arg1[%swap3A_1276, %swap3A_1277] : memref<4104x64xf32, #tpu.memory_space<vmem>>, vector<1x64xf32>
    tpu.vector_store %arg1[%swap3A_1276, %swap3A_1277], %get3A_1275 {strides = array<i32>} : memref<4104x64xf32, #tpu.memory_space<vmem>>, vector<1x64xf32>,
    %get3A_1279 = arith.constant 45 : index
    %get3A_1280 = arith.constant 0 : index
    %get3A_1281 = vector.load %arg0[%get3A_1279, %get3A_1280] : memref<257x64xf32, #tpu.memory_space<vmem>>, vector<1x64xf32>
    %swap3A_1282 = arith.constant 2130 : index
    %swap3A_1283 = arith.constant 0 : index
    %swap3A_1284 = vector.load %arg1[%swap3A_1282, %swap3A_1283] : memref<4104x64xf32, #tpu.memory_space<vmem>>, vector<1x64xf32>
    tpu.vector_store %arg1[%swap3A_1282, %swap3A_1283], %get3A_1281 {strides = array<i32>} : memref<4104x64xf32, #tpu.memory_space<vmem>>, vector<1x64xf32>,
    %get3A_1285 = arith.constant 44 : index
    %get3A_1286 = arith.constant 0 : index
    %get3A_1287 = vector.load %arg0[%get3A_1285, %get3A_1286] : memref<257x64xf32, #tpu.memory_space<vmem>>, vector<1x64xf32>
    %swap3A_1288 = arith.constant 2131 : index
    %swap3A_1289 = arith.constant 0 : index
    %swap3A_1290 = vector.load %arg1[%swap3A_1288, %swap3A_1289] : memref<4104x64xf32, #tpu.memory_space<vmem>>, vector<1x64xf32>
    tpu.vector_store %arg1[%swap3A_1288, %swap3A_1289], %get3A_1287 {strides = array<i32>} : memref<4104x64xf32, #tpu.memory_space<vmem>>, vector<1x64xf32>,
    %get3A_1291 = arith.constant 43 : index
    %get3A_1292 = arith.constant 0 : index
    %get3A_1293 = vector.load %arg0[%get3A_1291, %get3A_1292] : memref<257x64xf32, #tpu.memory_space<vmem>>, vector<1x64xf32>
    %swap3A_1294 = arith.constant 2132 : index
    %swap3A_1295 = arith.constant 0 : index
    %swap3A_1296 = vector.load %arg1[%swap3A_1294, %swap3A_1295] : memref<4104x64xf32, #tpu.memory_space<vmem>>, vector<1x64xf32>
    tpu.vector_store %arg1[%swap3A_1294, %swap3A_1295], %get3A_1293 {strides = array<i32>} : memref<4104x64xf32, #tpu.memory_space<vmem>>, vector<1x64xf32>,
    %get3A_1297 = arith.constant 42 : index
    %get3A_1298 = arith.constant 0 : index
    %get3A_1299 = vector.load %arg0[%get3A_1297, %get3A_1298] : memref<257x64xf32, #tpu.memory_space<vmem>>, vector<1x64xf32>
    %swap3A_1300 = arith.constant 2133 : index
    %swap3A_1301 = arith.constant 0 : index
    %swap3A_1302 = vector.load %arg1[%swap3A_1300, %swap3A_1301] : memref<4104x64xf32, #tpu.memory_space<vmem>>, vector<1x64xf32>
    tpu.vector_store %arg1[%swap3A_1300, %swap3A_1301], %get3A_1299 {strides = array<i32>} : memref<4104x64xf32, #tpu.memory_space<vmem>>, vector<1x64xf32>,
    %get3A_1303 = arith.constant 41 : index
    %get3A_1304 = arith.constant 0 : index
    %get3A_1305 = vector.load %arg0[%get3A_1303, %get3A_1304] : memref<257x64xf32, #tpu.memory_space<vmem>>, vector<1x64xf32>
    %swap3A_1306 = arith.constant 2134 : index
    %swap3A_1307 = arith.constant 0 : index
    %swap3A_1308 = vector.load %arg1[%swap3A_1306, %swap3A_1307] : memref<4104x64xf32, #tpu.memory_space<vmem>>, vector<1x64xf32>
    tpu.vector_store %arg1[%swap3A_1306, %swap3A_1307], %get3A_1305 {strides = array<i32>} : memref<4104x64xf32, #tpu.memory_space<vmem>>, vector<1x64xf32>,
    %get3A_1309 = arith.constant 40 : index
    %get3A_1310 = arith.constant 0 : index
    %get3A_1311 = vector.load %arg0[%get3A_1309, %get3A_1310] : memref<257x64xf32, #tpu.memory_space<vmem>>, vector<1x64xf32>
    %swap3A_1312 = arith.constant 2135 : index
    %swap3A_1313 = arith.constant 0 : index
    %swap3A_1314 = vector.load %arg1[%swap3A_1312, %swap3A_1313] : memref<4104x64xf32, #tpu.memory_space<vmem>>, vector<1x64xf32>
    tpu.vector_store %arg1[%swap3A_1312, %swap3A_1313], %get3A_1311 {strides = array<i32>} : memref<4104x64xf32, #tpu.memory_space<vmem>>, vector<1x64xf32>,
    %get3A_1315 = arith.constant 39 : index
    %get3A_1316 = arith.constant 0 : index
    %get3A_1317 = vector.load %arg0[%get3A_1315, %get3A_1316] : memref<257x64xf32, #tpu.memory_space<vmem>>, vector<1x64xf32>
    %swap3A_1318 = arith.constant 2136 : index
    %swap3A_1319 = arith.constant 0 : index
    %swap3A_1320 = vector.load %arg1[%swap3A_1318, %swap3A_1319] : memref<4104x64xf32, #tpu.memory_space<vmem>>, vector<1x64xf32>
    tpu.vector_store %arg1[%swap3A_1318, %swap3A_1319], %get3A_1317 {strides = array<i32>} : memref<4104x64xf32, #tpu.memory_space<vmem>>, vector<1x64xf32>,
    %get3A_1321 = arith.constant 38 : index
    %get3A_1322 = arith.constant 0 : index
    %get3A_1323 = vector.load %arg0[%get3A_1321, %get3A_1322] : memref<257x64xf32, #tpu.memory_space<vmem>>, vector<1x64xf32>
    %swap3A_1324 = arith.constant 2137 : index
    %swap3A_1325 = arith.constant 0 : index
    %swap3A_1326 = vector.load %arg1[%swap3A_1324, %swap3A_1325] : memref<4104x64xf32, #tpu.memory_space<vmem>>, vector<1x64xf32>
    tpu.vector_store %arg1[%swap3A_1324, %swap3A_1325], %get3A_1323 {strides = array<i32>} : memref<4104x64xf32, #tpu.memory_space<vmem>>, vector<1x64xf32>,
    %get3A_1327 = arith.constant 37 : index
    %get3A_1328 = arith.constant 0 : index
    %get3A_1329 = vector.load %arg0[%get3A_1327, %get3A_1328] : memref<257x64xf32, #tpu.memory_space<vmem>>, vector<1x64xf32>
    %swap3A_1330 = arith.constant 2138 : index
    %swap3A_1331 = arith.constant 0 : index
    %swap3A_1332 = vector.load %arg1[%swap3A_1330, %swap3A_1331] : memref<4104x64xf32, #tpu.memory_space<vmem>>, vector<1x64xf32>
    tpu.vector_store %arg1[%swap3A_1330, %swap3A_1331], %get3A_1329 {strides = array<i32>} : memref<4104x64xf32, #tpu.memory_space<vmem>>, vector<1x64xf32>,
    %get3A_1333 = arith.constant 36 : index
    %get3A_1334 = arith.constant 0 : index
    %get3A_1335 = vector.load %arg0[%get3A_1333, %get3A_1334] : memref<257x64xf32, #tpu.memory_space<vmem>>, vector<1x64xf32>
    %swap3A_1336 = arith.constant 2139 : index
    %swap3A_1337 = arith.constant 0 : index
    %swap3A_1338 = vector.load %arg1[%swap3A_1336, %swap3A_1337] : memref<4104x64xf32, #tpu.memory_space<vmem>>, vector<1x64xf32>
    tpu.vector_store %arg1[%swap3A_1336, %swap3A_1337], %get3A_1335 {strides = array<i32>} : memref<4104x64xf32, #tpu.memory_space<vmem>>, vector<1x64xf32>,
    %get3A_1339 = arith.constant 35 : index
    %get3A_1340 = arith.constant 0 : index
    %get3A_1341 = vector.load %arg0[%get3A_1339, %get3A_1340] : memref<257x64xf32, #tpu.memory_space<vmem>>, vector<1x64xf32>
    %swap3A_1342 = arith.constant 2140 : index
    %swap3A_1343 = arith.constant 0 : index
    %swap3A_1344 = vector.load %arg1[%swap3A_1342, %swap3A_1343] : memref<4104x64xf32, #tpu.memory_space<vmem>>, vector<1x64xf32>
    tpu.vector_store %arg1[%swap3A_1342, %swap3A_1343], %get3A_1341 {strides = array<i32>} : memref<4104x64xf32, #tpu.memory_space<vmem>>, vector<1x64xf32>,
    %get3A_1345 = arith.constant 34 : index
    %get3A_1346 = arith.constant 0 : index
    %get3A_1347 = vector.load %arg0[%get3A_1345, %get3A_1346] : memref<257x64xf32, #tpu.memory_space<vmem>>, vector<1x64xf32>
    %swap3A_1348 = arith.constant 2141 : index
    %swap3A_1349 = arith.constant 0 : index
    %swap3A_1350 = vector.load %arg1[%swap3A_1348, %swap3A_1349] : memref<4104x64xf32, #tpu.memory_space<vmem>>, vector<1x64xf32>
    tpu.vector_store %arg1[%swap3A_1348, %swap3A_1349], %get3A_1347 {strides = array<i32>} : memref<4104x64xf32, #tpu.memory_space<vmem>>, vector<1x64xf32>,
    %get3A_1351 = arith.constant 33 : index
    %get3A_1352 = arith.constant 0 : index
    %get3A_1353 = vector.load %arg0[%get3A_1351, %get3A_1352] : memref<257x64xf32, #tpu.memory_space<vmem>>, vector<1x64xf32>
    %swap3A_1354 = arith.constant 2142 : index
    %swap3A_1355 = arith.constant 0 : index
    %swap3A_1356 = vector.load %arg1[%swap3A_1354, %swap3A_1355] : memref<4104x64xf32, #tpu.memory_space<vmem>>, vector<1x64xf32>
    tpu.vector_store %arg1[%swap3A_1354, %swap3A_1355], %get3A_1353 {strides = array<i32>} : memref<4104x64xf32, #tpu.memory_space<vmem>>, vector<1x64xf32>,
    %get3A_1357 = arith.constant 32 : index
    %get3A_1358 = arith.constant 0 : index
    %get3A_1359 = vector.load %arg0[%get3A_1357, %get3A_1358] : memref<257x64xf32, #tpu.memory_space<vmem>>, vector<1x64xf32>
    %swap3A_1360 = arith.constant 2143 : index
    %swap3A_1361 = arith.constant 0 : index
    %swap3A_1362 = vector.load %arg1[%swap3A_1360, %swap3A_1361] : memref<4104x64xf32, #tpu.memory_space<vmem>>, vector<1x64xf32>
    tpu.vector_store %arg1[%swap3A_1360, %swap3A_1361], %get3A_1359 {strides = array<i32>} : memref<4104x64xf32, #tpu.memory_space<vmem>>, vector<1x64xf32>,
    %get3A_1363 = arith.constant 31 : index
    %get3A_1364 = arith.constant 0 : index
    %get3A_1365 = vector.load %arg0[%get3A_1363, %get3A_1364] : memref<257x64xf32, #tpu.memory_space<vmem>>, vector<1x64xf32>
    %swap3A_1366 = arith.constant 2144 : index
    %swap3A_1367 = arith.constant 0 : index
    %swap3A_1368 = vector.load %arg1[%swap3A_1366, %swap3A_1367] : memref<4104x64xf32, #tpu.memory_space<vmem>>, vector<1x64xf32>
    tpu.vector_store %arg1[%swap3A_1366, %swap3A_1367], %get3A_1365 {strides = array<i32>} : memref<4104x64xf32, #tpu.memory_space<vmem>>, vector<1x64xf32>,
    %get3A_1369 = arith.constant 30 : index
    %get3A_1370 = arith.constant 0 : index
    %get3A_1371 = vector.load %arg0[%get3A_1369, %get3A_1370] : memref<257x64xf32, #tpu.memory_space<vmem>>, vector<1x64xf32>
    %swap3A_1372 = arith.constant 2145 : index
    %swap3A_1373 = arith.constant 0 : index
    %swap3A_1374 = vector.load %arg1[%swap3A_1372, %swap3A_1373] : memref<4104x64xf32, #tpu.memory_space<vmem>>, vector<1x64xf32>
    tpu.vector_store %arg1[%swap3A_1372, %swap3A_1373], %get3A_1371 {strides = array<i32>} : memref<4104x64xf32, #tpu.memory_space<vmem>>, vector<1x64xf32>,
    %get3A_1375 = arith.constant 29 : index
    %get3A_1376 = arith.constant 0 : index
    %get3A_1377 = vector.load %arg0[%get3A_1375, %get3A_1376] : memref<257x64xf32, #tpu.memory_space<vmem>>, vector<1x64xf32>
    %swap3A_1378 = arith.constant 2146 : index
    %swap3A_1379 = arith.constant 0 : index
    %swap3A_1380 = vector.load %arg1[%swap3A_1378, %swap3A_1379] : memref<4104x64xf32, #tpu.memory_space<vmem>>, vector<1x64xf32>
    tpu.vector_store %arg1[%swap3A_1378, %swap3A_1379], %get3A_1377 {strides = array<i32>} : memref<4104x64xf32, #tpu.memory_space<vmem>>, vector<1x64xf32>,
    %get3A_1381 = arith.constant 28 : index
    %get3A_1382 = arith.constant 0 : index
    %get3A_1383 = vector.load %arg0[%get3A_1381, %get3A_1382] : memref<257x64xf32, #tpu.memory_space<vmem>>, vector<1x64xf32>
    %swap3A_1384 = arith.constant 2147 : index
    %swap3A_1385 = arith.constant 0 : index
    %swap3A_1386 = vector.load %arg1[%swap3A_1384, %swap3A_1385] : memref<4104x64xf32, #tpu.memory_space<vmem>>, vector<1x64xf32>
    tpu.vector_store %arg1[%swap3A_1384, %swap3A_1385], %get3A_1383 {strides = array<i32>} : memref<4104x64xf32, #tpu.memory_space<vmem>>, vector<1x64xf32>,
    %get3A_1387 = arith.constant 27 : index
    %get3A_1388 = arith.constant 0 : index
    %get3A_1389 = vector.load %arg0[%get3A_1387, %get3A_1388] : memref<257x64xf32, #tpu.memory_space<vmem>>, vector<1x64xf32>
    %swap3A_1390 = arith.constant 2148 : index
    %swap3A_1391 = arith.constant 0 : index
    %swap3A_1392 = vector.load %arg1[%swap3A_1390, %swap3A_1391] : memref<4104x64xf32, #tpu.memory_space<vmem>>, vector<1x64xf32>
    tpu.vector_store %arg1[%swap3A_1390, %swap3A_1391], %get3A_1389 {strides = array<i32>} : memref<4104x64xf32, #tpu.memory_space<vmem>>, vector<1x64xf32>,
    %get3A_1393 = arith.constant 26 : index
    %get3A_1394 = arith.constant 0 : index
    %get3A_1395 = vector.load %arg0[%get3A_1393, %get3A_1394] : memref<257x64xf32, #tpu.memory_space<vmem>>, vector<1x64xf32>
    %swap3A_1396 = arith.constant 2149 : index
    %swap3A_1397 = arith.constant 0 : index
    %swap3A_1398 = vector.load %arg1[%swap3A_1396, %swap3A_1397] : memref<4104x64xf32, #tpu.memory_space<vmem>>, vector<1x64xf32>
    tpu.vector_store %arg1[%swap3A_1396, %swap3A_1397], %get3A_1395 {strides = array<i32>} : memref<4104x64xf32, #tpu.memory_space<vmem>>, vector<1x64xf32>,
    %get3A_1399 = arith.constant 25 : index
    %get3A_1400 = arith.constant 0 : index
    %get3A_1401 = vector.load %arg0[%get3A_1399, %get3A_1400] : memref<257x64xf32, #tpu.memory_space<vmem>>, vector<1x64xf32>
    %swap3A_1402 = arith.constant 2150 : index
    %swap3A_1403 = arith.constant 0 : index
    %swap3A_1404 = vector.load %arg1[%swap3A_1402, %swap3A_1403] : memref<4104x64xf32, #tpu.memory_space<vmem>>, vector<1x64xf32>
    tpu.vector_store %arg1[%swap3A_1402, %swap3A_1403], %get3A_1401 {strides = array<i32>} : memref<4104x64xf32, #tpu.memory_space<vmem>>, vector<1x64xf32>,
    %get3A_1405 = arith.constant 24 : index
    %get3A_1406 = arith.constant 0 : index
    %get3A_1407 = vector.load %arg0[%get3A_1405, %get3A_1406] : memref<257x64xf32, #tpu.memory_space<vmem>>, vector<1x64xf32>
    %swap3A_1408 = arith.constant 2151 : index
    %swap3A_1409 = arith.constant 0 : index
    %swap3A_1410 = vector.load %arg1[%swap3A_1408, %swap3A_1409] : memref<4104x64xf32, #tpu.memory_space<vmem>>, vector<1x64xf32>
    tpu.vector_store %arg1[%swap3A_1408, %swap3A_1409], %get3A_1407 {strides = array<i32>} : memref<4104x64xf32, #tpu.memory_space<vmem>>, vector<1x64xf32>,
    %get3A_1411 = arith.constant 23 : index
    %get3A_1412 = arith.constant 0 : index
    %get3A_1413 = vector.load %arg0[%get3A_1411, %get3A_1412] : memref<257x64xf32, #tpu.memory_space<vmem>>, vector<1x64xf32>
    %swap3A_1414 = arith.constant 2152 : index
    %swap3A_1415 = arith.constant 0 : index
    %swap3A_1416 = vector.load %arg1[%swap3A_1414, %swap3A_1415] : memref<4104x64xf32, #tpu.memory_space<vmem>>, vector<1x64xf32>
    tpu.vector_store %arg1[%swap3A_1414, %swap3A_1415], %get3A_1413 {strides = array<i32>} : memref<4104x64xf32, #tpu.memory_space<vmem>>, vector<1x64xf32>,
    %get3A_1417 = arith.constant 22 : index
    %get3A_1418 = arith.constant 0 : index
    %get3A_1419 = vector.load %arg0[%get3A_1417, %get3A_1418] : memref<257x64xf32, #tpu.memory_space<vmem>>, vector<1x64xf32>
    %swap3A_1420 = arith.constant 2153 : index
    %swap3A_1421 = arith.constant 0 : index
    %swap3A_1422 = vector.load %arg1[%swap3A_1420, %swap3A_1421] : memref<4104x64xf32, #tpu.memory_space<vmem>>, vector<1x64xf32>
    tpu.vector_store %arg1[%swap3A_1420, %swap3A_1421], %get3A_1419 {strides = array<i32>} : memref<4104x64xf32, #tpu.memory_space<vmem>>, vector<1x64xf32>,
    %get3A_1423 = arith.constant 21 : index
    %get3A_1424 = arith.constant 0 : index
    %get3A_1425 = vector.load %arg0[%get3A_1423, %get3A_1424] : memref<257x64xf32, #tpu.memory_space<vmem>>, vector<1x64xf32>
    %swap3A_1426 = arith.constant 2154 : index
    %swap3A_1427 = arith.constant 0 : index
    %swap3A_1428 = vector.load %arg1[%swap3A_1426, %swap3A_1427] : memref<4104x64xf32, #tpu.memory_space<vmem>>, vector<1x64xf32>
    tpu.vector_store %arg1[%swap3A_1426, %swap3A_1427], %get3A_1425 {strides = array<i32>} : memref<4104x64xf32, #tpu.memory_space<vmem>>, vector<1x64xf32>,
    %get3A_1429 = arith.constant 20 : index
    %get3A_1430 = arith.constant 0 : index
    %get3A_1431 = vector.load %arg0[%get3A_1429, %get3A_1430] : memref<257x64xf32, #tpu.memory_space<vmem>>, vector<1x64xf32>
    %swap3A_1432 = arith.constant 2155 : index
    %swap3A_1433 = arith.constant 0 : index
    %swap3A_1434 = vector.load %arg1[%swap3A_1432, %swap3A_1433] : memref<4104x64xf32, #tpu.memory_space<vmem>>, vector<1x64xf32>
    tpu.vector_store %arg1[%swap3A_1432, %swap3A_1433], %get3A_1431 {strides = array<i32>} : memref<4104x64xf32, #tpu.memory_space<vmem>>, vector<1x64xf32>,
    %get3A_1435 = arith.constant 19 : index
    %get3A_1436 = arith.constant 0 : index
    %get3A_1437 = vector.load %arg0[%get3A_1435, %get3A_1436] : memref<257x64xf32, #tpu.memory_space<vmem>>, vector<1x64xf32>
    %swap3A_1438 = arith.constant 2156 : index
    %swap3A_1439 = arith.constant 0 : index
    %swap3A_1440 = vector.load %arg1[%swap3A_1438, %swap3A_1439] : memref<4104x64xf32, #tpu.memory_space<vmem>>, vector<1x64xf32>
    tpu.vector_store %arg1[%swap3A_1438, %swap3A_1439], %get3A_1437 {strides = array<i32>} : memref<4104x64xf32, #tpu.memory_space<vmem>>, vector<1x64xf32>,
    %get3A_1441 = arith.constant 18 : index
    %get3A_1442 = arith.constant 0 : index
    %get3A_1443 = vector.load %arg0[%get3A_1441, %get3A_1442] : memref<257x64xf32, #tpu.memory_space<vmem>>, vector<1x64xf32>
    %swap3A_1444 = arith.constant 2157 : index
    %swap3A_1445 = arith.constant 0 : index
    %swap3A_1446 = vector.load %arg1[%swap3A_1444, %swap3A_1445] : memref<4104x64xf32, #tpu.memory_space<vmem>>, vector<1x64xf32>
    tpu.vector_store %arg1[%swap3A_1444, %swap3A_1445], %get3A_1443 {strides = array<i32>} : memref<4104x64xf32, #tpu.memory_space<vmem>>, vector<1x64xf32>,
    %get3A_1447 = arith.constant 17 : index
    %get3A_1448 = arith.constant 0 : index
    %get3A_1449 = vector.load %arg0[%get3A_1447, %get3A_1448] : memref<257x64xf32, #tpu.memory_space<vmem>>, vector<1x64xf32>
    %swap3A_1450 = arith.constant 2158 : index
    %swap3A_1451 = arith.constant 0 : index
    %swap3A_1452 = vector.load %arg1[%swap3A_1450, %swap3A_1451] : memref<4104x64xf32, #tpu.memory_space<vmem>>, vector<1x64xf32>
    tpu.vector_store %arg1[%swap3A_1450, %swap3A_1451], %get3A_1449 {strides = array<i32>} : memref<4104x64xf32, #tpu.memory_space<vmem>>, vector<1x64xf32>,
    %get3A_1453 = arith.constant 16 : index
    %get3A_1454 = arith.constant 0 : index
    %get3A_1455 = vector.load %arg0[%get3A_1453, %get3A_1454] : memref<257x64xf32, #tpu.memory_space<vmem>>, vector<1x64xf32>
    %swap3A_1456 = arith.constant 2159 : index
    %swap3A_1457 = arith.constant 0 : index
    %swap3A_1458 = vector.load %arg1[%swap3A_1456, %swap3A_1457] : memref<4104x64xf32, #tpu.memory_space<vmem>>, vector<1x64xf32>
    tpu.vector_store %arg1[%swap3A_1456, %swap3A_1457], %get3A_1455 {strides = array<i32>} : memref<4104x64xf32, #tpu.memory_space<vmem>>, vector<1x64xf32>,
    %get3A_1459 = arith.constant 15 : index
    %get3A_1460 = arith.constant 0 : index
    %get3A_1461 = vector.load %arg0[%get3A_1459, %get3A_1460] : memref<257x64xf32, #tpu.memory_space<vmem>>, vector<1x64xf32>
    %swap3A_1462 = arith.constant 2160 : index
    %swap3A_1463 = arith.constant 0 : index
    %swap3A_1464 = vector.load %arg1[%swap3A_1462, %swap3A_1463] : memref<4104x64xf32, #tpu.memory_space<vmem>>, vector<1x64xf32>
    tpu.vector_store %arg1[%swap3A_1462, %swap3A_1463], %get3A_1461 {strides = array<i32>} : memref<4104x64xf32, #tpu.memory_space<vmem>>, vector<1x64xf32>,
    %get3A_1465 = arith.constant 14 : index
    %get3A_1466 = arith.constant 0 : index
    %get3A_1467 = vector.load %arg0[%get3A_1465, %get3A_1466] : memref<257x64xf32, #tpu.memory_space<vmem>>, vector<1x64xf32>
    %swap3A_1468 = arith.constant 2161 : index
    %swap3A_1469 = arith.constant 0 : index
    %swap3A_1470 = vector.load %arg1[%swap3A_1468, %swap3A_1469] : memref<4104x64xf32, #tpu.memory_space<vmem>>, vector<1x64xf32>
    tpu.vector_store %arg1[%swap3A_1468, %swap3A_1469], %get3A_1467 {strides = array<i32>} : memref<4104x64xf32, #tpu.memory_space<vmem>>, vector<1x64xf32>,
    %get3A_1471 = arith.constant 13 : index
    %get3A_1472 = arith.constant 0 : index
    %get3A_1473 = vector.load %arg0[%get3A_1471, %get3A_1472] : memref<257x64xf32, #tpu.memory_space<vmem>>, vector<1x64xf32>
    %swap3A_1474 = arith.constant 2162 : index
    %swap3A_1475 = arith.constant 0 : index
    %swap3A_1476 = vector.load %arg1[%swap3A_1474, %swap3A_1475] : memref<4104x64xf32, #tpu.memory_space<vmem>>, vector<1x64xf32>
    tpu.vector_store %arg1[%swap3A_1474, %swap3A_1475], %get3A_1473 {strides = array<i32>} : memref<4104x64xf32, #tpu.memory_space<vmem>>, vector<1x64xf32>,
    %get3A_1477 = arith.constant 12 : index
    %get3A_1478 = arith.constant 0 : index
    %get3A_1479 = vector.load %arg0[%get3A_1477, %get3A_1478] : memref<257x64xf32, #tpu.memory_space<vmem>>, vector<1x64xf32>
    %swap3A_1480 = arith.constant 2163 : index
    %swap3A_1481 = arith.constant 0 : index
    %swap3A_1482 = vector.load %arg1[%swap3A_1480, %swap3A_1481] : memref<4104x64xf32, #tpu.memory_space<vmem>>, vector<1x64xf32>
    tpu.vector_store %arg1[%swap3A_1480, %swap3A_1481], %get3A_1479 {strides = array<i32>} : memref<4104x64xf32, #tpu.memory_space<vmem>>, vector<1x64xf32>,
    %get3A_1483 = arith.constant 11 : index
    %get3A_1484 = arith.constant 0 : index
    %get3A_1485 = vector.load %arg0[%get3A_1483, %get3A_1484] : memref<257x64xf32, #tpu.memory_space<vmem>>, vector<1x64xf32>
    %swap3A_1486 = arith.constant 2164 : index
    %swap3A_1487 = arith.constant 0 : index
    %swap3A_1488 = vector.load %arg1[%swap3A_1486, %swap3A_1487] : memref<4104x64xf32, #tpu.memory_space<vmem>>, vector<1x64xf32>
    tpu.vector_store %arg1[%swap3A_1486, %swap3A_1487], %get3A_1485 {strides = array<i32>} : memref<4104x64xf32, #tpu.memory_space<vmem>>, vector<1x64xf32>,
    %get3A_1489 = arith.constant 10 : index
    %get3A_1490 = arith.constant 0 : index
    %get3A_1491 = vector.load %arg0[%get3A_1489, %get3A_1490] : memref<257x64xf32, #tpu.memory_space<vmem>>, vector<1x64xf32>
    %swap3A_1492 = arith.constant 2165 : index
    %swap3A_1493 = arith.constant 0 : index
    %swap3A_1494 = vector.load %arg1[%swap3A_1492, %swap3A_1493] : memref<4104x64xf32, #tpu.memory_space<vmem>>, vector<1x64xf32>
    tpu.vector_store %arg1[%swap3A_1492, %swap3A_1493], %get3A_1491 {strides = array<i32>} : memref<4104x64xf32, #tpu.memory_space<vmem>>, vector<1x64xf32>,
    %get3A_1495 = arith.constant 9 : index
    %get3A_1496 = arith.constant 0 : index
    %get3A_1497 = vector.load %arg0[%get3A_1495, %get3A_1496] : memref<257x64xf32, #tpu.memory_space<vmem>>, vector<1x64xf32>
    %swap3A_1498 = arith.constant 2166 : index
    %swap3A_1499 = arith.constant 0 : index
    %swap3A_1500 = vector.load %arg1[%swap3A_1498, %swap3A_1499] : memref<4104x64xf32, #tpu.memory_space<vmem>>, vector<1x64xf32>
    tpu.vector_store %arg1[%swap3A_1498, %swap3A_1499], %get3A_1497 {strides = array<i32>} : memref<4104x64xf32, #tpu.memory_space<vmem>>, vector<1x64xf32>,
    %get3A_1501 = arith.constant 8 : index
    %get3A_1502 = arith.constant 0 : index
    %get3A_1503 = vector.load %arg0[%get3A_1501, %get3A_1502] : memref<257x64xf32, #tpu.memory_space<vmem>>, vector<1x64xf32>
    %swap3A_1504 = arith.constant 2167 : index
    %swap3A_1505 = arith.constant 0 : index
    %swap3A_1506 = vector.load %arg1[%swap3A_1504, %swap3A_1505] : memref<4104x64xf32, #tpu.memory_space<vmem>>, vector<1x64xf32>
    tpu.vector_store %arg1[%swap3A_1504, %swap3A_1505], %get3A_1503 {strides = array<i32>} : memref<4104x64xf32, #tpu.memory_space<vmem>>, vector<1x64xf32>,
    %get3A_1507 = arith.constant 7 : index
    %get3A_1508 = arith.constant 0 : index
    %get3A_1509 = vector.load %arg0[%get3A_1507, %get3A_1508] : memref<257x64xf32, #tpu.memory_space<vmem>>, vector<1x64xf32>
    %swap3A_1510 = arith.constant 2168 : index
    %swap3A_1511 = arith.constant 0 : index
    %swap3A_1512 = vector.load %arg1[%swap3A_1510, %swap3A_1511] : memref<4104x64xf32, #tpu.memory_space<vmem>>, vector<1x64xf32>
    tpu.vector_store %arg1[%swap3A_1510, %swap3A_1511], %get3A_1509 {strides = array<i32>} : memref<4104x64xf32, #tpu.memory_space<vmem>>, vector<1x64xf32>,
    %get3A_1513 = arith.constant 6 : index
    %get3A_1514 = arith.constant 0 : index
    %get3A_1515 = vector.load %arg0[%get3A_1513, %get3A_1514] : memref<257x64xf32, #tpu.memory_space<vmem>>, vector<1x64xf32>
    %swap3A_1516 = arith.constant 2169 : index
    %swap3A_1517 = arith.constant 0 : index
    %swap3A_1518 = vector.load %arg1[%swap3A_1516, %swap3A_1517] : memref<4104x64xf32, #tpu.memory_space<vmem>>, vector<1x64xf32>
    tpu.vector_store %arg1[%swap3A_1516, %swap3A_1517], %get3A_1515 {strides = array<i32>} : memref<4104x64xf32, #tpu.memory_space<vmem>>, vector<1x64xf32>,
    %get3A_1519 = arith.constant 5 : index
    %get3A_1520 = arith.constant 0 : index
    %get3A_1521 = vector.load %arg0[%get3A_1519, %get3A_1520] : memref<257x64xf32, #tpu.memory_space<vmem>>, vector<1x64xf32>
    %swap3A_1522 = arith.constant 2170 : index
    %swap3A_1523 = arith.constant 0 : index
    %swap3A_1524 = vector.load %arg1[%swap3A_1522, %swap3A_1523] : memref<4104x64xf32, #tpu.memory_space<vmem>>, vector<1x64xf32>
    tpu.vector_store %arg1[%swap3A_1522, %swap3A_1523], %get3A_1521 {strides = array<i32>} : memref<4104x64xf32, #tpu.memory_space<vmem>>, vector<1x64xf32>,
    %get3A_1525 = arith.constant 4 : index
    %get3A_1526 = arith.constant 0 : index
    %get3A_1527 = vector.load %arg0[%get3A_1525, %get3A_1526] : memref<257x64xf32, #tpu.memory_space<vmem>>, vector<1x64xf32>
    %swap3A_1528 = arith.constant 2171 : index
    %swap3A_1529 = arith.constant 0 : index
    %swap3A_1530 = vector.load %arg1[%swap3A_1528, %swap3A_1529] : memref<4104x64xf32, #tpu.memory_space<vmem>>, vector<1x64xf32>
    tpu.vector_store %arg1[%swap3A_1528, %swap3A_1529], %get3A_1527 {strides = array<i32>} : memref<4104x64xf32, #tpu.memory_space<vmem>>, vector<1x64xf32>,
    %get3A_1531 = arith.constant 3 : index
    %get3A_1532 = arith.constant 0 : index
    %get3A_1533 = vector.load %arg0[%get3A_1531, %get3A_1532] : memref<257x64xf32, #tpu.memory_space<vmem>>, vector<1x64xf32>
    %swap3A_1534 = arith.constant 2172 : index
    %swap3A_1535 = arith.constant 0 : index
    %swap3A_1536 = vector.load %arg1[%swap3A_1534, %swap3A_1535] : memref<4104x64xf32, #tpu.memory_space<vmem>>, vector<1x64xf32>
    tpu.vector_store %arg1[%swap3A_1534, %swap3A_1535], %get3A_1533 {strides = array<i32>} : memref<4104x64xf32, #tpu.memory_space<vmem>>, vector<1x64xf32>,
    %get3A_1537 = arith.constant 2 : index
    %get3A_1538 = arith.constant 0 : index
    %get3A_1539 = vector.load %arg0[%get3A_1537, %get3A_1538] : memref<257x64xf32, #tpu.memory_space<vmem>>, vector<1x64xf32>
    %swap3A_1540 = arith.constant 2173 : index
    %swap3A_1541 = arith.constant 0 : index
    %swap3A_1542 = vector.load %arg1[%swap3A_1540, %swap3A_1541] : memref<4104x64xf32, #tpu.memory_space<vmem>>, vector<1x64xf32>
    tpu.vector_store %arg1[%swap3A_1540, %swap3A_1541], %get3A_1539 {strides = array<i32>} : memref<4104x64xf32, #tpu.memory_space<vmem>>, vector<1x64xf32>,
    %get3A_1543 = arith.constant 1 : index
    %get3A_1544 = arith.constant 0 : index
    %get3A_1545 = vector.load %arg0[%get3A_1543, %get3A_1544] : memref<257x64xf32, #tpu.memory_space<vmem>>, vector<1x64xf32>
    %swap3A_1546 = arith.constant 2174 : index
    %swap3A_1547 = arith.constant 0 : index
    %swap3A_1548 = vector.load %arg1[%swap3A_1546, %swap3A_1547] : memref<4104x64xf32, #tpu.memory_space<vmem>>, vector<1x64xf32>
    tpu.vector_store %arg1[%swap3A_1546, %swap3A_1547], %get3A_1545 {strides = array<i32>} : memref<4104x64xf32, #tpu.memory_space<vmem>>, vector<1x64xf32>,
    %get3A_1549 = arith.constant 0 : index
    %get3A_1550 = arith.constant 0 : index
    %get3A_1551 = vector.load %arg0[%get3A_1549, %get3A_1550] : memref<257x64xf32, #tpu.memory_space<vmem>>, vector<1x64xf32>
    %swap3A_1552 = arith.constant 2175 : index
    %swap3A_1553 = arith.constant 0 : index
    %swap3A_1554 = vector.load %arg1[%swap3A_1552, %swap3A_1553] : memref<4104x64xf32, #tpu.memory_space<vmem>>, vector<1x64xf32>
    tpu.vector_store %arg1[%swap3A_1552, %swap3A_1553], %get3A_1551 {strides = array<i32>} : memref<4104x64xf32, #tpu.memory_space<vmem>>, vector<1x64xf32>,
    return
  }
}

</mosaic_0001>

<sc_bundles>
// kernel: _run.4.cloned.1.call-start
scs
__scs_entry_jumppad:
0x0: {  	(pc) =	sbr.rel $0x88, $3  }
0x1: {  	(tag) =	ssettag $0x0;
	lr =	simm.s32 $0x1  }
0x2: {  	[smem:$0x3FA0] =	sst lr;
	_ =	strace $0xD0000000  }
0x3: {  	_ = 	snop  }
0x4: {  	_ = 	snop  }
0x5: {  	_ = 	snop  }
0x6: {  	_ = 	snop  }
0x7: {  	_ = 	snop  }
__scs_overlays_trampoline_lowered:
0x8: {  	[smem:$0x3FAF] =	sst s0  }
0x9: {  	[smem:$0x3FB0] =	sst s1  }
0xa: {  	[smem:$0x3FB1] =	sst s2  }
0xb: {  	[smem:$0x3FB2] =	sst s3  }
0xc: {  	[smem:$0x3FB3] =	sst s4  }
0xd: {  	[smem:$0x3FB4] =	sst s5  }
0xe: {  	[smem:$0x3FB5] =	sst s6  }
0xf: {  	[smem:$0x3FB6] =	sst s7  }
0x10: {  	[smem:$0x3FB7] =	sst s8  }
0x11: {  	[smem:$0x3FB8] =	sst s9;
	s0 =	simm.s32 @!p0 $0x0  }
0x12: {  	s1 =	sld [smem:$0x3F9E];
	s0 =	simm.s32 @p0 $0x1  }
0x13: {  	[smem:$0x3FB9] =	sst s0;
	s0 =	simm.s32 @!p1 $0x0  }
0x14: {  	s2 =	sld [smem:$0x3F9D];
	s0 =	simm.s32 @p1 $0x1  }
0x15: {  	[smem:$0x3FBA] =	sst s0;
	s0 =	simm.s32 @!p2 $0x0  }
0x16: {  	s3 =	sld [smem:$0x3FDB];
	s0 =	simm.s32 @p2 $0x1  }
0x17: {  	s4 =	simm.s32 $0x1BF5;
	[smem:$0x3FBC] =	sst s0  }
0x18: {  	s0 =	sld [smem:$0x3F9F];
	_ =	swait.ge [sflag:s4], $0x0  }
0x19: {  	s7 =	sld [smem:$0x3FA0]  }
0x1a: {  	s8 =	sadd.s32 $0xFFFFE003, lr  }
0x1b: {  	s9 =	sadd.s32 $0xFFFFFEF7, lr;
	s5 =	simm.s32 $0xFFFFFFFF;
	p2 =	slt.u32 s8, $0xFFFFF086  }
0x1c: {  	p1 =	slt.u32 s9, $0xF7A;
	s5 =	simm.s32 @!p2 $0x0  }
0x1d: {  	s5 =	simm.s32 @p1 $0x1;
	p0 =	seq.s32 s7, s2  }
0x1e: {  	s7 =	smul.u32 @!p0 $0xF7A, s2;
	p2 =	seq.s32 @!p0 s5, $0x0  }
0x1f: {  	s9 =	smul.u32 $0xF7A, s1;
	s8 =	simm.s32 @!p0 $0x1BF5;
	p2 =	por !p2, p0  }
0x20: {  	[sflag:s8] =	ssyncset.s32 @!p0 $0xFFFFF086;
	s6 =	sadd.s32 @!p0 s3, s7;
	s7 =	simm.s32 @!p0 $0x108  }
0x21: {  	s3 =	sadd.s32 s3, s9;
	s6 =	sadd.s32 @!p0 $0x88, s6;
	s7 =	simm.s32 @p2 $0x1082  }
0x22: {  	[simem:s7], [sflag:s8] =	dma.local @!p0 [hbm:s6], $0xF7A  }
0x23: {  	s9 =	sor.u32 $0xD0000000, s2;
	s6 =	simm.s32 $0x108;
	_ =	swait.ge @!p0 [sflag:s8], $0x0  }
0x24: {  	s3 =	sadd.s32 $0x88, s3;
	s6 =	simm.s32 @!p1 $0x1082;
	[sflag:s4] =	ssyncset.s32 $0xFFFFF086  }
0x25: {  	[simem:s6], [sflag:s4] =	dma.local [hbm:s3], $0xF7A  }
0x26: {  	[smem:$0x3FA0] =	sst s1;
	(tag) =	ssettag s2;
	_ =	strace s9  }
0x27: {  	s1 =	sld [smem:$0x3FB0]  }
0x28: {  	s2 =	sld [smem:$0x3FB1]  }
0x29: {  	s4 =	sld [smem:$0x3FB3]  }
0x2a: {  	p0 =	seq.s32 s5, $0x0;
	s5 =	sld [smem:$0x3FB4]  }
0x2b: {  	s6 =	sld [smem:$0x3FB5]  }
0x2c: {  	s7 =	sld [smem:$0x3FB6]  }
0x2d: {  	s3 =	simm.s32 $0x108;
	s8 =	sld [smem:$0x3FB7]  }
0x2e: {  	s3 =	simm.s32 @!p0 $0x1082;
	s9 =	sld [smem:$0x3FB8]  }
0x2f: {  	lr =	sadd.s32 s0, s3;
	s0 =	sld [smem:$0x3FAF]  }
0x30: {  	s3 =	sld [smem:$0x3FB2]  }
0x31: {  	[smem:$0x3FBB] =	sst s10  }
0x32: {  	s10 =	sld [smem:$0x3FB9];
	_ =	sdelay $0x3  }
0x33: {  	p0 =	seq.s32 s10, $0x1;
	s10 =	sld [smem:$0x3FBB];
	_ =	sdelay $0x3  }
0x34: {  	[smem:$0x3FBB] =	sst s10  }
0x35: {  	s10 =	sld [smem:$0x3FBA];
	_ =	sdelay $0x3  }
0x36: {  	p1 =	seq.s32 s10, $0x1;
	s10 =	sld [smem:$0x3FBB];
	_ =	sdelay $0x3  }
0x37: {  	[smem:$0x3FBB] =	sst s10  }
0x38: {  	s10 =	sld [smem:$0x3FBC]  }
0x39: {  	_ = 	snop;
	(pc) =	sbr.ind lr, $3  }
0x3a: {  	_ = 	snop  }
0x3b: {  	_ = 	snop  }
0x3c: {  	p2 =	seq.s32 s10, $0x1;
	s10 =	sld [smem:$0x3FBB]  }
0x3d: {  	_ =	shalt  }
0x3e: {  	_ =	shalt  }
0x3f: {  	_ =	shalt  }
0x40: {  	_ =	shalt  }
0x41: {  	_ =	shalt  }
0x42: {  	_ =	shalt  }
0x43: {  	_ =	shalt  }
0x44: {  	_ =	shalt  }
0x45: {  	_ =	shalt  }
0x46: {  	_ =	shalt  }
0x47: {  	_ =	shalt  }
0x48: {  	_ =	shalt  }
0x49: {  	_ =	shalt  }
0x4a: {  	_ =	shalt  }
0x4b: {  	_ =	shalt  }
0x4c: {  	_ =	shalt  }
0x4d: {  	_ =	shalt  }
0x4e: {  	_ =	shalt  }
0x4f: {  	_ =	shalt  }
0x50: {  	_ =	shalt  }
0x51: {  	_ =	shalt  }
0x52: {  	_ =	shalt  }
0x53: {  	_ =	shalt  }
0x54: {  	_ =	shalt  }
0x55: {  	_ =	shalt  }
0x56: {  	_ =	shalt  }
0x57: {  	_ =	shalt  }
0x58: {  	_ =	shalt  }
0x59: {  	_ =	shalt  }
0x5a: {  	_ =	shalt  }
0x5b: {  	_ =	shalt  }
0x5c: {  	_ =	shalt  }
0x5d: {  	_ =	shalt  }
0x5e: {  	_ =	shalt  }
0x5f: {  	_ =	shalt  }
0x60: {  	_ =	shalt  }
0x61: {  	_ =	shalt  }
0x62: {  	_ =	shalt  }
0x63: {  	_ =	shalt  }
0x64: {  	_ =	shalt  }
0x65: {  	_ =	shalt  }
0x66: {  	_ =	shalt  }
0x67: {  	_ =	shalt  }
0x68: {  	_ =	shalt  }
0x69: {  	_ =	shalt  }
0x6a: {  	_ =	shalt  }
0x6b: {  	_ =	shalt  }
0x6c: {  	_ =	shalt  }
0x6d: {  	_ =	shalt  }
0x6e: {  	_ =	shalt  }
0x6f: {  	_ =	shalt  }
0x70: {  	_ =	shalt  }
0x71: {  	_ =	shalt  }
0x72: {  	_ =	shalt  }
0x73: {  	_ =	shalt  }
0x74: {  	_ =	shalt  }
0x75: {  	_ =	shalt  }
0x76: {  	_ =	shalt  }
0x77: {  	_ =	shalt  }
0x78: {  	_ =	shalt  }
0x79: {  	_ =	shalt  }
0x7a: {  	_ =	shalt  }
0x7b: {  	_ =	shalt  }
0x7c: {  	_ =	shalt  }
0x7d: {  	_ =	shalt  }
0x7e: {  	_ =	shalt  }
0x7f: {  	_ =	shalt  }
0x80: {  	_ =	shalt  }
0x81: {  	_ =	shalt  }
0x82: {  	_ =	shalt  }
0x83: {  	_ =	shalt  }
0x84: {  	_ =	shalt  }
0x85: {  	_ =	shalt  }
0x86: {  	_ =	shalt  }
0x87: {  	_ =	shalt  }
.Lfunc_end0:
.L_simem_size_0:
called_computation.1_lowered:
.L_overlay_start_0:
0x88: {  	s2 =	sld [smem:$0x3FD9]  }
0x89: {  	s3 =	sld [smem:$0x3FFE];
	_ =	sdelay $0x1  }
0x8a: {  	s1 =	srdreg.scid  }
0x8b: {  	s0 =	sand.u32 $0x1, s1  }
0x8c: {  	s17 =	sshll.u32 s0, $0xA;
	s2 =	sadd.s32 s3, s2  }
0x8d: {  	s2 =	sadd.s32 s2, s17  }
0x8e: {  	[smem:$0x3FC7] =	sst s2  }
0x8f: {  	_ = 	snop  }
0x90: {  	s2 =	sld [smem:$0x3FD0];
	(tm) =	ssettm $0x1  }
0x91: {  	s18 =	sld [smem:$0x3FFB];
	_ =	sdelay $0x3  }
0x92: {  	_ =	strace s18  }
0x93: {  	s3 =	sld [smem:$0x3FFC];
	_ =	sdelay $0x3  }
0x94: {  	_ =	strace s3  }
0x95: {  	s3 =	sld [smem:$0x3FFD];
	_ =	sdelay $0x3  }
0x96: {  	_ =	strace s3  }
0x97: {  	_ =	strace $0x8FFFFFFF  }
0x98: {  	s19 =	sld [smem:$0x3FDB];
	_ =	sdelay $0x1  }
0x99: {  	s4 =	simm.s32 $_scs_section_size  }
0x9a: {  	s5 =	simm.s32 $_size__tile_overlayer_lowered;
	s6 =	simm.s32 $_tile_overlayer_lowered  }
0x9b: {  	s22 =	simm.s32 $0x1BFF;
	s21 =	sshll.u32 s6, $0x1;
	s3 =	sadd.s32 s4, s19  }
0x9c: {  	s7 =	simm.s32 $0x0;
	s20 =	sshll.u32 s5, $0x1;
	s5 =	sadd.s32 s21, s3  }
0x9d: {  	[timem:s7], [sflag:s22] =	dma.local [hbm:s5], s20  }
0x9e: {  	_ =	swait.ge [sflag:s22], s20  }
0x9f: {  	s4 =	ssub.s32 $0x0, s20;
	[sflag:s22] =	ssyncset.done $0x0  }
0xa0: {  	[sflag:s22] =	ssyncadd.s32 s4;
	_ =	sdelay $0x1  }
0xa1: {  	s23 =	simm.s32 $0x1B8B  }
0xa2: {  	_ =	swait.ge [sflag:s23], $0x1  }
0xa3: {  	[sflag:s23] =	ssyncset.done $0x0  }
0xa4: {  	s25 =	simm.s32 $0x1B8E;
	s24 =	sld [smem:$0x3FFE];
	[sflag:s23] =	ssyncadd.s32 $0xFFFFFFFF  }
0xa5: {  	s26 =	simm.s32 $execute0_lowered;
	[smem:$0x3FD2] =	sst s25  }
0xa6: {  	s5 =	sshll.u32 s26, $0x1;
	_ =	strace $0x80000046;
	[dreg:$0x1] =	wrdreg $0xFFFFFFFF  }
0xa7: {  	s28 =	simm.s32 $_size_execute0_lowered;
	s3 =	sadd.s32 s3, s5;
	[dreg:$0x0] =	wrdreg $0x0  }
0xa8: {  	s5 =	sshll.u32 s28, $0x1;
	[dreg:$0x2] =	wrdreg s3  }
0xa9: {  	[dreg:$0x3] =	wrdreg s5  }
0xaa: {  	[dreg:$0x4] =	wrdreg $0xC0  }
0xab: {  	_ =	task [dreg:s7], $0x5FFFF  }
0xac: {  	[dreg:$0x1] =	wrdreg $0xFFFFFFFF  }
0xad: {  	[dreg:$0x0] =	wrdreg $0x60  }
0xae: {  	[dreg:$0x2] =	wrdreg s24  }
0xaf: {  	[dreg:$0x3] =	wrdreg s2  }
0xb0: {  	[dreg:$0x4] =	wrdreg $0x0  }
0xb1: {  	[dreg:$0x5] =	wrdreg $0x40000  }
0xb2: {  	[dreg:$0x6] =	wrdreg $0x9  }
0xb3: {  	_ =	task.clear_ibuf [dreg:s7], $0x7FFFF;
	_ =	strace $0x90000046  }
0xb4: {  	s29 =	simm.s32 $0x9;
	_ =	strace $0x80000048  }
0xb5: {  	_ =	swait.ge [sflag:s29], $0x1  }
0xb6: {  	[sflag:s29] =	ssyncadd.s32 $0xFFFFFFFF  }
0xb7: {  	_ =	strace $0x90000048  }
0xb8: {  	_ =	sfence  }
0xb9: {  	s30 =	sld [smem:$0x0];
	_ =	sdelay $0x2  }
0xba: {  	s31 =	sshll.u32 s1, $0xD;
	s1 =	sshrl.u32 s1, $0x2  }
0xbb: {  	s3 =	sand.u32 $0x4000, s31;
	s1 =	sadd.s32 s1, s30  }
0xbc: {  	s0 =	sor.u32 s3, s0;
	s1 =	sshll.u32 s1, $0x11  }
0xbd: {  	s0 =	sor.u32 s1, s0  }
0xbe: {  	s0 =	sadd.s32 $0x8F2B, s0  }
0xbf: {  	[sflag:s0] =	ssyncadd.remote.s32 $0x1  }
0xc0: {  	_ =	sfence.sel $0xFFFF  }
0xc1: {  	[dreg:$0x0] =	wrdreg $0xFFFFFFFF;
	(pc) =	sbr.abs _section_cstart, $3  }
0xc2: {  	[dreg:$0x1] =	wrdreg $0xFFFFFFFF  }
0xc3: {  	_ =	task.clear_ibuf [dreg:s7], $0x2FFFF;
	_ =	strace $0x9FFFFFFF  }
0xc4: {  	(tm) =	ssettm $0x7FFFFFFF  }
0xc5: {  	_ =	shalt  }
tec
execute0_lowered:
.L_overlay_start_1:
0x0: {  	(tag) =	ssettag $0x1  }
0x1: {  	s1 =	rddreg [dreg:$0x0]  }
0x2: {  	s4 =	rddreg [dreg:$0x1]  }
0x3: {  	s2 =	rddreg [dreg:$0x2]  }
0x4: {  	s16 =	rddreg [dreg:$0x3];
	s3 =	srdreg.scid  }
0x5: {  	s0 =	rddreg [dreg:$0x4];
	s6 =	stileid.u32;
	s28 =	sand.u32 $0x1, s3  }
0x6: {  	s19 =	simm.s32 $0x0;
	s5 =	sshll.u32 s6, $0x7;
	s7 =	sshll.u32 s28, $0x6  }
0x7: {  	[smem:$0x7FF] =	sst s19;
	s3 =	sor.u32 s7, s5  }
0x8: {  	s20 =	sadd.s32 $0x800, s1;
	s21 =	sadd.s32 $0x8800, s1;
	s7 =	sshll.u32 s3, $0xE  }
0x9: {  	_ =	strace $0x80000047;
	[dreg:$0x5] =	wrdreg s20;
	s1 =	sadd.s32 s4, s7  }
0xa: {  	[dreg:$0x6] =	wrdreg s21;
	s4 =	sadd.s32 $0x4000, s1  }
0xb: {  	s22 =	sadd.s32 $0x8000, s1;
	[dreg:$0x7] =	wrdreg s4  }
0xc: {  	s23 =	sadd.s32 $0xC000, s1;
	[dreg:$0x8] =	wrdreg s22  }
0xd: {  	s24 =	sadd.s32 $0x10000, s1;
	[dreg:$0x9] =	wrdreg s23  }
0xe: {  	s25 =	sadd.s32 $0x14000, s1;
	[dreg:$0xa] =	wrdreg s24  }
0xf: {  	s26 =	sadd.s32 $0x18000, s1;
	[dreg:$0xb] =	wrdreg s25  }
0x10: {  	s29 =	sadd.s32 $0x1C000, s1;
	[dreg:$0xc] =	wrdreg s26  }
0x11: {  	s30 =	sadd.s32 $0x20000, s1;
	[dreg:$0xd] =	wrdreg s29  }
0x12: {  	s31 =	sadd.s32 $0x24000, s1;
	[dreg:$0xe] =	wrdreg s30  }
0x13: {  	s5 =	sadd.s32 $0x28000, s1;
	[dreg:$0xf] =	wrdreg s31  }
0x14: {  	s7 =	sadd.s32 $0x2C000, s1;
	[dreg:$0x10] =	wrdreg s5  }
0x15: {  	s8 =	sadd.s32 $0x30000, s1;
	[dreg:$0x11] =	wrdreg s7  }
0x16: {  	s9 =	sadd.s32 $0x34000, s1;
	[dreg:$0x12] =	wrdreg s8  }
0x17: {  	s10 =	sadd.s32 $0x38000, s1;
	[dreg:$0x13] =	wrdreg s9  }
0x18: {  	s11 =	sadd.s32 $0x3C000, s1;
	[dreg:$0x14] =	wrdreg s10  }
0x19: {  	s12 =	sadd.s32 $0x40000, s1;
	[dreg:$0x15] =	wrdreg s11  }
0x1a: {  	s13 =	sadd.s32 $0x44000, s1;
	[dreg:$0x16] =	wrdreg s12  }
0x1b: {  	s14 =	sadd.s32 $0x48000, s1;
	[dreg:$0x17] =	wrdreg s13  }
0x1c: {  	s15 =	sadd.s32 $0x4C000, s1;
	[dreg:$0x18] =	wrdreg s14  }
0x1d: {  	s17 =	sadd.s32 $0x50000, s1;
	[dreg:$0x19] =	wrdreg s15  }
0x1e: {  	s18 =	sadd.s32 $0x54000, s1;
	[dreg:$0x1a] =	wrdreg s17  }
0x1f: {  	s19 =	sadd.s32 $0x58000, s1;
	[dreg:$0x1b] =	wrdreg s18  }
0x20: {  	s20 =	sadd.s32 $0x5C000, s1;
	[dreg:$0x1c] =	wrdreg s19  }
0x21: {  	s21 =	sadd.s32 $0x60000, s1;
	[dreg:$0x1d] =	wrdreg s20  }
0x22: {  	[dreg:$0x1e] =	wrdreg s21;
	s22 =	sadd.s32 $0x64000, s1  }
0x23: {  	s23 =	sadd.s32 $0x68000, s1;
	[dreg:$0x1f] =	wrdreg s22  }
0x24: {  	s24 =	sadd.s32 $0x6C000, s1;
	[smem:$0x7C5] =	sst s23  }
0x25: {  	s25 =	sadd.s32 $0x70000, s1;
	[smem:$0x7C7] =	sst s24  }
0x26: {  	s26 =	sadd.s32 $0x74000, s1;
	[smem:$0x7C9] =	sst s25  }
0x27: {  	s29 =	sadd.s32 $0x78000, s1;
	[smem:$0x7CB] =	sst s26  }
0x28: {  	s30 =	sadd.s32 $0x7C000, s1;
	[smem:$0x7CD] =	sst s29  }
0x29: {  	s31 =	sadd.s32 $0x80000, s1;
	[smem:$0x7CF] =	sst s30  }
0x2a: {  	s5 =	sadd.s32 $0x84000, s1;
	[smem:$0x7D1] =	sst s31  }
0x2b: {  	s7 =	sadd.s32 $0x88000, s1;
	[smem:$0x7D3] =	sst s5  }
0x2c: {  	s8 =	sadd.s32 $0x8C000, s1;
	[smem:$0x7D5] =	sst s7  }
0x2d: {  	s9 =	sadd.s32 $0x90000, s1;
	[smem:$0x7D7] =	sst s8  }
0x2e: {  	s10 =	sadd.s32 $0x94000, s1;
	[smem:$0x7D9] =	sst s9  }
0x2f: {  	s11 =	sadd.s32 $0x98000, s1;
	[smem:$0x7DB] =	sst s10  }
0x30: {  	s12 =	sadd.s32 $0x9C000, s1;
	[smem:$0x7DD] =	sst s11  }
0x31: {  	s14 =	sadd.s32 $0xA0000, s1;
	[smem:$0x7DF] =	sst s12  }
0x32: {  	s15 =	sadd.s32 $0xA4000, s1;
	[smem:$0x7E1] =	sst s14  }
0x33: {  	s17 =	sadd.s32 $0xA8000, s1;
	[smem:$0x7E3] =	sst s15  }
0x34: {  	s18 =	sadd.s32 $0xAC000, s1;
	[smem:$0x7E5] =	sst s17  }
0x35: {  	s20 =	sadd.s32 $0xB4000, s1;
	[smem:$0x7E7] =	sst s18  }
0x36: {  	s21 =	sadd.s32 $0xB8000, s1;
	[smem:$0x7EB] =	sst s20  }
0x37: {  	s8 =	sadd.s32 $0xB0000, s1;
	[smem:$0x7EC] =	sst s21  }
0x38: {  	s22 =	sadd.s32 $0xBC000, s1;
	[smem:$0x7E9] =	sst s8  }
0x39: {  	s23 =	sadd.s32 $0xC0000, s1;
	[smem:$0x7ED] =	sst s22  }
0x3a: {  	s24 =	sadd.s32 $0xC4000, s1;
	[smem:$0x7EE] =	sst s23  }
0x3b: {  	s29 =	sadd.s32 $0xC8000, s1;
	[smem:$0x7EF] =	sst s24  }
0x3c: {  	s25 =	sshll.u32 s3, $0x6;
	s30 =	sadd.s32 $0xCC000, s1;
	[smem:$0x7F0] =	sst s29  }
0x3d: {  	s31 =	sadd.s32 $0xD0000, s1;
	s14 =	sadd.s32 $0xD4000, s1;
	[smem:$0x7F1] =	sst s30  }
0x3e: {  	s15 =	sadd.s32 $0xD8000, s1;
	s17 =	sadd.s32 $0xDC000, s1;
	[smem:$0x7F2] =	sst s31  }
0x3f: {  	s18 =	sadd.s32 $0xE0000, s1;
	s20 =	sadd.s32 $0xE8000, s1;
	[smem:$0x7F3] =	sst s14  }
0x40: {  	s21 =	sadd.s32 $0xEC000, s1;
	s13 =	sxor.u32 $0x1FF80, s25;
	[smem:$0x7F4] =	sst s15  }
0x41: {  	s26 =	ssub.s32 s2, s25;
	s19 =	sxor.u32 $0x1FF00, s25;
	[smem:$0x7F5] =	sst s17  }
0x42: {  	s9 =	sxor.u32 $0x1FE80, s25;
	s11 =	sxor.u32 $0x1FE00, s25;
	[smem:$0x7F6] =	sst s18  }
0x43: {  	s15 =	sxor.u32 $0x1FD00, s25;
	s18 =	sxor.u32 $0x1FC80, s25;
	[smem:$0x7F8] =	sst s20  }
0x44: {  	[smem:$0x7F9] =	sst s21;
	s22 =	sadd.s32 $0xF0000, s1;
	s23 =	sadd.s32 $0xF4000, s1  }
0x45: {  	s20 =	sxor.u32 $0x1FC00, s25;
	s24 =	sadd.s32 $0xF8000, s1;
	s29 =	sadd.s32 $0xFC000, s1  }
0x46: {  	s30 =	sxor.u32 $0x1FB80, s25;
	s3 =	sadd.s32 s13, s16;
	s4 =	sadd.s32 $0x1FF80, s26  }
0x47: {  	s5 =	sadd.s32 s19, s16;
	s7 =	sadd.s32 $0x1FF00, s26;
	s9 =	sadd.s32 s9, s16  }
0x48: {  	s10 =	sadd.s32 $0x1FE80, s26;
	s11 =	sadd.s32 s11, s16;
	s12 =	sadd.s32 $0x1FE00, s26  }
0x49: {  	s13 =	sxor.u32 $0x1FD80, s25;
	s14 =	sadd.s32 $0x1FD80, s26;
	[smem:$0x7FA] =	sst s22  }
0x4a: {  	s15 =	sadd.s32 s15, s16;
	s19 =	sadd.s32 $0xE4000, s1;
	[smem:$0x7FB] =	sst s23  }
0x4b: {  	s17 =	sadd.s32 $0x1FD00, s26;
	s18 =	sadd.s32 s18, s16;
	[smem:$0x7FC] =	sst s24  }
0x4c: {  	s20 =	sadd.s32 s20, s16;
	s21 =	sadd.s32 $0x1FC00, s26;
	[smem:$0x7FD] =	sst s29  }
0x4d: {  	s23 =	sxor.u32 $0x1FB00, s25;
	[smem:$0x7F7] =	sst s19;
	s3 =	sshrl.u32 s3, $0x3  }
0x4e: {  	s13 =	sadd.s32 s13, s16;
	s31 =	sshrl.u32 s4, $0x3;
	[smem:$0x7AB] =	sst s3  }
0x4f: {  	s19 =	sadd.s32 $0x1FC80, s26;
	s8 =	sshrl.u32 s5, $0x3;
	[smem:$0x7AC] =	sst s31  }
0x50: {  	s4 =	sadd.s32 s30, s16;
	s22 =	sshrl.u32 s7, $0x3;
	[smem:$0x7AD] =	sst s8  }
0x51: {  	s5 =	sadd.s32 $0x1FB80, s26;
	s24 =	sshrl.u32 s9, $0x3;
	[smem:$0x7AE] =	sst s22  }
0x52: {  	s7 =	sadd.s32 s23, s16;
	s29 =	sshrl.u32 s10, $0x3;
	[smem:$0x7AF] =	sst s24  }
0x53: {  	s30 =	sshrl.u32 s11, $0x3;
	s10 =	sshrl.u32 s12, $0x3;
	[smem:$0x7B0] =	sst s29  }
0x54: {  	s12 =	sshrl.u32 s14, $0x3;
	s14 =	sshrl.u32 s15, $0x3;
	[smem:$0x7B1] =	sst s30  }
0x55: {  	s15 =	sshrl.u32 s17, $0x3;
	s17 =	sshrl.u32 s18, $0x3;
	[smem:$0x7B2] =	sst s10  }
0x56: {  	s18 =	sxor.u32 $0x1F980, s25;
	s20 =	sshrl.u32 s20, $0x3;
	[smem:$0x7B4] =	sst s12  }
0x57: {  	s21 =	sshrl.u32 s21, $0x3;
	s8 =	sadd.s32 $0x1FB00, s26;
	[smem:$0x7B5] =	sst s14  }
0x58: {  	s31 =	sxor.u32 $0x1FA80, s25;
	s11 =	sshrl.u32 s13, $0x3;
	[smem:$0x7B6] =	sst s15  }
0x59: {  	s10 =	sadd.s32 $0x1FA80, s26;
	s13 =	sxor.u32 $0x1FA00, s25;
	[smem:$0x7B7] =	sst s17  }
0x5a: {  	s12 =	sadd.s32 $0x1FA00, s26;
	s19 =	sshrl.u32 s19, $0x3;
	[smem:$0x7B9] =	sst s20  }
0x5b: {  	s14 =	sadd.s32 $0x1F980, s26;
	s22 =	sxor.u32 $0x1F900, s25;
	[smem:$0x7BA] =	sst s21  }
0x5c: {  	s23 =	sshrl.u32 s4, $0x3;
	s29 =	sshrl.u32 s5, $0x3;
	[smem:$0x7B3] =	sst s11  }
0x5d: {  	s5 =	sadd.s32 $0x1F900, s26;
	s30 =	sshrl.u32 s7, $0x3;
	[smem:$0x7B8] =	sst s19  }
0x5e: {  	s17 =	sxor.u32 $0x1F800, s25;
	s20 =	sadd.s32 $0x1F800, s26;
	[smem:$0x7BB] =	sst s23  }
0x5f: {  	s9 =	sadd.s32 s31, s16;
	s11 =	sadd.s32 s13, s16;
	[smem:$0x7BC] =	sst s29  }
0x60: {  	s13 =	sadd.s32 s18, s16;
	[smem:$0x7BD] =	sst s30;
	s8 =	sshrl.u32 s8, $0x3  }
0x61: {  	s24 =	sadd.s32 s22, s16;
	s15 =	sshrl.u32 s10, $0x3;
	[smem:$0x7BE] =	sst s8  }
0x62: {  	s31 =	sxor.u32 $0x1F880, s25;
	s19 =	sshrl.u32 s12, $0x3;
	[smem:$0x7C0] =	sst s15  }
0x63: {  	s22 =	sxor.u32 $0x1F780, s25;
	s23 =	sshrl.u32 s14, $0x3;
	[smem:$0x7C2] =	sst s19  }
0x64: {  	s29 =	sadd.s32 $0x1F780, s26;
	s30 =	sshrl.u32 s5, $0x3;
	[smem:$0x7C4] =	sst s23  }
0x65: {  	s7 =	sadd.s32 s31, s16;
	s9 =	sshrl.u32 s9, $0x3;
	[smem:$0x7C8] =	sst s30  }
0x66: {  	s8 =	sadd.s32 $0x1F880, s26;
	s18 =	sshrl.u32 s11, $0x3;
	[smem:$0x7BF] =	sst s9  }
0x67: {  	s21 =	sshrl.u32 s13, $0x3;
	s11 =	sadd.s32 s22, s16;
	[smem:$0x7C1] =	sst s18  }
0x68: {  	s24 =	sshrl.u32 s24, $0x3;
	s31 =	sxor.u32 $0x1F700, s25;
	[smem:$0x7C3] =	sst s21  }
0x69: {  	s13 =	sadd.s32 $0x1F700, s26;
	[smem:$0x7C6] =	sst s24;
	s7 =	sshrl.u32 s7, $0x3  }
0x6a: {  	s15 =	sxor.u32 $0x1F680, s25;
	s12 =	sshrl.u32 s8, $0x3;
	[smem:$0x7CA] =	sst s7  }
0x6b: {  	s9 =	sadd.s32 s17, s16;
	s17 =	sshrl.u32 s20, $0x3;
	[smem:$0x7CC] =	sst s12  }
0x6c: {  	s19 =	sadd.s32 $0x1F680, s26;
	s18 =	sshrl.u32 s11, $0x3;
	[smem:$0x7D0] =	sst s17  }
0x6d: {  	s30 =	sxor.u32 $0x1F580, s25;
	s20 =	sshrl.u32 s29, $0x3;
	[smem:$0x7D2] =	sst s18  }
0x6e: {  	s5 =	sadd.s32 s31, s16;
	s23 =	sshrl.u32 s13, $0x3;
	[smem:$0x7D4] =	sst s20  }
0x6f: {  	s8 =	sadd.s32 s15, s16;
	s31 =	sshrl.u32 s19, $0x3;
	[smem:$0x7D8] =	sst s23  }
0x70: {  	s21 =	sxor.u32 $0x1F600, s25;
	s14 =	sshrl.u32 s9, $0x3;
	[smem:$0x7DC] =	sst s31  }
0x71: {  	s24 =	sadd.s32 $0x1F600, s26;
	s22 =	sshrl.u32 s5, $0x3;
	[smem:$0x7CE] =	sst s14  }
0x72: {  	s11 =	sxor.u32 $0x1F500, s25;
	s29 =	sshrl.u32 s8, $0x3;
	[smem:$0x7D6] =	sst s22  }
0x73: {  	s4 =	sadd.s32 s21, s16;
	s10 =	sshrl.u32 s24, $0x3;
	[smem:$0x7DA] =	sst s29  }
0x74: {  	s7 =	sadd.s32 s30, s16;
	s5 =	sadd.s32 s11, s16;
	[smem:$0x7E0] =	sst s10  }
0x75: {  	s8 =	sshrl.u32 s4, $0x3;
	s15 =	sshrl.u32 s5, $0x3;
	s5 =	rddreg [dreg:$0x5]  }
0x76: {  	s9 =	sadd.s32 $0x1F580, s26;
	s12 =	sshrl.u32 s7, $0x3;
	[smem:$0x7DE] =	sst s8  }
0x77: {  	p0 =	sne.s32 s6, $0x0;
	s13 =	sshrl.u32 s9, $0x3;
	[smem:$0x7E2] =	sst s12  }
0x78: {  	s17 =	sxor.u32 $0x1F480, s25;
	s14 =	sadd.s32 $0x1F500, s26;
	[smem:$0x7E4] =	sst s13  }
0x79: {  	s19 =	sadd.s32 s17, s16;
	[smem:$0x7E6] =	sst s15;
	s18 =	sshrl.u32 s14, $0x3  }
0x7a: {  	s2 =	sshrl.u32 @!p0 s2, $0x3;
	s20 =	sshrl.u32 s19, $0x3;
	[smem:$0x7E8] =	sst s18  }
0x7b: {  	s3 =	simm.s32 @!p0 $0x1C02;
	s4 =	simm.s32 @!p0 $0x2;
	[smem:$0x7EA] =	sst s20  }
0x7c: {  	[spmem:s2], [sflag:s3] =	dma.local @!p0 [hbm:s5], $0x8000  }
0x7d: {  	_ =	swait.ge @!p0 [sflag:s4], $0x8000  }
0x7e: {  	[sflag:s4] =	ssyncset.done @!p0 $0x0  }
0x7f: {  	s5 =	sshrl.u32 @!p0 s16, $0x3;
	s7 =	rddreg [dreg:$0x6];
	[sflag:s4] =	ssyncadd.s32 @!p0 $0xFFFF8000  }
0x80: {  	[spmem:s5], [sflag:s3] =	dma.local @!p0 [hbm:s7], $0x8000  }
0x81: {  	_ =	swait.ge @!p0 [sflag:s4], $0x8000  }
0x82: {  	[sflag:s4] =	ssyncset.done @!p0 $0x0  }
0x83: {  	[sflag:s4] =	ssyncadd.s32 @!p0 $0xFFFF8000  }
0x84: {  	[bflag:$0x0] =	sbarrier.arrive $0xFFFF  }
0x85: {  	s21 =	sld [smem:$0x7AB]  }
0x86: {  	s6 =	sshll.u32 s6, $0x6  }
0x87: {  	s6 =	sor.u32 $0x1C01, s6  }
0x88: {  	[hbm:s1], [sflag:s6] =	dma.local [spmem:s21], $0x4000  }
0x89: {  	s22 =	sld [smem:$0x7AC];
	_ =	sdelay $0x1  }
0x8a: {  	s7 =	rddreg [dreg:$0x7]  }
0x8b: {  	[hbm:s7], [sflag:s6] =	dma.local [spmem:s22], $0x4000  }
0x8c: {  	s8 =	sld [smem:$0x7AD];
	_ =	sdelay $0x1  }
0x8d: {  	s7 =	rddreg [dreg:$0x8]  }
0x8e: {  	[hbm:s7], [sflag:s6] =	dma.local [spmem:s8], $0x4000  }
0x8f: {  	s8 =	sld [smem:$0x7AE];
	_ =	sdelay $0x1  }
0x90: {  	s7 =	rddreg [dreg:$0x9]  }
0x91: {  	[hbm:s7], [sflag:s6] =	dma.local [spmem:s8], $0x4000  }
0x92: {  	s8 =	sld [smem:$0x7AF];
	_ =	sdelay $0x1  }
0x93: {  	s7 =	rddreg [dreg:$0xa]  }
0x94: {  	[hbm:s7], [sflag:s6] =	dma.local [spmem:s8], $0x4000  }
0x95: {  	s8 =	sld [smem:$0x7B0];
	_ =	sdelay $0x1  }
0x96: {  	s7 =	rddreg [dreg:$0xb]  }
0x97: {  	[hbm:s7], [sflag:s6] =	dma.local [spmem:s8], $0x4000  }
0x98: {  	s8 =	sld [smem:$0x7B1];
	_ =	sdelay $0x1  }
0x99: {  	s7 =	rddreg [dreg:$0xc]  }
0x9a: {  	[hbm:s7], [sflag:s6] =	dma.local [spmem:s8], $0x4000  }
0x9b: {  	s8 =	sld [smem:$0x7B2];
	_ =	sdelay $0x1  }
0x9c: {  	s7 =	rddreg [dreg:$0xd]  }
0x9d: {  	[hbm:s7], [sflag:s6] =	dma.local [spmem:s8], $0x4000  }
0x9e: {  	s8 =	sld [smem:$0x7B3];
	_ =	sdelay $0x1  }
0x9f: {  	s7 =	rddreg [dreg:$0xe]  }
0xa0: {  	[hbm:s7], [sflag:s6] =	dma.local [spmem:s8], $0x4000  }
0xa1: {  	s8 =	sld [smem:$0x7B4];
	_ =	sdelay $0x1  }
0xa2: {  	s7 =	rddreg [dreg:$0xf]  }
0xa3: {  	[hbm:s7], [sflag:s6] =	dma.local [spmem:s8], $0x4000  }
0xa4: {  	s8 =	sld [smem:$0x7B5];
	_ =	sdelay $0x1  }
0xa5: {  	s7 =	rddreg [dreg:$0x10]  }
0xa6: {  	[hbm:s7], [sflag:s6] =	dma.local [spmem:s8], $0x4000  }
0xa7: {  	s8 =	sld [smem:$0x7B6];
	_ =	sdelay $0x1  }
0xa8: {  	s7 =	rddreg [dreg:$0x11]  }
0xa9: {  	[hbm:s7], [sflag:s6] =	dma.local [spmem:s8], $0x4000  }
0xaa: {  	s8 =	sld [smem:$0x7B7];
	_ =	sdelay $0x1  }
0xab: {  	s7 =	rddreg [dreg:$0x12]  }
0xac: {  	[hbm:s7], [sflag:s6] =	dma.local [spmem:s8], $0x4000  }
0xad: {  	s8 =	sld [smem:$0x7B8];
	_ =	sdelay $0x1  }
0xae: {  	s7 =	rddreg [dreg:$0x13]  }
0xaf: {  	[hbm:s7], [sflag:s6] =	dma.local [spmem:s8], $0x4000  }
0xb0: {  	s8 =	sld [smem:$0x7B9];
	_ =	sdelay $0x1  }
0xb1: {  	s7 =	rddreg [dreg:$0x14]  }
0xb2: {  	[hbm:s7], [sflag:s6] =	dma.local [spmem:s8], $0x4000  }
0xb3: {  	s8 =	sld [smem:$0x7BA];
	_ =	sdelay $0x1  }
0xb4: {  	s7 =	rddreg [dreg:$0x15]  }
0xb5: {  	[hbm:s7], [sflag:s6] =	dma.local [spmem:s8], $0x4000  }
0xb6: {  	s8 =	sld [smem:$0x7BB];
	_ =	sdelay $0x1  }
0xb7: {  	s7 =	rddreg [dreg:$0x16]  }
0xb8: {  	[hbm:s7], [sflag:s6] =	dma.local [spmem:s8], $0x4000  }
0xb9: {  	s8 =	sld [smem:$0x7BC];
	_ =	sdelay $0x1  }
0xba: {  	s7 =	rddreg [dreg:$0x17]  }
0xbb: {  	[hbm:s7], [sflag:s6] =	dma.local [spmem:s8], $0x4000  }
0xbc: {  	s8 =	sld [smem:$0x7BD];
	_ =	sdelay $0x1  }
0xbd: {  	s7 =	rddreg [dreg:$0x18]  }
0xbe: {  	[hbm:s7], [sflag:s6] =	dma.local [spmem:s8], $0x4000  }
0xbf: {  	s8 =	sld [smem:$0x7BE];
	_ =	sdelay $0x1  }
0xc0: {  	s7 =	rddreg [dreg:$0x19]  }
0xc1: {  	[hbm:s7], [sflag:s6] =	dma.local [spmem:s8], $0x4000  }
0xc2: {  	s8 =	sld [smem:$0x7BF];
	_ =	sdelay $0x1  }
0xc3: {  	s7 =	rddreg [dreg:$0x1a]  }
0xc4: {  	[hbm:s7], [sflag:s6] =	dma.local [spmem:s8], $0x4000  }
0xc5: {  	s8 =	sld [smem:$0x7C0];
	_ =	sdelay $0x1  }
0xc6: {  	s7 =	rddreg [dreg:$0x1b]  }
0xc7: {  	[hbm:s7], [sflag:s6] =	dma.local [spmem:s8], $0x4000  }
0xc8: {  	s8 =	sld [smem:$0x7C1];
	_ =	sdelay $0x1  }
0xc9: {  	s7 =	rddreg [dreg:$0x1c]  }
0xca: {  	[hbm:s7], [sflag:s6] =	dma.local [spmem:s8], $0x4000  }
0xcb: {  	s8 =	sld [smem:$0x7C2];
	_ =	sdelay $0x1  }
0xcc: {  	s7 =	rddreg [dreg:$0x1d]  }
0xcd: {  	[hbm:s7], [sflag:s6] =	dma.local [spmem:s8], $0x4000  }
0xce: {  	s8 =	sld [smem:$0x7C3];
	_ =	sdelay $0x1  }
0xcf: {  	s7 =	rddreg [dreg:$0x1e]  }
0xd0: {  	[hbm:s7], [sflag:s6] =	dma.local [spmem:s8], $0x4000  }
0xd1: {  	s8 =	sld [smem:$0x7C4];
	_ =	sdelay $0x1  }
0xd2: {  	s7 =	rddreg [dreg:$0x1f]  }
0xd3: {  	[hbm:s7], [sflag:s6] =	dma.local [spmem:s8], $0x4000  }
0xd4: {  	s7 =	sld [smem:$0x7C5]  }
0xd5: {  	s8 =	sld [smem:$0x7C6];
	_ =	sdelay $0x2  }
0xd6: {  	[hbm:s7], [sflag:s6] =	dma.local [spmem:s8], $0x4000  }
0xd7: {  	s7 =	sld [smem:$0x7C7]  }
0xd8: {  	s8 =	sld [smem:$0x7C8];
	_ =	sdelay $0x2  }
0xd9: {  	[hbm:s7], [sflag:s6] =	dma.local [spmem:s8], $0x4000  }
0xda: {  	s7 =	sld [smem:$0x7C9]  }
0xdb: {  	s8 =	sld [smem:$0x7CA];
	_ =	sdelay $0x2  }
0xdc: {  	[hbm:s7], [sflag:s6] =	dma.local [spmem:s8], $0x4000  }
0xdd: {  	s7 =	sld [smem:$0x7CB]  }
0xde: {  	s8 =	sld [smem:$0x7CC];
	_ =	sdelay $0x2  }
0xdf: {  	[hbm:s7], [sflag:s6] =	dma.local [spmem:s8], $0x4000  }
0xe0: {  	s7 =	sld [smem:$0x7CD]  }
0xe1: {  	s8 =	sld [smem:$0x7CE];
	_ =	sdelay $0x2  }
0xe2: {  	[hbm:s7], [sflag:s6] =	dma.local [spmem:s8], $0x4000  }
0xe3: {  	s7 =	sld [smem:$0x7CF]  }
0xe4: {  	s8 =	sld [smem:$0x7D0];
	_ =	sdelay $0x2  }
0xe5: {  	[hbm:s7], [sflag:s6] =	dma.local [spmem:s8], $0x4000  }
0xe6: {  	s7 =	sld [smem:$0x7D1]  }
0xe7: {  	s8 =	sld [smem:$0x7D2];
	_ =	sdelay $0x2  }
0xe8: {  	[hbm:s7], [sflag:s6] =	dma.local [spmem:s8], $0x4000  }
0xe9: {  	s7 =	sld [smem:$0x7D3]  }
0xea: {  	s8 =	sld [smem:$0x7D4];
	_ =	sdelay $0x2  }
0xeb: {  	[hbm:s7], [sflag:s6] =	dma.local [spmem:s8], $0x4000  }
0xec: {  	s7 =	sld [smem:$0x7D5]  }
0xed: {  	s8 =	sld [smem:$0x7D6];
	_ =	sdelay $0x2  }
0xee: {  	[hbm:s7], [sflag:s6] =	dma.local [spmem:s8], $0x4000  }
0xef: {  	s7 =	sld [smem:$0x7D7]  }
0xf0: {  	s8 =	sld [smem:$0x7D8];
	_ =	sdelay $0x2  }
0xf1: {  	[hbm:s7], [sflag:s6] =	dma.local [spmem:s8], $0x4000  }
0xf2: {  	s7 =	sld [smem:$0x7D9]  }
0xf3: {  	s8 =	sld [smem:$0x7DA];
	_ =	sdelay $0x2  }
0xf4: {  	[hbm:s7], [sflag:s6] =	dma.local [spmem:s8], $0x4000  }
0xf5: {  	s7 =	sld [smem:$0x7DB]  }
0xf6: {  	s8 =	sld [smem:$0x7DC];
	_ =	sdelay $0x2  }
0xf7: {  	[hbm:s7], [sflag:s6] =	dma.local [spmem:s8], $0x4000  }
0xf8: {  	s7 =	sld [smem:$0x7DD]  }
0xf9: {  	s8 =	sld [smem:$0x7DE];
	_ =	sdelay $0x2  }
0xfa: {  	[hbm:s7], [sflag:s6] =	dma.local [spmem:s8], $0x4000  }
0xfb: {  	s7 =	sld [smem:$0x7DF]  }
0xfc: {  	s8 =	sld [smem:$0x7E0];
	_ =	sdelay $0x2  }
0xfd: {  	[hbm:s7], [sflag:s6] =	dma.local [spmem:s8], $0x4000  }
0xfe: {  	s7 =	sld [smem:$0x7E1]  }
0xff: {  	s8 =	sld [smem:$0x7E2];
	_ =	sdelay $0x2  }
0x100: {  	[hbm:s7], [sflag:s6] =	dma.local [spmem:s8], $0x4000  }
0x101: {  	s7 =	sld [smem:$0x7E3]  }
0x102: {  	s8 =	sld [smem:$0x7E4];
	_ =	sdelay $0x2  }
0x103: {  	[hbm:s7], [sflag:s6] =	dma.local [spmem:s8], $0x4000  }
0x104: {  	s7 =	sld [smem:$0x7E5]  }
0x105: {  	s8 =	sld [smem:$0x7E6];
	_ =	sdelay $0x2  }
0x106: {  	[hbm:s7], [sflag:s6] =	dma.local [spmem:s8], $0x4000  }
0x107: {  	s7 =	sld [smem:$0x7E7]  }
0x108: {  	s8 =	sld [smem:$0x7E8];
	_ =	sdelay $0x2  }
0x109: {  	[hbm:s7], [sflag:s6] =	dma.local [spmem:s8], $0x4000  }
0x10a: {  	s7 =	sld [smem:$0x7E9]  }
0x10b: {  	s8 =	sld [smem:$0x7EA];
	_ =	sdelay $0x2  }
0x10c: {  	[hbm:s7], [sflag:s6] =	dma.local [spmem:s8], $0x4000  }
0x10d: {  	s8 =	sld [smem:$0x7EB]  }
0x10e: {  	s23 =	sadd.s32 $0x1F480, s26  }
0x10f: {  	s7 =	sshrl.u32 s23, $0x3  }
0x110: {  	[hbm:s8], [sflag:s6] =	dma.local [spmem:s7], $0x4000  }
0x111: {  	s24 =	sxor.u32 $0x1F400, s25;
	s29 =	sld [smem:$0x7EC]  }
0x112: {  	s8 =	sadd.s32 s24, s16  }
0x113: {  	s8 =	sshrl.u32 s8, $0x3  }
0x114: {  	[hbm:s29], [sflag:s6] =	dma.local [spmem:s8], $0x4000  }
0x115: {  	s30 =	sld [smem:$0x7ED]  }
0x116: {  	s31 =	sadd.s32 $0x1F400, s26  }
0x117: {  	s9 =	sshrl.u32 s31, $0x3  }
0x118: {  	[hbm:s30], [sflag:s6] =	dma.local [spmem:s9], $0x4000  }
0x119: {  	s11 =	sxor.u32 $0x1F380, s25;
	s12 =	sld [smem:$0x7EE]  }
0x11a: {  	s10 =	sadd.s32 s11, s16  }
0x11b: {  	s10 =	sshrl.u32 s10, $0x3  }
0x11c: {  	[hbm:s12], [sflag:s6] =	dma.local [spmem:s10], $0x4000  }
0x11d: {  	s13 =	sld [smem:$0x7EF]  }
0x11e: {  	s14 =	sadd.s32 $0x1F380, s26  }
0x11f: {  	s11 =	sshrl.u32 s14, $0x3  }
0x120: {  	[hbm:s13], [sflag:s6] =	dma.local [spmem:s11], $0x4000  }
0x121: {  	s15 =	sxor.u32 $0x1F300, s25;
	s17 =	sld [smem:$0x7F0]  }
0x122: {  	s12 =	sadd.s32 s15, s16  }
0x123: {  	s12 =	sshrl.u32 s12, $0x3  }
0x124: {  	[hbm:s17], [sflag:s6] =	dma.local [spmem:s12], $0x4000  }
0x125: {  	s18 =	sld [smem:$0x7F1]  }
0x126: {  	s19 =	sadd.s32 $0x1F300, s26  }
0x127: {  	s13 =	sshrl.u32 s19, $0x3  }
0x128: {  	[hbm:s18], [sflag:s6] =	dma.local [spmem:s13], $0x4000  }
0x129: {  	s20 =	sxor.u32 $0x1F280, s25;
	s21 =	sld [smem:$0x7F2]  }
0x12a: {  	s14 =	sadd.s32 s20, s16  }
0x12b: {  	s14 =	sshrl.u32 s14, $0x3  }
0x12c: {  	[hbm:s21], [sflag:s6] =	dma.local [spmem:s14], $0x4000  }
0x12d: {  	s22 =	sld [smem:$0x7F3]  }
0x12e: {  	s23 =	sadd.s32 $0x1F280, s26  }
0x12f: {  	s15 =	sshrl.u32 s23, $0x3  }
0x130: {  	[hbm:s22], [sflag:s6] =	dma.local [spmem:s15], $0x4000  }
0x131: {  	s24 =	sxor.u32 $0x1F200, s25;
	s29 =	sld [smem:$0x7F4]  }
0x132: {  	s17 =	sadd.s32 s24, s16  }
0x133: {  	s17 =	sshrl.u32 s17, $0x3  }
0x134: {  	[hbm:s29], [sflag:s6] =	dma.local [spmem:s17], $0x4000  }
0x135: {  	s30 =	sld [smem:$0x7F5]  }
0x136: {  	s31 =	sadd.s32 $0x1F200, s26  }
0x137: {  	s18 =	sshrl.u32 s31, $0x3  }
0x138: {  	[hbm:s30], [sflag:s6] =	dma.local [spmem:s18], $0x4000  }
0x139: {  	s20 =	sxor.u32 $0x1F180, s25;
	s21 =	sld [smem:$0x7F6]  }
0x13a: {  	s19 =	sadd.s32 s20, s16  }
0x13b: {  	s19 =	sshrl.u32 s19, $0x3  }
0x13c: {  	[hbm:s21], [sflag:s6] =	dma.local [spmem:s19], $0x4000  }
0x13d: {  	s22 =	sld [smem:$0x7F7]  }
0x13e: {  	s23 =	sadd.s32 $0x1F180, s26  }
0x13f: {  	s20 =	sshrl.u32 s23, $0x3  }
0x140: {  	[hbm:s22], [sflag:s6] =	dma.local [spmem:s20], $0x4000  }
0x141: {  	s24 =	sxor.u32 $0x1F100, s25;
	s22 =	sld [smem:$0x7F8]  }
0x142: {  	s21 =	sadd.s32 s24, s16  }
0x143: {  	s21 =	sshrl.u32 s21, $0x3  }
0x144: {  	[hbm:s22], [sflag:s6] =	dma.local [spmem:s21], $0x4000  }
0x145: {  	s23 =	sld [smem:$0x7F9]  }
0x146: {  	s29 =	sadd.s32 $0x1F100, s26  }
0x147: {  	s22 =	sshrl.u32 s29, $0x3  }
0x148: {  	[hbm:s23], [sflag:s6] =	dma.local [spmem:s22], $0x4000  }
0x149: {  	s30 =	sxor.u32 $0x1F080, s25;
	s24 =	sld [smem:$0x7FA]  }
0x14a: {  	s23 =	sadd.s32 s30, s16  }
0x14b: {  	s23 =	sshrl.u32 s23, $0x3  }
0x14c: {  	[hbm:s24], [sflag:s6] =	dma.local [spmem:s23], $0x4000  }
0x14d: {  	s29 =	sld [smem:$0x7FB]  }
0x14e: {  	s31 =	sadd.s32 $0x1F080, s26  }
0x14f: {  	s24 =	sshrl.u32 s31, $0x3  }
0x150: {  	[hbm:s29], [sflag:s6] =	dma.local [spmem:s24], $0x4000  }
0x151: {  	s25 =	sxor.u32 $0x1F000, s25;
	s29 =	sld [smem:$0x7FC]  }
0x152: {  	s16 =	sadd.s32 s25, s16  }
0x153: {  	s25 =	sshrl.u32 s16, $0x3  }
0x154: {  	[hbm:s29], [sflag:s6] =	dma.local [spmem:s25], $0x4000  }
0x155: {  	s30 =	sld [smem:$0x7FD]  }
0x156: {  	s26 =	sadd.s32 $0x1F000, s26  }
0x157: {  	s26 =	sshrl.u32 s26, $0x3;
	s16 =	simm.s32 $0x1  }
0x158: {  	[hbm:s30], [sflag:s6] =	dma.local [spmem:s26], $0x4000  }
0x159: {  	_ =	swait.ge [sflag:s16], $0x4000  }
0x15a: {  	[sflag:s16] =	ssyncset.done $0x0  }
0x15b: {  	[sflag:s16] =	ssyncadd.s32 $0xFFFFC000  }
0x15c: {  	_ =	swait.ge [sflag:s16], $0x4000  }
0x15d: {  	[sflag:s16] =	ssyncset.done $0x0  }
0x15e: {  	[sflag:s16] =	ssyncadd.s32 $0xFFFFC000  }
0x15f: {  	_ =	swait.ge [sflag:s16], $0x4000  }
0x160: {  	[sflag:s16] =	ssyncset.done $0x0  }
0x161: {  	[sflag:s16] =	ssyncadd.s32 $0xFFFFC000  }
0x162: {  	_ =	swait.ge [sflag:s16], $0x4000  }
0x163: {  	[sflag:s16] =	ssyncset.done $0x0  }
0x164: {  	[sflag:s16] =	ssyncadd.s32 $0xFFFFC000  }
0x165: {  	_ =	swait.ge [sflag:s16], $0x4000  }
0x166: {  	[sflag:s16] =	ssyncset.done $0x0  }
0x167: {  	[sflag:s16] =	ssyncadd.s32 $0xFFFFC000  }
0x168: {  	_ =	swait.ge [sflag:s16], $0x4000  }
0x169: {  	[sflag:s16] =	ssyncset.done $0x0  }
0x16a: {  	[sflag:s16] =	ssyncadd.s32 $0xFFFFC000  }
0x16b: {  	_ =	swait.ge [sflag:s16], $0x4000  }
0x16c: {  	[sflag:s16] =	ssyncset.done $0x0  }
0x16d: {  	[sflag:s16] =	ssyncadd.s32 $0xFFFFC000  }
0x16e: {  	_ =	swait.ge [sflag:s16], $0x4000  }
0x16f: {  	[sflag:s16] =	ssyncset.done $0x0  }
0x170: {  	[sflag:s16] =	ssyncadd.s32 $0xFFFFC000  }
0x171: {  	_ =	swait.ge [sflag:s16], $0x4000  }
0x172: {  	[sflag:s16] =	ssyncset.done $0x0  }
0x173: {  	[sflag:s16] =	ssyncadd.s32 $0xFFFFC000  }
0x174: {  	_ =	swait.ge [sflag:s16], $0x4000  }
0x175: {  	[sflag:s16] =	ssyncset.done $0x0  }
0x176: {  	[sflag:s16] =	ssyncadd.s32 $0xFFFFC000  }
0x177: {  	_ =	swait.ge [sflag:s16], $0x4000  }
0x178: {  	[sflag:s16] =	ssyncset.done $0x0  }
0x179: {  	[sflag:s16] =	ssyncadd.s32 $0xFFFFC000  }
0x17a: {  	_ =	swait.ge [sflag:s16], $0x4000  }
0x17b: {  	[sflag:s16] =	ssyncset.done $0x0  }
0x17c: {  	[sflag:s16] =	ssyncadd.s32 $0xFFFFC000  }
0x17d: {  	_ =	swait.ge [sflag:s16], $0x4000  }
0x17e: {  	[sflag:s16] =	ssyncset.done $0x0  }
0x17f: {  	[sflag:s16] =	ssyncadd.s32 $0xFFFFC000  }
0x180: {  	_ =	swait.ge [sflag:s16], $0x4000  }
0x181: {  	[sflag:s16] =	ssyncset.done $0x0  }
0x182: {  	[sflag:s16] =	ssyncadd.s32 $0xFFFFC000  }
0x183: {  	_ =	swait.ge [sflag:s16], $0x4000  }
0x184: {  	[sflag:s16] =	ssyncset.done $0x0  }
0x185: {  	[sflag:s16] =	ssyncadd.s32 $0xFFFFC000  }
0x186: {  	_ =	swait.ge [sflag:s16], $0x4000  }
0x187: {  	[sflag:s16] =	ssyncset.done $0x0  }
0x188: {  	[sflag:s16] =	ssyncadd.s32 $0xFFFFC000  }
0x189: {  	_ =	swait.ge [sflag:s16], $0x4000  }
0x18a: {  	[sflag:s16] =	ssyncset.done $0x0  }
0x18b: {  	[sflag:s16] =	ssyncadd.s32 $0xFFFFC000  }
0x18c: {  	_ =	swait.ge [sflag:s16], $0x4000  }
0x18d: {  	[sflag:s16] =	ssyncset.done $0x0  }
0x18e: {  	[sflag:s16] =	ssyncadd.s32 $0xFFFFC000  }
0x18f: {  	_ =	swait.ge [sflag:s16], $0x4000  }
0x190: {  	[sflag:s16] =	ssyncset.done $0x0  }
0x191: {  	[sflag:s16] =	ssyncadd.s32 $0xFFFFC000  }
0x192: {  	_ =	swait.ge [sflag:s16], $0x4000  }
0x193: {  	[sflag:s16] =	ssyncset.done $0x0  }
0x194: {  	[sflag:s16] =	ssyncadd.s32 $0xFFFFC000  }
0x195: {  	_ =	swait.ge [sflag:s16], $0x4000  }
0x196: {  	[sflag:s16] =	ssyncset.done $0x0  }
0x197: {  	[sflag:s16] =	ssyncadd.s32 $0xFFFFC000  }
0x198: {  	_ =	swait.ge [sflag:s16], $0x4000  }
0x199: {  	[sflag:s16] =	ssyncset.done $0x0  }
0x19a: {  	[sflag:s16] =	ssyncadd.s32 $0xFFFFC000  }
0x19b: {  	_ =	swait.ge [sflag:s16], $0x4000  }
0x19c: {  	[sflag:s16] =	ssyncset.done $0x0  }
0x19d: {  	[sflag:s16] =	ssyncadd.s32 $0xFFFFC000  }
0x19e: {  	_ =	swait.ge [sflag:s16], $0x4000  }
0x19f: {  	[sflag:s16] =	ssyncset.done $0x0  }
0x1a0: {  	[sflag:s16] =	ssyncadd.s32 $0xFFFFC000  }
0x1a1: {  	_ =	swait.ge [sflag:s16], $0x4000  }
0x1a2: {  	[sflag:s16] =	ssyncset.done $0x0  }
0x1a3: {  	[sflag:s16] =	ssyncadd.s32 $0xFFFFC000  }
0x1a4: {  	_ =	swait.ge [sflag:s16], $0x4000  }
0x1a5: {  	[sflag:s16] =	ssyncset.done $0x0  }
0x1a6: {  	[sflag:s16] =	ssyncadd.s32 $0xFFFFC000  }
0x1a7: {  	_ =	swait.ge [sflag:s16], $0x4000  }
0x1a8: {  	[sflag:s16] =	ssyncset.done $0x0  }
0x1a9: {  	[sflag:s16] =	ssyncadd.s32 $0xFFFFC000  }
0x1aa: {  	_ =	swait.ge [sflag:s16], $0x4000  }
0x1ab: {  	[sflag:s16] =	ssyncset.done $0x0  }
0x1ac: {  	[sflag:s16] =	ssyncadd.s32 $0xFFFFC000  }
0x1ad: {  	_ =	swait.ge [sflag:s16], $0x4000  }
0x1ae: {  	[sflag:s16] =	ssyncset.done $0x0  }
0x1af: {  	[sflag:s16] =	ssyncadd.s32 $0xFFFFC000  }
0x1b0: {  	_ =	swait.ge [sflag:s16], $0x4000  }
0x1b1: {  	[sflag:s16] =	ssyncset.done $0x0  }
0x1b2: {  	[sflag:s16] =	ssyncadd.s32 $0xFFFFC000  }
0x1b3: {  	_ =	swait.ge [sflag:s16], $0x4000  }
0x1b4: {  	[sflag:s16] =	ssyncset.done $0x0  }
0x1b5: {  	[sflag:s16] =	ssyncadd.s32 $0xFFFFC000  }
0x1b6: {  	_ =	swait.ge [sflag:s16], $0x4000  }
0x1b7: {  	[sflag:s16] =	ssyncset.done $0x0  }
0x1b8: {  	[sflag:s16] =	ssyncadd.s32 $0xFFFFC000  }
0x1b9: {  	_ =	swait.ge [sflag:s16], $0x4000  }
0x1ba: {  	[sflag:s16] =	ssyncset.done $0x0  }
0x1bb: {  	[sflag:s16] =	ssyncadd.s32 $0xFFFFC000  }
0x1bc: {  	_ =	swait.ge [sflag:s16], $0x4000  }
0x1bd: {  	[sflag:s16] =	ssyncset.done $0x0  }
0x1be: {  	[sflag:s16] =	ssyncadd.s32 $0xFFFFC000  }
0x1bf: {  	_ =	swait.ge [sflag:s16], $0x4000  }
0x1c0: {  	[sflag:s16] =	ssyncset.done $0x0  }
0x1c1: {  	[sflag:s16] =	ssyncadd.s32 $0xFFFFC000  }
0x1c2: {  	_ =	swait.ge [sflag:s16], $0x4000  }
0x1c3: {  	[sflag:s16] =	ssyncset.done $0x0  }
0x1c4: {  	[sflag:s16] =	ssyncadd.s32 $0xFFFFC000  }
0x1c5: {  	_ =	swait.ge [sflag:s16], $0x4000  }
0x1c6: {  	[sflag:s16] =	ssyncset.done $0x0  }
0x1c7: {  	[sflag:s16] =	ssyncadd.s32 $0xFFFFC000  }
0x1c8: {  	_ =	swait.ge [sflag:s16], $0x4000  }
0x1c9: {  	[sflag:s16] =	ssyncset.done $0x0  }
0x1ca: {  	[sflag:s16] =	ssyncadd.s32 $0xFFFFC000  }
0x1cb: {  	_ =	swait.ge [sflag:s16], $0x4000  }
0x1cc: {  	[sflag:s16] =	ssyncset.done $0x0  }
0x1cd: {  	[sflag:s16] =	ssyncadd.s32 $0xFFFFC000  }
0x1ce: {  	_ =	swait.ge [sflag:s16], $0x4000  }
0x1cf: {  	[sflag:s16] =	ssyncset.done $0x0  }
0x1d0: {  	[sflag:s16] =	ssyncadd.s32 $0xFFFFC000  }
0x1d1: {  	_ =	swait.ge [sflag:s16], $0x4000  }
0x1d2: {  	[sflag:s16] =	ssyncset.done $0x0  }
0x1d3: {  	[sflag:s16] =	ssyncadd.s32 $0xFFFFC000  }
0x1d4: {  	_ =	swait.ge [sflag:s16], $0x4000  }
0x1d5: {  	[sflag:s16] =	ssyncset.done $0x0  }
0x1d6: {  	[sflag:s16] =	ssyncadd.s32 $0xFFFFC000  }
0x1d7: {  	_ =	swait.ge [sflag:s16], $0x4000  }
0x1d8: {  	[sflag:s16] =	ssyncset.done $0x0  }
0x1d9: {  	[sflag:s16] =	ssyncadd.s32 $0xFFFFC000  }
0x1da: {  	_ =	swait.ge [sflag:s16], $0x4000  }
0x1db: {  	[sflag:s16] =	ssyncset.done $0x0  }
0x1dc: {  	[sflag:s16] =	ssyncadd.s32 $0xFFFFC000  }
0x1dd: {  	_ =	swait.ge [sflag:s16], $0x4000  }
0x1de: {  	[sflag:s16] =	ssyncset.done $0x0  }
0x1df: {  	[sflag:s16] =	ssyncadd.s32 $0xFFFFC000  }
0x1e0: {  	_ =	swait.ge [sflag:s16], $0x4000  }
0x1e1: {  	s28 =	ssub.s32 $0x2, s28;
	[sflag:s16] =	ssyncset.done $0x0  }
0x1e2: {  	s31 =	sshrl.u32 s28, $0x1;
	[sflag:s16] =	ssyncadd.s32 $0xFFFFC000  }
0x1e3: {  	s28 =	ssub.s32 s28, s31;
	_ =	swait.ge [sflag:s16], $0x4000  }
0x1e4: {  	s28 =	smax.u32 s28, $0x1;
	[sflag:s16] =	ssyncset.done $0x0  }
0x1e5: {  	s28 =	sadd.s32 $0xFFFFFFFF, s28;
	[sflag:s16] =	ssyncadd.s32 $0xFFFFC000  }
0x1e6: {  	p1 =	sne.s32 s28, $0x0;
	_ =	swait.ge [sflag:s16], $0x4000  }
.Ltmp0:
0x1e7: {  	[sflag:s16] =	ssyncset.done $0x0;
	(pc) =	sbr.rel @!p1 .LBB2_2-.Ltmp0, $4  }
0x1e8: {  	[sflag:s16] =	ssyncadd.s32 $0xFFFFC000  }
0x1e9: {  	_ =	swait.ge [sflag:s16], $0x4000  }
0x1ea: {  	[sflag:s16] =	ssyncset.done $0x0  }
0x1eb: {  	[sflag:s16] =	ssyncadd.s32 $0xFFFFC000  }
.LBB2_1:
0x1ec: {  	_ =	swait.ge [sflag:s16], $0x4000  }
0x1ed: {  	[sflag:s16] =	ssyncset.done $0x0  }
0x1ee: {  	[sflag:s16] =	ssyncadd.s32 $0xFFFFC000  }
0x1ef: {  	_ =	swait.ge [sflag:s16], $0x4000  }
0x1f0: {  	[sflag:s16] =	ssyncset.done $0x0  }
0x1f1: {  	[sflag:s16] =	ssyncadd.s32 $0xFFFFC000  }
0x1f2: {  	_ =	swait.ge [sflag:s16], $0x4000  }
0x1f3: {  	[sflag:s16] =	ssyncset.done $0x0  }
0x1f4: {  	[sflag:s16] =	ssyncadd.s32 $0xFFFFC000  }
0x1f5: {  	_ =	swait.ge [sflag:s16], $0x4000  }
0x1f6: {  	[sflag:s16] =	ssyncset.done $0x0  }
0x1f7: {  	[sflag:s16] =	ssyncadd.s32 $0xFFFFC000  }
0x1f8: {  	_ =	swait.ge [sflag:s16], $0x4000  }
0x1f9: {  	[sflag:s16] =	ssyncset.done $0x0  }
0x1fa: {  	[sflag:s16] =	ssyncadd.s32 $0xFFFFC000  }
0x1fb: {  	_ =	swait.ge [sflag:s16], $0x4000  }
0x1fc: {  	[sflag:s16] =	ssyncset.done $0x0  }
0x1fd: {  	[sflag:s16] =	ssyncadd.s32 $0xFFFFC000  }
0x1fe: {  	_ =	swait.ge [sflag:s16], $0x4000  }
0x1ff: {  	[sflag:s16] =	ssyncset.done $0x0  }
0x200: {  	[sflag:s16] =	ssyncadd.s32 $0xFFFFC000  }
0x201: {  	_ =	swait.ge [sflag:s16], $0x4000  }
0x202: {  	[sflag:s16] =	ssyncset.done $0x0  }
0x203: {  	[sflag:s16] =	ssyncadd.s32 $0xFFFFC000  }
0x204: {  	_ =	swait.ge [sflag:s16], $0x4000  }
0x205: {  	[sflag:s16] =	ssyncset.done $0x0  }
0x206: {  	[sflag:s16] =	ssyncadd.s32 $0xFFFFC000  }
0x207: {  	_ =	swait.ge [sflag:s16], $0x4000  }
0x208: {  	[sflag:s16] =	ssyncset.done $0x0  }
0x209: {  	[sflag:s16] =	ssyncadd.s32 $0xFFFFC000  }
0x20a: {  	_ =	swait.ge [sflag:s16], $0x4000  }
0x20b: {  	[sflag:s16] =	ssyncset.done $0x0  }
0x20c: {  	[sflag:s16] =	ssyncadd.s32 $0xFFFFC000  }
0x20d: {  	_ =	swait.ge [sflag:s16], $0x4000  }
0x20e: {  	[sflag:s16] =	ssyncset.done $0x0  }
0x20f: {  	[sflag:s16] =	ssyncadd.s32 $0xFFFFC000  }
0x210: {  	_ =	swait.ge [sflag:s16], $0x4000  }
0x211: {  	[sflag:s16] =	ssyncset.done $0x0  }
0x212: {  	[sflag:s16] =	ssyncadd.s32 $0xFFFFC000  }
0x213: {  	_ =	swait.ge [sflag:s16], $0x4000  }
0x214: {  	[sflag:s16] =	ssyncset.done $0x0  }
0x215: {  	[sflag:s16] =	ssyncadd.s32 $0xFFFFC000  }
0x216: {  	_ =	swait.ge [sflag:s16], $0x4000  }
0x217: {  	[sflag:s16] =	ssyncset.done $0x0  }
0x218: {  	s29 =	rddreg [dreg:$0x5];
	[sflag:s16] =	ssyncadd.s32 $0xFFFFC000  }
0x219: {  	[spmem:s2], [sflag:s3] =	dma.local @!p0 [hbm:s29], $0x8000  }
0x21a: {  	_ =	swait.ge @!p0 [sflag:s4], $0x8000  }
0x21b: {  	[sflag:s4] =	ssyncset.done @!p0 $0x0  }
0x21c: {  	s29 =	rddreg [dreg:$0x6];
	[sflag:s4] =	ssyncadd.s32 @!p0 $0xFFFF8000  }
0x21d: {  	[spmem:s5], [sflag:s3] =	dma.local @!p0 [hbm:s29], $0x8000  }
0x21e: {  	_ =	swait.ge @!p0 [sflag:s4], $0x8000  }
0x21f: {  	[sflag:s4] =	ssyncset.done @!p0 $0x0  }
0x220: {  	[sflag:s4] =	ssyncadd.s32 @!p0 $0xFFFF8000  }
0x221: {  	[bflag:$0x0] =	sbarrier.arrive $0xFFFF  }
0x222: {  	s31 =	sld [smem:$0x7AB];
	_ =	sdelay $0x2  }
0x223: {  	[hbm:s1], [sflag:s6] =	dma.local [spmem:s31], $0x4000  }
0x224: {  	s30 =	sld [smem:$0x7AC];
	_ =	sdelay $0x1  }
0x225: {  	s29 =	rddreg [dreg:$0x7]  }
0x226: {  	[hbm:s29], [sflag:s6] =	dma.local [spmem:s30], $0x4000  }
0x227: {  	s30 =	sld [smem:$0x7AD];
	_ =	sdelay $0x1  }
0x228: {  	s29 =	rddreg [dreg:$0x8]  }
0x229: {  	[hbm:s29], [sflag:s6] =	dma.local [spmem:s30], $0x4000  }
0x22a: {  	s30 =	sld [smem:$0x7AE];
	_ =	sdelay $0x1  }
0x22b: {  	s29 =	rddreg [dreg:$0x9]  }
0x22c: {  	[hbm:s29], [sflag:s6] =	dma.local [spmem:s30], $0x4000  }
0x22d: {  	s30 =	sld [smem:$0x7AF];
	_ =	sdelay $0x1  }
0x22e: {  	s29 =	rddreg [dreg:$0xa]  }
0x22f: {  	[hbm:s29], [sflag:s6] =	dma.local [spmem:s30], $0x4000  }
0x230: {  	s30 =	sld [smem:$0x7B0];
	_ =	sdelay $0x1  }
0x231: {  	s29 =	rddreg [dreg:$0xb]  }
0x232: {  	[hbm:s29], [sflag:s6] =	dma.local [spmem:s30], $0x4000  }
0x233: {  	s30 =	sld [smem:$0x7B1];
	_ =	sdelay $0x1  }
0x234: {  	s29 =	rddreg [dreg:$0xc]  }
0x235: {  	[hbm:s29], [sflag:s6] =	dma.local [spmem:s30], $0x4000  }
0x236: {  	s30 =	sld [smem:$0x7B2];
	_ =	sdelay $0x1  }
0x237: {  	s29 =	rddreg [dreg:$0xd]  }
0x238: {  	[hbm:s29], [sflag:s6] =	dma.local [spmem:s30], $0x4000  }
0x239: {  	s30 =	sld [smem:$0x7B3];
	_ =	sdelay $0x1  }
0x23a: {  	s29 =	rddreg [dreg:$0xe]  }
0x23b: {  	[hbm:s29], [sflag:s6] =	dma.local [spmem:s30], $0x4000  }
0x23c: {  	s30 =	sld [smem:$0x7B4];
	_ =	sdelay $0x1  }
0x23d: {  	s29 =	rddreg [dreg:$0xf]  }
0x23e: {  	[hbm:s29], [sflag:s6] =	dma.local [spmem:s30], $0x4000  }
0x23f: {  	s30 =	sld [smem:$0x7B5];
	_ =	sdelay $0x1  }
0x240: {  	s29 =	rddreg [dreg:$0x10]  }
0x241: {  	[hbm:s29], [sflag:s6] =	dma.local [spmem:s30], $0x4000  }
0x242: {  	s30 =	sld [smem:$0x7B6];
	_ =	sdelay $0x1  }
0x243: {  	s29 =	rddreg [dreg:$0x11]  }
0x244: {  	[hbm:s29], [sflag:s6] =	dma.local [spmem:s30], $0x4000  }
0x245: {  	s30 =	sld [smem:$0x7B7];
	_ =	sdelay $0x1  }
0x246: {  	s29 =	rddreg [dreg:$0x12]  }
0x247: {  	[hbm:s29], [sflag:s6] =	dma.local [spmem:s30], $0x4000  }
0x248: {  	s30 =	sld [smem:$0x7B8];
	_ =	sdelay $0x1  }
0x249: {  	s29 =	rddreg [dreg:$0x13]  }
0x24a: {  	[hbm:s29], [sflag:s6] =	dma.local [spmem:s30], $0x4000  }
0x24b: {  	s30 =	sld [smem:$0x7B9];
	_ =	sdelay $0x1  }
0x24c: {  	s29 =	rddreg [dreg:$0x14]  }
0x24d: {  	[hbm:s29], [sflag:s6] =	dma.local [spmem:s30], $0x4000  }
0x24e: {  	s30 =	sld [smem:$0x7BA];
	_ =	sdelay $0x1  }
0x24f: {  	s29 =	rddreg [dreg:$0x15]  }
0x250: {  	[hbm:s29], [sflag:s6] =	dma.local [spmem:s30], $0x4000  }
0x251: {  	s30 =	sld [smem:$0x7BB];
	_ =	sdelay $0x1  }
0x252: {  	s29 =	rddreg [dreg:$0x16]  }
0x253: {  	[hbm:s29], [sflag:s6] =	dma.local [spmem:s30], $0x4000  }
0x254: {  	s30 =	sld [smem:$0x7BC];
	_ =	sdelay $0x1  }
0x255: {  	s29 =	rddreg [dreg:$0x17]  }
0x256: {  	[hbm:s29], [sflag:s6] =	dma.local [spmem:s30], $0x4000  }
0x257: {  	s30 =	sld [smem:$0x7BD];
	_ =	sdelay $0x1  }
0x258: {  	s29 =	rddreg [dreg:$0x18]  }
0x259: {  	[hbm:s29], [sflag:s6] =	dma.local [spmem:s30], $0x4000  }
0x25a: {  	s30 =	sld [smem:$0x7BE];
	_ =	sdelay $0x1  }
0x25b: {  	s29 =	rddreg [dreg:$0x19]  }
0x25c: {  	[hbm:s29], [sflag:s6] =	dma.local [spmem:s30], $0x4000  }
0x25d: {  	s30 =	sld [smem:$0x7BF];
	_ =	sdelay $0x1  }
0x25e: {  	s29 =	rddreg [dreg:$0x1a]  }
0x25f: {  	[hbm:s29], [sflag:s6] =	dma.local [spmem:s30], $0x4000  }
0x260: {  	s30 =	sld [smem:$0x7C0];
	_ =	sdelay $0x1  }
0x261: {  	s29 =	rddreg [dreg:$0x1b]  }
0x262: {  	[hbm:s29], [sflag:s6] =	dma.local [spmem:s30], $0x4000  }
0x263: {  	s30 =	sld [smem:$0x7C1];
	_ =	sdelay $0x1  }
0x264: {  	s29 =	rddreg [dreg:$0x1c]  }
0x265: {  	[hbm:s29], [sflag:s6] =	dma.local [spmem:s30], $0x4000  }
0x266: {  	s30 =	sld [smem:$0x7C2];
	_ =	sdelay $0x1  }
0x267: {  	s29 =	rddreg [dreg:$0x1d]  }
0x268: {  	[hbm:s29], [sflag:s6] =	dma.local [spmem:s30], $0x4000  }
0x269: {  	s30 =	sld [smem:$0x7C3];
	_ =	sdelay $0x1  }
0x26a: {  	s29 =	rddreg [dreg:$0x1e]  }
0x26b: {  	[hbm:s29], [sflag:s6] =	dma.local [spmem:s30], $0x4000  }
0x26c: {  	s30 =	sld [smem:$0x7C4];
	_ =	sdelay $0x1  }
0x26d: {  	s29 =	rddreg [dreg:$0x1f]  }
0x26e: {  	[hbm:s29], [sflag:s6] =	dma.local [spmem:s30], $0x4000  }
0x26f: {  	s29 =	sld [smem:$0x7C5]  }
0x270: {  	s30 =	sld [smem:$0x7C6];
	_ =	sdelay $0x2  }
0x271: {  	[hbm:s29], [sflag:s6] =	dma.local [spmem:s30], $0x4000  }
0x272: {  	s29 =	sld [smem:$0x7C7]  }
0x273: {  	s30 =	sld [smem:$0x7C8];
	_ =	sdelay $0x2  }
0x274: {  	[hbm:s29], [sflag:s6] =	dma.local [spmem:s30], $0x4000  }
0x275: {  	s29 =	sld [smem:$0x7C9]  }
0x276: {  	s30 =	sld [smem:$0x7CA];
	_ =	sdelay $0x2  }
0x277: {  	[hbm:s29], [sflag:s6] =	dma.local [spmem:s30], $0x4000  }
0x278: {  	s29 =	sld [smem:$0x7CB]  }
0x279: {  	s30 =	sld [smem:$0x7CC];
	_ =	sdelay $0x2  }
0x27a: {  	[hbm:s29], [sflag:s6] =	dma.local [spmem:s30], $0x4000  }
0x27b: {  	s29 =	sld [smem:$0x7CD]  }
0x27c: {  	s30 =	sld [smem:$0x7CE];
	_ =	sdelay $0x2  }
0x27d: {  	[hbm:s29], [sflag:s6] =	dma.local [spmem:s30], $0x4000  }
0x27e: {  	s29 =	sld [smem:$0x7CF]  }
0x27f: {  	s30 =	sld [smem:$0x7D0];
	_ =	sdelay $0x2  }
0x280: {  	[hbm:s29], [sflag:s6] =	dma.local [spmem:s30], $0x4000  }
0x281: {  	s29 =	sld [smem:$0x7D1]  }
0x282: {  	s30 =	sld [smem:$0x7D2];
	_ =	sdelay $0x2  }
0x283: {  	[hbm:s29], [sflag:s6] =	dma.local [spmem:s30], $0x4000  }
0x284: {  	s29 =	sld [smem:$0x7D3]  }
0x285: {  	s30 =	sld [smem:$0x7D4];
	_ =	sdelay $0x2  }
0x286: {  	[hbm:s29], [sflag:s6] =	dma.local [spmem:s30], $0x4000  }
0x287: {  	s29 =	sld [smem:$0x7D5]  }
0x288: {  	s30 =	sld [smem:$0x7D6];
	_ =	sdelay $0x2  }
0x289: {  	[hbm:s29], [sflag:s6] =	dma.local [spmem:s30], $0x4000  }
0x28a: {  	s29 =	sld [smem:$0x7D7]  }
0x28b: {  	s30 =	sld [smem:$0x7D8];
	_ =	sdelay $0x2  }
0x28c: {  	[hbm:s29], [sflag:s6] =	dma.local [spmem:s30], $0x4000  }
0x28d: {  	s29 =	sld [smem:$0x7D9]  }
0x28e: {  	s30 =	sld [smem:$0x7DA];
	_ =	sdelay $0x2  }
0x28f: {  	[hbm:s29], [sflag:s6] =	dma.local [spmem:s30], $0x4000  }
0x290: {  	s29 =	sld [smem:$0x7DB]  }
0x291: {  	s30 =	sld [smem:$0x7DC];
	_ =	sdelay $0x2  }
0x292: {  	[hbm:s29], [sflag:s6] =	dma.local [spmem:s30], $0x4000  }
0x293: {  	s29 =	sld [smem:$0x7DD]  }
0x294: {  	s30 =	sld [smem:$0x7DE];
	_ =	sdelay $0x2  }
0x295: {  	[hbm:s29], [sflag:s6] =	dma.local [spmem:s30], $0x4000  }
0x296: {  	s29 =	sld [smem:$0x7DF]  }
0x297: {  	s30 =	sld [smem:$0x7E0];
	_ =	sdelay $0x2  }
0x298: {  	[hbm:s29], [sflag:s6] =	dma.local [spmem:s30], $0x4000  }
0x299: {  	s29 =	sld [smem:$0x7E1]  }
0x29a: {  	s30 =	sld [smem:$0x7E2];
	_ =	sdelay $0x2  }
0x29b: {  	[hbm:s29], [sflag:s6] =	dma.local [spmem:s30], $0x4000  }
0x29c: {  	s29 =	sld [smem:$0x7E3]  }
0x29d: {  	s30 =	sld [smem:$0x7E4];
	_ =	sdelay $0x2  }
0x29e: {  	[hbm:s29], [sflag:s6] =	dma.local [spmem:s30], $0x4000  }
0x29f: {  	s29 =	sld [smem:$0x7E5]  }
0x2a0: {  	s30 =	sld [smem:$0x7E6];
	_ =	sdelay $0x2  }
0x2a1: {  	[hbm:s29], [sflag:s6] =	dma.local [spmem:s30], $0x4000  }
0x2a2: {  	s29 =	sld [smem:$0x7E7]  }
0x2a3: {  	s30 =	sld [smem:$0x7E8];
	_ =	sdelay $0x2  }
0x2a4: {  	[hbm:s29], [sflag:s6] =	dma.local [spmem:s30], $0x4000  }
0x2a5: {  	s29 =	sld [smem:$0x7E9]  }
0x2a6: {  	s30 =	sld [smem:$0x7EA];
	_ =	sdelay $0x2  }
0x2a7: {  	[hbm:s29], [sflag:s6] =	dma.local [spmem:s30], $0x4000  }
0x2a8: {  	s29 =	sld [smem:$0x7EB];
	_ =	sdelay $0x2  }
0x2a9: {  	[hbm:s29], [sflag:s6] =	dma.local [spmem:s7], $0x4000  }
0x2aa: {  	s29 =	sld [smem:$0x7EC];
	_ =	sdelay $0x2  }
0x2ab: {  	[hbm:s29], [sflag:s6] =	dma.local [spmem:s8], $0x4000  }
0x2ac: {  	s29 =	sld [smem:$0x7ED];
	_ =	sdelay $0x2  }
0x2ad: {  	[hbm:s29], [sflag:s6] =	dma.local [spmem:s9], $0x4000  }
0x2ae: {  	s29 =	sld [smem:$0x7EE];
	_ =	sdelay $0x2  }
0x2af: {  	[hbm:s29], [sflag:s6] =	dma.local [spmem:s10], $0x4000  }
0x2b0: {  	s29 =	sld [smem:$0x7EF];
	_ =	sdelay $0x2  }
0x2b1: {  	[hbm:s29], [sflag:s6] =	dma.local [spmem:s11], $0x4000  }
0x2b2: {  	s29 =	sld [smem:$0x7F0];
	_ =	sdelay $0x2  }
0x2b3: {  	[hbm:s29], [sflag:s6] =	dma.local [spmem:s12], $0x4000  }
0x2b4: {  	s29 =	sld [smem:$0x7F1];
	_ =	sdelay $0x2  }
0x2b5: {  	[hbm:s29], [sflag:s6] =	dma.local [spmem:s13], $0x4000  }
0x2b6: {  	s29 =	sld [smem:$0x7F2];
	_ =	sdelay $0x2  }
0x2b7: {  	[hbm:s29], [sflag:s6] =	dma.local [spmem:s14], $0x4000  }
0x2b8: {  	s29 =	sld [smem:$0x7F3];
	_ =	sdelay $0x2  }
0x2b9: {  	[hbm:s29], [sflag:s6] =	dma.local [spmem:s15], $0x4000  }
0x2ba: {  	s29 =	sld [smem:$0x7F4];
	_ =	sdelay $0x2  }
0x2bb: {  	[hbm:s29], [sflag:s6] =	dma.local [spmem:s17], $0x4000  }
0x2bc: {  	s29 =	sld [smem:$0x7F5];
	_ =	sdelay $0x2  }
0x2bd: {  	[hbm:s29], [sflag:s6] =	dma.local [spmem:s18], $0x4000  }
0x2be: {  	s29 =	sld [smem:$0x7F6];
	_ =	sdelay $0x2  }
0x2bf: {  	[hbm:s29], [sflag:s6] =	dma.local [spmem:s19], $0x4000  }
0x2c0: {  	s29 =	sld [smem:$0x7F7];
	_ =	sdelay $0x2  }
0x2c1: {  	[hbm:s29], [sflag:s6] =	dma.local [spmem:s20], $0x4000  }
0x2c2: {  	s29 =	sld [smem:$0x7F8];
	_ =	sdelay $0x2  }
0x2c3: {  	[hbm:s29], [sflag:s6] =	dma.local [spmem:s21], $0x4000  }
0x2c4: {  	s29 =	sld [smem:$0x7F9];
	_ =	sdelay $0x2  }
0x2c5: {  	[hbm:s29], [sflag:s6] =	dma.local [spmem:s22], $0x4000  }
0x2c6: {  	s29 =	sld [smem:$0x7FA];
	_ =	sdelay $0x2  }
0x2c7: {  	[hbm:s29], [sflag:s6] =	dma.local [spmem:s23], $0x4000  }
0x2c8: {  	s29 =	sld [smem:$0x7FB];
	_ =	sdelay $0x2  }
0x2c9: {  	[hbm:s29], [sflag:s6] =	dma.local [spmem:s24], $0x4000  }
0x2ca: {  	s29 =	sld [smem:$0x7FC];
	_ =	sdelay $0x2  }
0x2cb: {  	[hbm:s29], [sflag:s6] =	dma.local [spmem:s25], $0x4000  }
0x2cc: {  	s29 =	sld [smem:$0x7FD];
	_ =	sdelay $0x2  }
0x2cd: {  	[hbm:s29], [sflag:s6] =	dma.local [spmem:s26], $0x4000  }
0x2ce: {  	_ =	swait.ge [sflag:s16], $0x4000  }
0x2cf: {  	[sflag:s16] =	ssyncset.done $0x0  }
0x2d0: {  	[sflag:s16] =	ssyncadd.s32 $0xFFFFC000  }
0x2d1: {  	_ =	swait.ge [sflag:s16], $0x4000  }
0x2d2: {  	[sflag:s16] =	ssyncset.done $0x0  }
0x2d3: {  	[sflag:s16] =	ssyncadd.s32 $0xFFFFC000  }
0x2d4: {  	_ =	swait.ge [sflag:s16], $0x4000  }
0x2d5: {  	[sflag:s16] =	ssyncset.done $0x0  }
0x2d6: {  	[sflag:s16] =	ssyncadd.s32 $0xFFFFC000  }
0x2d7: {  	_ =	swait.ge [sflag:s16], $0x4000  }
0x2d8: {  	[sflag:s16] =	ssyncset.done $0x0  }
0x2d9: {  	[sflag:s16] =	ssyncadd.s32 $0xFFFFC000  }
0x2da: {  	_ =	swait.ge [sflag:s16], $0x4000  }
0x2db: {  	[sflag:s16] =	ssyncset.done $0x0  }
0x2dc: {  	[sflag:s16] =	ssyncadd.s32 $0xFFFFC000  }
0x2dd: {  	_ =	swait.ge [sflag:s16], $0x4000  }
0x2de: {  	[sflag:s16] =	ssyncset.done $0x0  }
0x2df: {  	[sflag:s16] =	ssyncadd.s32 $0xFFFFC000  }
0x2e0: {  	_ =	swait.ge [sflag:s16], $0x4000  }
0x2e1: {  	[sflag:s16] =	ssyncset.done $0x0  }
0x2e2: {  	[sflag:s16] =	ssyncadd.s32 $0xFFFFC000  }
0x2e3: {  	_ =	swait.ge [sflag:s16], $0x4000  }
0x2e4: {  	[sflag:s16] =	ssyncset.done $0x0  }
0x2e5: {  	[sflag:s16] =	ssyncadd.s32 $0xFFFFC000  }
0x2e6: {  	_ =	swait.ge [sflag:s16], $0x4000  }
0x2e7: {  	[sflag:s16] =	ssyncset.done $0x0  }
0x2e8: {  	[sflag:s16] =	ssyncadd.s32 $0xFFFFC000  }
0x2e9: {  	_ =	swait.ge [sflag:s16], $0x4000  }
0x2ea: {  	[sflag:s16] =	ssyncset.done $0x0  }
0x2eb: {  	[sflag:s16] =	ssyncadd.s32 $0xFFFFC000  }
0x2ec: {  	_ =	swait.ge [sflag:s16], $0x4000  }
0x2ed: {  	[sflag:s16] =	ssyncset.done $0x0  }
0x2ee: {  	[sflag:s16] =	ssyncadd.s32 $0xFFFFC000  }
0x2ef: {  	_ =	swait.ge [sflag:s16], $0x4000  }
0x2f0: {  	[sflag:s16] =	ssyncset.done $0x0  }
0x2f1: {  	[sflag:s16] =	ssyncadd.s32 $0xFFFFC000  }
0x2f2: {  	_ =	swait.ge [sflag:s16], $0x4000  }
0x2f3: {  	[sflag:s16] =	ssyncset.done $0x0  }
0x2f4: {  	[sflag:s16] =	ssyncadd.s32 $0xFFFFC000  }
0x2f5: {  	_ =	swait.ge [sflag:s16], $0x4000  }
0x2f6: {  	[sflag:s16] =	ssyncset.done $0x0  }
0x2f7: {  	[sflag:s16] =	ssyncadd.s32 $0xFFFFC000  }
0x2f8: {  	_ =	swait.ge [sflag:s16], $0x4000  }
0x2f9: {  	[sflag:s16] =	ssyncset.done $0x0  }
0x2fa: {  	[sflag:s16] =	ssyncadd.s32 $0xFFFFC000  }
0x2fb: {  	_ =	swait.ge [sflag:s16], $0x4000  }
0x2fc: {  	[sflag:s16] =	ssyncset.done $0x0  }
0x2fd: {  	[sflag:s16] =	ssyncadd.s32 $0xFFFFC000  }
0x2fe: {  	_ =	swait.ge [sflag:s16], $0x4000  }
0x2ff: {  	[sflag:s16] =	ssyncset.done $0x0  }
0x300: {  	[sflag:s16] =	ssyncadd.s32 $0xFFFFC000  }
0x301: {  	_ =	swait.ge [sflag:s16], $0x4000  }
0x302: {  	[sflag:s16] =	ssyncset.done $0x0  }
0x303: {  	[sflag:s16] =	ssyncadd.s32 $0xFFFFC000  }
0x304: {  	_ =	swait.ge [sflag:s16], $0x4000  }
0x305: {  	[sflag:s16] =	ssyncset.done $0x0  }
0x306: {  	[sflag:s16] =	ssyncadd.s32 $0xFFFFC000  }
0x307: {  	_ =	swait.ge [sflag:s16], $0x4000  }
0x308: {  	[sflag:s16] =	ssyncset.done $0x0  }
0x309: {  	[sflag:s16] =	ssyncadd.s32 $0xFFFFC000  }
0x30a: {  	_ =	swait.ge [sflag:s16], $0x4000  }
0x30b: {  	[sflag:s16] =	ssyncset.done $0x0  }
0x30c: {  	[sflag:s16] =	ssyncadd.s32 $0xFFFFC000  }
0x30d: {  	_ =	swait.ge [sflag:s16], $0x4000  }
0x30e: {  	[sflag:s16] =	ssyncset.done $0x0  }
0x30f: {  	[sflag:s16] =	ssyncadd.s32 $0xFFFFC000  }
0x310: {  	_ =	swait.ge [sflag:s16], $0x4000  }
0x311: {  	[sflag:s16] =	ssyncset.done $0x0  }
0x312: {  	[sflag:s16] =	ssyncadd.s32 $0xFFFFC000  }
0x313: {  	_ =	swait.ge [sflag:s16], $0x4000  }
0x314: {  	[sflag:s16] =	ssyncset.done $0x0  }
0x315: {  	[sflag:s16] =	ssyncadd.s32 $0xFFFFC000  }
0x316: {  	_ =	swait.ge [sflag:s16], $0x4000  }
0x317: {  	[sflag:s16] =	ssyncset.done $0x0  }
0x318: {  	[sflag:s16] =	ssyncadd.s32 $0xFFFFC000  }
0x319: {  	_ =	swait.ge [sflag:s16], $0x4000  }
0x31a: {  	[sflag:s16] =	ssyncset.done $0x0  }
0x31b: {  	[sflag:s16] =	ssyncadd.s32 $0xFFFFC000  }
0x31c: {  	_ =	swait.ge [sflag:s16], $0x4000  }
0x31d: {  	[sflag:s16] =	ssyncset.done $0x0  }
0x31e: {  	[sflag:s16] =	ssyncadd.s32 $0xFFFFC000  }
0x31f: {  	_ =	swait.ge [sflag:s16], $0x4000  }
0x320: {  	[sflag:s16] =	ssyncset.done $0x0  }
0x321: {  	[sflag:s16] =	ssyncadd.s32 $0xFFFFC000  }
0x322: {  	_ =	swait.ge [sflag:s16], $0x4000  }
0x323: {  	[sflag:s16] =	ssyncset.done $0x0  }
0x324: {  	[sflag:s16] =	ssyncadd.s32 $0xFFFFC000  }
0x325: {  	_ =	swait.ge [sflag:s16], $0x4000  }
0x326: {  	[sflag:s16] =	ssyncset.done $0x0  }
0x327: {  	[sflag:s16] =	ssyncadd.s32 $0xFFFFC000  }
0x328: {  	_ =	swait.ge [sflag:s16], $0x4000  }
0x329: {  	[sflag:s16] =	ssyncset.done $0x0  }
0x32a: {  	[sflag:s16] =	ssyncadd.s32 $0xFFFFC000  }
0x32b: {  	_ =	swait.ge [sflag:s16], $0x4000  }
0x32c: {  	[sflag:s16] =	ssyncset.done $0x0  }
0x32d: {  	[sflag:s16] =	ssyncadd.s32 $0xFFFFC000  }
0x32e: {  	_ =	swait.ge [sflag:s16], $0x4000  }
0x32f: {  	[sflag:s16] =	ssyncset.done $0x0  }
0x330: {  	[sflag:s16] =	ssyncadd.s32 $0xFFFFC000  }
0x331: {  	_ =	swait.ge [sflag:s16], $0x4000  }
0x332: {  	[sflag:s16] =	ssyncset.done $0x0  }
0x333: {  	[sflag:s16] =	ssyncadd.s32 $0xFFFFC000  }
0x334: {  	_ =	swait.ge [sflag:s16], $0x4000  }
0x335: {  	[sflag:s16] =	ssyncset.done $0x0  }
0x336: {  	[sflag:s16] =	ssyncadd.s32 $0xFFFFC000  }
0x337: {  	_ =	swait.ge [sflag:s16], $0x4000  }
0x338: {  	[sflag:s16] =	ssyncset.done $0x0  }
0x339: {  	[sflag:s16] =	ssyncadd.s32 $0xFFFFC000  }
0x33a: {  	_ =	swait.ge [sflag:s16], $0x4000  }
0x33b: {  	[sflag:s16] =	ssyncset.done $0x0  }
0x33c: {  	[sflag:s16] =	ssyncadd.s32 $0xFFFFC000  }
0x33d: {  	_ =	swait.ge [sflag:s16], $0x4000  }
0x33e: {  	[sflag:s16] =	ssyncset.done $0x0  }
0x33f: {  	[sflag:s16] =	ssyncadd.s32 $0xFFFFC000  }
0x340: {  	_ =	swait.ge [sflag:s16], $0x4000  }
0x341: {  	[sflag:s16] =	ssyncset.done $0x0  }
0x342: {  	[sflag:s16] =	ssyncadd.s32 $0xFFFFC000  }
0x343: {  	_ =	swait.ge [sflag:s16], $0x4000  }
0x344: {  	[sflag:s16] =	ssyncset.done $0x0  }
0x345: {  	[sflag:s16] =	ssyncadd.s32 $0xFFFFC000  }
0x346: {  	_ =	swait.ge [sflag:s16], $0x4000  }
0x347: {  	[sflag:s16] =	ssyncset.done $0x0  }
0x348: {  	[sflag:s16] =	ssyncadd.s32 $0xFFFFC000  }
0x349: {  	_ =	swait.ge [sflag:s16], $0x4000  }
0x34a: {  	[sflag:s16] =	ssyncset.done $0x0  }
0x34b: {  	[sflag:s16] =	ssyncadd.s32 $0xFFFFC000  }
0x34c: {  	_ =	swait.ge [sflag:s16], $0x4000  }
0x34d: {  	[sflag:s16] =	ssyncset.done $0x0  }
0x34e: {  	[sflag:s16] =	ssyncadd.s32 $0xFFFFC000  }
0x34f: {  	_ =	swait.ge [sflag:s16], $0x4000  }
0x350: {  	[sflag:s16] =	ssyncset.done $0x0  }
0x351: {  	[sflag:s16] =	ssyncadd.s32 $0xFFFFC000  }
0x352: {  	_ =	swait.ge [sflag:s16], $0x4000  }
0x353: {  	[sflag:s16] =	ssyncset.done $0x0  }
0x354: {  	[sflag:s16] =	ssyncadd.s32 $0xFFFFC000  }
0x355: {  	_ =	swait.ge [sflag:s16], $0x4000  }
0x356: {  	[sflag:s16] =	ssyncset.done $0x0  }
0x357: {  	[sflag:s16] =	ssyncadd.s32 $0xFFFFC000  }
0x358: {  	_ =	swait.ge [sflag:s16], $0x4000  }
0x359: {  	[sflag:s16] =	ssyncset.done $0x0  }
0x35a: {  	s28 =	sadd.s32 $0xFFFFFFFF, s28;
	[sflag:s16] =	ssyncadd.s32 $0xFFFFC000  }
0x35b: {  	p1 =	sne.s32 s28, $0x0;
	_ =	swait.ge [sflag:s16], $0x4000  }
.Ltmp1:
0x35c: {  	[sflag:s16] =	ssyncset.done $0x0;
	(pc) =	sbr.rel @p1 .LBB2_1-.Ltmp1, $4  }
0x35d: {  	[sflag:s16] =	ssyncadd.s32 $0xFFFFC000  }
0x35e: {  	_ =	swait.ge [sflag:s16], $0x4000  }
0x35f: {  	[sflag:s16] =	ssyncset.done $0x0  }
0x360: {  	[sflag:s16] =	ssyncadd.s32 $0xFFFFC000  }
.LBB2_2:
0x361: {  	_ =	swait.ge [sflag:s16], $0x4000  }
0x362: {  	[sflag:s16] =	ssyncset.done $0x0  }
0x363: {  	[sflag:s16] =	ssyncadd.s32 $0xFFFFC000  }
0x364: {  	_ =	swait.ge [sflag:s16], $0x4000  }
0x365: {  	[sflag:s16] =	ssyncset.done $0x0  }
0x366: {  	[sflag:s16] =	ssyncadd.s32 $0xFFFFC000  }
0x367: {  	_ =	swait.ge [sflag:s16], $0x4000  }
0x368: {  	[sflag:s16] =	ssyncset.done $0x0  }
0x369: {  	[sflag:s16] =	ssyncadd.s32 $0xFFFFC000  }
0x36a: {  	_ =	swait.ge [sflag:s16], $0x4000  }
0x36b: {  	[sflag:s16] =	ssyncset.done $0x0  }
0x36c: {  	[sflag:s16] =	ssyncadd.s32 $0xFFFFC000  }
0x36d: {  	_ =	swait.ge [sflag:s16], $0x4000  }
0x36e: {  	[sflag:s16] =	ssyncset.done $0x0  }
0x36f: {  	[sflag:s16] =	ssyncadd.s32 $0xFFFFC000  }
0x370: {  	_ =	swait.ge [sflag:s16], $0x4000  }
0x371: {  	[sflag:s16] =	ssyncset.done $0x0  }
0x372: {  	[sflag:s16] =	ssyncadd.s32 $0xFFFFC000  }
0x373: {  	_ =	swait.ge [sflag:s16], $0x4000  }
0x374: {  	[sflag:s16] =	ssyncset.done $0x0  }
0x375: {  	[sflag:s16] =	ssyncadd.s32 $0xFFFFC000  }
0x376: {  	_ =	swait.ge [sflag:s16], $0x4000  }
0x377: {  	[sflag:s16] =	ssyncset.done $0x0  }
0x378: {  	[sflag:s16] =	ssyncadd.s32 $0xFFFFC000  }
0x379: {  	_ =	swait.ge [sflag:s16], $0x4000  }
0x37a: {  	[sflag:s16] =	ssyncset.done $0x0  }
0x37b: {  	[sflag:s16] =	ssyncadd.s32 $0xFFFFC000  }
0x37c: {  	_ =	swait.ge [sflag:s16], $0x4000  }
0x37d: {  	[sflag:s16] =	ssyncset.done $0x0  }
0x37e: {  	[sflag:s16] =	ssyncadd.s32 $0xFFFFC000  }
0x37f: {  	_ =	swait.ge [sflag:s16], $0x4000  }
0x380: {  	[sflag:s16] =	ssyncset.done $0x0  }
0x381: {  	[sflag:s16] =	ssyncadd.s32 $0xFFFFC000  }
0x382: {  	_ =	swait.ge [sflag:s16], $0x4000  }
0x383: {  	[sflag:s16] =	ssyncset.done $0x0  }
0x384: {  	[sflag:s16] =	ssyncadd.s32 $0xFFFFC000  }
0x385: {  	_ =	swait.ge [sflag:s16], $0x4000  }
0x386: {  	[sflag:s16] =	ssyncset.done $0x0  }
0x387: {  	[sflag:s16] =	ssyncadd.s32 $0xFFFFC000  }
0x388: {  	_ =	swait.ge [sflag:s16], $0x4000  }
0x389: {  	[sflag:s16] =	ssyncset.done $0x0  }
0x38a: {  	[sflag:s16] =	ssyncadd.s32 $0xFFFFC000  }
0x38b: {  	_ =	swait.ge [sflag:s16], $0x4000  }
0x38c: {  	[sflag:s16] =	ssyncset.done $0x0  }
0x38d: {  	[sflag:s16] =	ssyncadd.s32 $0xFFFFC000  }
0x38e: {  	_ =	sfence.sel $0x180000  }
0x38f: {  	[bflag:$0x0] =	sbarrier.arrive $0xFFFF  }
0x390: {  	_ =	strace $0x90000047  }
0x391: {  	s0 =	sadd.s32 @!p0 $0x100000, s0;
	[bflag:$0x2] =	sbarrier.arrive $0xFFFF  }
0x392: {  	[sflag:s0] =	ssyncadd.tile.s32 @!p0 $0x1;
	_ =	shalt  }
.Lfunc_end2:
_tile_overlayer_lowered:
.L_overlay_start_2:
0x393: {  	(tag) =	ssettag $0x2  }
0x394: {  	s0 =	rddreg [dreg:$0x0];
	s2 =	stileid.u32  }
0x395: {  	s1 =	rddreg [dreg:$0x1];
	p0 =	sne.s32 s2, $0x0  }
0x396: {  	s3 =	rddreg [dreg:$0x2];
	[bflag:$0x3] =	sbarrier.arrive $0xFFFF;
	s2 =	simm.s32 @!p0 $0x1C02  }
0x397: {  	[timem:s3], [sflag:s2] =	dma.local @!p0 [hbm:s0], s1  }
0x398: {  	s0 =	simm.s32 @!p0 $0x2  }
0x399: {  	_ =	swait.ge @!p0 [sflag:s0], s1  }
0x39a: {  	s1 =	ssub.s32 @!p0 $0x0, s1;
	[sflag:s0] =	ssyncset.done @!p0 $0x0  }
0x39b: {  	[sflag:s0] =	ssyncadd.s32 @!p0 s1  }
0x39c: {  	[bflag:$0x3] =	sbarrier.arrive $0xFFFF  }
0x39d: {  	_ =	shalt  }

// kernel: sparse-core-data-format-call.cloned.1.call-start
scs
called_computation_lowered:
.L_overlay_start_0:
0x0: {  	s2 =	sld [smem:$0x3FD9]  }
0x1: {  	s3 =	sld [smem:$0x3FFE];
	_ =	sdelay $0x1  }
0x2: {  	s1 =	srdreg.scid  }
0x3: {  	s0 =	sand.u32 $0x1, s1  }
0x4: {  	s18 =	sshll.u32 s0, $0xA;
	s2 =	sadd.s32 s3, s2  }
0x5: {  	s2 =	sadd.s32 s2, s18  }
0x6: {  	[smem:$0x3FC7] =	sst s2  }
0x7: {  	_ = 	snop  }
0x8: {  	s2 =	sld [smem:$0x3FD0];
	(tm) =	ssettm $0x1  }
0x9: {  	s19 =	sld [smem:$0x3FFB];
	_ =	sdelay $0x3  }
0xa: {  	_ =	strace s19  }
0xb: {  	s3 =	sld [smem:$0x3FFC];
	_ =	sdelay $0x3  }
0xc: {  	_ =	strace s3  }
0xd: {  	s3 =	sld [smem:$0x3FFD];
	_ =	sdelay $0x3  }
0xe: {  	_ =	strace s3  }
0xf: {  	_ =	strace $0x8FFFFFFF  }
0x10: {  	s20 =	sld [smem:$0x3FDB];
	_ =	sdelay $0x1  }
0x11: {  	s4 =	simm.s32 $_scs_section_size  }
0x12: {  	s5 =	simm.s32 $_size__tile_overlayer_lowered;
	s6 =	simm.s32 $_tile_overlayer_lowered  }
0x13: {  	s23 =	simm.s32 $0x1BFF;
	s22 =	sshll.u32 s6, $0x1;
	s3 =	sadd.s32 s4, s20  }
0x14: {  	s7 =	simm.s32 $0x0;
	s21 =	sshll.u32 s5, $0x1;
	s5 =	sadd.s32 s22, s3  }
0x15: {  	[timem:s7], [sflag:s23] =	dma.local [hbm:s5], s21  }
0x16: {  	_ =	swait.ge [sflag:s23], s21  }
0x17: {  	s4 =	ssub.s32 $0x0, s21;
	[sflag:s23] =	ssyncset.done $0x0  }
0x18: {  	[sflag:s23] =	ssyncadd.s32 s4;
	_ =	sdelay $0x1  }
0x19: {  	s24 =	simm.s32 $0x1B8B  }
0x1a: {  	_ =	swait.ge [sflag:s24], $0x1  }
0x1b: {  	[sflag:s24] =	ssyncset.done $0x0  }
0x1c: {  	s26 =	simm.s32 $0x1B8E;
	s25 =	sld [smem:$0x3FFE];
	[sflag:s24] =	ssyncadd.s32 $0xFFFFFFFF  }
0x1d: {  	s27 =	simm.s32 $execute0_lowered;
	[smem:$0x3FD2] =	sst s26  }
0x1e: {  	s5 =	sshll.u32 s27, $0x1;
	_ =	strace $0x80000049;
	[dreg:$0x1] =	wrdreg $0xFFFFFFFF  }
0x1f: {  	s28 =	simm.s32 $_size_execute0_lowered;
	s3 =	sadd.s32 s3, s5;
	[dreg:$0x0] =	wrdreg $0x0  }
0x20: {  	s5 =	sshll.u32 s28, $0x1;
	[dreg:$0x2] =	wrdreg s3  }
0x21: {  	[dreg:$0x3] =	wrdreg s5  }
0x22: {  	[dreg:$0x4] =	wrdreg $0xC0  }
0x23: {  	_ =	task [dreg:s7], $0x5FFFF  }
0x24: {  	[dreg:$0x1] =	wrdreg $0xFFFFFFFF  }
0x25: {  	[dreg:$0x0] =	wrdreg $0x60  }
0x26: {  	[dreg:$0x2] =	wrdreg s25  }
0x27: {  	[dreg:$0x3] =	wrdreg s2  }
0x28: {  	[dreg:$0x4] =	wrdreg $0x9  }
0x29: {  	_ =	task.clear_ibuf [dreg:s7], $0x5FFFF;
	_ =	strace $0x90000049  }
0x2a: {  	s29 =	simm.s32 $0x9;
	_ =	strace $0x8000004B  }
0x2b: {  	_ =	swait.ge [sflag:s29], $0x1  }
0x2c: {  	[sflag:s29] =	ssyncadd.s32 $0xFFFFFFFF  }
0x2d: {  	_ =	strace $0x9000004B  }
0x2e: {  	_ =	sfence  }
0x2f: {  	s30 =	sld [smem:$0x0];
	_ =	sdelay $0x2  }
0x30: {  	s31 =	sshll.u32 s1, $0xD;
	s1 =	sshrl.u32 s1, $0x2  }
0x31: {  	s3 =	sand.u32 $0x4000, s31;
	s1 =	sadd.s32 s1, s30  }
0x32: {  	s0 =	sor.u32 s3, s0;
	s1 =	sshll.u32 s1, $0x11  }
0x33: {  	s0 =	sor.u32 s1, s0  }
0x34: {  	s0 =	sadd.s32 $0x8F2B, s0  }
0x35: {  	[sflag:s0] =	ssyncadd.remote.s32 $0x1  }
0x36: {  	_ =	sfence.sel $0xFFFF  }
0x37: {  	[dreg:$0x0] =	wrdreg $0xFFFFFFFF;
	(pc) =	sbr.abs _section_cstart, $3  }
0x38: {  	[dreg:$0x1] =	wrdreg $0xFFFFFFFF  }
0x39: {  	_ =	task.clear_ibuf [dreg:s7], $0x2FFFF;
	_ =	strace $0x9FFFFFFF  }
0x3a: {  	(tm) =	ssettm $0x7FFFFFFF  }
0x3b: {  	_ =	shalt  }
tec
execute0_lowered:
.L_overlay_start_1:
0x0: {  	(tag) =	ssettag $0x1  }
0x1: {  	s0 =	stileid.u32  }
0x2: {  	s2 =	srdreg.scid;
	s5 =	rddreg [dreg:$0x0]  }
0x3: {  	s6 =	simm.s32 $0x1;
	s31 =	simm.s32 $0x2;
	s14 =	simm.s32 $0x0  }
0x4: {  	s9 =	simm.s32 $0x20000;
	s16 =	simm.s32 $0x0;
	s1 =	sshll.u32 s0, $0x7  }
0x5: {  	s15 =	simm.s32 $0x0;
	s10 =	simm.s32 $0x0;
	s3 =	ssub.s32 $0x800, s1  }
0x6: {  	s13 =	simm.s32 $0x0;
	s2 =	sand.u32 $0x1, s2;
	s4 =	sand.u32 $0x780, s3  }
0x7: {  	s5 =	sadd.s32 $0x800, s5;
	s7 =	ssub.s32 $0x40, s2;
	p0 =	sne.s32 s4, $0x0  }
0x8: {  	s3 =	sshrl.u32 s3, $0xB;
	s8 =	sshrl.u32 s7, $0x1;
	s6 =	simm.s32 @!p0 $0x0  }
.Ltmp0:
0x9: {  	s7 =	ssub.s32 s7, s8;
	s6 =	sadd.s32 s6, s3;
	(pc) =	sbr.rel .LBB1_1-.Ltmp0, $4  }
0xa: {  	s11 =	smov.u32 s2;
	s4 =	rddreg [dreg:$0x1];
	s7 =	smul.u32 s6, s7  }
0xb: {  	s3 =	rddreg [dreg:$0x2];
	_ =	strace $0x8000004A;
	s6 =	simm.s32 $0x1  }
0xc: {  	s12 =	smov.u32 s1;
	[sflag:s6] =	ssyncpa.u1 $0x0;
	s7 =	sshll.u32 s7, $0x4  }
0xd: {  	p0 =	por $0x0, $0x0;
	[sflag:s31] =	ssyncpa.u1 $0x0;
	s8 =	sor.u32 $0x1, s7  }
.LBB1_4:
0xe: {  	v5 =	vld [tilespmem:s19+$0xFFFFFFD0];
	[tilespmem:s20+$0x2040 ss:$0x81] =	vst.msk $0xffff, v1  }
0xf: {  	v58 =	vld [tilespmem:s19+$0xFFFFFFE0];
	[tilespmem:s20+$0x2850 ss:$0x81] =	vst.msk $0xffff, v2  }
0x10: {  	s21 =	sshra.s32 s21, $0x2;
	v59 =	vld [tilespmem:s19+$0xFFFFFFF0];
	[tilespmem:s20+$0x3060 ss:$0x81] =	vst.msk $0xffff, v3  }
0x11: {  	v60 =	vld [tilespmem:s19+$0x0];
	[tilespmem:s20+$0x0 ss:$0x81] =	vst.msk $0xffff, v0;
	s18 =	sadd.s32 s21, s18  }
0x12: {  	v61 =	vld [tilespmem:s19+$0x10];
	s26 =	sshll.u32 s16, $0xB;
	[tilespmem:s18+$0x3870 ss:$0x81] =	vst.msk $0xffff, v4  }
0x13: {  	v62 =	vld [tilespmem:s19+$0x20];
	s27 =	sand.u32 $0x78, s15;
	s22 =	sshll.u32 s15, $0x3;
	s29 =	sshll.u32 s16, $0x7;
	[tilespmem:s18+$0x810 ss:$0x81] =	vst.msk $0xffff, v5  }
0x14: {  	v63 =	vld [tilespmem:s19+$0xFFFFFFC0];
	s14 =	sshll.u32 s14, $0xE;
	s20 =	sand.u32 $0x1C000, s26;
	s28 =	sand.u32 $0x1FC00, s22;
	[tilespmem:s18+$0x1020 ss:$0x81] =	vst.msk $0xffff, v58  }
0x15: {  	s31 =	sand.u32 $0x7, s15;
	s22 =	sand.u32 $0x400, s22;
	s19 =	sadd.s32 s28, s20;
	[tilespmem:s18+$0x1830 ss:$0x81] =	vst.msk $0xffff, v59  }
0x16: {  	s16 =	sand.u32 $0x380, s29;
	s30 =	sor.u32 s27, s22;
	s19 =	sshrl.u32 s19, $0x3;
	[tilespmem:s18+$0x2040 ss:$0x81] =	vst.msk $0xffff, v60  }
0x17: {  	s14 =	sadd.s32 s4, s14;
	s16 =	sor.u32 s16, s30;
	s19 =	sand.u32 $0x3F00, s19;
	[tilespmem:s18+$0x2850 ss:$0x81] =	vst.msk $0xffff, v61  }
0x18: {  	s15 =	sshll.u32 s31, $0x12;
	s16 =	sshrl.u32 s16, $0x3;
	[tilespmem:s18+$0x3060 ss:$0x81] =	vst.msk $0xffff, v62;
	s14 =	sadd.s32 s19, s14  }
0x19: {  	s15 =	sor.u32 $0x80, s15;
	[tilespmem:s18+$0x0 ss:$0x81] =	vst.msk $0xffff, v63;
	s14 =	sadd.s32 s16, s14  }
0x1a: {  	[hbm4b:s14+s15] =	stream.strided.scatter [tilespmem:s17], [sflag:$0x2], $0x4000, s9, s15, $0x20;
	[tilespmem:$0x10100] =	vst v63  }
.LBB1_5:
0x1b: {  	s17 =	sadd.s32 $0x80, s10  }
0x1c: {  	s14 =	sadd.s32 $0x2, s11;
	s18 =	smov.u32 s11;
	p2 =	sgt.s32 s17, $0x7FF  }
0x1d: {  	s18 =	smov.u32 @p2 s14  }
0x1e: {  	s20 =	smov.u32 s12;
	s14 =	sadd.s32 $0x800, s12;
	p3 =	sgt.s32 s18, $0x3F  }
0x1f: {  	s20 =	smov.u32 @p3 s14  }
0x20: {  	s17 =	simm.s32 @p2 $0x0;
	p2 =	sgt.s32 s20, $0x7FF  }
0x21: {  	p1 =	slt.u32 s13, $0x2;
	s20 =	smov.u32 @p2 s1;
	p2 =	sne.s32 s13, s8  }
.Ltmp1:
0x22: {  	s19 =	simm.s32 @!p1 $0x2;
	(pc) =	sbr.rel @!p2 .LBB1_6-.Ltmp1, $4  }
0x23: {  	s16 =	smov.u32 s11;
	s15 =	smov.u32 s12;
	_ =	swait.ge @!p1 [sflag:s19], $0x4000  }
0x24: {  	p0 =	por !p0, !p0;
	[sflag:s19] =	ssyncset.done @!p1 $0x0;
	s18 =	smov.u32 @p3 s2  }
0x25: {  	s14 =	smov.u32 s10;
	[sflag:s19] =	ssyncadd.s32 @!p1 $0xFFFFC000;
	s10 =	smov.u32 s17  }
0x26: {  	s11 =	smov.u32 s18;
	s13 =	sadd.s32 $0x1, s13;
	s12 =	smov.u32 s20  }
.LBB1_1:
0x27: {  	p1 =	sge.u32 s13, s7;
	s31 =	sadd.s32 $0xFFFFFFFF, s13  }
0x28: {  	s17 =	sxor.u32 @!p1 $0xFFFFFFFF, s13;
	s18 =	sand.u32 @!p1 $0x78, s10;
	s19 =	sshll.u32 @!p1 s11, $0xB  }
0x29: {  	s20 =	sshll.u32 @!p1 s11, $0x7;
	s21 =	sshll.u32 @!p1 s10, $0x3;
	s17 =	sshll.u32 @!p1 s17, $0xE  }
0x2a: {  	s19 =	sand.u32 @!p1 $0x1C000, s19;
	s20 =	sand.u32 @!p1 $0x380, s20;
	s17 =	sand.u32 @!p1 $0x4000, s17  }
0x2b: {  	s19 =	sadd.s32 @!p1 s19, s21;
	s21 =	sand.u32 @!p1 $0x400, s21;
	s18 =	sor.u32 @!p1 s20, s18  }
0x2c: {  	s20 =	sshll.u32 @!p1 s12, $0xE;
	s18 =	sor.u32 @!p1 s21, s18;
	s19 =	sshrl.u32 @!p1 s19, $0x3  }
0x2d: {  	s20 =	sadd.s32 @!p1 s5, s20;
	s21 =	sand.u32 @!p1 $0x7, s10;
	s19 =	sand.u32 @!p1 $0x3F00, s19  }
0x2e: {  	s18 =	sshrl.u32 @!p1 s18, $0x3;
	s19 =	sadd.s32 @!p1 s19, s20;
	s20 =	sshll.u32 @!p1 s21, $0x12  }
0x2f: {  	s18 =	sadd.s32 @!p1 s18, s19;
	s19 =	sor.u32 @!p1 $0x80, s20;
	s20 =	simm.s32 @!p1 $0x20000  }
0x30: {  	[tilespmem:s17], [sflag:$0x1] =	stream.strided.gather @!p1 [hbm4b:s18+s19], $0x4000, s20, s19, $0x38;
	[tilespmem:$0x10100] =	vst v63  }
0x31: {  	p1 =	sge.u32 s31, s7  }
.Ltmp2:
0x32: {  	_ = 	snop;
	(pc) =	sbr.rel @p1 .LBB1_5-.Ltmp2, $1  }
0x33: {  	_ =	sdelay $0x3  }
0x34: {  	s17 =	simm.s32 $0x1  }
0x35: {  	_ =	swait.ge [sflag:s6], $0x4000;
	s17 =	simm.s32 @!p0 $0x0  }
0x36: {  	[sflag:s6] =	ssyncset.done $0x0;
	s18 =	sshll.u32 s17, $0xE  }
0x37: {  	[sflag:s6] =	ssyncadd.s32 $0xFFFFC000;
	s19 =	sor.u32 $0x40, s18  }
0x38: {  	s17 =	smul.u32 $0x10200, s17;
	v0 =	vld [tilespmem:s19+$0x30]  }
0x39: {  	v3 =	vld [tilespmem:s19+$0xFFFFFFD0]  }
0x3a: {  	s17 =	sshrl.u32 s17, $0x2;
	v4 =	vld [tilespmem:s19+$0xFFFFFFE0]  }
0x3b: {  	v5 =	vld [tilespmem:s19+$0xFFFFFFF0];
	s18 =	sor.u32 $0x8000, s17  }
0x3c: {  	s31 =	sand.u32 $0x1, s13;
	v1 =	vld [tilespmem:s19+$0x0];
	s20 =	sadd.s32 $0x0, s18  }
0x3d: {  	v2 =	vld [tilespmem:s19+$0x10];
	s17 =	smul.u32 $0x10200, s31;
	[tilespmem:s20+$0x3870 ss:$0x81] =	vst.msk $0xffff, v0  }
0x3e: {  	[tilespmem:s20+$0x810 ss:$0x81] =	vst.msk $0xffff, v3;
	v3 =	vld [tilespmem:s19+$0x20]  }
0x3f: {  	s17 =	sshrl.u32 s17, $0x2;
	v0 =	vld [tilespmem:s19+$0xFFFFFFC0];
	[tilespmem:s20+$0x1020 ss:$0x81] =	vst.msk $0xffff, v4;
	s19 =	sadd.s32 $0x80, s19  }
0x40: {  	s21 =	simm.s32 $0x4;
	s22 =	simm.s32 $0x8;
	s17 =	sor.u32 $0x8000, s17;
	[tilespmem:s20+$0x1830 ss:$0x81] =	vst.msk $0xffff, v5;
	v4 =	vld [tilespmem:s19+$0x30]  }
.LBB1_3:
0x41: {  	p1 =	sne.s32 s22, $0x1FC;
	v5 =	vld [tilespmem:s19+$0xFFFFFFD0];
	[tilespmem:s20+$0x2040 ss:$0x81] =	vst.msk $0xffff, v1  }
0x42: {  	v6 =	vld [tilespmem:s19+$0xFFFFFFE0];
	[tilespmem:s20+$0x2850 ss:$0x81] =	vst.msk $0xffff, v2  }
0x43: {  	s23 =	sshra.s32 s21, $0x2;
	s21 =	smov.u32 s22;
	v7 =	vld [tilespmem:s19+$0xFFFFFFF0];
	[tilespmem:s20+$0x3060 ss:$0x81] =	vst.msk $0xffff, v3  }
.Ltmp3:
0x44: {  	v1 =	vld [tilespmem:s19+$0x0];
	[tilespmem:s20+$0x0 ss:$0x81] =	vst.msk $0xffff, v0;
	s20 =	sadd.s32 s23, s18;
	(pc) =	sbr.rel @p1 .LBB1_3-.Ltmp3, $4  }
0x45: {  	v2 =	vld [tilespmem:s19+$0x10];
	[tilespmem:s20+$0x3870 ss:$0x81] =	vst.msk $0xffff, v4  }
0x46: {  	[tilespmem:s20+$0x810 ss:$0x81] =	vst.msk $0xffff, v5;
	v3 =	vld [tilespmem:s19+$0x20]  }
0x47: {  	v0 =	vld [tilespmem:s19+$0xFFFFFFC0];
	[tilespmem:s20+$0x1020 ss:$0x81] =	vst.msk $0xffff, v6;
	s19 =	sadd.s32 $0x80, s19  }
0x48: {  	s22 =	sadd.s32 $0x4, s22;
	v4 =	vld [tilespmem:s19+$0x30];
	[tilespmem:s20+$0x1830 ss:$0x81] =	vst.msk $0xffff, v7  }
.Ltmp4:
0x49: {  	_ = 	snop;
	(pc) =	sbr.rel .LBB1_4-.Ltmp4, $1  }
0x4a: {  	_ =	sdelay $0x3  }
.LBB1_6:
0x4b: {  	_ =	sfence.sel $0x180000  }
0x4c: {  	s1 =	simm.s32 $0x1;
	[bflag:$0x0] =	sbarrier.arrive $0xFFFF  }
0x4d: {  	s31 =	simm.s32 $0x2;
	[sflag:s1] =	ssyncpa.u1 $0x1  }
0x4e: {  	[sflag:s31] =	ssyncpa.u1 $0x1  }
0x4f: {  	p0 =	sne.s32 s0, $0x0;
	_ =	strace $0x9000004A  }
0x50: {  	s0 =	sadd.s32 @!p0 $0x100000, s3;
	[bflag:$0x2] =	sbarrier.arrive $0xFFFF  }
0x51: {  	[sflag:s0] =	ssyncadd.tile.s32 @!p0 $0x1;
	_ =	shalt  }
.Lfunc_end1:
_tile_overlayer_lowered:
.L_overlay_start_2:
0x52: {  	(tag) =	ssettag $0x2  }
0x53: {  	s0 =	rddreg [dreg:$0x0];
	s2 =	stileid.u32  }
0x54: {  	s1 =	rddreg [dreg:$0x1];
	p0 =	sne.s32 s2, $0x0  }
0x55: {  	s3 =	rddreg [dreg:$0x2];
	[bflag:$0x3] =	sbarrier.arrive $0xFFFF;
	s2 =	simm.s32 @!p0 $0x1C01  }
0x56: {  	[timem:s3], [sflag:s2] =	dma.local @!p0 [hbm:s0], s1  }
0x57: {  	s0 =	simm.s32 @!p0 $0x1  }
0x58: {  	_ =	swait.ge @!p0 [sflag:s0], s1  }
0x59: {  	s1 =	ssub.s32 @!p0 $0x0, s1;
	[sflag:s0] =	ssyncset.done @!p0 $0x0  }
0x5a: {  	[sflag:s0] =	ssyncadd.s32 @!p0 s1  }
0x5b: {  	[bflag:$0x3] =	sbarrier.arrive $0xFFFF  }
0x5c: {  	_ =	shalt  }

</sc_bundles>
